<compile_context>
chip_gen: v7x
topology: tpu7x:2x2x1
jax: 0.10.2.dev20260603
libtpu: 0.0.44.dev20260713+nightly
codegen_flags: <defaults>
</compile_context>

<pallas_src>
import functools

import jax
import jax.numpy as jnp
from jax import lax
from jax.experimental import pallas as pl

F32 = jnp.float32
K_GROUP = 32



def _fps_body(S, B, N):
    def body(xyz_ref, out_ref):
        x = xyz_ref[:, 0, :]
        y = xyz_ref[:, 1, :]
        z = xyz_ref[:, 2, :]
        iota = lax.broadcasted_iota(jnp.int32, (B, N), 1)
        iota_s = lax.broadcasted_iota(jnp.int32, (B, 3, S), 2)

        def step(t, carry):
            dist, far, acc = carry
            sel = (iota == far).astype(F32)
            cx = jnp.sum(x * sel, axis=1, keepdims=True)
            cy = jnp.sum(y * sel, axis=1, keepdims=True)
            cz = jnp.sum(z * sel, axis=1, keepdims=True)
            c = jnp.concatenate([cx, cy, cz], axis=1)
            acc = jnp.where(iota_s == t, c[:, :, None], acc)
            dx = x - cx
            dy = y - cy
            dz = z - cz
            d = (dx * dx + dy * dy) + dz * dz
            dist = jnp.minimum(dist, d)
            m = jnp.max(dist, axis=1, keepdims=True)
            far = jnp.min(jnp.where(dist == m, iota, N), axis=1, keepdims=True)
            return dist, far, acc

        init = (jnp.full((B, N), 1e10, F32), jnp.zeros((B, 1), jnp.int32),
                jnp.zeros((B, 3, S), F32))
        _, _, acc = lax.fori_loop(0, S, step, init)
        out_ref[...] = acc

    return body


def _fps(xyz_cn, S):
    B, _, N = xyz_cn.shape
    return pl.pallas_call(
        _fps_body(S, B, N),
        out_shape=jax.ShapeDtypeStruct((B, 3, S), F32),
    )(xyz_cn)



def _bq_body(N, Sc, r2, Ctab, O1):
    def body(new_ref, idx_ref, tab_ref, w1_ref, b1_ref, y_ref, st_ref):
        b = pl.program_id(0)
        c = pl.program_id(1)
        new = new_ref[0]
        idx = idx_ref[0]
        iota_n = lax.broadcasted_iota(jnp.int32, (Sc, N), 1)
        ohs = []
        for k in range(K_GROUP):
            ohs.append((iota_n == idx[:, k:k + 1]).astype(F32))
        g = jnp.concatenate(ohs, axis=0)
        gathered = jnp.dot(g, tab_ref[0], preferred_element_type=F32, precision=lax.Precision.DEFAULT)
        y = jnp.dot(gathered, w1_ref[...], preferred_element_type=F32, precision=lax.Precision.DEFAULT)
        corr = jnp.dot(new, w1_ref[0:3, :], preferred_element_type=F32, precision=lax.Precision.DEFAULT)
        y = (y.reshape(K_GROUP, Sc, O1) - corr[None, :, :]
             + b1_ref[...][None, :, :])
        y = y.reshape(Sc * K_GROUP, O1)
        y_ref[0] = y

        @pl.when((b == 0) & (c == 0))
        def _():
            st_ref[...] = jnp.zeros_like(st_ref)

        st_ref[0:1, :] += jnp.sum(y, axis=0, keepdims=True)
        st_ref[1:2, :] += jnp.sum(y * y, axis=0, keepdims=True)

    return body


def _bq_conv1(new_t, idx, table, w1t, b1, r2, Sc):
    B, S, _ = new_t.shape
    N = table.shape[1]
    Ctab = table.shape[2]
    O1 = w1t.shape[1]
    return pl.pallas_call(
        _bq_body(N, Sc, r2, Ctab, O1),
        grid=(B, S // Sc),
        in_specs=[
            pl.BlockSpec((1, Sc, 3), lambda b, c: (b, c, 0)),
            pl.BlockSpec((1, Sc, K_GROUP), lambda b, c: (b, c, 0)),
            pl.BlockSpec((1, N, Ctab), lambda b, c: (b, 0, 0)),
            pl.BlockSpec((Ctab, O1), lambda b, c: (0, 0)),
            pl.BlockSpec((1, O1), lambda b, c: (0, 0)),
        ],
        out_specs=[
            pl.BlockSpec((1, Sc * K_GROUP, O1), lambda b, c: (b, c, 0)),
            pl.BlockSpec((8, O1), lambda b, c: (0, 0)),
        ],
        out_shape=[
            jax.ShapeDtypeStruct((B, S * K_GROUP, O1), F32),
            jax.ShapeDtypeStruct((8, O1), F32),
        ],
    )(new_t, idx, table, w1t, b1)



def _mm_body(x_ref, a_ref, bb_ref, w_ref, bias_ref, y_ref, st_ref):
    i = pl.program_id(0)
    h = jnp.maximum(x_ref[...] * a_ref[...] + bb_ref[...], 0.0)
    y = jnp.dot(h, w_ref[...], preferred_element_type=F32, precision=lax.Precision.DEFAULT) + bias_ref[...]
    y_ref[...] = y

    @pl.when(i == 0)
    def _():
        st_ref[...] = jnp.zeros_like(st_ref)

    st_ref[0:1, :] += jnp.sum(y, axis=0, keepdims=True)
    st_ref[1:2, :] += jnp.sum(y * y, axis=0, keepdims=True)


def _mm_bn_relu(x, a, bb, wt, bias, Rc):
    R, Ci = x.shape
    Co = wt.shape[1]
    return pl.pallas_call(
        _mm_body,
        grid=(R // Rc,),
        in_specs=[
            pl.BlockSpec((Rc, Ci), lambda i: (i, 0)),
            pl.BlockSpec((1, Ci), lambda i: (0, 0)),
            pl.BlockSpec((1, Ci), lambda i: (0, 0)),
            pl.BlockSpec((Ci, Co), lambda i: (0, 0)),
            pl.BlockSpec((1, Co), lambda i: (0, 0)),
        ],
        out_specs=[
            pl.BlockSpec((Rc, Co), lambda i: (i, 0)),
            pl.BlockSpec((8, Co), lambda i: (0, 0)),
        ],
        out_shape=[
            jax.ShapeDtypeStruct((R, Co), F32),
            jax.ShapeDtypeStruct((8, Co), F32),
        ],
    )(x, a, bb, wt, bias)



def _pool_body(S, O, Sc):
    def body(y_ref, a_ref, bb_ref, out_ref):
        nch = S // Sc
        y = y_ref[0].reshape(nch, K_GROUP, Sc, O)
        h = jnp.maximum(y * a_ref[...][None, None] + bb_ref[...][None, None],
                        0.0)
        out_ref[0] = jnp.max(h, axis=1).reshape(S, O)
    return body


def _pool_bn_relu(y, a, bb, S, O, Sc):
    B = y.shape[0]
    return pl.pallas_call(
        _pool_body(S, O, Sc),
        grid=(B,),
        in_specs=[
            pl.BlockSpec((1, S * K_GROUP, O), lambda b: (b, 0, 0)),
            pl.BlockSpec((1, O), lambda b: (0, 0)),
            pl.BlockSpec((1, O), lambda b: (0, 0)),
        ],
        out_specs=pl.BlockSpec((1, S, O), lambda b: (b, 0, 0)),
        out_shape=jax.ShapeDtypeStruct((B, S, O), F32),
    )(y, a, bb)


def _act_body(x_ref, a_ref, bb_ref, out_ref):
    out_ref[...] = jnp.maximum(x_ref[...] * a_ref[...] + bb_ref[...], 0.0)


def _bn_relu_only(x, a, bb, Rc):
    R, C = x.shape
    return pl.pallas_call(
        _act_body,
        grid=(R // Rc,),
        in_specs=[
            pl.BlockSpec((Rc, C), lambda i: (i, 0)),
            pl.BlockSpec((1, C), lambda i: (0, 0)),
            pl.BlockSpec((1, C), lambda i: (0, 0)),
        ],
        out_specs=pl.BlockSpec((Rc, C), lambda i: (i, 0)),
        out_shape=jax.ShapeDtypeStruct((R, C), F32),
    )(x, a, bb)



def _fp_body(S2, Nc, C1, O1):
    def body(*refs):
        if C1:
            (d_ref, i3_ref, p2_ref, p1_ref, wa_ref, wb_ref, bias_ref,
             y_ref, st_ref) = refs
        else:
            d_ref, i3_ref, p2_ref, wb_ref, bias_ref, y_ref, st_ref = refs
        b = pl.program_id(0)
        c = pl.program_id(1)
        d = d_ref[0]
        i3 = i3_ref[0]
        iota_s = lax.broadcasted_iota(jnp.int32, (Nc, S2), 1)
        rs, ohs = [], []
        for j in range(3):
            oh = (iota_s == i3[:, j:j + 1]).astype(F32)
            dj = jnp.sum(d * oh, axis=1, keepdims=True)
            rs.append(1.0 / (dj + 1e-8))
            ohs.append(oh)
        norm = (rs[0] + rs[1]) + rs[2]
        wmat = ((rs[0] / norm) * ohs[0] + (rs[1] / norm) * ohs[1]
                + (rs[2] / norm) * ohs[2])
        interp = jnp.dot(wmat, p2_ref[0], preferred_element_type=F32, precision=lax.Precision.DEFAULT)
        y = jnp.dot(interp, wb_ref[...], preferred_element_type=F32, precision=lax.Precision.DEFAULT)
        if C1:
            y = y + jnp.dot(p1_ref[0], wa_ref[...],
                            preferred_element_type=F32, precision=lax.Precision.DEFAULT)
        y = y + bias_ref[...]
        y_ref[0] = y

        @pl.when((b == 0) & (c == 0))
        def _():
            st_ref[...] = jnp.zeros_like(st_ref)

        st_ref[0:1, :] += jnp.sum(y, axis=0, keepdims=True)
        st_ref[1:2, :] += jnp.sum(y * y, axis=0, keepdims=True)

    return body


def _fp_conv1(dmat, idx3, p2, p1, wat, wbt, bias, Nc):
    B, N1, S2 = dmat.shape
    C2 = p2.shape[2]
    C1 = p1.shape[2] if p1 is not None else 0
    O1 = wbt.shape[1]
    in_specs = [
        pl.BlockSpec((1, Nc, S2), lambda b, c: (b, c, 0)),
        pl.BlockSpec((1, Nc, 3), lambda b, c: (b, c, 0)),
        pl.BlockSpec((1, S2, C2), lambda b, c: (b, 0, 0)),
    ]
    args = [dmat, idx3, p2]
    if C1:
        in_specs.append(pl.BlockSpec((1, Nc, C1), lambda b, c: (b, c, 0)))
        in_specs.append(pl.BlockSpec((C1, O1), lambda b, c: (0, 0)))
        args.extend([p1, wat])
    in_specs.append(pl.BlockSpec((C2, O1), lambda b, c: (0, 0)))
    in_specs.append(pl.BlockSpec((1, O1), lambda b, c: (0, 0)))
    args.extend([wbt, bias])
    return pl.pallas_call(
        _fp_body(S2, Nc, C1, O1),
        grid=(B, N1 // Nc),
        in_specs=in_specs,
        out_specs=[
            pl.BlockSpec((1, Nc, O1), lambda b, c: (b, c, 0)),
            pl.BlockSpec((8, O1), lambda b, c: (0, 0)),
        ],
        out_shape=[
            jax.ShapeDtypeStruct((B, N1, O1), F32),
            jax.ShapeDtypeStruct((8, O1), F32),
        ],
    )(*args)



def _head_body(x_ref, a_ref, bb_ref, w_ref, bias_ref, out_ref):
    h = jnp.maximum(x_ref[...] * a_ref[...] + bb_ref[...], 0.0)
    z = jnp.dot(h, w_ref[...], preferred_element_type=F32, precision=lax.Precision.DEFAULT) + bias_ref[...]
    mz = jnp.max(z, axis=1, keepdims=True)
    lse = jnp.log(jnp.sum(jnp.exp(z - mz), axis=1, keepdims=True))
    out_ref[...] = (z - mz) - lse


def _head(x, a, bb, w2t, b2, Rc):
    R, Ci = x.shape
    Co = w2t.shape[1]
    return pl.pallas_call(
        _head_body,
        grid=(R // Rc,),
        in_specs=[
            pl.BlockSpec((Rc, Ci), lambda i: (i, 0)),
            pl.BlockSpec((1, Ci), lambda i: (0, 0)),
            pl.BlockSpec((1, Ci), lambda i: (0, 0)),
            pl.BlockSpec((Ci, Co), lambda i: (0, 0)),
            pl.BlockSpec((1, Co), lambda i: (0, 0)),
        ],
        out_specs=pl.BlockSpec((Rc, Co), lambda i: (i, 0)),
        out_shape=jax.ShapeDtypeStruct((R, Co), F32),
    )(x, a, bb, w2t, b2)



def _sqdist(src, dst):
    dist = -2.0 * jnp.matmul(src, dst.transpose(0, 2, 1))
    dist = dist + jnp.sum(src ** 2, -1)[:, :, None]
    dist = dist + jnp.sum(dst ** 2, -1)[:, None, :]
    return dist


def _bn_ab(st, count, g, be):
    mean = st[0] / count
    var = st[1] / count - mean * mean
    inv = 1.0 / jnp.sqrt(var + 1e-5)
    a = g * inv
    bb = be - mean * a
    return a.reshape(1, -1), bb.reshape(1, -1)


def _sa_level(xyz_cn, pts_t, S, radius, layers, Sc, Rc):
    B = xyz_cn.shape[0]
    new_cn = _fps(xyz_cn, S)
    new_t = new_cn.transpose(0, 2, 1)
    xyz_t = xyz_cn.transpose(0, 2, 1)
    table = jnp.concatenate([xyz_t, pts_t], axis=2)
    W1, b1, g1, be1 = layers[0]
    N = xyz_t.shape[1]
    S = new_t.shape[1]
    sqrdists = _sqdist(new_t, xyz_t)
    gi = jnp.broadcast_to(jnp.arange(N, dtype=jnp.int32)[None, None, :],
                          (B, S, N))
    gi = jnp.where(sqrdists > radius ** 2, N, gi)
    gi = jnp.sort(gi, axis=-1)[:, :, :K_GROUP]
    gfirst = jnp.broadcast_to(gi[:, :, :1], gi.shape)
    idx = jnp.where(gi == N, gfirst, gi)
    y, st = _bq_conv1(new_t, idx, table, W1.T, b1.reshape(1, -1),
                      radius * radius, Sc)
    count = B * S * K_GROUP
    x = y.reshape(count, -1)
    prev = (g1, be1)
    for (W, b, g, be) in layers[1:]:
        a, bb = _bn_ab(st, count, *prev)
        x, st = _mm_bn_relu(x, a, bb, W.T, b.reshape(1, -1), Rc)
        prev = (g, be)
    a, bb = _bn_ab(st, count, *prev)
    O = x.shape[1]
    pooled = _pool_bn_relu(x.reshape(B, S * K_GROUP, O), a, bb, S, O, Sc)
    return new_cn, new_t, pooled


def _fp_level(xyz1_t, xyz2_cn, p1, p2, layers, Nc, Rc):
    B, N1, _ = xyz1_t.shape
    W1, b1, g1, be1 = layers[0]
    C1 = p1.shape[2] if p1 is not None else 0
    wat = W1[:, :C1].T if C1 else None
    wbt = W1[:, C1:].T
    dmat = _sqdist(xyz1_t, xyz2_cn.transpose(0, 2, 1))
    idx3 = jnp.argsort(dmat, axis=-1)[:, :, :3].astype(jnp.int32)
    y, st = _fp_conv1(dmat, idx3, p2, p1, wat, wbt,
                      b1.reshape(1, -1), Nc)
    count = B * N1
    x = y.reshape(count, -1)
    prev = (g1, be1)
    for (W, b, g, be) in layers[1:]:
        a, bb = _bn_ab(st, count, *prev)
        x, st = _mm_bn_relu(x, a, bb, W.T, b.reshape(1, -1), Rc)
        prev = (g, be)
    return x, st, prev


def kernel(xyz, params):
    B = xyz.shape[0]
    N0 = xyz.shape[2]
    l0_xyz = xyz[:, :3, :]
    l0_pts_t = xyz.transpose(0, 2, 1)

    l1_cn, l1_t, l1_pts = _sa_level(l0_xyz, l0_pts_t, 1024, 0.1,
                                    params['sa1'], Sc=32, Rc=8192)
    l2_cn, l2_t, l2_pts = _sa_level(l1_cn, l1_pts, 256, 0.2,
                                    params['sa2'], Sc=64, Rc=8192)
    l3_cn, l3_t, l3_pts = _sa_level(l2_cn, l2_pts, 64, 0.4,
                                    params['sa3'], Sc=64, Rc=8192)
    l4_cn, l4_t, l4_pts = _sa_level(l3_cn, l3_pts, 16, 0.8,
                                    params['sa4'], Sc=16, Rc=4096)

    x, st, prev = _fp_level(l3_t, l4_cn, l3_pts, l4_pts,
                            params['fp4'], Nc=64, Rc=512)
    a, bb = _bn_ab(st, B * 64, *prev)
    l3_new = _bn_relu_only(x, a, bb, Rc=512).reshape(B, 64, -1)

    x, st, prev = _fp_level(l2_t, l3_cn, l2_pts, l3_new,
                            params['fp3'], Nc=256, Rc=2048)
    a, bb = _bn_ab(st, B * 256, *prev)
    l2_new = _bn_relu_only(x, a, bb, Rc=2048).reshape(B, 256, -1)

    x, st, prev = _fp_level(l1_t, l2_cn, l1_pts, l2_new,
                            params['fp2'], Nc=1024, Rc=8192)
    a, bb = _bn_ab(st, B * 1024, *prev)
    l1_new = _bn_relu_only(x, a, bb, Rc=8192).reshape(B, 1024, -1)

    l0_xyz_t = l0_xyz.transpose(0, 2, 1)
    x, st, prev = _fp_level(l0_xyz_t, l1_cn, None, l1_new,
                            params['fp1'], Nc=512, Rc=8192)

    a, bb = _bn_ab(st, B * N0, *prev)
    Wh, bh, gh, beh = params['head1'][0]
    x, st = _mm_bn_relu(x, a, bb, Wh.T, bh.reshape(1, -1), 8192)
    a, bb = _bn_ab(st, B * N0, gh, beh)
    W2, b2 = params['head2']
    out = _head(x, a, bb, W2.T, b2.reshape(1, -1), 8192)
    out = out.reshape(B, N0, -1)
    l4_out = l4_pts.transpose(0, 2, 1)
    return out, l4_out

# --- scband reference (transcript-rebuilt; emitter-appended) ---
"""Pipeline reference for scband-get-model-55078660604125 (READ-ONLY COPY).

The authoritative reference and input builder live on the scoring server;
editing this copy changes nothing except your own understanding.
"""

import jax, jax.numpy as jnp
import numpy as np


def square_distance(src, dst):
    dist = -2.0 * jnp.matmul(src, dst.transpose(0, 2, 1))
    dist = dist + jnp.sum(src ** 2, -1)[:, :, None]
    dist = dist + jnp.sum(dst ** 2, -1)[:, None, :]
    return dist


def index_points(points, idx):
    return jax.vmap(lambda p, i: p[i])(points, idx)


def farthest_point_sample(xyz, npoint):
    xyz = jax.lax.stop_gradient(xyz)
    B, N, _ = xyz.shape
    def step(carry, _):
        distance, farthest = carry
        centroid = jnp.take_along_axis(xyz, farthest[:, None, None], axis=1)
        dist = jnp.sum((xyz - centroid) ** 2, -1)
        distance = jnp.minimum(distance, dist)
        new_farthest = jnp.argmax(distance, -1).astype(jnp.int32)
        return (distance, new_farthest), farthest
    init = (jnp.full((B, N), 1e10, dtype=xyz.dtype), jnp.zeros((B,), dtype=jnp.int32))
    _, centroids = jax.lax.scan(step, init, None, length=npoint)
    return centroids.T


def query_ball_point(radius, nsample, xyz, new_xyz):
    B, N, _ = xyz.shape
    S = new_xyz.shape[1]
    sqrdists = square_distance(new_xyz, xyz)
    group_idx = jnp.broadcast_to(jnp.arange(N, dtype=jnp.int32)[None, None, :], (B, S, N))
    group_idx = jnp.where(sqrdists > radius ** 2, N, group_idx)
    group_idx = jnp.sort(group_idx, axis=-1)[:, :, :nsample]
    group_first = jnp.broadcast_to(group_idx[:, :, :1], group_idx.shape)
    group_idx = jnp.where(group_idx == N, group_first, group_idx)
    return group_idx


def sample_and_group(npoint, radius, nsample, xyz, points):
    fps_idx = farthest_point_sample(xyz, npoint)
    new_xyz = index_points(xyz, fps_idx)
    idx = query_ball_point(radius, nsample, xyz, new_xyz)
    grouped_xyz = index_points(xyz, idx)
    grouped_xyz_norm = grouped_xyz - new_xyz[:, :, None, :]
    grouped_points = index_points(points, idx)
    new_points = jnp.concatenate([grouped_xyz_norm, grouped_points], axis=-1)
    return new_xyz, new_points


def conv_bn_relu_2d(x, W, b, gamma, beta):
    y = jnp.einsum('oc,bcks->boks', W, x) + b[None, :, None, None]
    mean = jnp.mean(y, axis=(0, 2, 3), keepdims=True)
    var = jnp.var(y, axis=(0, 2, 3), keepdims=True)
    y = (y - mean) / jnp.sqrt(var + 1e-5)
    y = y * gamma[None, :, None, None] + beta[None, :, None, None]
    return jax.nn.relu(y)


def conv_bn_relu_1d(x, W, b, gamma, beta):
    y = jnp.einsum('oc,bcn->bon', W, x) + b[None, :, None]
    mean = jnp.mean(y, axis=(0, 2), keepdims=True)
    var = jnp.var(y, axis=(0, 2), keepdims=True)
    y = (y - mean) / jnp.sqrt(var + 1e-5)
    y = y * gamma[None, :, None] + beta[None, :, None]
    return jax.nn.relu(y)


def sa_forward(layers, npoint, radius, nsample, xyz, points):
    xyz_t = xyz.transpose(0, 2, 1)
    pts_t = points.transpose(0, 2, 1)
    new_xyz, new_points = sample_and_group(npoint, radius, nsample, xyz_t, pts_t)
    new_points = new_points.transpose(0, 3, 2, 1)
    for (W, b, g, be) in layers:
        new_points = conv_bn_relu_2d(new_points, W, b, g, be)
    new_points = jnp.max(new_points, axis=2)
    return new_xyz.transpose(0, 2, 1), new_points


def fp_forward(layers, xyz1, xyz2, points1, points2):
    xyz1_t = xyz1.transpose(0, 2, 1)
    xyz2_t = xyz2.transpose(0, 2, 1)
    points2_t = points2.transpose(0, 2, 1)
    B, N, _ = xyz1_t.shape
    S = xyz2_t.shape[1]
    if S == 1:
        interpolated = jnp.repeat(points2_t, N, axis=1)
    else:
        dists = square_distance(xyz1_t, xyz2_t)
        idx = jnp.argsort(dists, axis=-1)[:, :, :3]
        d = jnp.take_along_axis(dists, idx, axis=-1)
        dist_recip = 1.0 / (d + 1e-8)
        norm = jnp.sum(dist_recip, axis=2, keepdims=True)
        weight = dist_recip / norm
        interpolated = jnp.sum(index_points(points2_t, idx) * weight[:, :, :, None], axis=2)
    if points1 is not None:
        new_points = jnp.concatenate([points1.transpose(0, 2, 1), interpolated], axis=-1)
    else:
        new_points = interpolated
    new_points = new_points.transpose(0, 2, 1)
    for (W, b, g, be) in layers:
        new_points = conv_bn_relu_1d(new_points, W, b, g, be)
    return new_points


def _init_block(key, cin, mlp):
    layers = []
    last = cin
    for co in mlp:
        key, k1 = jax.random.split(key)
        W = jax.random.normal(k1, (co, last), dtype=jnp.float32) * 0.05
        layers.append((W, jnp.zeros((co,)), jnp.ones((co,)), jnp.zeros((co,))))
        last = co
    return key, layers


def setup_inputs():
    key = jax.random.PRNGKey(0)
    key, kx = jax.random.split(key)
    xyz = jax.random.uniform(kx, (8, 9, 4096), dtype=jnp.float32)
    params = {}
    key, params['sa1'] = _init_block(key, 12, [32, 32, 64])
    key, params['sa2'] = _init_block(key, 67, [64, 64, 128])
    key, params['sa3'] = _init_block(key, 131, [128, 128, 256])
    key, params['sa4'] = _init_block(key, 259, [256, 256, 512])
    key, params['fp4'] = _init_block(key, 768, [256, 256])
    key, params['fp3'] = _init_block(key, 384, [256, 256])
    key, params['fp2'] = _init_block(key, 320, [256, 128])
    key, params['fp1'] = _init_block(key, 128, [128, 128, 128])
    key, params['head1'] = _init_block(key, 128, [128])
    key, k2 = jax.random.split(key)
    params['head2'] = (jax.random.normal(k2, (21, 128), dtype=jnp.float32) * 0.05, jnp.zeros((21,)))
    return {"xyz": xyz, "params": params}


def _forward(xyz, params):
    l0_points = xyz
    l0_xyz = xyz[:, :3, :]
    l1_xyz, l1_points = sa_forward(params['sa1'], 1024, 0.1, 32, l0_xyz, l0_points)
    l2_xyz, l2_points = sa_forward(params['sa2'], 256, 0.2, 32, l1_xyz, l1_points)
    l3_xyz, l3_points = sa_forward(params['sa3'], 64, 0.4, 32, l2_xyz, l2_points)
    l4_xyz, l4_points = sa_forward(params['sa4'], 16, 0.8, 32, l3_xyz, l3_points)
    l3_points = fp_forward(params['fp4'], l3_xyz, l4_xyz, l3_points, l4_points)
    l2_points = fp_forward(params['fp3'], l2_xyz, l3_xyz, l2_points, l3_points)
    l1_points = fp_forward(params['fp2'], l1_xyz, l2_xyz, l1_points, l2_points)
    l0_points_out = fp_forward(params['fp1'], l0_xyz, l1_xyz, None, l1_points)
    (W1, b1, g1, be1) = params['head1'][0]
    x = conv_bn_relu_1d(l0_points_out, W1, b1, g1, be1)
    W2, b2 = params['head2']
    x = jnp.einsum('oc,bcn->bon', W2, x) + b2[None, :, None]
    x = jax.nn.log_softmax(x, axis=1)
    x = x.transpose(0, 2, 1)
    return x, l4_points


def reference(xyz, params):
    return _forward(xyz, params)

if __name__ == "__main__":
    import jax
    _d = setup_inputs()
    print(jax.jit(kernel)(*tuple(_d.values())))

</pallas_src>

<mosaic_0001>
module attributes {stable_mosaic.version = 14 : i64} {
  func.func @body(%arg0: memref<8x3x4096xf32, #tpu.memory_space<vmem>>, %arg1: memref<8x3x1024xf32, #tpu.memory_space<vmem>>) attributes {dimension_semantics = [], scalar_prefetch = 0 : i64, scratch_operands = 0 : i64, tpu.core_type = #tpu.core_type<tc>} {
    %get3A = arith.constant 0 : index
    %get3A_0 = arith.constant 0 : index
    %get3A_1 = arith.constant 0 : index
    %get3A_2 = vector.load %arg0[%get3A, %get3A_0, %get3A_1] : memref<8x3x4096xf32, #tpu.memory_space<vmem>>, vector<8x1x4096xf32>
    %get3A_3 = vector.shape_cast %get3A_2 : vector<8x1x4096xf32> to vector<8x4096xf32>
    %get3A_4 = arith.constant 0 : index
    %get3A_5 = arith.constant 1 : index
    %get3A_6 = arith.constant 0 : index
    %get3A_7 = vector.load %arg0[%get3A_4, %get3A_5, %get3A_6] : memref<8x3x4096xf32, #tpu.memory_space<vmem>>, vector<8x1x4096xf32>
    %get3A_8 = vector.shape_cast %get3A_7 : vector<8x1x4096xf32> to vector<8x4096xf32>
    %get3A_9 = arith.constant 0 : index
    %get3A_10 = arith.constant 2 : index
    %get3A_11 = arith.constant 0 : index
    %get3A_12 = vector.load %arg0[%get3A_9, %get3A_10, %get3A_11] : memref<8x3x4096xf32, #tpu.memory_space<vmem>>, vector<8x1x4096xf32>
    %get3A_13 = vector.shape_cast %get3A_12 : vector<8x1x4096xf32> to vector<8x4096xf32>
    %iota3A = tpu.iota {dimensions = array<i32: 1>} : vector<8x4096xi32>
    %iota3A_14 = tpu.iota {dimensions = array<i32: 2>} : vector<8x3x1024xi32>
    %broadcast_in_dim3A = arith.constant 1.000000e+10 : f32
    %broadcast_in_dim3A_15 = vector.broadcast %broadcast_in_dim3A : f32 to vector<8x4096xf32>
    %broadcast_in_dim3A_16 = arith.constant 0 : i32
    %broadcast_in_dim3A_17 = vector.broadcast %broadcast_in_dim3A_16 : i32 to vector<8x1xi32>
    %broadcast_in_dim3A_18 = arith.constant 0.000000e+00 : f32
    %broadcast_in_dim3A_19 = vector.broadcast %broadcast_in_dim3A_18 : f32 to vector<8x3x1024xf32>
    %scan3A = arith.constant 0 : i32
    %scan3A_20 = arith.constant 1024 : i32
    %scan3A_21 = arith.addi %scan3A, %scan3A_20 : i32
    %scan3A_22 = arith.constant 1 : i32
    %scan3A_23:3 = scf.for %scan3A_28 = %scan3A to %scan3A_21 step %scan3A_22 iter_args(%scan3A_29 = %broadcast_in_dim3A_15, %scan3A_30 = %broadcast_in_dim3A_17, %scan3A_31 = %broadcast_in_dim3A_19) -> (vector<8x4096xf32>, vector<8x1xi32>, vector<8x3x1024xf32>)  : i32 {
      %eq3A = vector.broadcast %scan3A_30 : vector<8x1xi32> to vector<8x4096xi32>
      %eq3A_32 = arith.cmpi eq, %iota3A, %eq3A : vector<8x4096xi32>
      %convert_element_type3A = arith.extui %eq3A_32 : vector<8x4096xi1> to vector<8x4096xi32>
      %convert_element_type3A_33 = arith.sitofp %convert_element_type3A : vector<8x4096xi32> to vector<8x4096xf32>
      %mul3A = arith.mulf %get3A_3, %convert_element_type3A_33 : vector<8x4096xf32>
      %reduce_sum3A = arith.constant dense<0.000000e+00> : vector<8xf32>
      %reduce_sum3A_34 = vector.multi_reduction <add>, %mul3A, %reduce_sum3A [1] : vector<8x4096xf32> to vector<8xf32>
      %broadcast_in_dim3A_35 = vector.shape_cast %reduce_sum3A_34 : vector<8xf32> to vector<8x1xf32>
      %mul3A_36 = arith.mulf %get3A_8, %convert_element_type3A_33 : vector<8x4096xf32>
      %reduce_sum3A_37 = arith.constant dense<0.000000e+00> : vector<8xf32>
      %reduce_sum3A_38 = vector.multi_reduction <add>, %mul3A_36, %reduce_sum3A_37 [1] : vector<8x4096xf32> to vector<8xf32>
      %broadcast_in_dim3A_39 = vector.shape_cast %reduce_sum3A_38 : vector<8xf32> to vector<8x1xf32>
      %mul3A_40 = arith.mulf %get3A_13, %convert_element_type3A_33 : vector<8x4096xf32>
      %reduce_sum3A_41 = arith.constant dense<0.000000e+00> : vector<8xf32>
      %reduce_sum3A_42 = vector.multi_reduction <add>, %mul3A_40, %reduce_sum3A_41 [1] : vector<8x4096xf32> to vector<8xf32>
      %broadcast_in_dim3A_43 = vector.shape_cast %reduce_sum3A_42 : vector<8xf32> to vector<8x1xf32>
      %concatenate3A = tpu.concatenate %broadcast_in_dim3A_35, %broadcast_in_dim3A_39, %broadcast_in_dim3A_43 in 1 : vector<8x1xf32>, vector<8x1xf32>, vector<8x1xf32> -> vector<8x3xf32>
      %eq3A_44 = vector.broadcast %scan3A_28 : i32 to vector<8x3x1024xi32>
      %eq3A_45 = arith.cmpi eq, %iota3A_14, %eq3A_44 : vector<8x3x1024xi32>
      %broadcast_in_dim3A_46 = vector.shape_cast %concatenate3A : vector<8x3xf32> to vector<8x3x1xf32>
      %broadcast_in_dim3A_47 = vector.shape_cast %broadcast_in_dim3A_46 : vector<8x3x1xf32> to vector<8x3x1xf32>
      %broadcast_in_dim3A_48 = vector.broadcast %broadcast_in_dim3A_47 : vector<8x3x1xf32> to vector<8x3x1024xf32>
      %select_n3A = arith.select %eq3A_45, %broadcast_in_dim3A_48, %scan3A_31 : vector<8x3x1024xi1>, vector<8x3x1024xf32>
      %sub3A = vector.broadcast %broadcast_in_dim3A_35 : vector<8x1xf32> to vector<8x4096xf32>
      %sub3A_49 = arith.subf %get3A_3, %sub3A : vector<8x4096xf32>
      %sub3A_50 = vector.broadcast %broadcast_in_dim3A_39 : vector<8x1xf32> to vector<8x4096xf32>
      %sub3A_51 = arith.subf %get3A_8, %sub3A_50 : vector<8x4096xf32>
      %sub3A_52 = vector.broadcast %broadcast_in_dim3A_43 : vector<8x1xf32> to vector<8x4096xf32>
      %sub3A_53 = arith.subf %get3A_13, %sub3A_52 : vector<8x4096xf32>
      %mul3A_54 = arith.mulf %sub3A_49, %sub3A_49 : vector<8x4096xf32>
      %mul3A_55 = arith.mulf %sub3A_51, %sub3A_51 : vector<8x4096xf32>
      %add3A = arith.addf %mul3A_54, %mul3A_55 : vector<8x4096xf32>
      %mul3A_56 = arith.mulf %sub3A_53, %sub3A_53 : vector<8x4096xf32>
      %add3A_57 = arith.addf %add3A, %mul3A_56 : vector<8x4096xf32>
      %min3A = arith.minimumf %scan3A_29, %add3A_57 : vector<8x4096xf32>
      %reduce_max3A = arith.constant dense<0xFF800000> : vector<8xf32>
      %reduce_max3A_58 = vector.multi_reduction <maximumf>, %min3A, %reduce_max3A [1] : vector<8x4096xf32> to vector<8xf32>
      %broadcast_in_dim3A_59 = vector.shape_cast %reduce_max3A_58 : vector<8xf32> to vector<8x1xf32>
      %eq3A_60 = vector.broadcast %broadcast_in_dim3A_59 : vector<8x1xf32> to vector<8x4096xf32>
      %eq3A_61 = arith.cmpf oeq, %min3A, %eq3A_60 : vector<8x4096xf32>
      %jit3A = arith.constant 4096 : i32
      %broadcast_in_dim3A_62 = vector.broadcast %jit3A : i32 to vector<8x4096xi32>
      %select_n3A_63 = arith.select %eq3A_61, %iota3A, %broadcast_in_dim3A_62 : vector<8x4096xi1>, vector<8x4096xi32>
      %reduce_min3A = arith.constant dense<2147483647> : vector<8xi32>
      %reduce_min3A_64 = vector.multi_reduction <minsi>, %select_n3A_63, %reduce_min3A [1] : vector<8x4096xi32> to vector<8xi32>
      %broadcast_in_dim3A_65 = vector.shape_cast %reduce_min3A_64 : vector<8xi32> to vector<8x1xi32>
      scf.yield %min3A, %broadcast_in_dim3A_65, %select_n3A : vector<8x4096xf32>, vector<8x1xi32>, vector<8x3x1024xf32>
    }
    %scan3A_24 = arith.constant 1024 : i32
    %swap3A = arith.constant 0 : index
    %swap3A_25 = arith.constant 0 : index
    %swap3A_26 = arith.constant 0 : index
    %swap3A_27 = vector.load %arg1[%swap3A, %swap3A_25, %swap3A_26] : memref<8x3x1024xf32, #tpu.memory_space<vmem>>, vector<8x3x1024xf32>
    tpu.vector_store %arg1[%swap3A, %swap3A_25, %swap3A_26], %scan3A_23#2 {strides = array<i32>} : memref<8x3x1024xf32, #tpu.memory_space<vmem>>, vector<8x3x1024xf32>,
    return
  }
}

module attributes {stable_mosaic.version = 14 : i64} {
  func.func @body(%arg0: memref<8x3x1024xf32, #tpu.memory_space<vmem>>, %arg1: memref<8x3x256xf32, #tpu.memory_space<vmem>>) attributes {dimension_semantics = [], scalar_prefetch = 0 : i64, scratch_operands = 0 : i64, tpu.core_type = #tpu.core_type<tc>} {
    %get3A = arith.constant 0 : index
    %get3A_0 = arith.constant 0 : index
    %get3A_1 = arith.constant 0 : index
    %get3A_2 = vector.load %arg0[%get3A, %get3A_0, %get3A_1] : memref<8x3x1024xf32, #tpu.memory_space<vmem>>, vector<8x1x1024xf32>
    %get3A_3 = vector.shape_cast %get3A_2 : vector<8x1x1024xf32> to vector<8x1024xf32>
    %get3A_4 = arith.constant 0 : index
    %get3A_5 = arith.constant 1 : index
    %get3A_6 = arith.constant 0 : index
    %get3A_7 = vector.load %arg0[%get3A_4, %get3A_5, %get3A_6] : memref<8x3x1024xf32, #tpu.memory_space<vmem>>, vector<8x1x1024xf32>
    %get3A_8 = vector.shape_cast %get3A_7 : vector<8x1x1024xf32> to vector<8x1024xf32>
    %get3A_9 = arith.constant 0 : index
    %get3A_10 = arith.constant 2 : index
    %get3A_11 = arith.constant 0 : index
    %get3A_12 = vector.load %arg0[%get3A_9, %get3A_10, %get3A_11] : memref<8x3x1024xf32, #tpu.memory_space<vmem>>, vector<8x1x1024xf32>
    %get3A_13 = vector.shape_cast %get3A_12 : vector<8x1x1024xf32> to vector<8x1024xf32>
    %iota3A = tpu.iota {dimensions = array<i32: 1>} : vector<8x1024xi32>
    %iota3A_14 = tpu.iota {dimensions = array<i32: 2>} : vector<8x3x256xi32>
    %broadcast_in_dim3A = arith.constant 1.000000e+10 : f32
    %broadcast_in_dim3A_15 = vector.broadcast %broadcast_in_dim3A : f32 to vector<8x1024xf32>
    %broadcast_in_dim3A_16 = arith.constant 0 : i32
    %broadcast_in_dim3A_17 = vector.broadcast %broadcast_in_dim3A_16 : i32 to vector<8x1xi32>
    %broadcast_in_dim3A_18 = arith.constant 0.000000e+00 : f32
    %broadcast_in_dim3A_19 = vector.broadcast %broadcast_in_dim3A_18 : f32 to vector<8x3x256xf32>
    %scan3A = arith.constant 0 : i32
    %scan3A_20 = arith.constant 256 : i32
    %scan3A_21 = arith.addi %scan3A, %scan3A_20 : i32
    %scan3A_22 = arith.constant 1 : i32
    %scan3A_23:3 = scf.for %scan3A_28 = %scan3A to %scan3A_21 step %scan3A_22 iter_args(%scan3A_29 = %broadcast_in_dim3A_15, %scan3A_30 = %broadcast_in_dim3A_17, %scan3A_31 = %broadcast_in_dim3A_19) -> (vector<8x1024xf32>, vector<8x1xi32>, vector<8x3x256xf32>)  : i32 {
      %eq3A = vector.broadcast %scan3A_30 : vector<8x1xi32> to vector<8x1024xi32>
      %eq3A_32 = arith.cmpi eq, %iota3A, %eq3A : vector<8x1024xi32>
      %convert_element_type3A = arith.extui %eq3A_32 : vector<8x1024xi1> to vector<8x1024xi32>
      %convert_element_type3A_33 = arith.sitofp %convert_element_type3A : vector<8x1024xi32> to vector<8x1024xf32>
      %mul3A = arith.mulf %get3A_3, %convert_element_type3A_33 : vector<8x1024xf32>
      %reduce_sum3A = arith.constant dense<0.000000e+00> : vector<8xf32>
      %reduce_sum3A_34 = vector.multi_reduction <add>, %mul3A, %reduce_sum3A [1] : vector<8x1024xf32> to vector<8xf32>
      %broadcast_in_dim3A_35 = vector.shape_cast %reduce_sum3A_34 : vector<8xf32> to vector<8x1xf32>
      %mul3A_36 = arith.mulf %get3A_8, %convert_element_type3A_33 : vector<8x1024xf32>
      %reduce_sum3A_37 = arith.constant dense<0.000000e+00> : vector<8xf32>
      %reduce_sum3A_38 = vector.multi_reduction <add>, %mul3A_36, %reduce_sum3A_37 [1] : vector<8x1024xf32> to vector<8xf32>
      %broadcast_in_dim3A_39 = vector.shape_cast %reduce_sum3A_38 : vector<8xf32> to vector<8x1xf32>
      %mul3A_40 = arith.mulf %get3A_13, %convert_element_type3A_33 : vector<8x1024xf32>
      %reduce_sum3A_41 = arith.constant dense<0.000000e+00> : vector<8xf32>
      %reduce_sum3A_42 = vector.multi_reduction <add>, %mul3A_40, %reduce_sum3A_41 [1] : vector<8x1024xf32> to vector<8xf32>
      %broadcast_in_dim3A_43 = vector.shape_cast %reduce_sum3A_42 : vector<8xf32> to vector<8x1xf32>
      %concatenate3A = tpu.concatenate %broadcast_in_dim3A_35, %broadcast_in_dim3A_39, %broadcast_in_dim3A_43 in 1 : vector<8x1xf32>, vector<8x1xf32>, vector<8x1xf32> -> vector<8x3xf32>
      %eq3A_44 = vector.broadcast %scan3A_28 : i32 to vector<8x3x256xi32>
      %eq3A_45 = arith.cmpi eq, %iota3A_14, %eq3A_44 : vector<8x3x256xi32>
      %broadcast_in_dim3A_46 = vector.shape_cast %concatenate3A : vector<8x3xf32> to vector<8x3x1xf32>
      %broadcast_in_dim3A_47 = vector.shape_cast %broadcast_in_dim3A_46 : vector<8x3x1xf32> to vector<8x3x1xf32>
      %broadcast_in_dim3A_48 = vector.broadcast %broadcast_in_dim3A_47 : vector<8x3x1xf32> to vector<8x3x256xf32>
      %select_n3A = arith.select %eq3A_45, %broadcast_in_dim3A_48, %scan3A_31 : vector<8x3x256xi1>, vector<8x3x256xf32>
      %sub3A = vector.broadcast %broadcast_in_dim3A_35 : vector<8x1xf32> to vector<8x1024xf32>
      %sub3A_49 = arith.subf %get3A_3, %sub3A : vector<8x1024xf32>
      %sub3A_50 = vector.broadcast %broadcast_in_dim3A_39 : vector<8x1xf32> to vector<8x1024xf32>
      %sub3A_51 = arith.subf %get3A_8, %sub3A_50 : vector<8x1024xf32>
      %sub3A_52 = vector.broadcast %broadcast_in_dim3A_43 : vector<8x1xf32> to vector<8x1024xf32>
      %sub3A_53 = arith.subf %get3A_13, %sub3A_52 : vector<8x1024xf32>
      %mul3A_54 = arith.mulf %sub3A_49, %sub3A_49 : vector<8x1024xf32>
      %mul3A_55 = arith.mulf %sub3A_51, %sub3A_51 : vector<8x1024xf32>
      %add3A = arith.addf %mul3A_54, %mul3A_55 : vector<8x1024xf32>
      %mul3A_56 = arith.mulf %sub3A_53, %sub3A_53 : vector<8x1024xf32>
      %add3A_57 = arith.addf %add3A, %mul3A_56 : vector<8x1024xf32>
      %min3A = arith.minimumf %scan3A_29, %add3A_57 : vector<8x1024xf32>
      %reduce_max3A = arith.constant dense<0xFF800000> : vector<8xf32>
      %reduce_max3A_58 = vector.multi_reduction <maximumf>, %min3A, %reduce_max3A [1] : vector<8x1024xf32> to vector<8xf32>
      %broadcast_in_dim3A_59 = vector.shape_cast %reduce_max3A_58 : vector<8xf32> to vector<8x1xf32>
      %eq3A_60 = vector.broadcast %broadcast_in_dim3A_59 : vector<8x1xf32> to vector<8x1024xf32>
      %eq3A_61 = arith.cmpf oeq, %min3A, %eq3A_60 : vector<8x1024xf32>
      %jit3A = arith.constant 1024 : i32
      %broadcast_in_dim3A_62 = vector.broadcast %jit3A : i32 to vector<8x1024xi32>
      %select_n3A_63 = arith.select %eq3A_61, %iota3A, %broadcast_in_dim3A_62 : vector<8x1024xi1>, vector<8x1024xi32>
      %reduce_min3A = arith.constant dense<2147483647> : vector<8xi32>
      %reduce_min3A_64 = vector.multi_reduction <minsi>, %select_n3A_63, %reduce_min3A [1] : vector<8x1024xi32> to vector<8xi32>
      %broadcast_in_dim3A_65 = vector.shape_cast %reduce_min3A_64 : vector<8xi32> to vector<8x1xi32>
      scf.yield %min3A, %broadcast_in_dim3A_65, %select_n3A : vector<8x1024xf32>, vector<8x1xi32>, vector<8x3x256xf32>
    }
    %scan3A_24 = arith.constant 256 : i32
    %swap3A = arith.constant 0 : index
    %swap3A_25 = arith.constant 0 : index
    %swap3A_26 = arith.constant 0 : index
    %swap3A_27 = vector.load %arg1[%swap3A, %swap3A_25, %swap3A_26] : memref<8x3x256xf32, #tpu.memory_space<vmem>>, vector<8x3x256xf32>
    tpu.vector_store %arg1[%swap3A, %swap3A_25, %swap3A_26], %scan3A_23#2 {strides = array<i32>} : memref<8x3x256xf32, #tpu.memory_space<vmem>>, vector<8x3x256xf32>,
    return
  }
}

module attributes {stable_mosaic.version = 14 : i64} {
  func.func @body(%arg0: memref<8x3x256xf32, #tpu.memory_space<vmem>>, %arg1: memref<8x3x64xf32, #tpu.memory_space<vmem>>) attributes {dimension_semantics = [], scalar_prefetch = 0 : i64, scratch_operands = 0 : i64, tpu.core_type = #tpu.core_type<tc>} {
    %get3A = arith.constant 0 : index
    %get3A_0 = arith.constant 0 : index
    %get3A_1 = arith.constant 0 : index
    %get3A_2 = vector.load %arg0[%get3A, %get3A_0, %get3A_1] : memref<8x3x256xf32, #tpu.memory_space<vmem>>, vector<8x1x256xf32>
    %get3A_3 = vector.shape_cast %get3A_2 : vector<8x1x256xf32> to vector<8x256xf32>
    %get3A_4 = arith.constant 0 : index
    %get3A_5 = arith.constant 1 : index
    %get3A_6 = arith.constant 0 : index
    %get3A_7 = vector.load %arg0[%get3A_4, %get3A_5, %get3A_6] : memref<8x3x256xf32, #tpu.memory_space<vmem>>, vector<8x1x256xf32>
    %get3A_8 = vector.shape_cast %get3A_7 : vector<8x1x256xf32> to vector<8x256xf32>
    %get3A_9 = arith.constant 0 : index
    %get3A_10 = arith.constant 2 : index
    %get3A_11 = arith.constant 0 : index
    %get3A_12 = vector.load %arg0[%get3A_9, %get3A_10, %get3A_11] : memref<8x3x256xf32, #tpu.memory_space<vmem>>, vector<8x1x256xf32>
    %get3A_13 = vector.shape_cast %get3A_12 : vector<8x1x256xf32> to vector<8x256xf32>
    %iota3A = tpu.iota {dimensions = array<i32: 1>} : vector<8x256xi32>
    %iota3A_14 = tpu.iota {dimensions = array<i32: 2>} : vector<8x3x64xi32>
    %broadcast_in_dim3A = arith.constant 1.000000e+10 : f32
    %broadcast_in_dim3A_15 = vector.broadcast %broadcast_in_dim3A : f32 to vector<8x256xf32>
    %broadcast_in_dim3A_16 = arith.constant 0 : i32
    %broadcast_in_dim3A_17 = vector.broadcast %broadcast_in_dim3A_16 : i32 to vector<8x1xi32>
    %broadcast_in_dim3A_18 = arith.constant 0.000000e+00 : f32
    %broadcast_in_dim3A_19 = vector.broadcast %broadcast_in_dim3A_18 : f32 to vector<8x3x64xf32>
    %scan3A = arith.constant 0 : i32
    %scan3A_20 = arith.constant 64 : i32
    %scan3A_21 = arith.addi %scan3A, %scan3A_20 : i32
    %scan3A_22 = arith.constant 1 : i32
    %scan3A_23:3 = scf.for %scan3A_28 = %scan3A to %scan3A_21 step %scan3A_22 iter_args(%scan3A_29 = %broadcast_in_dim3A_15, %scan3A_30 = %broadcast_in_dim3A_17, %scan3A_31 = %broadcast_in_dim3A_19) -> (vector<8x256xf32>, vector<8x1xi32>, vector<8x3x64xf32>)  : i32 {
      %eq3A = vector.broadcast %scan3A_30 : vector<8x1xi32> to vector<8x256xi32>
      %eq3A_32 = arith.cmpi eq, %iota3A, %eq3A : vector<8x256xi32>
      %convert_element_type3A = arith.extui %eq3A_32 : vector<8x256xi1> to vector<8x256xi32>
      %convert_element_type3A_33 = arith.sitofp %convert_element_type3A : vector<8x256xi32> to vector<8x256xf32>
      %mul3A = arith.mulf %get3A_3, %convert_element_type3A_33 : vector<8x256xf32>
      %reduce_sum3A = arith.constant dense<0.000000e+00> : vector<8xf32>
      %reduce_sum3A_34 = vector.multi_reduction <add>, %mul3A, %reduce_sum3A [1] : vector<8x256xf32> to vector<8xf32>
      %broadcast_in_dim3A_35 = vector.shape_cast %reduce_sum3A_34 : vector<8xf32> to vector<8x1xf32>
      %mul3A_36 = arith.mulf %get3A_8, %convert_element_type3A_33 : vector<8x256xf32>
      %reduce_sum3A_37 = arith.constant dense<0.000000e+00> : vector<8xf32>
      %reduce_sum3A_38 = vector.multi_reduction <add>, %mul3A_36, %reduce_sum3A_37 [1] : vector<8x256xf32> to vector<8xf32>
      %broadcast_in_dim3A_39 = vector.shape_cast %reduce_sum3A_38 : vector<8xf32> to vector<8x1xf32>
      %mul3A_40 = arith.mulf %get3A_13, %convert_element_type3A_33 : vector<8x256xf32>
      %reduce_sum3A_41 = arith.constant dense<0.000000e+00> : vector<8xf32>
      %reduce_sum3A_42 = vector.multi_reduction <add>, %mul3A_40, %reduce_sum3A_41 [1] : vector<8x256xf32> to vector<8xf32>
      %broadcast_in_dim3A_43 = vector.shape_cast %reduce_sum3A_42 : vector<8xf32> to vector<8x1xf32>
      %concatenate3A = tpu.concatenate %broadcast_in_dim3A_35, %broadcast_in_dim3A_39, %broadcast_in_dim3A_43 in 1 : vector<8x1xf32>, vector<8x1xf32>, vector<8x1xf32> -> vector<8x3xf32>
      %eq3A_44 = vector.broadcast %scan3A_28 : i32 to vector<8x3x64xi32>
      %eq3A_45 = arith.cmpi eq, %iota3A_14, %eq3A_44 : vector<8x3x64xi32>
      %broadcast_in_dim3A_46 = vector.shape_cast %concatenate3A : vector<8x3xf32> to vector<8x3x1xf32>
      %broadcast_in_dim3A_47 = vector.shape_cast %broadcast_in_dim3A_46 : vector<8x3x1xf32> to vector<8x3x1xf32>
      %broadcast_in_dim3A_48 = vector.broadcast %broadcast_in_dim3A_47 : vector<8x3x1xf32> to vector<8x3x64xf32>
      %select_n3A = arith.select %eq3A_45, %broadcast_in_dim3A_48, %scan3A_31 : vector<8x3x64xi1>, vector<8x3x64xf32>
      %sub3A = vector.broadcast %broadcast_in_dim3A_35 : vector<8x1xf32> to vector<8x256xf32>
      %sub3A_49 = arith.subf %get3A_3, %sub3A : vector<8x256xf32>
      %sub3A_50 = vector.broadcast %broadcast_in_dim3A_39 : vector<8x1xf32> to vector<8x256xf32>
      %sub3A_51 = arith.subf %get3A_8, %sub3A_50 : vector<8x256xf32>
      %sub3A_52 = vector.broadcast %broadcast_in_dim3A_43 : vector<8x1xf32> to vector<8x256xf32>
      %sub3A_53 = arith.subf %get3A_13, %sub3A_52 : vector<8x256xf32>
      %mul3A_54 = arith.mulf %sub3A_49, %sub3A_49 : vector<8x256xf32>
      %mul3A_55 = arith.mulf %sub3A_51, %sub3A_51 : vector<8x256xf32>
      %add3A = arith.addf %mul3A_54, %mul3A_55 : vector<8x256xf32>
      %mul3A_56 = arith.mulf %sub3A_53, %sub3A_53 : vector<8x256xf32>
      %add3A_57 = arith.addf %add3A, %mul3A_56 : vector<8x256xf32>
      %min3A = arith.minimumf %scan3A_29, %add3A_57 : vector<8x256xf32>
      %reduce_max3A = arith.constant dense<0xFF800000> : vector<8xf32>
      %reduce_max3A_58 = vector.multi_reduction <maximumf>, %min3A, %reduce_max3A [1] : vector<8x256xf32> to vector<8xf32>
      %broadcast_in_dim3A_59 = vector.shape_cast %reduce_max3A_58 : vector<8xf32> to vector<8x1xf32>
      %eq3A_60 = vector.broadcast %broadcast_in_dim3A_59 : vector<8x1xf32> to vector<8x256xf32>
      %eq3A_61 = arith.cmpf oeq, %min3A, %eq3A_60 : vector<8x256xf32>
      %jit3A = arith.constant 256 : i32
      %broadcast_in_dim3A_62 = vector.broadcast %jit3A : i32 to vector<8x256xi32>
      %select_n3A_63 = arith.select %eq3A_61, %iota3A, %broadcast_in_dim3A_62 : vector<8x256xi1>, vector<8x256xi32>
      %reduce_min3A = arith.constant dense<2147483647> : vector<8xi32>
      %reduce_min3A_64 = vector.multi_reduction <minsi>, %select_n3A_63, %reduce_min3A [1] : vector<8x256xi32> to vector<8xi32>
      %broadcast_in_dim3A_65 = vector.shape_cast %reduce_min3A_64 : vector<8xi32> to vector<8x1xi32>
      scf.yield %min3A, %broadcast_in_dim3A_65, %select_n3A : vector<8x256xf32>, vector<8x1xi32>, vector<8x3x64xf32>
    }
    %scan3A_24 = arith.constant 64 : i32
    %swap3A = arith.constant 0 : index
    %swap3A_25 = arith.constant 0 : index
    %swap3A_26 = arith.constant 0 : index
    %swap3A_27 = vector.load %arg1[%swap3A, %swap3A_25, %swap3A_26] : memref<8x3x64xf32, #tpu.memory_space<vmem>>, vector<8x3x64xf32>
    tpu.vector_store %arg1[%swap3A, %swap3A_25, %swap3A_26], %scan3A_23#2 {strides = array<i32>} : memref<8x3x64xf32, #tpu.memory_space<vmem>>, vector<8x3x64xf32>,
    return
  }
}

module attributes {stable_mosaic.version = 14 : i64} {
  func.func @body(%arg0: memref<8x3x64xf32, #tpu.memory_space<vmem>>, %arg1: memref<8x3x16xf32, #tpu.memory_space<vmem>>) attributes {dimension_semantics = [], scalar_prefetch = 0 : i64, scratch_operands = 0 : i64, tpu.core_type = #tpu.core_type<tc>} {
    %get3A = arith.constant 0 : index
    %get3A_0 = arith.constant 0 : index
    %get3A_1 = arith.constant 0 : index
    %get3A_2 = vector.load %arg0[%get3A, %get3A_0, %get3A_1] : memref<8x3x64xf32, #tpu.memory_space<vmem>>, vector<8x1x64xf32>
    %get3A_3 = vector.shape_cast %get3A_2 : vector<8x1x64xf32> to vector<8x64xf32>
    %get3A_4 = arith.constant 0 : index
    %get3A_5 = arith.constant 1 : index
    %get3A_6 = arith.constant 0 : index
    %get3A_7 = vector.load %arg0[%get3A_4, %get3A_5, %get3A_6] : memref<8x3x64xf32, #tpu.memory_space<vmem>>, vector<8x1x64xf32>
    %get3A_8 = vector.shape_cast %get3A_7 : vector<8x1x64xf32> to vector<8x64xf32>
    %get3A_9 = arith.constant 0 : index
    %get3A_10 = arith.constant 2 : index
    %get3A_11 = arith.constant 0 : index
    %get3A_12 = vector.load %arg0[%get3A_9, %get3A_10, %get3A_11] : memref<8x3x64xf32, #tpu.memory_space<vmem>>, vector<8x1x64xf32>
    %get3A_13 = vector.shape_cast %get3A_12 : vector<8x1x64xf32> to vector<8x64xf32>
    %iota3A = tpu.iota {dimensions = array<i32: 1>} : vector<8x64xi32>
    %iota3A_14 = tpu.iota {dimensions = array<i32: 2>} : vector<8x3x16xi32>
    %broadcast_in_dim3A = arith.constant 1.000000e+10 : f32
    %broadcast_in_dim3A_15 = vector.broadcast %broadcast_in_dim3A : f32 to vector<8x64xf32>
    %broadcast_in_dim3A_16 = arith.constant 0 : i32
    %broadcast_in_dim3A_17 = vector.broadcast %broadcast_in_dim3A_16 : i32 to vector<8x1xi32>
    %broadcast_in_dim3A_18 = arith.constant 0.000000e+00 : f32
    %broadcast_in_dim3A_19 = vector.broadcast %broadcast_in_dim3A_18 : f32 to vector<8x3x16xf32>
    %scan3A = arith.constant 0 : i32
    %scan3A_20 = arith.constant 16 : i32
    %scan3A_21 = arith.addi %scan3A, %scan3A_20 : i32
    %scan3A_22 = arith.constant 1 : i32
    %scan3A_23:3 = scf.for %scan3A_28 = %scan3A to %scan3A_21 step %scan3A_22 iter_args(%scan3A_29 = %broadcast_in_dim3A_15, %scan3A_30 = %broadcast_in_dim3A_17, %scan3A_31 = %broadcast_in_dim3A_19) -> (vector<8x64xf32>, vector<8x1xi32>, vector<8x3x16xf32>)  : i32 {
      %eq3A = vector.broadcast %scan3A_30 : vector<8x1xi32> to vector<8x64xi32>
      %eq3A_32 = arith.cmpi eq, %iota3A, %eq3A : vector<8x64xi32>
      %convert_element_type3A = arith.extui %eq3A_32 : vector<8x64xi1> to vector<8x64xi32>
      %convert_element_type3A_33 = arith.sitofp %convert_element_type3A : vector<8x64xi32> to vector<8x64xf32>
      %mul3A = arith.mulf %get3A_3, %convert_element_type3A_33 : vector<8x64xf32>
      %reduce_sum3A = arith.constant dense<0.000000e+00> : vector<8xf32>
      %reduce_sum3A_34 = vector.multi_reduction <add>, %mul3A, %reduce_sum3A [1] : vector<8x64xf32> to vector<8xf32>
      %broadcast_in_dim3A_35 = vector.shape_cast %reduce_sum3A_34 : vector<8xf32> to vector<8x1xf32>
      %mul3A_36 = arith.mulf %get3A_8, %convert_element_type3A_33 : vector<8x64xf32>
      %reduce_sum3A_37 = arith.constant dense<0.000000e+00> : vector<8xf32>
      %reduce_sum3A_38 = vector.multi_reduction <add>, %mul3A_36, %reduce_sum3A_37 [1] : vector<8x64xf32> to vector<8xf32>
      %broadcast_in_dim3A_39 = vector.shape_cast %reduce_sum3A_38 : vector<8xf32> to vector<8x1xf32>
      %mul3A_40 = arith.mulf %get3A_13, %convert_element_type3A_33 : vector<8x64xf32>
      %reduce_sum3A_41 = arith.constant dense<0.000000e+00> : vector<8xf32>
      %reduce_sum3A_42 = vector.multi_reduction <add>, %mul3A_40, %reduce_sum3A_41 [1] : vector<8x64xf32> to vector<8xf32>
      %broadcast_in_dim3A_43 = vector.shape_cast %reduce_sum3A_42 : vector<8xf32> to vector<8x1xf32>
      %concatenate3A = tpu.concatenate %broadcast_in_dim3A_35, %broadcast_in_dim3A_39, %broadcast_in_dim3A_43 in 1 : vector<8x1xf32>, vector<8x1xf32>, vector<8x1xf32> -> vector<8x3xf32>
      %eq3A_44 = vector.broadcast %scan3A_28 : i32 to vector<8x3x16xi32>
      %eq3A_45 = arith.cmpi eq, %iota3A_14, %eq3A_44 : vector<8x3x16xi32>
      %broadcast_in_dim3A_46 = vector.shape_cast %concatenate3A : vector<8x3xf32> to vector<8x3x1xf32>
      %broadcast_in_dim3A_47 = vector.shape_cast %broadcast_in_dim3A_46 : vector<8x3x1xf32> to vector<8x3x1xf32>
      %broadcast_in_dim3A_48 = vector.broadcast %broadcast_in_dim3A_47 : vector<8x3x1xf32> to vector<8x3x16xf32>
      %select_n3A = arith.select %eq3A_45, %broadcast_in_dim3A_48, %scan3A_31 : vector<8x3x16xi1>, vector<8x3x16xf32>
      %sub3A = vector.broadcast %broadcast_in_dim3A_35 : vector<8x1xf32> to vector<8x64xf32>
      %sub3A_49 = arith.subf %get3A_3, %sub3A : vector<8x64xf32>
      %sub3A_50 = vector.broadcast %broadcast_in_dim3A_39 : vector<8x1xf32> to vector<8x64xf32>
      %sub3A_51 = arith.subf %get3A_8, %sub3A_50 : vector<8x64xf32>
      %sub3A_52 = vector.broadcast %broadcast_in_dim3A_43 : vector<8x1xf32> to vector<8x64xf32>
      %sub3A_53 = arith.subf %get3A_13, %sub3A_52 : vector<8x64xf32>
      %mul3A_54 = arith.mulf %sub3A_49, %sub3A_49 : vector<8x64xf32>
      %mul3A_55 = arith.mulf %sub3A_51, %sub3A_51 : vector<8x64xf32>
      %add3A = arith.addf %mul3A_54, %mul3A_55 : vector<8x64xf32>
      %mul3A_56 = arith.mulf %sub3A_53, %sub3A_53 : vector<8x64xf32>
      %add3A_57 = arith.addf %add3A, %mul3A_56 : vector<8x64xf32>
      %min3A = arith.minimumf %scan3A_29, %add3A_57 : vector<8x64xf32>
      %reduce_max3A = arith.constant dense<0xFF800000> : vector<8xf32>
      %reduce_max3A_58 = vector.multi_reduction <maximumf>, %min3A, %reduce_max3A [1] : vector<8x64xf32> to vector<8xf32>
      %broadcast_in_dim3A_59 = vector.shape_cast %reduce_max3A_58 : vector<8xf32> to vector<8x1xf32>
      %eq3A_60 = vector.broadcast %broadcast_in_dim3A_59 : vector<8x1xf32> to vector<8x64xf32>
      %eq3A_61 = arith.cmpf oeq, %min3A, %eq3A_60 : vector<8x64xf32>
      %jit3A = arith.constant 64 : i32
      %broadcast_in_dim3A_62 = vector.broadcast %jit3A : i32 to vector<8x64xi32>
      %select_n3A_63 = arith.select %eq3A_61, %iota3A, %broadcast_in_dim3A_62 : vector<8x64xi1>, vector<8x64xi32>
      %reduce_min3A = arith.constant dense<2147483647> : vector<8xi32>
      %reduce_min3A_64 = vector.multi_reduction <minsi>, %select_n3A_63, %reduce_min3A [1] : vector<8x64xi32> to vector<8xi32>
      %broadcast_in_dim3A_65 = vector.shape_cast %reduce_min3A_64 : vector<8xi32> to vector<8x1xi32>
      scf.yield %min3A, %broadcast_in_dim3A_65, %select_n3A : vector<8x64xf32>, vector<8x1xi32>, vector<8x3x16xf32>
    }
    %scan3A_24 = arith.constant 16 : i32
    %swap3A = arith.constant 0 : index
    %swap3A_25 = arith.constant 0 : index
    %swap3A_26 = arith.constant 0 : index
    %swap3A_27 = vector.load %arg1[%swap3A, %swap3A_25, %swap3A_26] : memref<8x3x16xf32, #tpu.memory_space<vmem>>, vector<8x3x16xf32>
    tpu.vector_store %arg1[%swap3A, %swap3A_25, %swap3A_26], %scan3A_23#2 {strides = array<i32>} : memref<8x3x16xf32, #tpu.memory_space<vmem>>, vector<8x3x16xf32>,
    return
  }
}

module attributes {stable_mosaic.version = 14 : i64} {
  func.func @body(%arg0: i32, %arg1: i32, %arg2: memref<1x32x3xf32, #tpu.memory_space<vmem>>, %arg3: memref<1x32x32xi32, #tpu.memory_space<vmem>>, %arg4: memref<1x4096x12xf32, #tpu.memory_space<vmem>>, %arg5: memref<12x32xf32, #tpu.memory_space<vmem>>, %arg6: memref<1x32xf32, #tpu.memory_space<vmem>>, %arg7: memref<1x1024x32xf32, #tpu.memory_space<vmem>>, %arg8: memref<8x32xf32, #tpu.memory_space<vmem>>) attributes {dimension_semantics = [#tpu.dimension_semantics<arbitrary>, #tpu.dimension_semantics<arbitrary>], iteration_bounds = array<i64: 8, 32>, scalar_prefetch = 0 : i64, scratch_operands = 0 : i64, tpu.core_type = #tpu.core_type<tc>, window_params = [{transform_indices = @transform_0, window_bounds = array<i64: 1, 32, 3>}, {transform_indices = @transform_1, window_bounds = array<i64: 1, 32, 32>}, {transform_indices = @transform_2, window_bounds = array<i64: 1, 4096, 12>}, {pipeline_mode = #tpu.pipeline_mode<synchronous>, transform_indices = @transform_3, window_bounds = array<i64: 12, 32>}, {pipeline_mode = #tpu.pipeline_mode<synchronous>, transform_indices = @transform_4, window_bounds = array<i64: 1, 32>}, {transform_indices = @transform_5, window_bounds = array<i64: 1, 1024, 32>}, {pipeline_mode = #tpu.pipeline_mode<synchronous>, transform_indices = @transform_6, window_bounds = array<i64: 8, 32>}]} {
    %get3A = arith.constant 0 : index
    %get3A_0 = arith.constant 0 : index
    %get3A_1 = arith.constant 0 : index
    %get3A_2 = vector.load %arg2[%get3A, %get3A_0, %get3A_1] : memref<1x32x3xf32, #tpu.memory_space<vmem>>, vector<1x32x3xf32>
    %get3A_3 = vector.shape_cast %get3A_2 : vector<1x32x3xf32> to vector<32x3xf32>
    %get3A_4 = arith.constant 0 : index
    %get3A_5 = arith.constant 0 : index
    %get3A_6 = arith.constant 0 : index
    %get3A_7 = vector.load %arg3[%get3A_4, %get3A_5, %get3A_6] : memref<1x32x32xi32, #tpu.memory_space<vmem>>, vector<1x32x32xi32>
    %get3A_8 = vector.shape_cast %get3A_7 : vector<1x32x32xi32> to vector<32x32xi32>
    %iota3A = tpu.iota {dimensions = array<i32: 1>} : vector<32x4096xi32>
    %slice3A = vector.extract_strided_slice %get3A_8 {offsets = [0, 0], sizes = [32, 1], strides = [1, 1]} : vector<32x32xi32> to vector<32x1xi32>
    %eq3A = vector.broadcast %slice3A : vector<32x1xi32> to vector<32x4096xi32>
    %eq3A_9 = arith.cmpi eq, %iota3A, %eq3A : vector<32x4096xi32>
    %convert_element_type3A = arith.extui %eq3A_9 : vector<32x4096xi1> to vector<32x4096xi32>
    %convert_element_type3A_10 = arith.sitofp %convert_element_type3A : vector<32x4096xi32> to vector<32x4096xf32>
    %slice3A_11 = vector.extract_strided_slice %get3A_8 {offsets = [0, 1], sizes = [32, 1], strides = [1, 1]} : vector<32x32xi32> to vector<32x1xi32>
    %eq3A_12 = vector.broadcast %slice3A_11 : vector<32x1xi32> to vector<32x4096xi32>
    %eq3A_13 = arith.cmpi eq, %iota3A, %eq3A_12 : vector<32x4096xi32>
    %convert_element_type3A_14 = arith.extui %eq3A_13 : vector<32x4096xi1> to vector<32x4096xi32>
    %convert_element_type3A_15 = arith.sitofp %convert_element_type3A_14 : vector<32x4096xi32> to vector<32x4096xf32>
    %slice3A_16 = vector.extract_strided_slice %get3A_8 {offsets = [0, 2], sizes = [32, 1], strides = [1, 1]} : vector<32x32xi32> to vector<32x1xi32>
    %eq3A_17 = vector.broadcast %slice3A_16 : vector<32x1xi32> to vector<32x4096xi32>
    %eq3A_18 = arith.cmpi eq, %iota3A, %eq3A_17 : vector<32x4096xi32>
    %convert_element_type3A_19 = arith.extui %eq3A_18 : vector<32x4096xi1> to vector<32x4096xi32>
    %convert_element_type3A_20 = arith.sitofp %convert_element_type3A_19 : vector<32x4096xi32> to vector<32x4096xf32>
    %slice3A_21 = vector.extract_strided_slice %get3A_8 {offsets = [0, 3], sizes = [32, 1], strides = [1, 1]} : vector<32x32xi32> to vector<32x1xi32>
    %eq3A_22 = vector.broadcast %slice3A_21 : vector<32x1xi32> to vector<32x4096xi32>
    %eq3A_23 = arith.cmpi eq, %iota3A, %eq3A_22 : vector<32x4096xi32>
    %convert_element_type3A_24 = arith.extui %eq3A_23 : vector<32x4096xi1> to vector<32x4096xi32>
    %convert_element_type3A_25 = arith.sitofp %convert_element_type3A_24 : vector<32x4096xi32> to vector<32x4096xf32>
    %slice3A_26 = vector.extract_strided_slice %get3A_8 {offsets = [0, 4], sizes = [32, 1], strides = [1, 1]} : vector<32x32xi32> to vector<32x1xi32>
    %eq3A_27 = vector.broadcast %slice3A_26 : vector<32x1xi32> to vector<32x4096xi32>
    %eq3A_28 = arith.cmpi eq, %iota3A, %eq3A_27 : vector<32x4096xi32>
    %convert_element_type3A_29 = arith.extui %eq3A_28 : vector<32x4096xi1> to vector<32x4096xi32>
    %convert_element_type3A_30 = arith.sitofp %convert_element_type3A_29 : vector<32x4096xi32> to vector<32x4096xf32>
    %slice3A_31 = vector.extract_strided_slice %get3A_8 {offsets = [0, 5], sizes = [32, 1], strides = [1, 1]} : vector<32x32xi32> to vector<32x1xi32>
    %eq3A_32 = vector.broadcast %slice3A_31 : vector<32x1xi32> to vector<32x4096xi32>
    %eq3A_33 = arith.cmpi eq, %iota3A, %eq3A_32 : vector<32x4096xi32>
    %convert_element_type3A_34 = arith.extui %eq3A_33 : vector<32x4096xi1> to vector<32x4096xi32>
    %convert_element_type3A_35 = arith.sitofp %convert_element_type3A_34 : vector<32x4096xi32> to vector<32x4096xf32>
    %slice3A_36 = vector.extract_strided_slice %get3A_8 {offsets = [0, 6], sizes = [32, 1], strides = [1, 1]} : vector<32x32xi32> to vector<32x1xi32>
    %eq3A_37 = vector.broadcast %slice3A_36 : vector<32x1xi32> to vector<32x4096xi32>
    %eq3A_38 = arith.cmpi eq, %iota3A, %eq3A_37 : vector<32x4096xi32>
    %convert_element_type3A_39 = arith.extui %eq3A_38 : vector<32x4096xi1> to vector<32x4096xi32>
    %convert_element_type3A_40 = arith.sitofp %convert_element_type3A_39 : vector<32x4096xi32> to vector<32x4096xf32>
    %slice3A_41 = vector.extract_strided_slice %get3A_8 {offsets = [0, 7], sizes = [32, 1], strides = [1, 1]} : vector<32x32xi32> to vector<32x1xi32>
    %eq3A_42 = vector.broadcast %slice3A_41 : vector<32x1xi32> to vector<32x4096xi32>
    %eq3A_43 = arith.cmpi eq, %iota3A, %eq3A_42 : vector<32x4096xi32>
    %convert_element_type3A_44 = arith.extui %eq3A_43 : vector<32x4096xi1> to vector<32x4096xi32>
    %convert_element_type3A_45 = arith.sitofp %convert_element_type3A_44 : vector<32x4096xi32> to vector<32x4096xf32>
    %slice3A_46 = vector.extract_strided_slice %get3A_8 {offsets = [0, 8], sizes = [32, 1], strides = [1, 1]} : vector<32x32xi32> to vector<32x1xi32>
    %eq3A_47 = vector.broadcast %slice3A_46 : vector<32x1xi32> to vector<32x4096xi32>
    %eq3A_48 = arith.cmpi eq, %iota3A, %eq3A_47 : vector<32x4096xi32>
    %convert_element_type3A_49 = arith.extui %eq3A_48 : vector<32x4096xi1> to vector<32x4096xi32>
    %convert_element_type3A_50 = arith.sitofp %convert_element_type3A_49 : vector<32x4096xi32> to vector<32x4096xf32>
    %slice3A_51 = vector.extract_strided_slice %get3A_8 {offsets = [0, 9], sizes = [32, 1], strides = [1, 1]} : vector<32x32xi32> to vector<32x1xi32>
    %eq3A_52 = vector.broadcast %slice3A_51 : vector<32x1xi32> to vector<32x4096xi32>
    %eq3A_53 = arith.cmpi eq, %iota3A, %eq3A_52 : vector<32x4096xi32>
    %convert_element_type3A_54 = arith.extui %eq3A_53 : vector<32x4096xi1> to vector<32x4096xi32>
    %convert_element_type3A_55 = arith.sitofp %convert_element_type3A_54 : vector<32x4096xi32> to vector<32x4096xf32>
    %slice3A_56 = vector.extract_strided_slice %get3A_8 {offsets = [0, 10], sizes = [32, 1], strides = [1, 1]} : vector<32x32xi32> to vector<32x1xi32>
    %eq3A_57 = vector.broadcast %slice3A_56 : vector<32x1xi32> to vector<32x4096xi32>
    %eq3A_58 = arith.cmpi eq, %iota3A, %eq3A_57 : vector<32x4096xi32>
    %convert_element_type3A_59 = arith.extui %eq3A_58 : vector<32x4096xi1> to vector<32x4096xi32>
    %convert_element_type3A_60 = arith.sitofp %convert_element_type3A_59 : vector<32x4096xi32> to vector<32x4096xf32>
    %slice3A_61 = vector.extract_strided_slice %get3A_8 {offsets = [0, 11], sizes = [32, 1], strides = [1, 1]} : vector<32x32xi32> to vector<32x1xi32>
    %eq3A_62 = vector.broadcast %slice3A_61 : vector<32x1xi32> to vector<32x4096xi32>
    %eq3A_63 = arith.cmpi eq, %iota3A, %eq3A_62 : vector<32x4096xi32>
    %convert_element_type3A_64 = arith.extui %eq3A_63 : vector<32x4096xi1> to vector<32x4096xi32>
    %convert_element_type3A_65 = arith.sitofp %convert_element_type3A_64 : vector<32x4096xi32> to vector<32x4096xf32>
    %slice3A_66 = vector.extract_strided_slice %get3A_8 {offsets = [0, 12], sizes = [32, 1], strides = [1, 1]} : vector<32x32xi32> to vector<32x1xi32>
    %eq3A_67 = vector.broadcast %slice3A_66 : vector<32x1xi32> to vector<32x4096xi32>
    %eq3A_68 = arith.cmpi eq, %iota3A, %eq3A_67 : vector<32x4096xi32>
    %convert_element_type3A_69 = arith.extui %eq3A_68 : vector<32x4096xi1> to vector<32x4096xi32>
    %convert_element_type3A_70 = arith.sitofp %convert_element_type3A_69 : vector<32x4096xi32> to vector<32x4096xf32>
    %slice3A_71 = vector.extract_strided_slice %get3A_8 {offsets = [0, 13], sizes = [32, 1], strides = [1, 1]} : vector<32x32xi32> to vector<32x1xi32>
    %eq3A_72 = vector.broadcast %slice3A_71 : vector<32x1xi32> to vector<32x4096xi32>
    %eq3A_73 = arith.cmpi eq, %iota3A, %eq3A_72 : vector<32x4096xi32>
    %convert_element_type3A_74 = arith.extui %eq3A_73 : vector<32x4096xi1> to vector<32x4096xi32>
    %convert_element_type3A_75 = arith.sitofp %convert_element_type3A_74 : vector<32x4096xi32> to vector<32x4096xf32>
    %slice3A_76 = vector.extract_strided_slice %get3A_8 {offsets = [0, 14], sizes = [32, 1], strides = [1, 1]} : vector<32x32xi32> to vector<32x1xi32>
    %eq3A_77 = vector.broadcast %slice3A_76 : vector<32x1xi32> to vector<32x4096xi32>
    %eq3A_78 = arith.cmpi eq, %iota3A, %eq3A_77 : vector<32x4096xi32>
    %convert_element_type3A_79 = arith.extui %eq3A_78 : vector<32x4096xi1> to vector<32x4096xi32>
    %convert_element_type3A_80 = arith.sitofp %convert_element_type3A_79 : vector<32x4096xi32> to vector<32x4096xf32>
    %slice3A_81 = vector.extract_strided_slice %get3A_8 {offsets = [0, 15], sizes = [32, 1], strides = [1, 1]} : vector<32x32xi32> to vector<32x1xi32>
    %eq3A_82 = vector.broadcast %slice3A_81 : vector<32x1xi32> to vector<32x4096xi32>
    %eq3A_83 = arith.cmpi eq, %iota3A, %eq3A_82 : vector<32x4096xi32>
    %convert_element_type3A_84 = arith.extui %eq3A_83 : vector<32x4096xi1> to vector<32x4096xi32>
    %convert_element_type3A_85 = arith.sitofp %convert_element_type3A_84 : vector<32x4096xi32> to vector<32x4096xf32>
    %slice3A_86 = vector.extract_strided_slice %get3A_8 {offsets = [0, 16], sizes = [32, 1], strides = [1, 1]} : vector<32x32xi32> to vector<32x1xi32>
    %eq3A_87 = vector.broadcast %slice3A_86 : vector<32x1xi32> to vector<32x4096xi32>
    %eq3A_88 = arith.cmpi eq, %iota3A, %eq3A_87 : vector<32x4096xi32>
    %convert_element_type3A_89 = arith.extui %eq3A_88 : vector<32x4096xi1> to vector<32x4096xi32>
    %convert_element_type3A_90 = arith.sitofp %convert_element_type3A_89 : vector<32x4096xi32> to vector<32x4096xf32>
    %slice3A_91 = vector.extract_strided_slice %get3A_8 {offsets = [0, 17], sizes = [32, 1], strides = [1, 1]} : vector<32x32xi32> to vector<32x1xi32>
    %eq3A_92 = vector.broadcast %slice3A_91 : vector<32x1xi32> to vector<32x4096xi32>
    %eq3A_93 = arith.cmpi eq, %iota3A, %eq3A_92 : vector<32x4096xi32>
    %convert_element_type3A_94 = arith.extui %eq3A_93 : vector<32x4096xi1> to vector<32x4096xi32>
    %convert_element_type3A_95 = arith.sitofp %convert_element_type3A_94 : vector<32x4096xi32> to vector<32x4096xf32>
    %slice3A_96 = vector.extract_strided_slice %get3A_8 {offsets = [0, 18], sizes = [32, 1], strides = [1, 1]} : vector<32x32xi32> to vector<32x1xi32>
    %eq3A_97 = vector.broadcast %slice3A_96 : vector<32x1xi32> to vector<32x4096xi32>
    %eq3A_98 = arith.cmpi eq, %iota3A, %eq3A_97 : vector<32x4096xi32>
    %convert_element_type3A_99 = arith.extui %eq3A_98 : vector<32x4096xi1> to vector<32x4096xi32>
    %convert_element_type3A_100 = arith.sitofp %convert_element_type3A_99 : vector<32x4096xi32> to vector<32x4096xf32>
    %slice3A_101 = vector.extract_strided_slice %get3A_8 {offsets = [0, 19], sizes = [32, 1], strides = [1, 1]} : vector<32x32xi32> to vector<32x1xi32>
    %eq3A_102 = vector.broadcast %slice3A_101 : vector<32x1xi32> to vector<32x4096xi32>
    %eq3A_103 = arith.cmpi eq, %iota3A, %eq3A_102 : vector<32x4096xi32>
    %convert_element_type3A_104 = arith.extui %eq3A_103 : vector<32x4096xi1> to vector<32x4096xi32>
    %convert_element_type3A_105 = arith.sitofp %convert_element_type3A_104 : vector<32x4096xi32> to vector<32x4096xf32>
    %slice3A_106 = vector.extract_strided_slice %get3A_8 {offsets = [0, 20], sizes = [32, 1], strides = [1, 1]} : vector<32x32xi32> to vector<32x1xi32>
    %eq3A_107 = vector.broadcast %slice3A_106 : vector<32x1xi32> to vector<32x4096xi32>
    %eq3A_108 = arith.cmpi eq, %iota3A, %eq3A_107 : vector<32x4096xi32>
    %convert_element_type3A_109 = arith.extui %eq3A_108 : vector<32x4096xi1> to vector<32x4096xi32>
    %convert_element_type3A_110 = arith.sitofp %convert_element_type3A_109 : vector<32x4096xi32> to vector<32x4096xf32>
    %slice3A_111 = vector.extract_strided_slice %get3A_8 {offsets = [0, 21], sizes = [32, 1], strides = [1, 1]} : vector<32x32xi32> to vector<32x1xi32>
    %eq3A_112 = vector.broadcast %slice3A_111 : vector<32x1xi32> to vector<32x4096xi32>
    %eq3A_113 = arith.cmpi eq, %iota3A, %eq3A_112 : vector<32x4096xi32>
    %convert_element_type3A_114 = arith.extui %eq3A_113 : vector<32x4096xi1> to vector<32x4096xi32>
    %convert_element_type3A_115 = arith.sitofp %convert_element_type3A_114 : vector<32x4096xi32> to vector<32x4096xf32>
    %slice3A_116 = vector.extract_strided_slice %get3A_8 {offsets = [0, 22], sizes = [32, 1], strides = [1, 1]} : vector<32x32xi32> to vector<32x1xi32>
    %eq3A_117 = vector.broadcast %slice3A_116 : vector<32x1xi32> to vector<32x4096xi32>
    %eq3A_118 = arith.cmpi eq, %iota3A, %eq3A_117 : vector<32x4096xi32>
    %convert_element_type3A_119 = arith.extui %eq3A_118 : vector<32x4096xi1> to vector<32x4096xi32>
    %convert_element_type3A_120 = arith.sitofp %convert_element_type3A_119 : vector<32x4096xi32> to vector<32x4096xf32>
    %slice3A_121 = vector.extract_strided_slice %get3A_8 {offsets = [0, 23], sizes = [32, 1], strides = [1, 1]} : vector<32x32xi32> to vector<32x1xi32>
    %eq3A_122 = vector.broadcast %slice3A_121 : vector<32x1xi32> to vector<32x4096xi32>
    %eq3A_123 = arith.cmpi eq, %iota3A, %eq3A_122 : vector<32x4096xi32>
    %convert_element_type3A_124 = arith.extui %eq3A_123 : vector<32x4096xi1> to vector<32x4096xi32>
    %convert_element_type3A_125 = arith.sitofp %convert_element_type3A_124 : vector<32x4096xi32> to vector<32x4096xf32>
    %slice3A_126 = vector.extract_strided_slice %get3A_8 {offsets = [0, 24], sizes = [32, 1], strides = [1, 1]} : vector<32x32xi32> to vector<32x1xi32>
    %eq3A_127 = vector.broadcast %slice3A_126 : vector<32x1xi32> to vector<32x4096xi32>
    %eq3A_128 = arith.cmpi eq, %iota3A, %eq3A_127 : vector<32x4096xi32>
    %convert_element_type3A_129 = arith.extui %eq3A_128 : vector<32x4096xi1> to vector<32x4096xi32>
    %convert_element_type3A_130 = arith.sitofp %convert_element_type3A_129 : vector<32x4096xi32> to vector<32x4096xf32>
    %slice3A_131 = vector.extract_strided_slice %get3A_8 {offsets = [0, 25], sizes = [32, 1], strides = [1, 1]} : vector<32x32xi32> to vector<32x1xi32>
    %eq3A_132 = vector.broadcast %slice3A_131 : vector<32x1xi32> to vector<32x4096xi32>
    %eq3A_133 = arith.cmpi eq, %iota3A, %eq3A_132 : vector<32x4096xi32>
    %convert_element_type3A_134 = arith.extui %eq3A_133 : vector<32x4096xi1> to vector<32x4096xi32>
    %convert_element_type3A_135 = arith.sitofp %convert_element_type3A_134 : vector<32x4096xi32> to vector<32x4096xf32>
    %slice3A_136 = vector.extract_strided_slice %get3A_8 {offsets = [0, 26], sizes = [32, 1], strides = [1, 1]} : vector<32x32xi32> to vector<32x1xi32>
    %eq3A_137 = vector.broadcast %slice3A_136 : vector<32x1xi32> to vector<32x4096xi32>
    %eq3A_138 = arith.cmpi eq, %iota3A, %eq3A_137 : vector<32x4096xi32>
    %convert_element_type3A_139 = arith.extui %eq3A_138 : vector<32x4096xi1> to vector<32x4096xi32>
    %convert_element_type3A_140 = arith.sitofp %convert_element_type3A_139 : vector<32x4096xi32> to vector<32x4096xf32>
    %slice3A_141 = vector.extract_strided_slice %get3A_8 {offsets = [0, 27], sizes = [32, 1], strides = [1, 1]} : vector<32x32xi32> to vector<32x1xi32>
    %eq3A_142 = vector.broadcast %slice3A_141 : vector<32x1xi32> to vector<32x4096xi32>
    %eq3A_143 = arith.cmpi eq, %iota3A, %eq3A_142 : vector<32x4096xi32>
    %convert_element_type3A_144 = arith.extui %eq3A_143 : vector<32x4096xi1> to vector<32x4096xi32>
    %convert_element_type3A_145 = arith.sitofp %convert_element_type3A_144 : vector<32x4096xi32> to vector<32x4096xf32>
    %slice3A_146 = vector.extract_strided_slice %get3A_8 {offsets = [0, 28], sizes = [32, 1], strides = [1, 1]} : vector<32x32xi32> to vector<32x1xi32>
    %eq3A_147 = vector.broadcast %slice3A_146 : vector<32x1xi32> to vector<32x4096xi32>
    %eq3A_148 = arith.cmpi eq, %iota3A, %eq3A_147 : vector<32x4096xi32>
    %convert_element_type3A_149 = arith.extui %eq3A_148 : vector<32x4096xi1> to vector<32x4096xi32>
    %convert_element_type3A_150 = arith.sitofp %convert_element_type3A_149 : vector<32x4096xi32> to vector<32x4096xf32>
    %slice3A_151 = vector.extract_strided_slice %get3A_8 {offsets = [0, 29], sizes = [32, 1], strides = [1, 1]} : vector<32x32xi32> to vector<32x1xi32>
    %eq3A_152 = vector.broadcast %slice3A_151 : vector<32x1xi32> to vector<32x4096xi32>
    %eq3A_153 = arith.cmpi eq, %iota3A, %eq3A_152 : vector<32x4096xi32>
    %convert_element_type3A_154 = arith.extui %eq3A_153 : vector<32x4096xi1> to vector<32x4096xi32>
    %convert_element_type3A_155 = arith.sitofp %convert_element_type3A_154 : vector<32x4096xi32> to vector<32x4096xf32>
    %slice3A_156 = vector.extract_strided_slice %get3A_8 {offsets = [0, 30], sizes = [32, 1], strides = [1, 1]} : vector<32x32xi32> to vector<32x1xi32>
    %eq3A_157 = vector.broadcast %slice3A_156 : vector<32x1xi32> to vector<32x4096xi32>
    %eq3A_158 = arith.cmpi eq, %iota3A, %eq3A_157 : vector<32x4096xi32>
    %convert_element_type3A_159 = arith.extui %eq3A_158 : vector<32x4096xi1> to vector<32x4096xi32>
    %convert_element_type3A_160 = arith.sitofp %convert_element_type3A_159 : vector<32x4096xi32> to vector<32x4096xf32>
    %slice3A_161 = vector.extract_strided_slice %get3A_8 {offsets = [0, 31], sizes = [32, 1], strides = [1, 1]} : vector<32x32xi32> to vector<32x1xi32>
    %eq3A_162 = vector.broadcast %slice3A_161 : vector<32x1xi32> to vector<32x4096xi32>
    %eq3A_163 = arith.cmpi eq, %iota3A, %eq3A_162 : vector<32x4096xi32>
    %convert_element_type3A_164 = arith.extui %eq3A_163 : vector<32x4096xi1> to vector<32x4096xi32>
    %convert_element_type3A_165 = arith.sitofp %convert_element_type3A_164 : vector<32x4096xi32> to vector<32x4096xf32>
    %concatenate3A = tpu.concatenate %convert_element_type3A_10, %convert_element_type3A_15, %convert_element_type3A_20, %convert_element_type3A_25, %convert_element_type3A_30, %convert_element_type3A_35, %convert_element_type3A_40, %convert_element_type3A_45, %convert_element_type3A_50, %convert_element_type3A_55, %convert_element_type3A_60, %convert_element_type3A_65, %convert_element_type3A_70, %convert_element_type3A_75, %convert_element_type3A_80, %convert_element_type3A_85, %convert_element_type3A_90, %convert_element_type3A_95, %convert_element_type3A_100, %convert_element_type3A_105, %convert_element_type3A_110, %convert_element_type3A_115, %convert_element_type3A_120, %convert_element_type3A_125, %convert_element_type3A_130, %convert_element_type3A_135, %convert_element_type3A_140, %convert_element_type3A_145, %convert_element_type3A_150, %convert_element_type3A_155, %convert_element_type3A_160, %convert_element_type3A_165 in 0 : vector<32x4096xf32>, vector<32x4096xf32>, vector<32x4096xf32>, vector<32x4096xf32>, vector<32x4096xf32>, vector<32x4096xf32>, vector<32x4096xf32>, vector<32x4096xf32>, vector<32x4096xf32>, vector<32x4096xf32>, vector<32x4096xf32>, vector<32x4096xf32>, vector<32x4096xf32>, vector<32x4096xf32>, vector<32x4096xf32>, vector<32x4096xf32>, vector<32x4096xf32>, vector<32x4096xf32>, vector<32x4096xf32>, vector<32x4096xf32>, vector<32x4096xf32>, vector<32x4096xf32>, vector<32x4096xf32>, vector<32x4096xf32>, vector<32x4096xf32>, vector<32x4096xf32>, vector<32x4096xf32>, vector<32x4096xf32>, vector<32x4096xf32>, vector<32x4096xf32>, vector<32x4096xf32>, vector<32x4096xf32> -> vector<1024x4096xf32>
    %get3A_166 = arith.constant 0 : index
    %get3A_167 = arith.constant 0 : index
    %get3A_168 = arith.constant 0 : index
    %get3A_169 = vector.load %arg4[%get3A_166, %get3A_167, %get3A_168] : memref<1x4096x12xf32, #tpu.memory_space<vmem>>, vector<1x4096x12xf32>
    %get3A_170 = vector.shape_cast %get3A_169 : vector<1x4096x12xf32> to vector<4096x12xf32>
    %dot_general3A = arith.constant dense<0.000000e+00> : vector<1024x12xf32>
    %dot_general3A_171 = tpu.matmul %concatenate3A, %get3A_170, %dot_general3A {dimension_numbers = #tpu.dot_dimension_numbers<[1], [0], [0], [1], [0, 0, 1, 1], [], []>, transpose_lhs_hint = false} : vector<1024x4096xf32>, vector<4096x12xf32>, vector<1024x12xf32> -> vector<1024x12xf32>
    %get3A_172 = arith.constant 0 : index
    %get3A_173 = arith.constant 0 : index
    %get3A_174 = vector.load %arg5[%get3A_172, %get3A_173] : memref<12x32xf32, #tpu.memory_space<vmem>>, vector<12x32xf32>
    %dot_general3A_175 = arith.constant dense<0.000000e+00> : vector<1024x32xf32>
    %dot_general3A_176 = tpu.matmul %dot_general3A_171, %get3A_174, %dot_general3A_175 {dimension_numbers = #tpu.dot_dimension_numbers<[1], [0], [0], [1], [0, 0, 1, 1], [], []>, transpose_lhs_hint = false} : vector<1024x12xf32>, vector<12x32xf32>, vector<1024x32xf32> -> vector<1024x32xf32>
    %get3A_177 = arith.constant 0 : index
    %get3A_178 = arith.constant 0 : index
    %get3A_179 = vector.load %arg5[%get3A_177, %get3A_178] : memref<12x32xf32, #tpu.memory_space<vmem>>, vector<3x32xf32>
    %dot_general3A_180 = arith.constant dense<0.000000e+00> : vector<32x32xf32>
    %dot_general3A_181 = tpu.matmul %get3A_3, %get3A_179, %dot_general3A_180 {dimension_numbers = #tpu.dot_dimension_numbers<[1], [0], [0], [1], [0, 0, 1, 1], [], []>, transpose_lhs_hint = false} : vector<32x3xf32>, vector<3x32xf32>, vector<32x32xf32> -> vector<32x32xf32>
    %reshape3A = vector.shape_cast %dot_general3A_176 : vector<1024x32xf32> to vector<32x32x32xf32>
    %broadcast_in_dim3A = vector.shape_cast %dot_general3A_181 : vector<32x32xf32> to vector<1x32x32xf32>
    %sub3A = vector.broadcast %broadcast_in_dim3A : vector<1x32x32xf32> to vector<32x32x32xf32>
    %sub3A_182 = arith.subf %reshape3A, %sub3A : vector<32x32x32xf32>
    %get3A_183 = arith.constant 0 : index
    %get3A_184 = arith.constant 0 : index
    %get3A_185 = vector.load %arg6[%get3A_183, %get3A_184] : memref<1x32xf32, #tpu.memory_space<vmem>>, vector<1x32xf32>
    %broadcast_in_dim3A_186 = vector.shape_cast %get3A_185 : vector<1x32xf32> to vector<1x1x32xf32>
    %add3A = vector.broadcast %broadcast_in_dim3A_186 : vector<1x1x32xf32> to vector<32x32x32xf32>
    %add3A_187 = arith.addf %sub3A_182, %add3A : vector<32x32x32xf32>
    %reshape3A_188 = vector.shape_cast %add3A_187 : vector<32x32x32xf32> to vector<1024x32xf32>
    %swap3A = arith.constant 0 : index
    %swap3A_189 = arith.constant 0 : index
    %swap3A_190 = arith.constant 0 : index
    %swap3A_191 = vector.load %arg7[%swap3A, %swap3A_189, %swap3A_190] : memref<1x1024x32xf32, #tpu.memory_space<vmem>>, vector<1x1024x32xf32>
    %swap3A_192 = vector.shape_cast %swap3A_191 : vector<1x1024x32xf32> to vector<1024x32xf32>
    %swap3A_193 = vector.shape_cast %reshape3A_188 : vector<1024x32xf32> to vector<1x1024x32xf32>
    tpu.vector_store %arg7[%swap3A, %swap3A_189, %swap3A_190], %swap3A_193 {strides = array<i32>} : memref<1x1024x32xf32, #tpu.memory_space<vmem>>, vector<1x1024x32xf32>,
    %eq3A_194 = arith.constant 0 : i32
    %eq3A_195 = arith.cmpi eq, %arg0, %eq3A_194 : i32
    %eq3A_196 = arith.constant 0 : i32
    %eq3A_197 = arith.cmpi eq, %arg1, %eq3A_196 : i32
    %and3A = arith.andi %eq3A_195, %eq3A_197 : i1
    %convert_element_type3A_198 = arith.extui %and3A : i1 to i32
    %cond3A = arith.constant 0 : i32
    %cond3A_199 = arith.cmpi ne, %convert_element_type3A_198, %cond3A : i32
    scf.if %cond3A_199 {
      %broadcast_in_dim3A_219 = arith.constant 0.000000e+00 : f32
      %broadcast_in_dim3A_220 = vector.broadcast %broadcast_in_dim3A_219 : f32 to vector<8x32xf32>
      %swap3A_221 = arith.constant 0 : index
      %swap3A_222 = arith.constant 0 : index
      %swap3A_223 = vector.load %arg8[%swap3A_221, %swap3A_222] : memref<8x32xf32, #tpu.memory_space<vmem>>, vector<8x32xf32>
      tpu.vector_store %arg8[%swap3A_221, %swap3A_222], %broadcast_in_dim3A_220 {strides = array<i32>} : memref<8x32xf32, #tpu.memory_space<vmem>>, vector<8x32xf32>,
    } else {
    }
    %get3A_200 = arith.constant 0 : index
    %get3A_201 = arith.constant 0 : index
    %get3A_202 = vector.load %arg8[%get3A_200, %get3A_201] : memref<8x32xf32, #tpu.memory_space<vmem>>, vector<1x32xf32>
    %reduce_sum3A = arith.constant dense<0.000000e+00> : vector<32xf32>
    %reduce_sum3A_203 = vector.multi_reduction <add>, %reshape3A_188, %reduce_sum3A [0] : vector<1024x32xf32> to vector<32xf32>
    %broadcast_in_dim3A_204 = vector.shape_cast %reduce_sum3A_203 : vector<32xf32> to vector<1x32xf32>
    %add3A_205 = arith.addf %get3A_202, %broadcast_in_dim3A_204 : vector<1x32xf32>
    %swap3A_206 = arith.constant 0 : index
    %swap3A_207 = arith.constant 0 : index
    %swap3A_208 = vector.load %arg8[%swap3A_206, %swap3A_207] : memref<8x32xf32, #tpu.memory_space<vmem>>, vector<1x32xf32>
    tpu.vector_store %arg8[%swap3A_206, %swap3A_207], %add3A_205 {strides = array<i32>} : memref<8x32xf32, #tpu.memory_space<vmem>>, vector<1x32xf32>,
    %get3A_209 = arith.constant 1 : index
    %get3A_210 = arith.constant 0 : index
    %get3A_211 = vector.load %arg8[%get3A_209, %get3A_210] : memref<8x32xf32, #tpu.memory_space<vmem>>, vector<1x32xf32>
    %mul3A = arith.mulf %reshape3A_188, %reshape3A_188 : vector<1024x32xf32>
    %reduce_sum3A_212 = arith.constant dense<0.000000e+00> : vector<32xf32>
    %reduce_sum3A_213 = vector.multi_reduction <add>, %mul3A, %reduce_sum3A_212 [0] : vector<1024x32xf32> to vector<32xf32>
    %broadcast_in_dim3A_214 = vector.shape_cast %reduce_sum3A_213 : vector<32xf32> to vector<1x32xf32>
    %add3A_215 = arith.addf %get3A_211, %broadcast_in_dim3A_214 : vector<1x32xf32>
    %swap3A_216 = arith.constant 1 : index
    %swap3A_217 = arith.constant 0 : index
    %swap3A_218 = vector.load %arg8[%swap3A_216, %swap3A_217] : memref<8x32xf32, #tpu.memory_space<vmem>>, vector<1x32xf32>
    tpu.vector_store %arg8[%swap3A_216, %swap3A_217], %add3A_215 {strides = array<i32>} : memref<8x32xf32, #tpu.memory_space<vmem>>, vector<1x32xf32>,
    return
  }
  func.func @transform_0(%arg0: i32, %arg1: i32) -> (i32, i32, i32) {
    %c0_i32 = arith.constant 0 : i32
    %c0_i32_0 = arith.constant 0 : i32
    return %arg0, %arg1, %c0_i32 : i32, i32, i32
  }
  func.func @transform_1(%arg0: i32, %arg1: i32) -> (i32, i32, i32) {
    %c0_i32 = arith.constant 0 : i32
    %c0_i32_0 = arith.constant 0 : i32
    return %arg0, %arg1, %c0_i32 : i32, i32, i32
  }
  func.func @transform_2(%arg0: i32, %arg1: i32) -> (i32, i32, i32) {
    %c0_i32 = arith.constant 0 : i32
    %c0_i32_0 = arith.constant 0 : i32
    %c0_i32_1 = arith.constant 0 : i32
    return %arg0, %c0_i32, %c0_i32_0 : i32, i32, i32
  }
  func.func @transform_3(%arg0: i32, %arg1: i32) -> (i32, i32) {
    %c0_i32 = arith.constant 0 : i32
    %c0_i32_0 = arith.constant 0 : i32
    %c0_i32_1 = arith.constant 0 : i32
    return %c0_i32, %c0_i32_0 : i32, i32
  }
  func.func @transform_4(%arg0: i32, %arg1: i32) -> (i32, i32) {
    %c0_i32 = arith.constant 0 : i32
    %c0_i32_0 = arith.constant 0 : i32
    %c0_i32_1 = arith.constant 0 : i32
    return %c0_i32, %c0_i32_0 : i32, i32
  }
  func.func @transform_5(%arg0: i32, %arg1: i32) -> (i32, i32, i32) {
    %c0_i32 = arith.constant 0 : i32
    %c0_i32_0 = arith.constant 0 : i32
    return %arg0, %arg1, %c0_i32 : i32, i32, i32
  }
  func.func @transform_6(%arg0: i32, %arg1: i32) -> (i32, i32) {
    %c0_i32 = arith.constant 0 : i32
    %c0_i32_0 = arith.constant 0 : i32
    %c0_i32_1 = arith.constant 0 : i32
    return %c0_i32, %c0_i32_0 : i32, i32
  }
}

module attributes {stable_mosaic.version = 14 : i64} {
  func.func @_mm_body(%arg0: i32, %arg1: memref<8192x32xf32, #tpu.memory_space<vmem>>, %arg2: memref<1x32xf32, #tpu.memory_space<vmem>>, %arg3: memref<1x32xf32, #tpu.memory_space<vmem>>, %arg4: memref<32x32xf32, #tpu.memory_space<vmem>>, %arg5: memref<1x32xf32, #tpu.memory_space<vmem>>, %arg6: memref<8192x32xf32, #tpu.memory_space<vmem>>, %arg7: memref<8x32xf32, #tpu.memory_space<vmem>>) attributes {dimension_semantics = [#tpu.dimension_semantics<arbitrary>], iteration_bounds = array<i64: 32>, scalar_prefetch = 0 : i64, scratch_operands = 0 : i64, tpu.core_type = #tpu.core_type<tc>, window_params = [{transform_indices = @transform_0, window_bounds = array<i64: 8192, 32>}, {pipeline_mode = #tpu.pipeline_mode<synchronous>, transform_indices = @transform_1, window_bounds = array<i64: 1, 32>}, {pipeline_mode = #tpu.pipeline_mode<synchronous>, transform_indices = @transform_2, window_bounds = array<i64: 1, 32>}, {pipeline_mode = #tpu.pipeline_mode<synchronous>, transform_indices = @transform_3, window_bounds = array<i64: 32, 32>}, {pipeline_mode = #tpu.pipeline_mode<synchronous>, transform_indices = @transform_4, window_bounds = array<i64: 1, 32>}, {transform_indices = @transform_5, window_bounds = array<i64: 8192, 32>}, {pipeline_mode = #tpu.pipeline_mode<synchronous>, transform_indices = @transform_6, window_bounds = array<i64: 8, 32>}]} {
    %get3A = arith.constant 0 : index
    %get3A_0 = arith.constant 0 : index
    %get3A_1 = vector.load %arg1[%get3A, %get3A_0] : memref<8192x32xf32, #tpu.memory_space<vmem>>, vector<8192x32xf32>
    %get3A_2 = arith.constant 0 : index
    %get3A_3 = arith.constant 0 : index
    %get3A_4 = vector.load %arg2[%get3A_2, %get3A_3] : memref<1x32xf32, #tpu.memory_space<vmem>>, vector<1x32xf32>
    %mul3A = vector.broadcast %get3A_4 : vector<1x32xf32> to vector<8192x32xf32>
    %mul3A_5 = arith.mulf %get3A_1, %mul3A : vector<8192x32xf32>
    %get3A_6 = arith.constant 0 : index
    %get3A_7 = arith.constant 0 : index
    %get3A_8 = vector.load %arg3[%get3A_6, %get3A_7] : memref<1x32xf32, #tpu.memory_space<vmem>>, vector<1x32xf32>
    %add3A = vector.broadcast %get3A_8 : vector<1x32xf32> to vector<8192x32xf32>
    %add3A_9 = arith.addf %mul3A_5, %add3A : vector<8192x32xf32>
    %max3A = arith.constant 0.000000e+00 : f32
    %max3A_10 = vector.broadcast %max3A : f32 to vector<8192x32xf32>
    %max3A_11 = arith.maximumf %add3A_9, %max3A_10 : vector<8192x32xf32>
    %get3A_12 = arith.constant 0 : index
    %get3A_13 = arith.constant 0 : index
    %get3A_14 = vector.load %arg4[%get3A_12, %get3A_13] : memref<32x32xf32, #tpu.memory_space<vmem>>, vector<32x32xf32>
    %dot_general3A = arith.constant dense<0.000000e+00> : vector<8192x32xf32>
    %dot_general3A_15 = tpu.matmul %max3A_11, %get3A_14, %dot_general3A {dimension_numbers = #tpu.dot_dimension_numbers<[1], [0], [0], [1], [0, 0, 1, 1], [], []>, transpose_lhs_hint = false} : vector<8192x32xf32>, vector<32x32xf32>, vector<8192x32xf32> -> vector<8192x32xf32>
    %get3A_16 = arith.constant 0 : index
    %get3A_17 = arith.constant 0 : index
    %get3A_18 = vector.load %arg5[%get3A_16, %get3A_17] : memref<1x32xf32, #tpu.memory_space<vmem>>, vector<1x32xf32>
    %add3A_19 = vector.broadcast %get3A_18 : vector<1x32xf32> to vector<8192x32xf32>
    %add3A_20 = arith.addf %dot_general3A_15, %add3A_19 : vector<8192x32xf32>
    %swap3A = arith.constant 0 : index
    %swap3A_21 = arith.constant 0 : index
    %swap3A_22 = vector.load %arg6[%swap3A, %swap3A_21] : memref<8192x32xf32, #tpu.memory_space<vmem>>, vector<8192x32xf32>
    tpu.vector_store %arg6[%swap3A, %swap3A_21], %add3A_20 {strides = array<i32>} : memref<8192x32xf32, #tpu.memory_space<vmem>>, vector<8192x32xf32>,
    %eq3A = arith.constant 0 : i32
    %eq3A_23 = arith.cmpi eq, %arg0, %eq3A : i32
    %convert_element_type3A = arith.extui %eq3A_23 : i1 to i32
    %cond3A = arith.constant 0 : i32
    %cond3A_24 = arith.cmpi ne, %convert_element_type3A, %cond3A : i32
    scf.if %cond3A_24 {
      %broadcast_in_dim3A_44 = arith.constant 0.000000e+00 : f32
      %broadcast_in_dim3A_45 = vector.broadcast %broadcast_in_dim3A_44 : f32 to vector<8x32xf32>
      %swap3A_46 = arith.constant 0 : index
      %swap3A_47 = arith.constant 0 : index
      %swap3A_48 = vector.load %arg7[%swap3A_46, %swap3A_47] : memref<8x32xf32, #tpu.memory_space<vmem>>, vector<8x32xf32>
      tpu.vector_store %arg7[%swap3A_46, %swap3A_47], %broadcast_in_dim3A_45 {strides = array<i32>} : memref<8x32xf32, #tpu.memory_space<vmem>>, vector<8x32xf32>,
    } else {
    }
    %get3A_25 = arith.constant 0 : index
    %get3A_26 = arith.constant 0 : index
    %get3A_27 = vector.load %arg7[%get3A_25, %get3A_26] : memref<8x32xf32, #tpu.memory_space<vmem>>, vector<1x32xf32>
    %reduce_sum3A = arith.constant dense<0.000000e+00> : vector<32xf32>
    %reduce_sum3A_28 = vector.multi_reduction <add>, %add3A_20, %reduce_sum3A [0] : vector<8192x32xf32> to vector<32xf32>
    %broadcast_in_dim3A = vector.shape_cast %reduce_sum3A_28 : vector<32xf32> to vector<1x32xf32>
    %add3A_29 = arith.addf %get3A_27, %broadcast_in_dim3A : vector<1x32xf32>
    %swap3A_30 = arith.constant 0 : index
    %swap3A_31 = arith.constant 0 : index
    %swap3A_32 = vector.load %arg7[%swap3A_30, %swap3A_31] : memref<8x32xf32, #tpu.memory_space<vmem>>, vector<1x32xf32>
    tpu.vector_store %arg7[%swap3A_30, %swap3A_31], %add3A_29 {strides = array<i32>} : memref<8x32xf32, #tpu.memory_space<vmem>>, vector<1x32xf32>,
    %get3A_33 = arith.constant 1 : index
    %get3A_34 = arith.constant 0 : index
    %get3A_35 = vector.load %arg7[%get3A_33, %get3A_34] : memref<8x32xf32, #tpu.memory_space<vmem>>, vector<1x32xf32>
    %mul3A_36 = arith.mulf %add3A_20, %add3A_20 : vector<8192x32xf32>
    %reduce_sum3A_37 = arith.constant dense<0.000000e+00> : vector<32xf32>
    %reduce_sum3A_38 = vector.multi_reduction <add>, %mul3A_36, %reduce_sum3A_37 [0] : vector<8192x32xf32> to vector<32xf32>
    %broadcast_in_dim3A_39 = vector.shape_cast %reduce_sum3A_38 : vector<32xf32> to vector<1x32xf32>
    %add3A_40 = arith.addf %get3A_35, %broadcast_in_dim3A_39 : vector<1x32xf32>
    %swap3A_41 = arith.constant 1 : index
    %swap3A_42 = arith.constant 0 : index
    %swap3A_43 = vector.load %arg7[%swap3A_41, %swap3A_42] : memref<8x32xf32, #tpu.memory_space<vmem>>, vector<1x32xf32>
    tpu.vector_store %arg7[%swap3A_41, %swap3A_42], %add3A_40 {strides = array<i32>} : memref<8x32xf32, #tpu.memory_space<vmem>>, vector<1x32xf32>,
    return
  }
  func.func @transform_0(%arg0: i32) -> (i32, i32) {
    %c0_i32 = arith.constant 0 : i32
    %c0_i32_0 = arith.constant 0 : i32
    return %arg0, %c0_i32 : i32, i32
  }
  func.func @transform_1(%arg0: i32) -> (i32, i32) {
    %c0_i32 = arith.constant 0 : i32
    %c0_i32_0 = arith.constant 0 : i32
    %c0_i32_1 = arith.constant 0 : i32
    return %c0_i32, %c0_i32_0 : i32, i32
  }
  func.func @transform_2(%arg0: i32) -> (i32, i32) {
    %c0_i32 = arith.constant 0 : i32
    %c0_i32_0 = arith.constant 0 : i32
    %c0_i32_1 = arith.constant 0 : i32
    return %c0_i32, %c0_i32_0 : i32, i32
  }
  func.func @transform_3(%arg0: i32) -> (i32, i32) {
    %c0_i32 = arith.constant 0 : i32
    %c0_i32_0 = arith.constant 0 : i32
    %c0_i32_1 = arith.constant 0 : i32
    return %c0_i32, %c0_i32_0 : i32, i32
  }
  func.func @transform_4(%arg0: i32) -> (i32, i32) {
    %c0_i32 = arith.constant 0 : i32
    %c0_i32_0 = arith.constant 0 : i32
    %c0_i32_1 = arith.constant 0 : i32
    return %c0_i32, %c0_i32_0 : i32, i32
  }
  func.func @transform_5(%arg0: i32) -> (i32, i32) {
    %c0_i32 = arith.constant 0 : i32
    %c0_i32_0 = arith.constant 0 : i32
    return %arg0, %c0_i32 : i32, i32
  }
  func.func @transform_6(%arg0: i32) -> (i32, i32) {
    %c0_i32 = arith.constant 0 : i32
    %c0_i32_0 = arith.constant 0 : i32
    %c0_i32_1 = arith.constant 0 : i32
    return %c0_i32, %c0_i32_0 : i32, i32
  }
}

module attributes {stable_mosaic.version = 14 : i64} {
  func.func @_mm_body(%arg0: i32, %arg1: memref<8192x32xf32, #tpu.memory_space<vmem>>, %arg2: memref<1x32xf32, #tpu.memory_space<vmem>>, %arg3: memref<1x32xf32, #tpu.memory_space<vmem>>, %arg4: memref<32x64xf32, #tpu.memory_space<vmem>>, %arg5: memref<1x64xf32, #tpu.memory_space<vmem>>, %arg6: memref<8192x64xf32, #tpu.memory_space<vmem>>, %arg7: memref<8x64xf32, #tpu.memory_space<vmem>>) attributes {dimension_semantics = [#tpu.dimension_semantics<arbitrary>], iteration_bounds = array<i64: 32>, scalar_prefetch = 0 : i64, scratch_operands = 0 : i64, tpu.core_type = #tpu.core_type<tc>, window_params = [{transform_indices = @transform_0, window_bounds = array<i64: 8192, 32>}, {pipeline_mode = #tpu.pipeline_mode<synchronous>, transform_indices = @transform_1, window_bounds = array<i64: 1, 32>}, {pipeline_mode = #tpu.pipeline_mode<synchronous>, transform_indices = @transform_2, window_bounds = array<i64: 1, 32>}, {pipeline_mode = #tpu.pipeline_mode<synchronous>, transform_indices = @transform_3, window_bounds = array<i64: 32, 64>}, {pipeline_mode = #tpu.pipeline_mode<synchronous>, transform_indices = @transform_4, window_bounds = array<i64: 1, 64>}, {transform_indices = @transform_5, window_bounds = array<i64: 8192, 64>}, {pipeline_mode = #tpu.pipeline_mode<synchronous>, transform_indices = @transform_6, window_bounds = array<i64: 8, 64>}]} {
    %get3A = arith.constant 0 : index
    %get3A_0 = arith.constant 0 : index
    %get3A_1 = vector.load %arg1[%get3A, %get3A_0] : memref<8192x32xf32, #tpu.memory_space<vmem>>, vector<8192x32xf32>
    %get3A_2 = arith.constant 0 : index
    %get3A_3 = arith.constant 0 : index
    %get3A_4 = vector.load %arg2[%get3A_2, %get3A_3] : memref<1x32xf32, #tpu.memory_space<vmem>>, vector<1x32xf32>
    %mul3A = vector.broadcast %get3A_4 : vector<1x32xf32> to vector<8192x32xf32>
    %mul3A_5 = arith.mulf %get3A_1, %mul3A : vector<8192x32xf32>
    %get3A_6 = arith.constant 0 : index
    %get3A_7 = arith.constant 0 : index
    %get3A_8 = vector.load %arg3[%get3A_6, %get3A_7] : memref<1x32xf32, #tpu.memory_space<vmem>>, vector<1x32xf32>
    %add3A = vector.broadcast %get3A_8 : vector<1x32xf32> to vector<8192x32xf32>
    %add3A_9 = arith.addf %mul3A_5, %add3A : vector<8192x32xf32>
    %max3A = arith.constant 0.000000e+00 : f32
    %max3A_10 = vector.broadcast %max3A : f32 to vector<8192x32xf32>
    %max3A_11 = arith.maximumf %add3A_9, %max3A_10 : vector<8192x32xf32>
    %get3A_12 = arith.constant 0 : index
    %get3A_13 = arith.constant 0 : index
    %get3A_14 = vector.load %arg4[%get3A_12, %get3A_13] : memref<32x64xf32, #tpu.memory_space<vmem>>, vector<32x64xf32>
    %dot_general3A = arith.constant dense<0.000000e+00> : vector<8192x64xf32>
    %dot_general3A_15 = tpu.matmul %max3A_11, %get3A_14, %dot_general3A {dimension_numbers = #tpu.dot_dimension_numbers<[1], [0], [0], [1], [0, 0, 1, 1], [], []>, transpose_lhs_hint = false} : vector<8192x32xf32>, vector<32x64xf32>, vector<8192x64xf32> -> vector<8192x64xf32>
    %get3A_16 = arith.constant 0 : index
    %get3A_17 = arith.constant 0 : index
    %get3A_18 = vector.load %arg5[%get3A_16, %get3A_17] : memref<1x64xf32, #tpu.memory_space<vmem>>, vector<1x64xf32>
    %add3A_19 = vector.broadcast %get3A_18 : vector<1x64xf32> to vector<8192x64xf32>
    %add3A_20 = arith.addf %dot_general3A_15, %add3A_19 : vector<8192x64xf32>
    %swap3A = arith.constant 0 : index
    %swap3A_21 = arith.constant 0 : index
    %swap3A_22 = vector.load %arg6[%swap3A, %swap3A_21] : memref<8192x64xf32, #tpu.memory_space<vmem>>, vector<8192x64xf32>
    tpu.vector_store %arg6[%swap3A, %swap3A_21], %add3A_20 {strides = array<i32>} : memref<8192x64xf32, #tpu.memory_space<vmem>>, vector<8192x64xf32>,
    %eq3A = arith.constant 0 : i32
    %eq3A_23 = arith.cmpi eq, %arg0, %eq3A : i32
    %convert_element_type3A = arith.extui %eq3A_23 : i1 to i32
    %cond3A = arith.constant 0 : i32
    %cond3A_24 = arith.cmpi ne, %convert_element_type3A, %cond3A : i32
    scf.if %cond3A_24 {
      %broadcast_in_dim3A_44 = arith.constant 0.000000e+00 : f32
      %broadcast_in_dim3A_45 = vector.broadcast %broadcast_in_dim3A_44 : f32 to vector<8x64xf32>
      %swap3A_46 = arith.constant 0 : index
      %swap3A_47 = arith.constant 0 : index
      %swap3A_48 = vector.load %arg7[%swap3A_46, %swap3A_47] : memref<8x64xf32, #tpu.memory_space<vmem>>, vector<8x64xf32>
      tpu.vector_store %arg7[%swap3A_46, %swap3A_47], %broadcast_in_dim3A_45 {strides = array<i32>} : memref<8x64xf32, #tpu.memory_space<vmem>>, vector<8x64xf32>,
    } else {
    }
    %get3A_25 = arith.constant 0 : index
    %get3A_26 = arith.constant 0 : index
    %get3A_27 = vector.load %arg7[%get3A_25, %get3A_26] : memref<8x64xf32, #tpu.memory_space<vmem>>, vector<1x64xf32>
    %reduce_sum3A = arith.constant dense<0.000000e+00> : vector<64xf32>
    %reduce_sum3A_28 = vector.multi_reduction <add>, %add3A_20, %reduce_sum3A [0] : vector<8192x64xf32> to vector<64xf32>
    %broadcast_in_dim3A = vector.shape_cast %reduce_sum3A_28 : vector<64xf32> to vector<1x64xf32>
    %add3A_29 = arith.addf %get3A_27, %broadcast_in_dim3A : vector<1x64xf32>
    %swap3A_30 = arith.constant 0 : index
    %swap3A_31 = arith.constant 0 : index
    %swap3A_32 = vector.load %arg7[%swap3A_30, %swap3A_31] : memref<8x64xf32, #tpu.memory_space<vmem>>, vector<1x64xf32>
    tpu.vector_store %arg7[%swap3A_30, %swap3A_31], %add3A_29 {strides = array<i32>} : memref<8x64xf32, #tpu.memory_space<vmem>>, vector<1x64xf32>,
    %get3A_33 = arith.constant 1 : index
    %get3A_34 = arith.constant 0 : index
    %get3A_35 = vector.load %arg7[%get3A_33, %get3A_34] : memref<8x64xf32, #tpu.memory_space<vmem>>, vector<1x64xf32>
    %mul3A_36 = arith.mulf %add3A_20, %add3A_20 : vector<8192x64xf32>
    %reduce_sum3A_37 = arith.constant dense<0.000000e+00> : vector<64xf32>
    %reduce_sum3A_38 = vector.multi_reduction <add>, %mul3A_36, %reduce_sum3A_37 [0] : vector<8192x64xf32> to vector<64xf32>
    %broadcast_in_dim3A_39 = vector.shape_cast %reduce_sum3A_38 : vector<64xf32> to vector<1x64xf32>
    %add3A_40 = arith.addf %get3A_35, %broadcast_in_dim3A_39 : vector<1x64xf32>
    %swap3A_41 = arith.constant 1 : index
    %swap3A_42 = arith.constant 0 : index
    %swap3A_43 = vector.load %arg7[%swap3A_41, %swap3A_42] : memref<8x64xf32, #tpu.memory_space<vmem>>, vector<1x64xf32>
    tpu.vector_store %arg7[%swap3A_41, %swap3A_42], %add3A_40 {strides = array<i32>} : memref<8x64xf32, #tpu.memory_space<vmem>>, vector<1x64xf32>,
    return
  }
  func.func @transform_0(%arg0: i32) -> (i32, i32) {
    %c0_i32 = arith.constant 0 : i32
    %c0_i32_0 = arith.constant 0 : i32
    return %arg0, %c0_i32 : i32, i32
  }
  func.func @transform_1(%arg0: i32) -> (i32, i32) {
    %c0_i32 = arith.constant 0 : i32
    %c0_i32_0 = arith.constant 0 : i32
    %c0_i32_1 = arith.constant 0 : i32
    return %c0_i32, %c0_i32_0 : i32, i32
  }
  func.func @transform_2(%arg0: i32) -> (i32, i32) {
    %c0_i32 = arith.constant 0 : i32
    %c0_i32_0 = arith.constant 0 : i32
    %c0_i32_1 = arith.constant 0 : i32
    return %c0_i32, %c0_i32_0 : i32, i32
  }
  func.func @transform_3(%arg0: i32) -> (i32, i32) {
    %c0_i32 = arith.constant 0 : i32
    %c0_i32_0 = arith.constant 0 : i32
    %c0_i32_1 = arith.constant 0 : i32
    return %c0_i32, %c0_i32_0 : i32, i32
  }
  func.func @transform_4(%arg0: i32) -> (i32, i32) {
    %c0_i32 = arith.constant 0 : i32
    %c0_i32_0 = arith.constant 0 : i32
    %c0_i32_1 = arith.constant 0 : i32
    return %c0_i32, %c0_i32_0 : i32, i32
  }
  func.func @transform_5(%arg0: i32) -> (i32, i32) {
    %c0_i32 = arith.constant 0 : i32
    %c0_i32_0 = arith.constant 0 : i32
    return %arg0, %c0_i32 : i32, i32
  }
  func.func @transform_6(%arg0: i32) -> (i32, i32) {
    %c0_i32 = arith.constant 0 : i32
    %c0_i32_0 = arith.constant 0 : i32
    %c0_i32_1 = arith.constant 0 : i32
    return %c0_i32, %c0_i32_0 : i32, i32
  }
}

module attributes {stable_mosaic.version = 14 : i64} {
  func.func @body(%arg0: i32, %arg1: memref<1x32768x64xf32, #tpu.memory_space<vmem>>, %arg2: memref<1x64xf32, #tpu.memory_space<vmem>>, %arg3: memref<1x64xf32, #tpu.memory_space<vmem>>, %arg4: memref<1x1024x64xf32, #tpu.memory_space<vmem>>) attributes {dimension_semantics = [#tpu.dimension_semantics<arbitrary>], iteration_bounds = array<i64: 8>, scalar_prefetch = 0 : i64, scratch_operands = 0 : i64, tpu.core_type = #tpu.core_type<tc>, window_params = [{transform_indices = @transform_0, window_bounds = array<i64: 1, 32768, 64>}, {pipeline_mode = #tpu.pipeline_mode<synchronous>, transform_indices = @transform_1, window_bounds = array<i64: 1, 64>}, {pipeline_mode = #tpu.pipeline_mode<synchronous>, transform_indices = @transform_2, window_bounds = array<i64: 1, 64>}, {transform_indices = @transform_3, window_bounds = array<i64: 1, 1024, 64>}]} {
    %get3A = arith.constant 0 : index
    %get3A_0 = arith.constant 0 : index
    %get3A_1 = arith.constant 0 : index
    %get3A_2 = vector.load %arg1[%get3A, %get3A_0, %get3A_1] : memref<1x32768x64xf32, #tpu.memory_space<vmem>>, vector<1x32768x64xf32>
    %get3A_3 = vector.shape_cast %get3A_2 : vector<1x32768x64xf32> to vector<32768x64xf32>
    %reshape3A = vector.shape_cast %get3A_3 : vector<32768x64xf32> to vector<32x32x32x64xf32>
    %get3A_4 = arith.constant 0 : index
    %get3A_5 = arith.constant 0 : index
    %get3A_6 = vector.load %arg2[%get3A_4, %get3A_5] : memref<1x64xf32, #tpu.memory_space<vmem>>, vector<1x64xf32>
    %broadcast_in_dim3A = vector.shape_cast %get3A_6 : vector<1x64xf32> to vector<1x1x1x64xf32>
    %mul3A = vector.broadcast %broadcast_in_dim3A : vector<1x1x1x64xf32> to vector<32x32x32x64xf32>
    %mul3A_7 = arith.mulf %reshape3A, %mul3A : vector<32x32x32x64xf32>
    %get3A_8 = arith.constant 0 : index
    %get3A_9 = arith.constant 0 : index
    %get3A_10 = vector.load %arg3[%get3A_8, %get3A_9] : memref<1x64xf32, #tpu.memory_space<vmem>>, vector<1x64xf32>
    %broadcast_in_dim3A_11 = vector.shape_cast %get3A_10 : vector<1x64xf32> to vector<1x1x1x64xf32>
    %add3A = vector.broadcast %broadcast_in_dim3A_11 : vector<1x1x1x64xf32> to vector<32x32x32x64xf32>
    %add3A_12 = arith.addf %mul3A_7, %add3A : vector<32x32x32x64xf32>
    %max3A = arith.constant 0.000000e+00 : f32
    %max3A_13 = vector.broadcast %max3A : f32 to vector<32x32x32x64xf32>
    %max3A_14 = arith.maximumf %add3A_12, %max3A_13 : vector<32x32x32x64xf32>
    %reduce_max3A = arith.constant dense<0xFF800000> : vector<32x32x64xf32>
    %reduce_max3A_15 = vector.multi_reduction <maximumf>, %max3A_14, %reduce_max3A [1] : vector<32x32x32x64xf32> to vector<32x32x64xf32>
    %reshape3A_16 = vector.shape_cast %reduce_max3A_15 : vector<32x32x64xf32> to vector<1024x64xf32>
    %swap3A = arith.constant 0 : index
    %swap3A_17 = arith.constant 0 : index
    %swap3A_18 = arith.constant 0 : index
    %swap3A_19 = vector.load %arg4[%swap3A, %swap3A_17, %swap3A_18] : memref<1x1024x64xf32, #tpu.memory_space<vmem>>, vector<1x1024x64xf32>
    %swap3A_20 = vector.shape_cast %swap3A_19 : vector<1x1024x64xf32> to vector<1024x64xf32>
    %swap3A_21 = vector.shape_cast %reshape3A_16 : vector<1024x64xf32> to vector<1x1024x64xf32>
    tpu.vector_store %arg4[%swap3A, %swap3A_17, %swap3A_18], %swap3A_21 {strides = array<i32>} : memref<1x1024x64xf32, #tpu.memory_space<vmem>>, vector<1x1024x64xf32>,
    return
  }
  func.func @transform_0(%arg0: i32) -> (i32, i32, i32) {
    %c0_i32 = arith.constant 0 : i32
    %c0_i32_0 = arith.constant 0 : i32
    %c0_i32_1 = arith.constant 0 : i32
    return %arg0, %c0_i32, %c0_i32_0 : i32, i32, i32
  }
  func.func @transform_1(%arg0: i32) -> (i32, i32) {
    %c0_i32 = arith.constant 0 : i32
    %c0_i32_0 = arith.constant 0 : i32
    %c0_i32_1 = arith.constant 0 : i32
    return %c0_i32, %c0_i32_0 : i32, i32
  }
  func.func @transform_2(%arg0: i32) -> (i32, i32) {
    %c0_i32 = arith.constant 0 : i32
    %c0_i32_0 = arith.constant 0 : i32
    %c0_i32_1 = arith.constant 0 : i32
    return %c0_i32, %c0_i32_0 : i32, i32
  }
  func.func @transform_3(%arg0: i32) -> (i32, i32, i32) {
    %c0_i32 = arith.constant 0 : i32
    %c0_i32_0 = arith.constant 0 : i32
    %c0_i32_1 = arith.constant 0 : i32
    return %arg0, %c0_i32, %c0_i32_0 : i32, i32, i32
  }
}

module attributes {stable_mosaic.version = 14 : i64} {
  func.func @body(%arg0: i32, %arg1: i32, %arg2: memref<1x64x3xf32, #tpu.memory_space<vmem>>, %arg3: memref<1x64x32xi32, #tpu.memory_space<vmem>>, %arg4: memref<1x1024x67xf32, #tpu.memory_space<vmem>>, %arg5: memref<67x64xf32, #tpu.memory_space<vmem>>, %arg6: memref<1x64xf32, #tpu.memory_space<vmem>>, %arg7: memref<1x2048x64xf32, #tpu.memory_space<vmem>>, %arg8: memref<8x64xf32, #tpu.memory_space<vmem>>) attributes {dimension_semantics = [#tpu.dimension_semantics<arbitrary>, #tpu.dimension_semantics<arbitrary>], iteration_bounds = array<i64: 8, 4>, scalar_prefetch = 0 : i64, scratch_operands = 0 : i64, tpu.core_type = #tpu.core_type<tc>, window_params = [{transform_indices = @transform_0, window_bounds = array<i64: 1, 64, 3>}, {transform_indices = @transform_1, window_bounds = array<i64: 1, 64, 32>}, {transform_indices = @transform_2, window_bounds = array<i64: 1, 1024, 67>}, {pipeline_mode = #tpu.pipeline_mode<synchronous>, transform_indices = @transform_3, window_bounds = array<i64: 67, 64>}, {pipeline_mode = #tpu.pipeline_mode<synchronous>, transform_indices = @transform_4, window_bounds = array<i64: 1, 64>}, {transform_indices = @transform_5, window_bounds = array<i64: 1, 2048, 64>}, {pipeline_mode = #tpu.pipeline_mode<synchronous>, transform_indices = @transform_6, window_bounds = array<i64: 8, 64>}]} {
    %get3A = arith.constant 0 : index
    %get3A_0 = arith.constant 0 : index
    %get3A_1 = arith.constant 0 : index
    %get3A_2 = vector.load %arg2[%get3A, %get3A_0, %get3A_1] : memref<1x64x3xf32, #tpu.memory_space<vmem>>, vector<1x64x3xf32>
    %get3A_3 = vector.shape_cast %get3A_2 : vector<1x64x3xf32> to vector<64x3xf32>
    %get3A_4 = arith.constant 0 : index
    %get3A_5 = arith.constant 0 : index
    %get3A_6 = arith.constant 0 : index
    %get3A_7 = vector.load %arg3[%get3A_4, %get3A_5, %get3A_6] : memref<1x64x32xi32, #tpu.memory_space<vmem>>, vector<1x64x32xi32>
    %get3A_8 = vector.shape_cast %get3A_7 : vector<1x64x32xi32> to vector<64x32xi32>
    %iota3A = tpu.iota {dimensions = array<i32: 1>} : vector<64x1024xi32>
    %slice3A = vector.extract_strided_slice %get3A_8 {offsets = [0, 0], sizes = [64, 1], strides = [1, 1]} : vector<64x32xi32> to vector<64x1xi32>
    %eq3A = vector.broadcast %slice3A : vector<64x1xi32> to vector<64x1024xi32>
    %eq3A_9 = arith.cmpi eq, %iota3A, %eq3A : vector<64x1024xi32>
    %convert_element_type3A = arith.extui %eq3A_9 : vector<64x1024xi1> to vector<64x1024xi32>
    %convert_element_type3A_10 = arith.sitofp %convert_element_type3A : vector<64x1024xi32> to vector<64x1024xf32>
    %slice3A_11 = vector.extract_strided_slice %get3A_8 {offsets = [0, 1], sizes = [64, 1], strides = [1, 1]} : vector<64x32xi32> to vector<64x1xi32>
    %eq3A_12 = vector.broadcast %slice3A_11 : vector<64x1xi32> to vector<64x1024xi32>
    %eq3A_13 = arith.cmpi eq, %iota3A, %eq3A_12 : vector<64x1024xi32>
    %convert_element_type3A_14 = arith.extui %eq3A_13 : vector<64x1024xi1> to vector<64x1024xi32>
    %convert_element_type3A_15 = arith.sitofp %convert_element_type3A_14 : vector<64x1024xi32> to vector<64x1024xf32>
    %slice3A_16 = vector.extract_strided_slice %get3A_8 {offsets = [0, 2], sizes = [64, 1], strides = [1, 1]} : vector<64x32xi32> to vector<64x1xi32>
    %eq3A_17 = vector.broadcast %slice3A_16 : vector<64x1xi32> to vector<64x1024xi32>
    %eq3A_18 = arith.cmpi eq, %iota3A, %eq3A_17 : vector<64x1024xi32>
    %convert_element_type3A_19 = arith.extui %eq3A_18 : vector<64x1024xi1> to vector<64x1024xi32>
    %convert_element_type3A_20 = arith.sitofp %convert_element_type3A_19 : vector<64x1024xi32> to vector<64x1024xf32>
    %slice3A_21 = vector.extract_strided_slice %get3A_8 {offsets = [0, 3], sizes = [64, 1], strides = [1, 1]} : vector<64x32xi32> to vector<64x1xi32>
    %eq3A_22 = vector.broadcast %slice3A_21 : vector<64x1xi32> to vector<64x1024xi32>
    %eq3A_23 = arith.cmpi eq, %iota3A, %eq3A_22 : vector<64x1024xi32>
    %convert_element_type3A_24 = arith.extui %eq3A_23 : vector<64x1024xi1> to vector<64x1024xi32>
    %convert_element_type3A_25 = arith.sitofp %convert_element_type3A_24 : vector<64x1024xi32> to vector<64x1024xf32>
    %slice3A_26 = vector.extract_strided_slice %get3A_8 {offsets = [0, 4], sizes = [64, 1], strides = [1, 1]} : vector<64x32xi32> to vector<64x1xi32>
    %eq3A_27 = vector.broadcast %slice3A_26 : vector<64x1xi32> to vector<64x1024xi32>
    %eq3A_28 = arith.cmpi eq, %iota3A, %eq3A_27 : vector<64x1024xi32>
    %convert_element_type3A_29 = arith.extui %eq3A_28 : vector<64x1024xi1> to vector<64x1024xi32>
    %convert_element_type3A_30 = arith.sitofp %convert_element_type3A_29 : vector<64x1024xi32> to vector<64x1024xf32>
    %slice3A_31 = vector.extract_strided_slice %get3A_8 {offsets = [0, 5], sizes = [64, 1], strides = [1, 1]} : vector<64x32xi32> to vector<64x1xi32>
    %eq3A_32 = vector.broadcast %slice3A_31 : vector<64x1xi32> to vector<64x1024xi32>
    %eq3A_33 = arith.cmpi eq, %iota3A, %eq3A_32 : vector<64x1024xi32>
    %convert_element_type3A_34 = arith.extui %eq3A_33 : vector<64x1024xi1> to vector<64x1024xi32>
    %convert_element_type3A_35 = arith.sitofp %convert_element_type3A_34 : vector<64x1024xi32> to vector<64x1024xf32>
    %slice3A_36 = vector.extract_strided_slice %get3A_8 {offsets = [0, 6], sizes = [64, 1], strides = [1, 1]} : vector<64x32xi32> to vector<64x1xi32>
    %eq3A_37 = vector.broadcast %slice3A_36 : vector<64x1xi32> to vector<64x1024xi32>
    %eq3A_38 = arith.cmpi eq, %iota3A, %eq3A_37 : vector<64x1024xi32>
    %convert_element_type3A_39 = arith.extui %eq3A_38 : vector<64x1024xi1> to vector<64x1024xi32>
    %convert_element_type3A_40 = arith.sitofp %convert_element_type3A_39 : vector<64x1024xi32> to vector<64x1024xf32>
    %slice3A_41 = vector.extract_strided_slice %get3A_8 {offsets = [0, 7], sizes = [64, 1], strides = [1, 1]} : vector<64x32xi32> to vector<64x1xi32>
    %eq3A_42 = vector.broadcast %slice3A_41 : vector<64x1xi32> to vector<64x1024xi32>
    %eq3A_43 = arith.cmpi eq, %iota3A, %eq3A_42 : vector<64x1024xi32>
    %convert_element_type3A_44 = arith.extui %eq3A_43 : vector<64x1024xi1> to vector<64x1024xi32>
    %convert_element_type3A_45 = arith.sitofp %convert_element_type3A_44 : vector<64x1024xi32> to vector<64x1024xf32>
    %slice3A_46 = vector.extract_strided_slice %get3A_8 {offsets = [0, 8], sizes = [64, 1], strides = [1, 1]} : vector<64x32xi32> to vector<64x1xi32>
    %eq3A_47 = vector.broadcast %slice3A_46 : vector<64x1xi32> to vector<64x1024xi32>
    %eq3A_48 = arith.cmpi eq, %iota3A, %eq3A_47 : vector<64x1024xi32>
    %convert_element_type3A_49 = arith.extui %eq3A_48 : vector<64x1024xi1> to vector<64x1024xi32>
    %convert_element_type3A_50 = arith.sitofp %convert_element_type3A_49 : vector<64x1024xi32> to vector<64x1024xf32>
    %slice3A_51 = vector.extract_strided_slice %get3A_8 {offsets = [0, 9], sizes = [64, 1], strides = [1, 1]} : vector<64x32xi32> to vector<64x1xi32>
    %eq3A_52 = vector.broadcast %slice3A_51 : vector<64x1xi32> to vector<64x1024xi32>
    %eq3A_53 = arith.cmpi eq, %iota3A, %eq3A_52 : vector<64x1024xi32>
    %convert_element_type3A_54 = arith.extui %eq3A_53 : vector<64x1024xi1> to vector<64x1024xi32>
    %convert_element_type3A_55 = arith.sitofp %convert_element_type3A_54 : vector<64x1024xi32> to vector<64x1024xf32>
    %slice3A_56 = vector.extract_strided_slice %get3A_8 {offsets = [0, 10], sizes = [64, 1], strides = [1, 1]} : vector<64x32xi32> to vector<64x1xi32>
    %eq3A_57 = vector.broadcast %slice3A_56 : vector<64x1xi32> to vector<64x1024xi32>
    %eq3A_58 = arith.cmpi eq, %iota3A, %eq3A_57 : vector<64x1024xi32>
    %convert_element_type3A_59 = arith.extui %eq3A_58 : vector<64x1024xi1> to vector<64x1024xi32>
    %convert_element_type3A_60 = arith.sitofp %convert_element_type3A_59 : vector<64x1024xi32> to vector<64x1024xf32>
    %slice3A_61 = vector.extract_strided_slice %get3A_8 {offsets = [0, 11], sizes = [64, 1], strides = [1, 1]} : vector<64x32xi32> to vector<64x1xi32>
    %eq3A_62 = vector.broadcast %slice3A_61 : vector<64x1xi32> to vector<64x1024xi32>
    %eq3A_63 = arith.cmpi eq, %iota3A, %eq3A_62 : vector<64x1024xi32>
    %convert_element_type3A_64 = arith.extui %eq3A_63 : vector<64x1024xi1> to vector<64x1024xi32>
    %convert_element_type3A_65 = arith.sitofp %convert_element_type3A_64 : vector<64x1024xi32> to vector<64x1024xf32>
    %slice3A_66 = vector.extract_strided_slice %get3A_8 {offsets = [0, 12], sizes = [64, 1], strides = [1, 1]} : vector<64x32xi32> to vector<64x1xi32>
    %eq3A_67 = vector.broadcast %slice3A_66 : vector<64x1xi32> to vector<64x1024xi32>
    %eq3A_68 = arith.cmpi eq, %iota3A, %eq3A_67 : vector<64x1024xi32>
    %convert_element_type3A_69 = arith.extui %eq3A_68 : vector<64x1024xi1> to vector<64x1024xi32>
    %convert_element_type3A_70 = arith.sitofp %convert_element_type3A_69 : vector<64x1024xi32> to vector<64x1024xf32>
    %slice3A_71 = vector.extract_strided_slice %get3A_8 {offsets = [0, 13], sizes = [64, 1], strides = [1, 1]} : vector<64x32xi32> to vector<64x1xi32>
    %eq3A_72 = vector.broadcast %slice3A_71 : vector<64x1xi32> to vector<64x1024xi32>
    %eq3A_73 = arith.cmpi eq, %iota3A, %eq3A_72 : vector<64x1024xi32>
    %convert_element_type3A_74 = arith.extui %eq3A_73 : vector<64x1024xi1> to vector<64x1024xi32>
    %convert_element_type3A_75 = arith.sitofp %convert_element_type3A_74 : vector<64x1024xi32> to vector<64x1024xf32>
    %slice3A_76 = vector.extract_strided_slice %get3A_8 {offsets = [0, 14], sizes = [64, 1], strides = [1, 1]} : vector<64x32xi32> to vector<64x1xi32>
    %eq3A_77 = vector.broadcast %slice3A_76 : vector<64x1xi32> to vector<64x1024xi32>
    %eq3A_78 = arith.cmpi eq, %iota3A, %eq3A_77 : vector<64x1024xi32>
    %convert_element_type3A_79 = arith.extui %eq3A_78 : vector<64x1024xi1> to vector<64x1024xi32>
    %convert_element_type3A_80 = arith.sitofp %convert_element_type3A_79 : vector<64x1024xi32> to vector<64x1024xf32>
    %slice3A_81 = vector.extract_strided_slice %get3A_8 {offsets = [0, 15], sizes = [64, 1], strides = [1, 1]} : vector<64x32xi32> to vector<64x1xi32>
    %eq3A_82 = vector.broadcast %slice3A_81 : vector<64x1xi32> to vector<64x1024xi32>
    %eq3A_83 = arith.cmpi eq, %iota3A, %eq3A_82 : vector<64x1024xi32>
    %convert_element_type3A_84 = arith.extui %eq3A_83 : vector<64x1024xi1> to vector<64x1024xi32>
    %convert_element_type3A_85 = arith.sitofp %convert_element_type3A_84 : vector<64x1024xi32> to vector<64x1024xf32>
    %slice3A_86 = vector.extract_strided_slice %get3A_8 {offsets = [0, 16], sizes = [64, 1], strides = [1, 1]} : vector<64x32xi32> to vector<64x1xi32>
    %eq3A_87 = vector.broadcast %slice3A_86 : vector<64x1xi32> to vector<64x1024xi32>
    %eq3A_88 = arith.cmpi eq, %iota3A, %eq3A_87 : vector<64x1024xi32>
    %convert_element_type3A_89 = arith.extui %eq3A_88 : vector<64x1024xi1> to vector<64x1024xi32>
    %convert_element_type3A_90 = arith.sitofp %convert_element_type3A_89 : vector<64x1024xi32> to vector<64x1024xf32>
    %slice3A_91 = vector.extract_strided_slice %get3A_8 {offsets = [0, 17], sizes = [64, 1], strides = [1, 1]} : vector<64x32xi32> to vector<64x1xi32>
    %eq3A_92 = vector.broadcast %slice3A_91 : vector<64x1xi32> to vector<64x1024xi32>
    %eq3A_93 = arith.cmpi eq, %iota3A, %eq3A_92 : vector<64x1024xi32>
    %convert_element_type3A_94 = arith.extui %eq3A_93 : vector<64x1024xi1> to vector<64x1024xi32>
    %convert_element_type3A_95 = arith.sitofp %convert_element_type3A_94 : vector<64x1024xi32> to vector<64x1024xf32>
    %slice3A_96 = vector.extract_strided_slice %get3A_8 {offsets = [0, 18], sizes = [64, 1], strides = [1, 1]} : vector<64x32xi32> to vector<64x1xi32>
    %eq3A_97 = vector.broadcast %slice3A_96 : vector<64x1xi32> to vector<64x1024xi32>
    %eq3A_98 = arith.cmpi eq, %iota3A, %eq3A_97 : vector<64x1024xi32>
    %convert_element_type3A_99 = arith.extui %eq3A_98 : vector<64x1024xi1> to vector<64x1024xi32>
    %convert_element_type3A_100 = arith.sitofp %convert_element_type3A_99 : vector<64x1024xi32> to vector<64x1024xf32>
    %slice3A_101 = vector.extract_strided_slice %get3A_8 {offsets = [0, 19], sizes = [64, 1], strides = [1, 1]} : vector<64x32xi32> to vector<64x1xi32>
    %eq3A_102 = vector.broadcast %slice3A_101 : vector<64x1xi32> to vector<64x1024xi32>
    %eq3A_103 = arith.cmpi eq, %iota3A, %eq3A_102 : vector<64x1024xi32>
    %convert_element_type3A_104 = arith.extui %eq3A_103 : vector<64x1024xi1> to vector<64x1024xi32>
    %convert_element_type3A_105 = arith.sitofp %convert_element_type3A_104 : vector<64x1024xi32> to vector<64x1024xf32>
    %slice3A_106 = vector.extract_strided_slice %get3A_8 {offsets = [0, 20], sizes = [64, 1], strides = [1, 1]} : vector<64x32xi32> to vector<64x1xi32>
    %eq3A_107 = vector.broadcast %slice3A_106 : vector<64x1xi32> to vector<64x1024xi32>
    %eq3A_108 = arith.cmpi eq, %iota3A, %eq3A_107 : vector<64x1024xi32>
    %convert_element_type3A_109 = arith.extui %eq3A_108 : vector<64x1024xi1> to vector<64x1024xi32>
    %convert_element_type3A_110 = arith.sitofp %convert_element_type3A_109 : vector<64x1024xi32> to vector<64x1024xf32>
    %slice3A_111 = vector.extract_strided_slice %get3A_8 {offsets = [0, 21], sizes = [64, 1], strides = [1, 1]} : vector<64x32xi32> to vector<64x1xi32>
    %eq3A_112 = vector.broadcast %slice3A_111 : vector<64x1xi32> to vector<64x1024xi32>
    %eq3A_113 = arith.cmpi eq, %iota3A, %eq3A_112 : vector<64x1024xi32>
    %convert_element_type3A_114 = arith.extui %eq3A_113 : vector<64x1024xi1> to vector<64x1024xi32>
    %convert_element_type3A_115 = arith.sitofp %convert_element_type3A_114 : vector<64x1024xi32> to vector<64x1024xf32>
    %slice3A_116 = vector.extract_strided_slice %get3A_8 {offsets = [0, 22], sizes = [64, 1], strides = [1, 1]} : vector<64x32xi32> to vector<64x1xi32>
    %eq3A_117 = vector.broadcast %slice3A_116 : vector<64x1xi32> to vector<64x1024xi32>
    %eq3A_118 = arith.cmpi eq, %iota3A, %eq3A_117 : vector<64x1024xi32>
    %convert_element_type3A_119 = arith.extui %eq3A_118 : vector<64x1024xi1> to vector<64x1024xi32>
    %convert_element_type3A_120 = arith.sitofp %convert_element_type3A_119 : vector<64x1024xi32> to vector<64x1024xf32>
    %slice3A_121 = vector.extract_strided_slice %get3A_8 {offsets = [0, 23], sizes = [64, 1], strides = [1, 1]} : vector<64x32xi32> to vector<64x1xi32>
    %eq3A_122 = vector.broadcast %slice3A_121 : vector<64x1xi32> to vector<64x1024xi32>
    %eq3A_123 = arith.cmpi eq, %iota3A, %eq3A_122 : vector<64x1024xi32>
    %convert_element_type3A_124 = arith.extui %eq3A_123 : vector<64x1024xi1> to vector<64x1024xi32>
    %convert_element_type3A_125 = arith.sitofp %convert_element_type3A_124 : vector<64x1024xi32> to vector<64x1024xf32>
    %slice3A_126 = vector.extract_strided_slice %get3A_8 {offsets = [0, 24], sizes = [64, 1], strides = [1, 1]} : vector<64x32xi32> to vector<64x1xi32>
    %eq3A_127 = vector.broadcast %slice3A_126 : vector<64x1xi32> to vector<64x1024xi32>
    %eq3A_128 = arith.cmpi eq, %iota3A, %eq3A_127 : vector<64x1024xi32>
    %convert_element_type3A_129 = arith.extui %eq3A_128 : vector<64x1024xi1> to vector<64x1024xi32>
    %convert_element_type3A_130 = arith.sitofp %convert_element_type3A_129 : vector<64x1024xi32> to vector<64x1024xf32>
    %slice3A_131 = vector.extract_strided_slice %get3A_8 {offsets = [0, 25], sizes = [64, 1], strides = [1, 1]} : vector<64x32xi32> to vector<64x1xi32>
    %eq3A_132 = vector.broadcast %slice3A_131 : vector<64x1xi32> to vector<64x1024xi32>
    %eq3A_133 = arith.cmpi eq, %iota3A, %eq3A_132 : vector<64x1024xi32>
    %convert_element_type3A_134 = arith.extui %eq3A_133 : vector<64x1024xi1> to vector<64x1024xi32>
    %convert_element_type3A_135 = arith.sitofp %convert_element_type3A_134 : vector<64x1024xi32> to vector<64x1024xf32>
    %slice3A_136 = vector.extract_strided_slice %get3A_8 {offsets = [0, 26], sizes = [64, 1], strides = [1, 1]} : vector<64x32xi32> to vector<64x1xi32>
    %eq3A_137 = vector.broadcast %slice3A_136 : vector<64x1xi32> to vector<64x1024xi32>
    %eq3A_138 = arith.cmpi eq, %iota3A, %eq3A_137 : vector<64x1024xi32>
    %convert_element_type3A_139 = arith.extui %eq3A_138 : vector<64x1024xi1> to vector<64x1024xi32>
    %convert_element_type3A_140 = arith.sitofp %convert_element_type3A_139 : vector<64x1024xi32> to vector<64x1024xf32>
    %slice3A_141 = vector.extract_strided_slice %get3A_8 {offsets = [0, 27], sizes = [64, 1], strides = [1, 1]} : vector<64x32xi32> to vector<64x1xi32>
    %eq3A_142 = vector.broadcast %slice3A_141 : vector<64x1xi32> to vector<64x1024xi32>
    %eq3A_143 = arith.cmpi eq, %iota3A, %eq3A_142 : vector<64x1024xi32>
    %convert_element_type3A_144 = arith.extui %eq3A_143 : vector<64x1024xi1> to vector<64x1024xi32>
    %convert_element_type3A_145 = arith.sitofp %convert_element_type3A_144 : vector<64x1024xi32> to vector<64x1024xf32>
    %slice3A_146 = vector.extract_strided_slice %get3A_8 {offsets = [0, 28], sizes = [64, 1], strides = [1, 1]} : vector<64x32xi32> to vector<64x1xi32>
    %eq3A_147 = vector.broadcast %slice3A_146 : vector<64x1xi32> to vector<64x1024xi32>
    %eq3A_148 = arith.cmpi eq, %iota3A, %eq3A_147 : vector<64x1024xi32>
    %convert_element_type3A_149 = arith.extui %eq3A_148 : vector<64x1024xi1> to vector<64x1024xi32>
    %convert_element_type3A_150 = arith.sitofp %convert_element_type3A_149 : vector<64x1024xi32> to vector<64x1024xf32>
    %slice3A_151 = vector.extract_strided_slice %get3A_8 {offsets = [0, 29], sizes = [64, 1], strides = [1, 1]} : vector<64x32xi32> to vector<64x1xi32>
    %eq3A_152 = vector.broadcast %slice3A_151 : vector<64x1xi32> to vector<64x1024xi32>
    %eq3A_153 = arith.cmpi eq, %iota3A, %eq3A_152 : vector<64x1024xi32>
    %convert_element_type3A_154 = arith.extui %eq3A_153 : vector<64x1024xi1> to vector<64x1024xi32>
    %convert_element_type3A_155 = arith.sitofp %convert_element_type3A_154 : vector<64x1024xi32> to vector<64x1024xf32>
    %slice3A_156 = vector.extract_strided_slice %get3A_8 {offsets = [0, 30], sizes = [64, 1], strides = [1, 1]} : vector<64x32xi32> to vector<64x1xi32>
    %eq3A_157 = vector.broadcast %slice3A_156 : vector<64x1xi32> to vector<64x1024xi32>
    %eq3A_158 = arith.cmpi eq, %iota3A, %eq3A_157 : vector<64x1024xi32>
    %convert_element_type3A_159 = arith.extui %eq3A_158 : vector<64x1024xi1> to vector<64x1024xi32>
    %convert_element_type3A_160 = arith.sitofp %convert_element_type3A_159 : vector<64x1024xi32> to vector<64x1024xf32>
    %slice3A_161 = vector.extract_strided_slice %get3A_8 {offsets = [0, 31], sizes = [64, 1], strides = [1, 1]} : vector<64x32xi32> to vector<64x1xi32>
    %eq3A_162 = vector.broadcast %slice3A_161 : vector<64x1xi32> to vector<64x1024xi32>
    %eq3A_163 = arith.cmpi eq, %iota3A, %eq3A_162 : vector<64x1024xi32>
    %convert_element_type3A_164 = arith.extui %eq3A_163 : vector<64x1024xi1> to vector<64x1024xi32>
    %convert_element_type3A_165 = arith.sitofp %convert_element_type3A_164 : vector<64x1024xi32> to vector<64x1024xf32>
    %concatenate3A = tpu.concatenate %convert_element_type3A_10, %convert_element_type3A_15, %convert_element_type3A_20, %convert_element_type3A_25, %convert_element_type3A_30, %convert_element_type3A_35, %convert_element_type3A_40, %convert_element_type3A_45, %convert_element_type3A_50, %convert_element_type3A_55, %convert_element_type3A_60, %convert_element_type3A_65, %convert_element_type3A_70, %convert_element_type3A_75, %convert_element_type3A_80, %convert_element_type3A_85, %convert_element_type3A_90, %convert_element_type3A_95, %convert_element_type3A_100, %convert_element_type3A_105, %convert_element_type3A_110, %convert_element_type3A_115, %convert_element_type3A_120, %convert_element_type3A_125, %convert_element_type3A_130, %convert_element_type3A_135, %convert_element_type3A_140, %convert_element_type3A_145, %convert_element_type3A_150, %convert_element_type3A_155, %convert_element_type3A_160, %convert_element_type3A_165 in 0 : vector<64x1024xf32>, vector<64x1024xf32>, vector<64x1024xf32>, vector<64x1024xf32>, vector<64x1024xf32>, vector<64x1024xf32>, vector<64x1024xf32>, vector<64x1024xf32>, vector<64x1024xf32>, vector<64x1024xf32>, vector<64x1024xf32>, vector<64x1024xf32>, vector<64x1024xf32>, vector<64x1024xf32>, vector<64x1024xf32>, vector<64x1024xf32>, vector<64x1024xf32>, vector<64x1024xf32>, vector<64x1024xf32>, vector<64x1024xf32>, vector<64x1024xf32>, vector<64x1024xf32>, vector<64x1024xf32>, vector<64x1024xf32>, vector<64x1024xf32>, vector<64x1024xf32>, vector<64x1024xf32>, vector<64x1024xf32>, vector<64x1024xf32>, vector<64x1024xf32>, vector<64x1024xf32>, vector<64x1024xf32> -> vector<2048x1024xf32>
    %get3A_166 = arith.constant 0 : index
    %get3A_167 = arith.constant 0 : index
    %get3A_168 = arith.constant 0 : index
    %get3A_169 = vector.load %arg4[%get3A_166, %get3A_167, %get3A_168] : memref<1x1024x67xf32, #tpu.memory_space<vmem>>, vector<1x1024x67xf32>
    %get3A_170 = vector.shape_cast %get3A_169 : vector<1x1024x67xf32> to vector<1024x67xf32>
    %dot_general3A = arith.constant dense<0.000000e+00> : vector<2048x67xf32>
    %dot_general3A_171 = tpu.matmul %concatenate3A, %get3A_170, %dot_general3A {dimension_numbers = #tpu.dot_dimension_numbers<[1], [0], [0], [1], [0, 0, 1, 1], [], []>, transpose_lhs_hint = false} : vector<2048x1024xf32>, vector<1024x67xf32>, vector<2048x67xf32> -> vector<2048x67xf32>
    %get3A_172 = arith.constant 0 : index
    %get3A_173 = arith.constant 0 : index
    %get3A_174 = vector.load %arg5[%get3A_172, %get3A_173] : memref<67x64xf32, #tpu.memory_space<vmem>>, vector<67x64xf32>
    %dot_general3A_175 = arith.constant dense<0.000000e+00> : vector<2048x64xf32>
    %dot_general3A_176 = tpu.matmul %dot_general3A_171, %get3A_174, %dot_general3A_175 {dimension_numbers = #tpu.dot_dimension_numbers<[1], [0], [0], [1], [0, 0, 1, 1], [], []>, transpose_lhs_hint = false} : vector<2048x67xf32>, vector<67x64xf32>, vector<2048x64xf32> -> vector<2048x64xf32>
    %get3A_177 = arith.constant 0 : index
    %get3A_178 = arith.constant 0 : index
    %get3A_179 = vector.load %arg5[%get3A_177, %get3A_178] : memref<67x64xf32, #tpu.memory_space<vmem>>, vector<3x64xf32>
    %dot_general3A_180 = arith.constant dense<0.000000e+00> : vector<64x64xf32>
    %dot_general3A_181 = tpu.matmul %get3A_3, %get3A_179, %dot_general3A_180 {dimension_numbers = #tpu.dot_dimension_numbers<[1], [0], [0], [1], [0, 0, 1, 1], [], []>, transpose_lhs_hint = false} : vector<64x3xf32>, vector<3x64xf32>, vector<64x64xf32> -> vector<64x64xf32>
    %reshape3A = vector.shape_cast %dot_general3A_176 : vector<2048x64xf32> to vector<32x64x64xf32>
    %broadcast_in_dim3A = vector.shape_cast %dot_general3A_181 : vector<64x64xf32> to vector<1x64x64xf32>
    %sub3A = vector.broadcast %broadcast_in_dim3A : vector<1x64x64xf32> to vector<32x64x64xf32>
    %sub3A_182 = arith.subf %reshape3A, %sub3A : vector<32x64x64xf32>
    %get3A_183 = arith.constant 0 : index
    %get3A_184 = arith.constant 0 : index
    %get3A_185 = vector.load %arg6[%get3A_183, %get3A_184] : memref<1x64xf32, #tpu.memory_space<vmem>>, vector<1x64xf32>
    %broadcast_in_dim3A_186 = vector.shape_cast %get3A_185 : vector<1x64xf32> to vector<1x1x64xf32>
    %add3A = vector.broadcast %broadcast_in_dim3A_186 : vector<1x1x64xf32> to vector<32x64x64xf32>
    %add3A_187 = arith.addf %sub3A_182, %add3A : vector<32x64x64xf32>
    %reshape3A_188 = vector.shape_cast %add3A_187 : vector<32x64x64xf32> to vector<2048x64xf32>
    %swap3A = arith.constant 0 : index
    %swap3A_189 = arith.constant 0 : index
    %swap3A_190 = arith.constant 0 : index
    %swap3A_191 = vector.load %arg7[%swap3A, %swap3A_189, %swap3A_190] : memref<1x2048x64xf32, #tpu.memory_space<vmem>>, vector<1x2048x64xf32>
    %swap3A_192 = vector.shape_cast %swap3A_191 : vector<1x2048x64xf32> to vector<2048x64xf32>
    %swap3A_193 = vector.shape_cast %reshape3A_188 : vector<2048x64xf32> to vector<1x2048x64xf32>
    tpu.vector_store %arg7[%swap3A, %swap3A_189, %swap3A_190], %swap3A_193 {strides = array<i32>} : memref<1x2048x64xf32, #tpu.memory_space<vmem>>, vector<1x2048x64xf32>,
    %eq3A_194 = arith.constant 0 : i32
    %eq3A_195 = arith.cmpi eq, %arg0, %eq3A_194 : i32
    %eq3A_196 = arith.constant 0 : i32
    %eq3A_197 = arith.cmpi eq, %arg1, %eq3A_196 : i32
    %and3A = arith.andi %eq3A_195, %eq3A_197 : i1
    %convert_element_type3A_198 = arith.extui %and3A : i1 to i32
    %cond3A = arith.constant 0 : i32
    %cond3A_199 = arith.cmpi ne, %convert_element_type3A_198, %cond3A : i32
    scf.if %cond3A_199 {
      %broadcast_in_dim3A_219 = arith.constant 0.000000e+00 : f32
      %broadcast_in_dim3A_220 = vector.broadcast %broadcast_in_dim3A_219 : f32 to vector<8x64xf32>
      %swap3A_221 = arith.constant 0 : index
      %swap3A_222 = arith.constant 0 : index
      %swap3A_223 = vector.load %arg8[%swap3A_221, %swap3A_222] : memref<8x64xf32, #tpu.memory_space<vmem>>, vector<8x64xf32>
      tpu.vector_store %arg8[%swap3A_221, %swap3A_222], %broadcast_in_dim3A_220 {strides = array<i32>} : memref<8x64xf32, #tpu.memory_space<vmem>>, vector<8x64xf32>,
    } else {
    }
    %get3A_200 = arith.constant 0 : index
    %get3A_201 = arith.constant 0 : index
    %get3A_202 = vector.load %arg8[%get3A_200, %get3A_201] : memref<8x64xf32, #tpu.memory_space<vmem>>, vector<1x64xf32>
    %reduce_sum3A = arith.constant dense<0.000000e+00> : vector<64xf32>
    %reduce_sum3A_203 = vector.multi_reduction <add>, %reshape3A_188, %reduce_sum3A [0] : vector<2048x64xf32> to vector<64xf32>
    %broadcast_in_dim3A_204 = vector.shape_cast %reduce_sum3A_203 : vector<64xf32> to vector<1x64xf32>
    %add3A_205 = arith.addf %get3A_202, %broadcast_in_dim3A_204 : vector<1x64xf32>
    %swap3A_206 = arith.constant 0 : index
    %swap3A_207 = arith.constant 0 : index
    %swap3A_208 = vector.load %arg8[%swap3A_206, %swap3A_207] : memref<8x64xf32, #tpu.memory_space<vmem>>, vector<1x64xf32>
    tpu.vector_store %arg8[%swap3A_206, %swap3A_207], %add3A_205 {strides = array<i32>} : memref<8x64xf32, #tpu.memory_space<vmem>>, vector<1x64xf32>,
    %get3A_209 = arith.constant 1 : index
    %get3A_210 = arith.constant 0 : index
    %get3A_211 = vector.load %arg8[%get3A_209, %get3A_210] : memref<8x64xf32, #tpu.memory_space<vmem>>, vector<1x64xf32>
    %mul3A = arith.mulf %reshape3A_188, %reshape3A_188 : vector<2048x64xf32>
    %reduce_sum3A_212 = arith.constant dense<0.000000e+00> : vector<64xf32>
    %reduce_sum3A_213 = vector.multi_reduction <add>, %mul3A, %reduce_sum3A_212 [0] : vector<2048x64xf32> to vector<64xf32>
    %broadcast_in_dim3A_214 = vector.shape_cast %reduce_sum3A_213 : vector<64xf32> to vector<1x64xf32>
    %add3A_215 = arith.addf %get3A_211, %broadcast_in_dim3A_214 : vector<1x64xf32>
    %swap3A_216 = arith.constant 1 : index
    %swap3A_217 = arith.constant 0 : index
    %swap3A_218 = vector.load %arg8[%swap3A_216, %swap3A_217] : memref<8x64xf32, #tpu.memory_space<vmem>>, vector<1x64xf32>
    tpu.vector_store %arg8[%swap3A_216, %swap3A_217], %add3A_215 {strides = array<i32>} : memref<8x64xf32, #tpu.memory_space<vmem>>, vector<1x64xf32>,
    return
  }
  func.func @transform_0(%arg0: i32, %arg1: i32) -> (i32, i32, i32) {
    %c0_i32 = arith.constant 0 : i32
    %c0_i32_0 = arith.constant 0 : i32
    return %arg0, %arg1, %c0_i32 : i32, i32, i32
  }
  func.func @transform_1(%arg0: i32, %arg1: i32) -> (i32, i32, i32) {
    %c0_i32 = arith.constant 0 : i32
    %c0_i32_0 = arith.constant 0 : i32
    return %arg0, %arg1, %c0_i32 : i32, i32, i32
  }
  func.func @transform_2(%arg0: i32, %arg1: i32) -> (i32, i32, i32) {
    %c0_i32 = arith.constant 0 : i32
    %c0_i32_0 = arith.constant 0 : i32
    %c0_i32_1 = arith.constant 0 : i32
    return %arg0, %c0_i32, %c0_i32_0 : i32, i32, i32
  }
  func.func @transform_3(%arg0: i32, %arg1: i32) -> (i32, i32) {
    %c0_i32 = arith.constant 0 : i32
    %c0_i32_0 = arith.constant 0 : i32
    %c0_i32_1 = arith.constant 0 : i32
    return %c0_i32, %c0_i32_0 : i32, i32
  }
  func.func @transform_4(%arg0: i32, %arg1: i32) -> (i32, i32) {
    %c0_i32 = arith.constant 0 : i32
    %c0_i32_0 = arith.constant 0 : i32
    %c0_i32_1 = arith.constant 0 : i32
    return %c0_i32, %c0_i32_0 : i32, i32
  }
  func.func @transform_5(%arg0: i32, %arg1: i32) -> (i32, i32, i32) {
    %c0_i32 = arith.constant 0 : i32
    %c0_i32_0 = arith.constant 0 : i32
    return %arg0, %arg1, %c0_i32 : i32, i32, i32
  }
  func.func @transform_6(%arg0: i32, %arg1: i32) -> (i32, i32) {
    %c0_i32 = arith.constant 0 : i32
    %c0_i32_0 = arith.constant 0 : i32
    %c0_i32_1 = arith.constant 0 : i32
    return %c0_i32, %c0_i32_0 : i32, i32
  }
}

module attributes {stable_mosaic.version = 14 : i64} {
  func.func @_mm_body(%arg0: i32, %arg1: memref<8192x64xf32, #tpu.memory_space<vmem>>, %arg2: memref<1x64xf32, #tpu.memory_space<vmem>>, %arg3: memref<1x64xf32, #tpu.memory_space<vmem>>, %arg4: memref<64x64xf32, #tpu.memory_space<vmem>>, %arg5: memref<1x64xf32, #tpu.memory_space<vmem>>, %arg6: memref<8192x64xf32, #tpu.memory_space<vmem>>, %arg7: memref<8x64xf32, #tpu.memory_space<vmem>>) attributes {dimension_semantics = [#tpu.dimension_semantics<arbitrary>], iteration_bounds = array<i64: 8>, scalar_prefetch = 0 : i64, scratch_operands = 0 : i64, tpu.core_type = #tpu.core_type<tc>, window_params = [{transform_indices = @transform_0, window_bounds = array<i64: 8192, 64>}, {pipeline_mode = #tpu.pipeline_mode<synchronous>, transform_indices = @transform_1, window_bounds = array<i64: 1, 64>}, {pipeline_mode = #tpu.pipeline_mode<synchronous>, transform_indices = @transform_2, window_bounds = array<i64: 1, 64>}, {pipeline_mode = #tpu.pipeline_mode<synchronous>, transform_indices = @transform_3, window_bounds = array<i64: 64, 64>}, {pipeline_mode = #tpu.pipeline_mode<synchronous>, transform_indices = @transform_4, window_bounds = array<i64: 1, 64>}, {transform_indices = @transform_5, window_bounds = array<i64: 8192, 64>}, {pipeline_mode = #tpu.pipeline_mode<synchronous>, transform_indices = @transform_6, window_bounds = array<i64: 8, 64>}]} {
    %get3A = arith.constant 0 : index
    %get3A_0 = arith.constant 0 : index
    %get3A_1 = vector.load %arg1[%get3A, %get3A_0] : memref<8192x64xf32, #tpu.memory_space<vmem>>, vector<8192x64xf32>
    %get3A_2 = arith.constant 0 : index
    %get3A_3 = arith.constant 0 : index
    %get3A_4 = vector.load %arg2[%get3A_2, %get3A_3] : memref<1x64xf32, #tpu.memory_space<vmem>>, vector<1x64xf32>
    %mul3A = vector.broadcast %get3A_4 : vector<1x64xf32> to vector<8192x64xf32>
    %mul3A_5 = arith.mulf %get3A_1, %mul3A : vector<8192x64xf32>
    %get3A_6 = arith.constant 0 : index
    %get3A_7 = arith.constant 0 : index
    %get3A_8 = vector.load %arg3[%get3A_6, %get3A_7] : memref<1x64xf32, #tpu.memory_space<vmem>>, vector<1x64xf32>
    %add3A = vector.broadcast %get3A_8 : vector<1x64xf32> to vector<8192x64xf32>
    %add3A_9 = arith.addf %mul3A_5, %add3A : vector<8192x64xf32>
    %max3A = arith.constant 0.000000e+00 : f32
    %max3A_10 = vector.broadcast %max3A : f32 to vector<8192x64xf32>
    %max3A_11 = arith.maximumf %add3A_9, %max3A_10 : vector<8192x64xf32>
    %get3A_12 = arith.constant 0 : index
    %get3A_13 = arith.constant 0 : index
    %get3A_14 = vector.load %arg4[%get3A_12, %get3A_13] : memref<64x64xf32, #tpu.memory_space<vmem>>, vector<64x64xf32>
    %dot_general3A = arith.constant dense<0.000000e+00> : vector<8192x64xf32>
    %dot_general3A_15 = tpu.matmul %max3A_11, %get3A_14, %dot_general3A {dimension_numbers = #tpu.dot_dimension_numbers<[1], [0], [0], [1], [0, 0, 1, 1], [], []>, transpose_lhs_hint = false} : vector<8192x64xf32>, vector<64x64xf32>, vector<8192x64xf32> -> vector<8192x64xf32>
    %get3A_16 = arith.constant 0 : index
    %get3A_17 = arith.constant 0 : index
    %get3A_18 = vector.load %arg5[%get3A_16, %get3A_17] : memref<1x64xf32, #tpu.memory_space<vmem>>, vector<1x64xf32>
    %add3A_19 = vector.broadcast %get3A_18 : vector<1x64xf32> to vector<8192x64xf32>
    %add3A_20 = arith.addf %dot_general3A_15, %add3A_19 : vector<8192x64xf32>
    %swap3A = arith.constant 0 : index
    %swap3A_21 = arith.constant 0 : index
    %swap3A_22 = vector.load %arg6[%swap3A, %swap3A_21] : memref<8192x64xf32, #tpu.memory_space<vmem>>, vector<8192x64xf32>
    tpu.vector_store %arg6[%swap3A, %swap3A_21], %add3A_20 {strides = array<i32>} : memref<8192x64xf32, #tpu.memory_space<vmem>>, vector<8192x64xf32>,
    %eq3A = arith.constant 0 : i32
    %eq3A_23 = arith.cmpi eq, %arg0, %eq3A : i32
    %convert_element_type3A = arith.extui %eq3A_23 : i1 to i32
    %cond3A = arith.constant 0 : i32
    %cond3A_24 = arith.cmpi ne, %convert_element_type3A, %cond3A : i32
    scf.if %cond3A_24 {
      %broadcast_in_dim3A_44 = arith.constant 0.000000e+00 : f32
      %broadcast_in_dim3A_45 = vector.broadcast %broadcast_in_dim3A_44 : f32 to vector<8x64xf32>
      %swap3A_46 = arith.constant 0 : index
      %swap3A_47 = arith.constant 0 : index
      %swap3A_48 = vector.load %arg7[%swap3A_46, %swap3A_47] : memref<8x64xf32, #tpu.memory_space<vmem>>, vector<8x64xf32>
      tpu.vector_store %arg7[%swap3A_46, %swap3A_47], %broadcast_in_dim3A_45 {strides = array<i32>} : memref<8x64xf32, #tpu.memory_space<vmem>>, vector<8x64xf32>,
    } else {
    }
    %get3A_25 = arith.constant 0 : index
    %get3A_26 = arith.constant 0 : index
    %get3A_27 = vector.load %arg7[%get3A_25, %get3A_26] : memref<8x64xf32, #tpu.memory_space<vmem>>, vector<1x64xf32>
    %reduce_sum3A = arith.constant dense<0.000000e+00> : vector<64xf32>
    %reduce_sum3A_28 = vector.multi_reduction <add>, %add3A_20, %reduce_sum3A [0] : vector<8192x64xf32> to vector<64xf32>
    %broadcast_in_dim3A = vector.shape_cast %reduce_sum3A_28 : vector<64xf32> to vector<1x64xf32>
    %add3A_29 = arith.addf %get3A_27, %broadcast_in_dim3A : vector<1x64xf32>
    %swap3A_30 = arith.constant 0 : index
    %swap3A_31 = arith.constant 0 : index
    %swap3A_32 = vector.load %arg7[%swap3A_30, %swap3A_31] : memref<8x64xf32, #tpu.memory_space<vmem>>, vector<1x64xf32>
    tpu.vector_store %arg7[%swap3A_30, %swap3A_31], %add3A_29 {strides = array<i32>} : memref<8x64xf32, #tpu.memory_space<vmem>>, vector<1x64xf32>,
    %get3A_33 = arith.constant 1 : index
    %get3A_34 = arith.constant 0 : index
    %get3A_35 = vector.load %arg7[%get3A_33, %get3A_34] : memref<8x64xf32, #tpu.memory_space<vmem>>, vector<1x64xf32>
    %mul3A_36 = arith.mulf %add3A_20, %add3A_20 : vector<8192x64xf32>
    %reduce_sum3A_37 = arith.constant dense<0.000000e+00> : vector<64xf32>
    %reduce_sum3A_38 = vector.multi_reduction <add>, %mul3A_36, %reduce_sum3A_37 [0] : vector<8192x64xf32> to vector<64xf32>
    %broadcast_in_dim3A_39 = vector.shape_cast %reduce_sum3A_38 : vector<64xf32> to vector<1x64xf32>
    %add3A_40 = arith.addf %get3A_35, %broadcast_in_dim3A_39 : vector<1x64xf32>
    %swap3A_41 = arith.constant 1 : index
    %swap3A_42 = arith.constant 0 : index
    %swap3A_43 = vector.load %arg7[%swap3A_41, %swap3A_42] : memref<8x64xf32, #tpu.memory_space<vmem>>, vector<1x64xf32>
    tpu.vector_store %arg7[%swap3A_41, %swap3A_42], %add3A_40 {strides = array<i32>} : memref<8x64xf32, #tpu.memory_space<vmem>>, vector<1x64xf32>,
    return
  }
  func.func @transform_0(%arg0: i32) -> (i32, i32) {
    %c0_i32 = arith.constant 0 : i32
    %c0_i32_0 = arith.constant 0 : i32
    return %arg0, %c0_i32 : i32, i32
  }
  func.func @transform_1(%arg0: i32) -> (i32, i32) {
    %c0_i32 = arith.constant 0 : i32
    %c0_i32_0 = arith.constant 0 : i32
    %c0_i32_1 = arith.constant 0 : i32
    return %c0_i32, %c0_i32_0 : i32, i32
  }
  func.func @transform_2(%arg0: i32) -> (i32, i32) {
    %c0_i32 = arith.constant 0 : i32
    %c0_i32_0 = arith.constant 0 : i32
    %c0_i32_1 = arith.constant 0 : i32
    return %c0_i32, %c0_i32_0 : i32, i32
  }
  func.func @transform_3(%arg0: i32) -> (i32, i32) {
    %c0_i32 = arith.constant 0 : i32
    %c0_i32_0 = arith.constant 0 : i32
    %c0_i32_1 = arith.constant 0 : i32
    return %c0_i32, %c0_i32_0 : i32, i32
  }
  func.func @transform_4(%arg0: i32) -> (i32, i32) {
    %c0_i32 = arith.constant 0 : i32
    %c0_i32_0 = arith.constant 0 : i32
    %c0_i32_1 = arith.constant 0 : i32
    return %c0_i32, %c0_i32_0 : i32, i32
  }
  func.func @transform_5(%arg0: i32) -> (i32, i32) {
    %c0_i32 = arith.constant 0 : i32
    %c0_i32_0 = arith.constant 0 : i32
    return %arg0, %c0_i32 : i32, i32
  }
  func.func @transform_6(%arg0: i32) -> (i32, i32) {
    %c0_i32 = arith.constant 0 : i32
    %c0_i32_0 = arith.constant 0 : i32
    %c0_i32_1 = arith.constant 0 : i32
    return %c0_i32, %c0_i32_0 : i32, i32
  }
}

module attributes {stable_mosaic.version = 14 : i64} {
  func.func @_mm_body(%arg0: i32, %arg1: memref<8192x64xf32, #tpu.memory_space<vmem>>, %arg2: memref<1x64xf32, #tpu.memory_space<vmem>>, %arg3: memref<1x64xf32, #tpu.memory_space<vmem>>, %arg4: memref<64x128xf32, #tpu.memory_space<vmem>>, %arg5: memref<1x128xf32, #tpu.memory_space<vmem>>, %arg6: memref<8192x128xf32, #tpu.memory_space<vmem>>, %arg7: memref<8x128xf32, #tpu.memory_space<vmem>>) attributes {dimension_semantics = [#tpu.dimension_semantics<arbitrary>], iteration_bounds = array<i64: 8>, scalar_prefetch = 0 : i64, scratch_operands = 0 : i64, tpu.core_type = #tpu.core_type<tc>, window_params = [{transform_indices = @transform_0, window_bounds = array<i64: 8192, 64>}, {pipeline_mode = #tpu.pipeline_mode<synchronous>, transform_indices = @transform_1, window_bounds = array<i64: 1, 64>}, {pipeline_mode = #tpu.pipeline_mode<synchronous>, transform_indices = @transform_2, window_bounds = array<i64: 1, 64>}, {pipeline_mode = #tpu.pipeline_mode<synchronous>, transform_indices = @transform_3, window_bounds = array<i64: 64, 128>}, {pipeline_mode = #tpu.pipeline_mode<synchronous>, transform_indices = @transform_4, window_bounds = array<i64: 1, 128>}, {transform_indices = @transform_5, window_bounds = array<i64: 8192, 128>}, {pipeline_mode = #tpu.pipeline_mode<synchronous>, transform_indices = @transform_6, window_bounds = array<i64: 8, 128>}]} {
    %get3A = arith.constant 0 : index
    %get3A_0 = arith.constant 0 : index
    %get3A_1 = vector.load %arg1[%get3A, %get3A_0] : memref<8192x64xf32, #tpu.memory_space<vmem>>, vector<8192x64xf32>
    %get3A_2 = arith.constant 0 : index
    %get3A_3 = arith.constant 0 : index
    %get3A_4 = vector.load %arg2[%get3A_2, %get3A_3] : memref<1x64xf32, #tpu.memory_space<vmem>>, vector<1x64xf32>
    %mul3A = vector.broadcast %get3A_4 : vector<1x64xf32> to vector<8192x64xf32>
    %mul3A_5 = arith.mulf %get3A_1, %mul3A : vector<8192x64xf32>
    %get3A_6 = arith.constant 0 : index
    %get3A_7 = arith.constant 0 : index
    %get3A_8 = vector.load %arg3[%get3A_6, %get3A_7] : memref<1x64xf32, #tpu.memory_space<vmem>>, vector<1x64xf32>
    %add3A = vector.broadcast %get3A_8 : vector<1x64xf32> to vector<8192x64xf32>
    %add3A_9 = arith.addf %mul3A_5, %add3A : vector<8192x64xf32>
    %max3A = arith.constant 0.000000e+00 : f32
    %max3A_10 = vector.broadcast %max3A : f32 to vector<8192x64xf32>
    %max3A_11 = arith.maximumf %add3A_9, %max3A_10 : vector<8192x64xf32>
    %get3A_12 = arith.constant 0 : index
    %get3A_13 = arith.constant 0 : index
    %get3A_14 = vector.load %arg4[%get3A_12, %get3A_13] : memref<64x128xf32, #tpu.memory_space<vmem>>, vector<64x128xf32>
    %dot_general3A = arith.constant dense<0.000000e+00> : vector<8192x128xf32>
    %dot_general3A_15 = tpu.matmul %max3A_11, %get3A_14, %dot_general3A {dimension_numbers = #tpu.dot_dimension_numbers<[1], [0], [0], [1], [0, 0, 1, 1], [], []>, transpose_lhs_hint = false} : vector<8192x64xf32>, vector<64x128xf32>, vector<8192x128xf32> -> vector<8192x128xf32>
    %get3A_16 = arith.constant 0 : index
    %get3A_17 = arith.constant 0 : index
    %get3A_18 = vector.load %arg5[%get3A_16, %get3A_17] : memref<1x128xf32, #tpu.memory_space<vmem>>, vector<1x128xf32>
    %add3A_19 = vector.broadcast %get3A_18 : vector<1x128xf32> to vector<8192x128xf32>
    %add3A_20 = arith.addf %dot_general3A_15, %add3A_19 : vector<8192x128xf32>
    %swap3A = arith.constant 0 : index
    %swap3A_21 = arith.constant 0 : index
    %swap3A_22 = vector.load %arg6[%swap3A, %swap3A_21] : memref<8192x128xf32, #tpu.memory_space<vmem>>, vector<8192x128xf32>
    tpu.vector_store %arg6[%swap3A, %swap3A_21], %add3A_20 {strides = array<i32>} : memref<8192x128xf32, #tpu.memory_space<vmem>>, vector<8192x128xf32>,
    %eq3A = arith.constant 0 : i32
    %eq3A_23 = arith.cmpi eq, %arg0, %eq3A : i32
    %convert_element_type3A = arith.extui %eq3A_23 : i1 to i32
    %cond3A = arith.constant 0 : i32
    %cond3A_24 = arith.cmpi ne, %convert_element_type3A, %cond3A : i32
    scf.if %cond3A_24 {
      %broadcast_in_dim3A_44 = arith.constant 0.000000e+00 : f32
      %broadcast_in_dim3A_45 = vector.broadcast %broadcast_in_dim3A_44 : f32 to vector<8x128xf32>
      %swap3A_46 = arith.constant 0 : index
      %swap3A_47 = arith.constant 0 : index
      %swap3A_48 = vector.load %arg7[%swap3A_46, %swap3A_47] : memref<8x128xf32, #tpu.memory_space<vmem>>, vector<8x128xf32>
      tpu.vector_store %arg7[%swap3A_46, %swap3A_47], %broadcast_in_dim3A_45 {strides = array<i32>} : memref<8x128xf32, #tpu.memory_space<vmem>>, vector<8x128xf32>,
    } else {
    }
    %get3A_25 = arith.constant 0 : index
    %get3A_26 = arith.constant 0 : index
    %get3A_27 = vector.load %arg7[%get3A_25, %get3A_26] : memref<8x128xf32, #tpu.memory_space<vmem>>, vector<1x128xf32>
    %reduce_sum3A = arith.constant dense<0.000000e+00> : vector<128xf32>
    %reduce_sum3A_28 = vector.multi_reduction <add>, %add3A_20, %reduce_sum3A [0] : vector<8192x128xf32> to vector<128xf32>
    %broadcast_in_dim3A = vector.shape_cast %reduce_sum3A_28 : vector<128xf32> to vector<1x128xf32>
    %add3A_29 = arith.addf %get3A_27, %broadcast_in_dim3A : vector<1x128xf32>
    %swap3A_30 = arith.constant 0 : index
    %swap3A_31 = arith.constant 0 : index
    %swap3A_32 = vector.load %arg7[%swap3A_30, %swap3A_31] : memref<8x128xf32, #tpu.memory_space<vmem>>, vector<1x128xf32>
    tpu.vector_store %arg7[%swap3A_30, %swap3A_31], %add3A_29 {strides = array<i32>} : memref<8x128xf32, #tpu.memory_space<vmem>>, vector<1x128xf32>,
    %get3A_33 = arith.constant 1 : index
    %get3A_34 = arith.constant 0 : index
    %get3A_35 = vector.load %arg7[%get3A_33, %get3A_34] : memref<8x128xf32, #tpu.memory_space<vmem>>, vector<1x128xf32>
    %mul3A_36 = arith.mulf %add3A_20, %add3A_20 : vector<8192x128xf32>
    %reduce_sum3A_37 = arith.constant dense<0.000000e+00> : vector<128xf32>
    %reduce_sum3A_38 = vector.multi_reduction <add>, %mul3A_36, %reduce_sum3A_37 [0] : vector<8192x128xf32> to vector<128xf32>
    %broadcast_in_dim3A_39 = vector.shape_cast %reduce_sum3A_38 : vector<128xf32> to vector<1x128xf32>
    %add3A_40 = arith.addf %get3A_35, %broadcast_in_dim3A_39 : vector<1x128xf32>
    %swap3A_41 = arith.constant 1 : index
    %swap3A_42 = arith.constant 0 : index
    %swap3A_43 = vector.load %arg7[%swap3A_41, %swap3A_42] : memref<8x128xf32, #tpu.memory_space<vmem>>, vector<1x128xf32>
    tpu.vector_store %arg7[%swap3A_41, %swap3A_42], %add3A_40 {strides = array<i32>} : memref<8x128xf32, #tpu.memory_space<vmem>>, vector<1x128xf32>,
    return
  }
  func.func @transform_0(%arg0: i32) -> (i32, i32) {
    %c0_i32 = arith.constant 0 : i32
    %c0_i32_0 = arith.constant 0 : i32
    return %arg0, %c0_i32 : i32, i32
  }
  func.func @transform_1(%arg0: i32) -> (i32, i32) {
    %c0_i32 = arith.constant 0 : i32
    %c0_i32_0 = arith.constant 0 : i32
    %c0_i32_1 = arith.constant 0 : i32
    return %c0_i32, %c0_i32_0 : i32, i32
  }
  func.func @transform_2(%arg0: i32) -> (i32, i32) {
    %c0_i32 = arith.constant 0 : i32
    %c0_i32_0 = arith.constant 0 : i32
    %c0_i32_1 = arith.constant 0 : i32
    return %c0_i32, %c0_i32_0 : i32, i32
  }
  func.func @transform_3(%arg0: i32) -> (i32, i32) {
    %c0_i32 = arith.constant 0 : i32
    %c0_i32_0 = arith.constant 0 : i32
    %c0_i32_1 = arith.constant 0 : i32
    return %c0_i32, %c0_i32_0 : i32, i32
  }
  func.func @transform_4(%arg0: i32) -> (i32, i32) {
    %c0_i32 = arith.constant 0 : i32
    %c0_i32_0 = arith.constant 0 : i32
    %c0_i32_1 = arith.constant 0 : i32
    return %c0_i32, %c0_i32_0 : i32, i32
  }
  func.func @transform_5(%arg0: i32) -> (i32, i32) {
    %c0_i32 = arith.constant 0 : i32
    %c0_i32_0 = arith.constant 0 : i32
    return %arg0, %c0_i32 : i32, i32
  }
  func.func @transform_6(%arg0: i32) -> (i32, i32) {
    %c0_i32 = arith.constant 0 : i32
    %c0_i32_0 = arith.constant 0 : i32
    %c0_i32_1 = arith.constant 0 : i32
    return %c0_i32, %c0_i32_0 : i32, i32
  }
}

module attributes {stable_mosaic.version = 14 : i64} {
  func.func @body(%arg0: i32, %arg1: memref<1x8192x128xf32, #tpu.memory_space<vmem>>, %arg2: memref<1x128xf32, #tpu.memory_space<vmem>>, %arg3: memref<1x128xf32, #tpu.memory_space<vmem>>, %arg4: memref<1x256x128xf32, #tpu.memory_space<vmem>>) attributes {dimension_semantics = [#tpu.dimension_semantics<arbitrary>], iteration_bounds = array<i64: 8>, scalar_prefetch = 0 : i64, scratch_operands = 0 : i64, tpu.core_type = #tpu.core_type<tc>, window_params = [{transform_indices = @transform_0, window_bounds = array<i64: 1, 8192, 128>}, {pipeline_mode = #tpu.pipeline_mode<synchronous>, transform_indices = @transform_1, window_bounds = array<i64: 1, 128>}, {pipeline_mode = #tpu.pipeline_mode<synchronous>, transform_indices = @transform_2, window_bounds = array<i64: 1, 128>}, {transform_indices = @transform_3, window_bounds = array<i64: 1, 256, 128>}]} {
    %get3A = arith.constant 0 : index
    %get3A_0 = arith.constant 0 : index
    %get3A_1 = arith.constant 0 : index
    %get3A_2 = vector.load %arg1[%get3A, %get3A_0, %get3A_1] : memref<1x8192x128xf32, #tpu.memory_space<vmem>>, vector<1x8192x128xf32>
    %get3A_3 = vector.shape_cast %get3A_2 : vector<1x8192x128xf32> to vector<8192x128xf32>
    %reshape3A = vector.shape_cast %get3A_3 : vector<8192x128xf32> to vector<4x32x64x128xf32>
    %get3A_4 = arith.constant 0 : index
    %get3A_5 = arith.constant 0 : index
    %get3A_6 = vector.load %arg2[%get3A_4, %get3A_5] : memref<1x128xf32, #tpu.memory_space<vmem>>, vector<1x128xf32>
    %broadcast_in_dim3A = vector.shape_cast %get3A_6 : vector<1x128xf32> to vector<1x1x1x128xf32>
    %mul3A = vector.broadcast %broadcast_in_dim3A : vector<1x1x1x128xf32> to vector<4x32x64x128xf32>
    %mul3A_7 = arith.mulf %reshape3A, %mul3A : vector<4x32x64x128xf32>
    %get3A_8 = arith.constant 0 : index
    %get3A_9 = arith.constant 0 : index
    %get3A_10 = vector.load %arg3[%get3A_8, %get3A_9] : memref<1x128xf32, #tpu.memory_space<vmem>>, vector<1x128xf32>
    %broadcast_in_dim3A_11 = vector.shape_cast %get3A_10 : vector<1x128xf32> to vector<1x1x1x128xf32>
    %add3A = vector.broadcast %broadcast_in_dim3A_11 : vector<1x1x1x128xf32> to vector<4x32x64x128xf32>
    %add3A_12 = arith.addf %mul3A_7, %add3A : vector<4x32x64x128xf32>
    %max3A = arith.constant 0.000000e+00 : f32
    %max3A_13 = vector.broadcast %max3A : f32 to vector<4x32x64x128xf32>
    %max3A_14 = arith.maximumf %add3A_12, %max3A_13 : vector<4x32x64x128xf32>
    %reduce_max3A = arith.constant dense<0xFF800000> : vector<4x64x128xf32>
    %reduce_max3A_15 = vector.multi_reduction <maximumf>, %max3A_14, %reduce_max3A [1] : vector<4x32x64x128xf32> to vector<4x64x128xf32>
    %reshape3A_16 = vector.shape_cast %reduce_max3A_15 : vector<4x64x128xf32> to vector<256x128xf32>
    %swap3A = arith.constant 0 : index
    %swap3A_17 = arith.constant 0 : index
    %swap3A_18 = arith.constant 0 : index
    %swap3A_19 = vector.load %arg4[%swap3A, %swap3A_17, %swap3A_18] : memref<1x256x128xf32, #tpu.memory_space<vmem>>, vector<1x256x128xf32>
    %swap3A_20 = vector.shape_cast %swap3A_19 : vector<1x256x128xf32> to vector<256x128xf32>
    %swap3A_21 = vector.shape_cast %reshape3A_16 : vector<256x128xf32> to vector<1x256x128xf32>
    tpu.vector_store %arg4[%swap3A, %swap3A_17, %swap3A_18], %swap3A_21 {strides = array<i32>} : memref<1x256x128xf32, #tpu.memory_space<vmem>>, vector<1x256x128xf32>,
    return
  }
  func.func @transform_0(%arg0: i32) -> (i32, i32, i32) {
    %c0_i32 = arith.constant 0 : i32
    %c0_i32_0 = arith.constant 0 : i32
    %c0_i32_1 = arith.constant 0 : i32
    return %arg0, %c0_i32, %c0_i32_0 : i32, i32, i32
  }
  func.func @transform_1(%arg0: i32) -> (i32, i32) {
    %c0_i32 = arith.constant 0 : i32
    %c0_i32_0 = arith.constant 0 : i32
    %c0_i32_1 = arith.constant 0 : i32
    return %c0_i32, %c0_i32_0 : i32, i32
  }
  func.func @transform_2(%arg0: i32) -> (i32, i32) {
    %c0_i32 = arith.constant 0 : i32
    %c0_i32_0 = arith.constant 0 : i32
    %c0_i32_1 = arith.constant 0 : i32
    return %c0_i32, %c0_i32_0 : i32, i32
  }
  func.func @transform_3(%arg0: i32) -> (i32, i32, i32) {
    %c0_i32 = arith.constant 0 : i32
    %c0_i32_0 = arith.constant 0 : i32
    %c0_i32_1 = arith.constant 0 : i32
    return %arg0, %c0_i32, %c0_i32_0 : i32, i32, i32
  }
}

module attributes {stable_mosaic.version = 14 : i64} {
  func.func @body(%arg0: i32, %arg1: i32, %arg2: memref<1x64x3xf32, #tpu.memory_space<vmem>>, %arg3: memref<1x64x32xi32, #tpu.memory_space<vmem>>, %arg4: memref<1x256x131xf32, #tpu.memory_space<vmem>>, %arg5: memref<131x128xf32, #tpu.memory_space<vmem>>, %arg6: memref<1x128xf32, #tpu.memory_space<vmem>>, %arg7: memref<1x2048x128xf32, #tpu.memory_space<vmem>>, %arg8: memref<8x128xf32, #tpu.memory_space<vmem>>) attributes {dimension_semantics = [#tpu.dimension_semantics<arbitrary>, #tpu.dimension_semantics<arbitrary>], iteration_bounds = array<i64: 8, 1>, scalar_prefetch = 0 : i64, scratch_operands = 0 : i64, tpu.core_type = #tpu.core_type<tc>, window_params = [{transform_indices = @transform_0, window_bounds = array<i64: 1, 64, 3>}, {transform_indices = @transform_1, window_bounds = array<i64: 1, 64, 32>}, {transform_indices = @transform_2, window_bounds = array<i64: 1, 256, 131>}, {pipeline_mode = #tpu.pipeline_mode<synchronous>, transform_indices = @transform_3, window_bounds = array<i64: 131, 128>}, {pipeline_mode = #tpu.pipeline_mode<synchronous>, transform_indices = @transform_4, window_bounds = array<i64: 1, 128>}, {transform_indices = @transform_5, window_bounds = array<i64: 1, 2048, 128>}, {pipeline_mode = #tpu.pipeline_mode<synchronous>, transform_indices = @transform_6, window_bounds = array<i64: 8, 128>}]} {
    %get3A = arith.constant 0 : index
    %get3A_0 = arith.constant 0 : index
    %get3A_1 = arith.constant 0 : index
    %get3A_2 = vector.load %arg2[%get3A, %get3A_0, %get3A_1] : memref<1x64x3xf32, #tpu.memory_space<vmem>>, vector<1x64x3xf32>
    %get3A_3 = vector.shape_cast %get3A_2 : vector<1x64x3xf32> to vector<64x3xf32>
    %get3A_4 = arith.constant 0 : index
    %get3A_5 = arith.constant 0 : index
    %get3A_6 = arith.constant 0 : index
    %get3A_7 = vector.load %arg3[%get3A_4, %get3A_5, %get3A_6] : memref<1x64x32xi32, #tpu.memory_space<vmem>>, vector<1x64x32xi32>
    %get3A_8 = vector.shape_cast %get3A_7 : vector<1x64x32xi32> to vector<64x32xi32>
    %iota3A = tpu.iota {dimensions = array<i32: 1>} : vector<64x256xi32>
    %slice3A = vector.extract_strided_slice %get3A_8 {offsets = [0, 0], sizes = [64, 1], strides = [1, 1]} : vector<64x32xi32> to vector<64x1xi32>
    %eq3A = vector.broadcast %slice3A : vector<64x1xi32> to vector<64x256xi32>
    %eq3A_9 = arith.cmpi eq, %iota3A, %eq3A : vector<64x256xi32>
    %convert_element_type3A = arith.extui %eq3A_9 : vector<64x256xi1> to vector<64x256xi32>
    %convert_element_type3A_10 = arith.sitofp %convert_element_type3A : vector<64x256xi32> to vector<64x256xf32>
    %slice3A_11 = vector.extract_strided_slice %get3A_8 {offsets = [0, 1], sizes = [64, 1], strides = [1, 1]} : vector<64x32xi32> to vector<64x1xi32>
    %eq3A_12 = vector.broadcast %slice3A_11 : vector<64x1xi32> to vector<64x256xi32>
    %eq3A_13 = arith.cmpi eq, %iota3A, %eq3A_12 : vector<64x256xi32>
    %convert_element_type3A_14 = arith.extui %eq3A_13 : vector<64x256xi1> to vector<64x256xi32>
    %convert_element_type3A_15 = arith.sitofp %convert_element_type3A_14 : vector<64x256xi32> to vector<64x256xf32>
    %slice3A_16 = vector.extract_strided_slice %get3A_8 {offsets = [0, 2], sizes = [64, 1], strides = [1, 1]} : vector<64x32xi32> to vector<64x1xi32>
    %eq3A_17 = vector.broadcast %slice3A_16 : vector<64x1xi32> to vector<64x256xi32>
    %eq3A_18 = arith.cmpi eq, %iota3A, %eq3A_17 : vector<64x256xi32>
    %convert_element_type3A_19 = arith.extui %eq3A_18 : vector<64x256xi1> to vector<64x256xi32>
    %convert_element_type3A_20 = arith.sitofp %convert_element_type3A_19 : vector<64x256xi32> to vector<64x256xf32>
    %slice3A_21 = vector.extract_strided_slice %get3A_8 {offsets = [0, 3], sizes = [64, 1], strides = [1, 1]} : vector<64x32xi32> to vector<64x1xi32>
    %eq3A_22 = vector.broadcast %slice3A_21 : vector<64x1xi32> to vector<64x256xi32>
    %eq3A_23 = arith.cmpi eq, %iota3A, %eq3A_22 : vector<64x256xi32>
    %convert_element_type3A_24 = arith.extui %eq3A_23 : vector<64x256xi1> to vector<64x256xi32>
    %convert_element_type3A_25 = arith.sitofp %convert_element_type3A_24 : vector<64x256xi32> to vector<64x256xf32>
    %slice3A_26 = vector.extract_strided_slice %get3A_8 {offsets = [0, 4], sizes = [64, 1], strides = [1, 1]} : vector<64x32xi32> to vector<64x1xi32>
    %eq3A_27 = vector.broadcast %slice3A_26 : vector<64x1xi32> to vector<64x256xi32>
    %eq3A_28 = arith.cmpi eq, %iota3A, %eq3A_27 : vector<64x256xi32>
    %convert_element_type3A_29 = arith.extui %eq3A_28 : vector<64x256xi1> to vector<64x256xi32>
    %convert_element_type3A_30 = arith.sitofp %convert_element_type3A_29 : vector<64x256xi32> to vector<64x256xf32>
    %slice3A_31 = vector.extract_strided_slice %get3A_8 {offsets = [0, 5], sizes = [64, 1], strides = [1, 1]} : vector<64x32xi32> to vector<64x1xi32>
    %eq3A_32 = vector.broadcast %slice3A_31 : vector<64x1xi32> to vector<64x256xi32>
    %eq3A_33 = arith.cmpi eq, %iota3A, %eq3A_32 : vector<64x256xi32>
    %convert_element_type3A_34 = arith.extui %eq3A_33 : vector<64x256xi1> to vector<64x256xi32>
    %convert_element_type3A_35 = arith.sitofp %convert_element_type3A_34 : vector<64x256xi32> to vector<64x256xf32>
    %slice3A_36 = vector.extract_strided_slice %get3A_8 {offsets = [0, 6], sizes = [64, 1], strides = [1, 1]} : vector<64x32xi32> to vector<64x1xi32>
    %eq3A_37 = vector.broadcast %slice3A_36 : vector<64x1xi32> to vector<64x256xi32>
    %eq3A_38 = arith.cmpi eq, %iota3A, %eq3A_37 : vector<64x256xi32>
    %convert_element_type3A_39 = arith.extui %eq3A_38 : vector<64x256xi1> to vector<64x256xi32>
    %convert_element_type3A_40 = arith.sitofp %convert_element_type3A_39 : vector<64x256xi32> to vector<64x256xf32>
    %slice3A_41 = vector.extract_strided_slice %get3A_8 {offsets = [0, 7], sizes = [64, 1], strides = [1, 1]} : vector<64x32xi32> to vector<64x1xi32>
    %eq3A_42 = vector.broadcast %slice3A_41 : vector<64x1xi32> to vector<64x256xi32>
    %eq3A_43 = arith.cmpi eq, %iota3A, %eq3A_42 : vector<64x256xi32>
    %convert_element_type3A_44 = arith.extui %eq3A_43 : vector<64x256xi1> to vector<64x256xi32>
    %convert_element_type3A_45 = arith.sitofp %convert_element_type3A_44 : vector<64x256xi32> to vector<64x256xf32>
    %slice3A_46 = vector.extract_strided_slice %get3A_8 {offsets = [0, 8], sizes = [64, 1], strides = [1, 1]} : vector<64x32xi32> to vector<64x1xi32>
    %eq3A_47 = vector.broadcast %slice3A_46 : vector<64x1xi32> to vector<64x256xi32>
    %eq3A_48 = arith.cmpi eq, %iota3A, %eq3A_47 : vector<64x256xi32>
    %convert_element_type3A_49 = arith.extui %eq3A_48 : vector<64x256xi1> to vector<64x256xi32>
    %convert_element_type3A_50 = arith.sitofp %convert_element_type3A_49 : vector<64x256xi32> to vector<64x256xf32>
    %slice3A_51 = vector.extract_strided_slice %get3A_8 {offsets = [0, 9], sizes = [64, 1], strides = [1, 1]} : vector<64x32xi32> to vector<64x1xi32>
    %eq3A_52 = vector.broadcast %slice3A_51 : vector<64x1xi32> to vector<64x256xi32>
    %eq3A_53 = arith.cmpi eq, %iota3A, %eq3A_52 : vector<64x256xi32>
    %convert_element_type3A_54 = arith.extui %eq3A_53 : vector<64x256xi1> to vector<64x256xi32>
    %convert_element_type3A_55 = arith.sitofp %convert_element_type3A_54 : vector<64x256xi32> to vector<64x256xf32>
    %slice3A_56 = vector.extract_strided_slice %get3A_8 {offsets = [0, 10], sizes = [64, 1], strides = [1, 1]} : vector<64x32xi32> to vector<64x1xi32>
    %eq3A_57 = vector.broadcast %slice3A_56 : vector<64x1xi32> to vector<64x256xi32>
    %eq3A_58 = arith.cmpi eq, %iota3A, %eq3A_57 : vector<64x256xi32>
    %convert_element_type3A_59 = arith.extui %eq3A_58 : vector<64x256xi1> to vector<64x256xi32>
    %convert_element_type3A_60 = arith.sitofp %convert_element_type3A_59 : vector<64x256xi32> to vector<64x256xf32>
    %slice3A_61 = vector.extract_strided_slice %get3A_8 {offsets = [0, 11], sizes = [64, 1], strides = [1, 1]} : vector<64x32xi32> to vector<64x1xi32>
    %eq3A_62 = vector.broadcast %slice3A_61 : vector<64x1xi32> to vector<64x256xi32>
    %eq3A_63 = arith.cmpi eq, %iota3A, %eq3A_62 : vector<64x256xi32>
    %convert_element_type3A_64 = arith.extui %eq3A_63 : vector<64x256xi1> to vector<64x256xi32>
    %convert_element_type3A_65 = arith.sitofp %convert_element_type3A_64 : vector<64x256xi32> to vector<64x256xf32>
    %slice3A_66 = vector.extract_strided_slice %get3A_8 {offsets = [0, 12], sizes = [64, 1], strides = [1, 1]} : vector<64x32xi32> to vector<64x1xi32>
    %eq3A_67 = vector.broadcast %slice3A_66 : vector<64x1xi32> to vector<64x256xi32>
    %eq3A_68 = arith.cmpi eq, %iota3A, %eq3A_67 : vector<64x256xi32>
    %convert_element_type3A_69 = arith.extui %eq3A_68 : vector<64x256xi1> to vector<64x256xi32>
    %convert_element_type3A_70 = arith.sitofp %convert_element_type3A_69 : vector<64x256xi32> to vector<64x256xf32>
    %slice3A_71 = vector.extract_strided_slice %get3A_8 {offsets = [0, 13], sizes = [64, 1], strides = [1, 1]} : vector<64x32xi32> to vector<64x1xi32>
    %eq3A_72 = vector.broadcast %slice3A_71 : vector<64x1xi32> to vector<64x256xi32>
    %eq3A_73 = arith.cmpi eq, %iota3A, %eq3A_72 : vector<64x256xi32>
    %convert_element_type3A_74 = arith.extui %eq3A_73 : vector<64x256xi1> to vector<64x256xi32>
    %convert_element_type3A_75 = arith.sitofp %convert_element_type3A_74 : vector<64x256xi32> to vector<64x256xf32>
    %slice3A_76 = vector.extract_strided_slice %get3A_8 {offsets = [0, 14], sizes = [64, 1], strides = [1, 1]} : vector<64x32xi32> to vector<64x1xi32>
    %eq3A_77 = vector.broadcast %slice3A_76 : vector<64x1xi32> to vector<64x256xi32>
    %eq3A_78 = arith.cmpi eq, %iota3A, %eq3A_77 : vector<64x256xi32>
    %convert_element_type3A_79 = arith.extui %eq3A_78 : vector<64x256xi1> to vector<64x256xi32>
    %convert_element_type3A_80 = arith.sitofp %convert_element_type3A_79 : vector<64x256xi32> to vector<64x256xf32>
    %slice3A_81 = vector.extract_strided_slice %get3A_8 {offsets = [0, 15], sizes = [64, 1], strides = [1, 1]} : vector<64x32xi32> to vector<64x1xi32>
    %eq3A_82 = vector.broadcast %slice3A_81 : vector<64x1xi32> to vector<64x256xi32>
    %eq3A_83 = arith.cmpi eq, %iota3A, %eq3A_82 : vector<64x256xi32>
    %convert_element_type3A_84 = arith.extui %eq3A_83 : vector<64x256xi1> to vector<64x256xi32>
    %convert_element_type3A_85 = arith.sitofp %convert_element_type3A_84 : vector<64x256xi32> to vector<64x256xf32>
    %slice3A_86 = vector.extract_strided_slice %get3A_8 {offsets = [0, 16], sizes = [64, 1], strides = [1, 1]} : vector<64x32xi32> to vector<64x1xi32>
    %eq3A_87 = vector.broadcast %slice3A_86 : vector<64x1xi32> to vector<64x256xi32>
    %eq3A_88 = arith.cmpi eq, %iota3A, %eq3A_87 : vector<64x256xi32>
    %convert_element_type3A_89 = arith.extui %eq3A_88 : vector<64x256xi1> to vector<64x256xi32>
    %convert_element_type3A_90 = arith.sitofp %convert_element_type3A_89 : vector<64x256xi32> to vector<64x256xf32>
    %slice3A_91 = vector.extract_strided_slice %get3A_8 {offsets = [0, 17], sizes = [64, 1], strides = [1, 1]} : vector<64x32xi32> to vector<64x1xi32>
    %eq3A_92 = vector.broadcast %slice3A_91 : vector<64x1xi32> to vector<64x256xi32>
    %eq3A_93 = arith.cmpi eq, %iota3A, %eq3A_92 : vector<64x256xi32>
    %convert_element_type3A_94 = arith.extui %eq3A_93 : vector<64x256xi1> to vector<64x256xi32>
    %convert_element_type3A_95 = arith.sitofp %convert_element_type3A_94 : vector<64x256xi32> to vector<64x256xf32>
    %slice3A_96 = vector.extract_strided_slice %get3A_8 {offsets = [0, 18], sizes = [64, 1], strides = [1, 1]} : vector<64x32xi32> to vector<64x1xi32>
    %eq3A_97 = vector.broadcast %slice3A_96 : vector<64x1xi32> to vector<64x256xi32>
    %eq3A_98 = arith.cmpi eq, %iota3A, %eq3A_97 : vector<64x256xi32>
    %convert_element_type3A_99 = arith.extui %eq3A_98 : vector<64x256xi1> to vector<64x256xi32>
    %convert_element_type3A_100 = arith.sitofp %convert_element_type3A_99 : vector<64x256xi32> to vector<64x256xf32>
    %slice3A_101 = vector.extract_strided_slice %get3A_8 {offsets = [0, 19], sizes = [64, 1], strides = [1, 1]} : vector<64x32xi32> to vector<64x1xi32>
    %eq3A_102 = vector.broadcast %slice3A_101 : vector<64x1xi32> to vector<64x256xi32>
    %eq3A_103 = arith.cmpi eq, %iota3A, %eq3A_102 : vector<64x256xi32>
    %convert_element_type3A_104 = arith.extui %eq3A_103 : vector<64x256xi1> to vector<64x256xi32>
    %convert_element_type3A_105 = arith.sitofp %convert_element_type3A_104 : vector<64x256xi32> to vector<64x256xf32>
    %slice3A_106 = vector.extract_strided_slice %get3A_8 {offsets = [0, 20], sizes = [64, 1], strides = [1, 1]} : vector<64x32xi32> to vector<64x1xi32>
    %eq3A_107 = vector.broadcast %slice3A_106 : vector<64x1xi32> to vector<64x256xi32>
    %eq3A_108 = arith.cmpi eq, %iota3A, %eq3A_107 : vector<64x256xi32>
    %convert_element_type3A_109 = arith.extui %eq3A_108 : vector<64x256xi1> to vector<64x256xi32>
    %convert_element_type3A_110 = arith.sitofp %convert_element_type3A_109 : vector<64x256xi32> to vector<64x256xf32>
    %slice3A_111 = vector.extract_strided_slice %get3A_8 {offsets = [0, 21], sizes = [64, 1], strides = [1, 1]} : vector<64x32xi32> to vector<64x1xi32>
    %eq3A_112 = vector.broadcast %slice3A_111 : vector<64x1xi32> to vector<64x256xi32>
    %eq3A_113 = arith.cmpi eq, %iota3A, %eq3A_112 : vector<64x256xi32>
    %convert_element_type3A_114 = arith.extui %eq3A_113 : vector<64x256xi1> to vector<64x256xi32>
    %convert_element_type3A_115 = arith.sitofp %convert_element_type3A_114 : vector<64x256xi32> to vector<64x256xf32>
    %slice3A_116 = vector.extract_strided_slice %get3A_8 {offsets = [0, 22], sizes = [64, 1], strides = [1, 1]} : vector<64x32xi32> to vector<64x1xi32>
    %eq3A_117 = vector.broadcast %slice3A_116 : vector<64x1xi32> to vector<64x256xi32>
    %eq3A_118 = arith.cmpi eq, %iota3A, %eq3A_117 : vector<64x256xi32>
    %convert_element_type3A_119 = arith.extui %eq3A_118 : vector<64x256xi1> to vector<64x256xi32>
    %convert_element_type3A_120 = arith.sitofp %convert_element_type3A_119 : vector<64x256xi32> to vector<64x256xf32>
    %slice3A_121 = vector.extract_strided_slice %get3A_8 {offsets = [0, 23], sizes = [64, 1], strides = [1, 1]} : vector<64x32xi32> to vector<64x1xi32>
    %eq3A_122 = vector.broadcast %slice3A_121 : vector<64x1xi32> to vector<64x256xi32>
    %eq3A_123 = arith.cmpi eq, %iota3A, %eq3A_122 : vector<64x256xi32>
    %convert_element_type3A_124 = arith.extui %eq3A_123 : vector<64x256xi1> to vector<64x256xi32>
    %convert_element_type3A_125 = arith.sitofp %convert_element_type3A_124 : vector<64x256xi32> to vector<64x256xf32>
    %slice3A_126 = vector.extract_strided_slice %get3A_8 {offsets = [0, 24], sizes = [64, 1], strides = [1, 1]} : vector<64x32xi32> to vector<64x1xi32>
    %eq3A_127 = vector.broadcast %slice3A_126 : vector<64x1xi32> to vector<64x256xi32>
    %eq3A_128 = arith.cmpi eq, %iota3A, %eq3A_127 : vector<64x256xi32>
    %convert_element_type3A_129 = arith.extui %eq3A_128 : vector<64x256xi1> to vector<64x256xi32>
    %convert_element_type3A_130 = arith.sitofp %convert_element_type3A_129 : vector<64x256xi32> to vector<64x256xf32>
    %slice3A_131 = vector.extract_strided_slice %get3A_8 {offsets = [0, 25], sizes = [64, 1], strides = [1, 1]} : vector<64x32xi32> to vector<64x1xi32>
    %eq3A_132 = vector.broadcast %slice3A_131 : vector<64x1xi32> to vector<64x256xi32>
    %eq3A_133 = arith.cmpi eq, %iota3A, %eq3A_132 : vector<64x256xi32>
    %convert_element_type3A_134 = arith.extui %eq3A_133 : vector<64x256xi1> to vector<64x256xi32>
    %convert_element_type3A_135 = arith.sitofp %convert_element_type3A_134 : vector<64x256xi32> to vector<64x256xf32>
    %slice3A_136 = vector.extract_strided_slice %get3A_8 {offsets = [0, 26], sizes = [64, 1], strides = [1, 1]} : vector<64x32xi32> to vector<64x1xi32>
    %eq3A_137 = vector.broadcast %slice3A_136 : vector<64x1xi32> to vector<64x256xi32>
    %eq3A_138 = arith.cmpi eq, %iota3A, %eq3A_137 : vector<64x256xi32>
    %convert_element_type3A_139 = arith.extui %eq3A_138 : vector<64x256xi1> to vector<64x256xi32>
    %convert_element_type3A_140 = arith.sitofp %convert_element_type3A_139 : vector<64x256xi32> to vector<64x256xf32>
    %slice3A_141 = vector.extract_strided_slice %get3A_8 {offsets = [0, 27], sizes = [64, 1], strides = [1, 1]} : vector<64x32xi32> to vector<64x1xi32>
    %eq3A_142 = vector.broadcast %slice3A_141 : vector<64x1xi32> to vector<64x256xi32>
    %eq3A_143 = arith.cmpi eq, %iota3A, %eq3A_142 : vector<64x256xi32>
    %convert_element_type3A_144 = arith.extui %eq3A_143 : vector<64x256xi1> to vector<64x256xi32>
    %convert_element_type3A_145 = arith.sitofp %convert_element_type3A_144 : vector<64x256xi32> to vector<64x256xf32>
    %slice3A_146 = vector.extract_strided_slice %get3A_8 {offsets = [0, 28], sizes = [64, 1], strides = [1, 1]} : vector<64x32xi32> to vector<64x1xi32>
    %eq3A_147 = vector.broadcast %slice3A_146 : vector<64x1xi32> to vector<64x256xi32>
    %eq3A_148 = arith.cmpi eq, %iota3A, %eq3A_147 : vector<64x256xi32>
    %convert_element_type3A_149 = arith.extui %eq3A_148 : vector<64x256xi1> to vector<64x256xi32>
    %convert_element_type3A_150 = arith.sitofp %convert_element_type3A_149 : vector<64x256xi32> to vector<64x256xf32>
    %slice3A_151 = vector.extract_strided_slice %get3A_8 {offsets = [0, 29], sizes = [64, 1], strides = [1, 1]} : vector<64x32xi32> to vector<64x1xi32>
    %eq3A_152 = vector.broadcast %slice3A_151 : vector<64x1xi32> to vector<64x256xi32>
    %eq3A_153 = arith.cmpi eq, %iota3A, %eq3A_152 : vector<64x256xi32>
    %convert_element_type3A_154 = arith.extui %eq3A_153 : vector<64x256xi1> to vector<64x256xi32>
    %convert_element_type3A_155 = arith.sitofp %convert_element_type3A_154 : vector<64x256xi32> to vector<64x256xf32>
    %slice3A_156 = vector.extract_strided_slice %get3A_8 {offsets = [0, 30], sizes = [64, 1], strides = [1, 1]} : vector<64x32xi32> to vector<64x1xi32>
    %eq3A_157 = vector.broadcast %slice3A_156 : vector<64x1xi32> to vector<64x256xi32>
    %eq3A_158 = arith.cmpi eq, %iota3A, %eq3A_157 : vector<64x256xi32>
    %convert_element_type3A_159 = arith.extui %eq3A_158 : vector<64x256xi1> to vector<64x256xi32>
    %convert_element_type3A_160 = arith.sitofp %convert_element_type3A_159 : vector<64x256xi32> to vector<64x256xf32>
    %slice3A_161 = vector.extract_strided_slice %get3A_8 {offsets = [0, 31], sizes = [64, 1], strides = [1, 1]} : vector<64x32xi32> to vector<64x1xi32>
    %eq3A_162 = vector.broadcast %slice3A_161 : vector<64x1xi32> to vector<64x256xi32>
    %eq3A_163 = arith.cmpi eq, %iota3A, %eq3A_162 : vector<64x256xi32>
    %convert_element_type3A_164 = arith.extui %eq3A_163 : vector<64x256xi1> to vector<64x256xi32>
    %convert_element_type3A_165 = arith.sitofp %convert_element_type3A_164 : vector<64x256xi32> to vector<64x256xf32>
    %concatenate3A = tpu.concatenate %convert_element_type3A_10, %convert_element_type3A_15, %convert_element_type3A_20, %convert_element_type3A_25, %convert_element_type3A_30, %convert_element_type3A_35, %convert_element_type3A_40, %convert_element_type3A_45, %convert_element_type3A_50, %convert_element_type3A_55, %convert_element_type3A_60, %convert_element_type3A_65, %convert_element_type3A_70, %convert_element_type3A_75, %convert_element_type3A_80, %convert_element_type3A_85, %convert_element_type3A_90, %convert_element_type3A_95, %convert_element_type3A_100, %convert_element_type3A_105, %convert_element_type3A_110, %convert_element_type3A_115, %convert_element_type3A_120, %convert_element_type3A_125, %convert_element_type3A_130, %convert_element_type3A_135, %convert_element_type3A_140, %convert_element_type3A_145, %convert_element_type3A_150, %convert_element_type3A_155, %convert_element_type3A_160, %convert_element_type3A_165 in 0 : vector<64x256xf32>, vector<64x256xf32>, vector<64x256xf32>, vector<64x256xf32>, vector<64x256xf32>, vector<64x256xf32>, vector<64x256xf32>, vector<64x256xf32>, vector<64x256xf32>, vector<64x256xf32>, vector<64x256xf32>, vector<64x256xf32>, vector<64x256xf32>, vector<64x256xf32>, vector<64x256xf32>, vector<64x256xf32>, vector<64x256xf32>, vector<64x256xf32>, vector<64x256xf32>, vector<64x256xf32>, vector<64x256xf32>, vector<64x256xf32>, vector<64x256xf32>, vector<64x256xf32>, vector<64x256xf32>, vector<64x256xf32>, vector<64x256xf32>, vector<64x256xf32>, vector<64x256xf32>, vector<64x256xf32>, vector<64x256xf32>, vector<64x256xf32> -> vector<2048x256xf32>
    %get3A_166 = arith.constant 0 : index
    %get3A_167 = arith.constant 0 : index
    %get3A_168 = arith.constant 0 : index
    %get3A_169 = vector.load %arg4[%get3A_166, %get3A_167, %get3A_168] : memref<1x256x131xf32, #tpu.memory_space<vmem>>, vector<1x256x131xf32>
    %get3A_170 = vector.shape_cast %get3A_169 : vector<1x256x131xf32> to vector<256x131xf32>
    %dot_general3A = arith.constant dense<0.000000e+00> : vector<2048x131xf32>
    %dot_general3A_171 = tpu.matmul %concatenate3A, %get3A_170, %dot_general3A {dimension_numbers = #tpu.dot_dimension_numbers<[1], [0], [0], [1], [0, 0, 1, 1], [], []>, transpose_lhs_hint = false} : vector<2048x256xf32>, vector<256x131xf32>, vector<2048x131xf32> -> vector<2048x131xf32>
    %get3A_172 = arith.constant 0 : index
    %get3A_173 = arith.constant 0 : index
    %get3A_174 = vector.load %arg5[%get3A_172, %get3A_173] : memref<131x128xf32, #tpu.memory_space<vmem>>, vector<131x128xf32>
    %dot_general3A_175 = arith.constant dense<0.000000e+00> : vector<2048x128xf32>
    %dot_general3A_176 = tpu.matmul %dot_general3A_171, %get3A_174, %dot_general3A_175 {dimension_numbers = #tpu.dot_dimension_numbers<[1], [0], [0], [1], [0, 0, 1, 1], [], []>, transpose_lhs_hint = false} : vector<2048x131xf32>, vector<131x128xf32>, vector<2048x128xf32> -> vector<2048x128xf32>
    %get3A_177 = arith.constant 0 : index
    %get3A_178 = arith.constant 0 : index
    %get3A_179 = vector.load %arg5[%get3A_177, %get3A_178] : memref<131x128xf32, #tpu.memory_space<vmem>>, vector<3x128xf32>
    %dot_general3A_180 = arith.constant dense<0.000000e+00> : vector<64x128xf32>
    %dot_general3A_181 = tpu.matmul %get3A_3, %get3A_179, %dot_general3A_180 {dimension_numbers = #tpu.dot_dimension_numbers<[1], [0], [0], [1], [0, 0, 1, 1], [], []>, transpose_lhs_hint = false} : vector<64x3xf32>, vector<3x128xf32>, vector<64x128xf32> -> vector<64x128xf32>
    %reshape3A = vector.shape_cast %dot_general3A_176 : vector<2048x128xf32> to vector<32x64x128xf32>
    %broadcast_in_dim3A = vector.shape_cast %dot_general3A_181 : vector<64x128xf32> to vector<1x64x128xf32>
    %sub3A = vector.broadcast %broadcast_in_dim3A : vector<1x64x128xf32> to vector<32x64x128xf32>
    %sub3A_182 = arith.subf %reshape3A, %sub3A : vector<32x64x128xf32>
    %get3A_183 = arith.constant 0 : index
    %get3A_184 = arith.constant 0 : index
    %get3A_185 = vector.load %arg6[%get3A_183, %get3A_184] : memref<1x128xf32, #tpu.memory_space<vmem>>, vector<1x128xf32>
    %broadcast_in_dim3A_186 = vector.shape_cast %get3A_185 : vector<1x128xf32> to vector<1x1x128xf32>
    %add3A = vector.broadcast %broadcast_in_dim3A_186 : vector<1x1x128xf32> to vector<32x64x128xf32>
    %add3A_187 = arith.addf %sub3A_182, %add3A : vector<32x64x128xf32>
    %reshape3A_188 = vector.shape_cast %add3A_187 : vector<32x64x128xf32> to vector<2048x128xf32>
    %swap3A = arith.constant 0 : index
    %swap3A_189 = arith.constant 0 : index
    %swap3A_190 = arith.constant 0 : index
    %swap3A_191 = vector.load %arg7[%swap3A, %swap3A_189, %swap3A_190] : memref<1x2048x128xf32, #tpu.memory_space<vmem>>, vector<1x2048x128xf32>
    %swap3A_192 = vector.shape_cast %swap3A_191 : vector<1x2048x128xf32> to vector<2048x128xf32>
    %swap3A_193 = vector.shape_cast %reshape3A_188 : vector<2048x128xf32> to vector<1x2048x128xf32>
    tpu.vector_store %arg7[%swap3A, %swap3A_189, %swap3A_190], %swap3A_193 {strides = array<i32>} : memref<1x2048x128xf32, #tpu.memory_space<vmem>>, vector<1x2048x128xf32>,
    %eq3A_194 = arith.constant 0 : i32
    %eq3A_195 = arith.cmpi eq, %arg0, %eq3A_194 : i32
    %eq3A_196 = arith.constant 0 : i32
    %eq3A_197 = arith.cmpi eq, %arg1, %eq3A_196 : i32
    %and3A = arith.andi %eq3A_195, %eq3A_197 : i1
    %convert_element_type3A_198 = arith.extui %and3A : i1 to i32
    %cond3A = arith.constant 0 : i32
    %cond3A_199 = arith.cmpi ne, %convert_element_type3A_198, %cond3A : i32
    scf.if %cond3A_199 {
      %broadcast_in_dim3A_219 = arith.constant 0.000000e+00 : f32
      %broadcast_in_dim3A_220 = vector.broadcast %broadcast_in_dim3A_219 : f32 to vector<8x128xf32>
      %swap3A_221 = arith.constant 0 : index
      %swap3A_222 = arith.constant 0 : index
      %swap3A_223 = vector.load %arg8[%swap3A_221, %swap3A_222] : memref<8x128xf32, #tpu.memory_space<vmem>>, vector<8x128xf32>
      tpu.vector_store %arg8[%swap3A_221, %swap3A_222], %broadcast_in_dim3A_220 {strides = array<i32>} : memref<8x128xf32, #tpu.memory_space<vmem>>, vector<8x128xf32>,
    } else {
    }
    %get3A_200 = arith.constant 0 : index
    %get3A_201 = arith.constant 0 : index
    %get3A_202 = vector.load %arg8[%get3A_200, %get3A_201] : memref<8x128xf32, #tpu.memory_space<vmem>>, vector<1x128xf32>
    %reduce_sum3A = arith.constant dense<0.000000e+00> : vector<128xf32>
    %reduce_sum3A_203 = vector.multi_reduction <add>, %reshape3A_188, %reduce_sum3A [0] : vector<2048x128xf32> to vector<128xf32>
    %broadcast_in_dim3A_204 = vector.shape_cast %reduce_sum3A_203 : vector<128xf32> to vector<1x128xf32>
    %add3A_205 = arith.addf %get3A_202, %broadcast_in_dim3A_204 : vector<1x128xf32>
    %swap3A_206 = arith.constant 0 : index
    %swap3A_207 = arith.constant 0 : index
    %swap3A_208 = vector.load %arg8[%swap3A_206, %swap3A_207] : memref<8x128xf32, #tpu.memory_space<vmem>>, vector<1x128xf32>
    tpu.vector_store %arg8[%swap3A_206, %swap3A_207], %add3A_205 {strides = array<i32>} : memref<8x128xf32, #tpu.memory_space<vmem>>, vector<1x128xf32>,
    %get3A_209 = arith.constant 1 : index
    %get3A_210 = arith.constant 0 : index
    %get3A_211 = vector.load %arg8[%get3A_209, %get3A_210] : memref<8x128xf32, #tpu.memory_space<vmem>>, vector<1x128xf32>
    %mul3A = arith.mulf %reshape3A_188, %reshape3A_188 : vector<2048x128xf32>
    %reduce_sum3A_212 = arith.constant dense<0.000000e+00> : vector<128xf32>
    %reduce_sum3A_213 = vector.multi_reduction <add>, %mul3A, %reduce_sum3A_212 [0] : vector<2048x128xf32> to vector<128xf32>
    %broadcast_in_dim3A_214 = vector.shape_cast %reduce_sum3A_213 : vector<128xf32> to vector<1x128xf32>
    %add3A_215 = arith.addf %get3A_211, %broadcast_in_dim3A_214 : vector<1x128xf32>
    %swap3A_216 = arith.constant 1 : index
    %swap3A_217 = arith.constant 0 : index
    %swap3A_218 = vector.load %arg8[%swap3A_216, %swap3A_217] : memref<8x128xf32, #tpu.memory_space<vmem>>, vector<1x128xf32>
    tpu.vector_store %arg8[%swap3A_216, %swap3A_217], %add3A_215 {strides = array<i32>} : memref<8x128xf32, #tpu.memory_space<vmem>>, vector<1x128xf32>,
    return
  }
  func.func @transform_0(%arg0: i32, %arg1: i32) -> (i32, i32, i32) {
    %c0_i32 = arith.constant 0 : i32
    %c0_i32_0 = arith.constant 0 : i32
    return %arg0, %arg1, %c0_i32 : i32, i32, i32
  }
  func.func @transform_1(%arg0: i32, %arg1: i32) -> (i32, i32, i32) {
    %c0_i32 = arith.constant 0 : i32
    %c0_i32_0 = arith.constant 0 : i32
    return %arg0, %arg1, %c0_i32 : i32, i32, i32
  }
  func.func @transform_2(%arg0: i32, %arg1: i32) -> (i32, i32, i32) {
    %c0_i32 = arith.constant 0 : i32
    %c0_i32_0 = arith.constant 0 : i32
    %c0_i32_1 = arith.constant 0 : i32
    return %arg0, %c0_i32, %c0_i32_0 : i32, i32, i32
  }
  func.func @transform_3(%arg0: i32, %arg1: i32) -> (i32, i32) {
    %c0_i32 = arith.constant 0 : i32
    %c0_i32_0 = arith.constant 0 : i32
    %c0_i32_1 = arith.constant 0 : i32
    return %c0_i32, %c0_i32_0 : i32, i32
  }
  func.func @transform_4(%arg0: i32, %arg1: i32) -> (i32, i32) {
    %c0_i32 = arith.constant 0 : i32
    %c0_i32_0 = arith.constant 0 : i32
    %c0_i32_1 = arith.constant 0 : i32
    return %c0_i32, %c0_i32_0 : i32, i32
  }
  func.func @transform_5(%arg0: i32, %arg1: i32) -> (i32, i32, i32) {
    %c0_i32 = arith.constant 0 : i32
    %c0_i32_0 = arith.constant 0 : i32
    return %arg0, %arg1, %c0_i32 : i32, i32, i32
  }
  func.func @transform_6(%arg0: i32, %arg1: i32) -> (i32, i32) {
    %c0_i32 = arith.constant 0 : i32
    %c0_i32_0 = arith.constant 0 : i32
    %c0_i32_1 = arith.constant 0 : i32
    return %c0_i32, %c0_i32_0 : i32, i32
  }
}

module attributes {stable_mosaic.version = 14 : i64} {
  func.func @_mm_body(%arg0: i32, %arg1: memref<8192x128xf32, #tpu.memory_space<vmem>>, %arg2: memref<1x128xf32, #tpu.memory_space<vmem>>, %arg3: memref<1x128xf32, #tpu.memory_space<vmem>>, %arg4: memref<128x128xf32, #tpu.memory_space<vmem>>, %arg5: memref<1x128xf32, #tpu.memory_space<vmem>>, %arg6: memref<8192x128xf32, #tpu.memory_space<vmem>>, %arg7: memref<8x128xf32, #tpu.memory_space<vmem>>) attributes {dimension_semantics = [#tpu.dimension_semantics<arbitrary>], iteration_bounds = array<i64: 2>, scalar_prefetch = 0 : i64, scratch_operands = 0 : i64, tpu.core_type = #tpu.core_type<tc>, window_params = [{transform_indices = @transform_0, window_bounds = array<i64: 8192, 128>}, {pipeline_mode = #tpu.pipeline_mode<synchronous>, transform_indices = @transform_1, window_bounds = array<i64: 1, 128>}, {pipeline_mode = #tpu.pipeline_mode<synchronous>, transform_indices = @transform_2, window_bounds = array<i64: 1, 128>}, {pipeline_mode = #tpu.pipeline_mode<synchronous>, transform_indices = @transform_3, window_bounds = array<i64: 128, 128>}, {pipeline_mode = #tpu.pipeline_mode<synchronous>, transform_indices = @transform_4, window_bounds = array<i64: 1, 128>}, {transform_indices = @transform_5, window_bounds = array<i64: 8192, 128>}, {pipeline_mode = #tpu.pipeline_mode<synchronous>, transform_indices = @transform_6, window_bounds = array<i64: 8, 128>}]} {
    %get3A = arith.constant 0 : index
    %get3A_0 = arith.constant 0 : index
    %get3A_1 = vector.load %arg1[%get3A, %get3A_0] : memref<8192x128xf32, #tpu.memory_space<vmem>>, vector<8192x128xf32>
    %get3A_2 = arith.constant 0 : index
    %get3A_3 = arith.constant 0 : index
    %get3A_4 = vector.load %arg2[%get3A_2, %get3A_3] : memref<1x128xf32, #tpu.memory_space<vmem>>, vector<1x128xf32>
    %mul3A = vector.broadcast %get3A_4 : vector<1x128xf32> to vector<8192x128xf32>
    %mul3A_5 = arith.mulf %get3A_1, %mul3A : vector<8192x128xf32>
    %get3A_6 = arith.constant 0 : index
    %get3A_7 = arith.constant 0 : index
    %get3A_8 = vector.load %arg3[%get3A_6, %get3A_7] : memref<1x128xf32, #tpu.memory_space<vmem>>, vector<1x128xf32>
    %add3A = vector.broadcast %get3A_8 : vector<1x128xf32> to vector<8192x128xf32>
    %add3A_9 = arith.addf %mul3A_5, %add3A : vector<8192x128xf32>
    %max3A = arith.constant 0.000000e+00 : f32
    %max3A_10 = vector.broadcast %max3A : f32 to vector<8192x128xf32>
    %max3A_11 = arith.maximumf %add3A_9, %max3A_10 : vector<8192x128xf32>
    %get3A_12 = arith.constant 0 : index
    %get3A_13 = arith.constant 0 : index
    %get3A_14 = vector.load %arg4[%get3A_12, %get3A_13] : memref<128x128xf32, #tpu.memory_space<vmem>>, vector<128x128xf32>
    %dot_general3A = arith.constant dense<0.000000e+00> : vector<8192x128xf32>
    %dot_general3A_15 = tpu.matmul %max3A_11, %get3A_14, %dot_general3A {dimension_numbers = #tpu.dot_dimension_numbers<[1], [0], [0], [1], [0, 0, 1, 1], [], []>, transpose_lhs_hint = false} : vector<8192x128xf32>, vector<128x128xf32>, vector<8192x128xf32> -> vector<8192x128xf32>
    %get3A_16 = arith.constant 0 : index
    %get3A_17 = arith.constant 0 : index
    %get3A_18 = vector.load %arg5[%get3A_16, %get3A_17] : memref<1x128xf32, #tpu.memory_space<vmem>>, vector<1x128xf32>
    %add3A_19 = vector.broadcast %get3A_18 : vector<1x128xf32> to vector<8192x128xf32>
    %add3A_20 = arith.addf %dot_general3A_15, %add3A_19 : vector<8192x128xf32>
    %swap3A = arith.constant 0 : index
    %swap3A_21 = arith.constant 0 : index
    %swap3A_22 = vector.load %arg6[%swap3A, %swap3A_21] : memref<8192x128xf32, #tpu.memory_space<vmem>>, vector<8192x128xf32>
    tpu.vector_store %arg6[%swap3A, %swap3A_21], %add3A_20 {strides = array<i32>} : memref<8192x128xf32, #tpu.memory_space<vmem>>, vector<8192x128xf32>,
    %eq3A = arith.constant 0 : i32
    %eq3A_23 = arith.cmpi eq, %arg0, %eq3A : i32
    %convert_element_type3A = arith.extui %eq3A_23 : i1 to i32
    %cond3A = arith.constant 0 : i32
    %cond3A_24 = arith.cmpi ne, %convert_element_type3A, %cond3A : i32
    scf.if %cond3A_24 {
      %broadcast_in_dim3A_44 = arith.constant 0.000000e+00 : f32
      %broadcast_in_dim3A_45 = vector.broadcast %broadcast_in_dim3A_44 : f32 to vector<8x128xf32>
      %swap3A_46 = arith.constant 0 : index
      %swap3A_47 = arith.constant 0 : index
      %swap3A_48 = vector.load %arg7[%swap3A_46, %swap3A_47] : memref<8x128xf32, #tpu.memory_space<vmem>>, vector<8x128xf32>
      tpu.vector_store %arg7[%swap3A_46, %swap3A_47], %broadcast_in_dim3A_45 {strides = array<i32>} : memref<8x128xf32, #tpu.memory_space<vmem>>, vector<8x128xf32>,
    } else {
    }
    %get3A_25 = arith.constant 0 : index
    %get3A_26 = arith.constant 0 : index
    %get3A_27 = vector.load %arg7[%get3A_25, %get3A_26] : memref<8x128xf32, #tpu.memory_space<vmem>>, vector<1x128xf32>
    %reduce_sum3A = arith.constant dense<0.000000e+00> : vector<128xf32>
    %reduce_sum3A_28 = vector.multi_reduction <add>, %add3A_20, %reduce_sum3A [0] : vector<8192x128xf32> to vector<128xf32>
    %broadcast_in_dim3A = vector.shape_cast %reduce_sum3A_28 : vector<128xf32> to vector<1x128xf32>
    %add3A_29 = arith.addf %get3A_27, %broadcast_in_dim3A : vector<1x128xf32>
    %swap3A_30 = arith.constant 0 : index
    %swap3A_31 = arith.constant 0 : index
    %swap3A_32 = vector.load %arg7[%swap3A_30, %swap3A_31] : memref<8x128xf32, #tpu.memory_space<vmem>>, vector<1x128xf32>
    tpu.vector_store %arg7[%swap3A_30, %swap3A_31], %add3A_29 {strides = array<i32>} : memref<8x128xf32, #tpu.memory_space<vmem>>, vector<1x128xf32>,
    %get3A_33 = arith.constant 1 : index
    %get3A_34 = arith.constant 0 : index
    %get3A_35 = vector.load %arg7[%get3A_33, %get3A_34] : memref<8x128xf32, #tpu.memory_space<vmem>>, vector<1x128xf32>
    %mul3A_36 = arith.mulf %add3A_20, %add3A_20 : vector<8192x128xf32>
    %reduce_sum3A_37 = arith.constant dense<0.000000e+00> : vector<128xf32>
    %reduce_sum3A_38 = vector.multi_reduction <add>, %mul3A_36, %reduce_sum3A_37 [0] : vector<8192x128xf32> to vector<128xf32>
    %broadcast_in_dim3A_39 = vector.shape_cast %reduce_sum3A_38 : vector<128xf32> to vector<1x128xf32>
    %add3A_40 = arith.addf %get3A_35, %broadcast_in_dim3A_39 : vector<1x128xf32>
    %swap3A_41 = arith.constant 1 : index
    %swap3A_42 = arith.constant 0 : index
    %swap3A_43 = vector.load %arg7[%swap3A_41, %swap3A_42] : memref<8x128xf32, #tpu.memory_space<vmem>>, vector<1x128xf32>
    tpu.vector_store %arg7[%swap3A_41, %swap3A_42], %add3A_40 {strides = array<i32>} : memref<8x128xf32, #tpu.memory_space<vmem>>, vector<1x128xf32>,
    return
  }
  func.func @transform_0(%arg0: i32) -> (i32, i32) {
    %c0_i32 = arith.constant 0 : i32
    %c0_i32_0 = arith.constant 0 : i32
    return %arg0, %c0_i32 : i32, i32
  }
  func.func @transform_1(%arg0: i32) -> (i32, i32) {
    %c0_i32 = arith.constant 0 : i32
    %c0_i32_0 = arith.constant 0 : i32
    %c0_i32_1 = arith.constant 0 : i32
    return %c0_i32, %c0_i32_0 : i32, i32
  }
  func.func @transform_2(%arg0: i32) -> (i32, i32) {
    %c0_i32 = arith.constant 0 : i32
    %c0_i32_0 = arith.constant 0 : i32
    %c0_i32_1 = arith.constant 0 : i32
    return %c0_i32, %c0_i32_0 : i32, i32
  }
  func.func @transform_3(%arg0: i32) -> (i32, i32) {
    %c0_i32 = arith.constant 0 : i32
    %c0_i32_0 = arith.constant 0 : i32
    %c0_i32_1 = arith.constant 0 : i32
    return %c0_i32, %c0_i32_0 : i32, i32
  }
  func.func @transform_4(%arg0: i32) -> (i32, i32) {
    %c0_i32 = arith.constant 0 : i32
    %c0_i32_0 = arith.constant 0 : i32
    %c0_i32_1 = arith.constant 0 : i32
    return %c0_i32, %c0_i32_0 : i32, i32
  }
  func.func @transform_5(%arg0: i32) -> (i32, i32) {
    %c0_i32 = arith.constant 0 : i32
    %c0_i32_0 = arith.constant 0 : i32
    return %arg0, %c0_i32 : i32, i32
  }
  func.func @transform_6(%arg0: i32) -> (i32, i32) {
    %c0_i32 = arith.constant 0 : i32
    %c0_i32_0 = arith.constant 0 : i32
    %c0_i32_1 = arith.constant 0 : i32
    return %c0_i32, %c0_i32_0 : i32, i32
  }
}

module attributes {stable_mosaic.version = 14 : i64} {
  func.func @_mm_body(%arg0: i32, %arg1: memref<8192x128xf32, #tpu.memory_space<vmem>>, %arg2: memref<1x128xf32, #tpu.memory_space<vmem>>, %arg3: memref<1x128xf32, #tpu.memory_space<vmem>>, %arg4: memref<128x256xf32, #tpu.memory_space<vmem>>, %arg5: memref<1x256xf32, #tpu.memory_space<vmem>>, %arg6: memref<8192x256xf32, #tpu.memory_space<vmem>>, %arg7: memref<8x256xf32, #tpu.memory_space<vmem>>) attributes {dimension_semantics = [#tpu.dimension_semantics<arbitrary>], iteration_bounds = array<i64: 2>, scalar_prefetch = 0 : i64, scratch_operands = 0 : i64, tpu.core_type = #tpu.core_type<tc>, window_params = [{transform_indices = @transform_0, window_bounds = array<i64: 8192, 128>}, {pipeline_mode = #tpu.pipeline_mode<synchronous>, transform_indices = @transform_1, window_bounds = array<i64: 1, 128>}, {pipeline_mode = #tpu.pipeline_mode<synchronous>, transform_indices = @transform_2, window_bounds = array<i64: 1, 128>}, {pipeline_mode = #tpu.pipeline_mode<synchronous>, transform_indices = @transform_3, window_bounds = array<i64: 128, 256>}, {pipeline_mode = #tpu.pipeline_mode<synchronous>, transform_indices = @transform_4, window_bounds = array<i64: 1, 256>}, {transform_indices = @transform_5, window_bounds = array<i64: 8192, 256>}, {pipeline_mode = #tpu.pipeline_mode<synchronous>, transform_indices = @transform_6, window_bounds = array<i64: 8, 256>}]} {
    %get3A = arith.constant 0 : index
    %get3A_0 = arith.constant 0 : index
    %get3A_1 = vector.load %arg1[%get3A, %get3A_0] : memref<8192x128xf32, #tpu.memory_space<vmem>>, vector<8192x128xf32>
    %get3A_2 = arith.constant 0 : index
    %get3A_3 = arith.constant 0 : index
    %get3A_4 = vector.load %arg2[%get3A_2, %get3A_3] : memref<1x128xf32, #tpu.memory_space<vmem>>, vector<1x128xf32>
    %mul3A = vector.broadcast %get3A_4 : vector<1x128xf32> to vector<8192x128xf32>
    %mul3A_5 = arith.mulf %get3A_1, %mul3A : vector<8192x128xf32>
    %get3A_6 = arith.constant 0 : index
    %get3A_7 = arith.constant 0 : index
    %get3A_8 = vector.load %arg3[%get3A_6, %get3A_7] : memref<1x128xf32, #tpu.memory_space<vmem>>, vector<1x128xf32>
    %add3A = vector.broadcast %get3A_8 : vector<1x128xf32> to vector<8192x128xf32>
    %add3A_9 = arith.addf %mul3A_5, %add3A : vector<8192x128xf32>
    %max3A = arith.constant 0.000000e+00 : f32
    %max3A_10 = vector.broadcast %max3A : f32 to vector<8192x128xf32>
    %max3A_11 = arith.maximumf %add3A_9, %max3A_10 : vector<8192x128xf32>
    %get3A_12 = arith.constant 0 : index
    %get3A_13 = arith.constant 0 : index
    %get3A_14 = vector.load %arg4[%get3A_12, %get3A_13] : memref<128x256xf32, #tpu.memory_space<vmem>>, vector<128x256xf32>
    %dot_general3A = arith.constant dense<0.000000e+00> : vector<8192x256xf32>
    %dot_general3A_15 = tpu.matmul %max3A_11, %get3A_14, %dot_general3A {dimension_numbers = #tpu.dot_dimension_numbers<[1], [0], [0], [1], [0, 0, 1, 1], [], []>, transpose_lhs_hint = false} : vector<8192x128xf32>, vector<128x256xf32>, vector<8192x256xf32> -> vector<8192x256xf32>
    %get3A_16 = arith.constant 0 : index
    %get3A_17 = arith.constant 0 : index
    %get3A_18 = vector.load %arg5[%get3A_16, %get3A_17] : memref<1x256xf32, #tpu.memory_space<vmem>>, vector<1x256xf32>
    %add3A_19 = vector.broadcast %get3A_18 : vector<1x256xf32> to vector<8192x256xf32>
    %add3A_20 = arith.addf %dot_general3A_15, %add3A_19 : vector<8192x256xf32>
    %swap3A = arith.constant 0 : index
    %swap3A_21 = arith.constant 0 : index
    %swap3A_22 = vector.load %arg6[%swap3A, %swap3A_21] : memref<8192x256xf32, #tpu.memory_space<vmem>>, vector<8192x256xf32>
    tpu.vector_store %arg6[%swap3A, %swap3A_21], %add3A_20 {strides = array<i32>} : memref<8192x256xf32, #tpu.memory_space<vmem>>, vector<8192x256xf32>,
    %eq3A = arith.constant 0 : i32
    %eq3A_23 = arith.cmpi eq, %arg0, %eq3A : i32
    %convert_element_type3A = arith.extui %eq3A_23 : i1 to i32
    %cond3A = arith.constant 0 : i32
    %cond3A_24 = arith.cmpi ne, %convert_element_type3A, %cond3A : i32
    scf.if %cond3A_24 {
      %broadcast_in_dim3A_44 = arith.constant 0.000000e+00 : f32
      %broadcast_in_dim3A_45 = vector.broadcast %broadcast_in_dim3A_44 : f32 to vector<8x256xf32>
      %swap3A_46 = arith.constant 0 : index
      %swap3A_47 = arith.constant 0 : index
      %swap3A_48 = vector.load %arg7[%swap3A_46, %swap3A_47] : memref<8x256xf32, #tpu.memory_space<vmem>>, vector<8x256xf32>
      tpu.vector_store %arg7[%swap3A_46, %swap3A_47], %broadcast_in_dim3A_45 {strides = array<i32>} : memref<8x256xf32, #tpu.memory_space<vmem>>, vector<8x256xf32>,
    } else {
    }
    %get3A_25 = arith.constant 0 : index
    %get3A_26 = arith.constant 0 : index
    %get3A_27 = vector.load %arg7[%get3A_25, %get3A_26] : memref<8x256xf32, #tpu.memory_space<vmem>>, vector<1x256xf32>
    %reduce_sum3A = arith.constant dense<0.000000e+00> : vector<256xf32>
    %reduce_sum3A_28 = vector.multi_reduction <add>, %add3A_20, %reduce_sum3A [0] : vector<8192x256xf32> to vector<256xf32>
    %broadcast_in_dim3A = vector.shape_cast %reduce_sum3A_28 : vector<256xf32> to vector<1x256xf32>
    %add3A_29 = arith.addf %get3A_27, %broadcast_in_dim3A : vector<1x256xf32>
    %swap3A_30 = arith.constant 0 : index
    %swap3A_31 = arith.constant 0 : index
    %swap3A_32 = vector.load %arg7[%swap3A_30, %swap3A_31] : memref<8x256xf32, #tpu.memory_space<vmem>>, vector<1x256xf32>
    tpu.vector_store %arg7[%swap3A_30, %swap3A_31], %add3A_29 {strides = array<i32>} : memref<8x256xf32, #tpu.memory_space<vmem>>, vector<1x256xf32>,
    %get3A_33 = arith.constant 1 : index
    %get3A_34 = arith.constant 0 : index
    %get3A_35 = vector.load %arg7[%get3A_33, %get3A_34] : memref<8x256xf32, #tpu.memory_space<vmem>>, vector<1x256xf32>
    %mul3A_36 = arith.mulf %add3A_20, %add3A_20 : vector<8192x256xf32>
    %reduce_sum3A_37 = arith.constant dense<0.000000e+00> : vector<256xf32>
    %reduce_sum3A_38 = vector.multi_reduction <add>, %mul3A_36, %reduce_sum3A_37 [0] : vector<8192x256xf32> to vector<256xf32>
    %broadcast_in_dim3A_39 = vector.shape_cast %reduce_sum3A_38 : vector<256xf32> to vector<1x256xf32>
    %add3A_40 = arith.addf %get3A_35, %broadcast_in_dim3A_39 : vector<1x256xf32>
    %swap3A_41 = arith.constant 1 : index
    %swap3A_42 = arith.constant 0 : index
    %swap3A_43 = vector.load %arg7[%swap3A_41, %swap3A_42] : memref<8x256xf32, #tpu.memory_space<vmem>>, vector<1x256xf32>
    tpu.vector_store %arg7[%swap3A_41, %swap3A_42], %add3A_40 {strides = array<i32>} : memref<8x256xf32, #tpu.memory_space<vmem>>, vector<1x256xf32>,
    return
  }
  func.func @transform_0(%arg0: i32) -> (i32, i32) {
    %c0_i32 = arith.constant 0 : i32
    %c0_i32_0 = arith.constant 0 : i32
    return %arg0, %c0_i32 : i32, i32
  }
  func.func @transform_1(%arg0: i32) -> (i32, i32) {
    %c0_i32 = arith.constant 0 : i32
    %c0_i32_0 = arith.constant 0 : i32
    %c0_i32_1 = arith.constant 0 : i32
    return %c0_i32, %c0_i32_0 : i32, i32
  }
  func.func @transform_2(%arg0: i32) -> (i32, i32) {
    %c0_i32 = arith.constant 0 : i32
    %c0_i32_0 = arith.constant 0 : i32
    %c0_i32_1 = arith.constant 0 : i32
    return %c0_i32, %c0_i32_0 : i32, i32
  }
  func.func @transform_3(%arg0: i32) -> (i32, i32) {
    %c0_i32 = arith.constant 0 : i32
    %c0_i32_0 = arith.constant 0 : i32
    %c0_i32_1 = arith.constant 0 : i32
    return %c0_i32, %c0_i32_0 : i32, i32
  }
  func.func @transform_4(%arg0: i32) -> (i32, i32) {
    %c0_i32 = arith.constant 0 : i32
    %c0_i32_0 = arith.constant 0 : i32
    %c0_i32_1 = arith.constant 0 : i32
    return %c0_i32, %c0_i32_0 : i32, i32
  }
  func.func @transform_5(%arg0: i32) -> (i32, i32) {
    %c0_i32 = arith.constant 0 : i32
    %c0_i32_0 = arith.constant 0 : i32
    return %arg0, %c0_i32 : i32, i32
  }
  func.func @transform_6(%arg0: i32) -> (i32, i32) {
    %c0_i32 = arith.constant 0 : i32
    %c0_i32_0 = arith.constant 0 : i32
    %c0_i32_1 = arith.constant 0 : i32
    return %c0_i32, %c0_i32_0 : i32, i32
  }
}

module attributes {stable_mosaic.version = 14 : i64} {
  func.func @body(%arg0: i32, %arg1: memref<1x2048x256xf32, #tpu.memory_space<vmem>>, %arg2: memref<1x256xf32, #tpu.memory_space<vmem>>, %arg3: memref<1x256xf32, #tpu.memory_space<vmem>>, %arg4: memref<1x64x256xf32, #tpu.memory_space<vmem>>) attributes {dimension_semantics = [#tpu.dimension_semantics<arbitrary>], iteration_bounds = array<i64: 8>, scalar_prefetch = 0 : i64, scratch_operands = 0 : i64, tpu.core_type = #tpu.core_type<tc>, window_params = [{transform_indices = @transform_0, window_bounds = array<i64: 1, 2048, 256>}, {pipeline_mode = #tpu.pipeline_mode<synchronous>, transform_indices = @transform_1, window_bounds = array<i64: 1, 256>}, {pipeline_mode = #tpu.pipeline_mode<synchronous>, transform_indices = @transform_2, window_bounds = array<i64: 1, 256>}, {transform_indices = @transform_3, window_bounds = array<i64: 1, 64, 256>}]} {
    %get3A = arith.constant 0 : index
    %get3A_0 = arith.constant 0 : index
    %get3A_1 = arith.constant 0 : index
    %get3A_2 = vector.load %arg1[%get3A, %get3A_0, %get3A_1] : memref<1x2048x256xf32, #tpu.memory_space<vmem>>, vector<1x2048x256xf32>
    %get3A_3 = vector.shape_cast %get3A_2 : vector<1x2048x256xf32> to vector<2048x256xf32>
    %reshape3A = vector.shape_cast %get3A_3 : vector<2048x256xf32> to vector<1x32x64x256xf32>
    %get3A_4 = arith.constant 0 : index
    %get3A_5 = arith.constant 0 : index
    %get3A_6 = vector.load %arg2[%get3A_4, %get3A_5] : memref<1x256xf32, #tpu.memory_space<vmem>>, vector<1x256xf32>
    %broadcast_in_dim3A = vector.shape_cast %get3A_6 : vector<1x256xf32> to vector<1x1x1x256xf32>
    %mul3A = vector.broadcast %broadcast_in_dim3A : vector<1x1x1x256xf32> to vector<1x32x64x256xf32>
    %mul3A_7 = arith.mulf %reshape3A, %mul3A : vector<1x32x64x256xf32>
    %get3A_8 = arith.constant 0 : index
    %get3A_9 = arith.constant 0 : index
    %get3A_10 = vector.load %arg3[%get3A_8, %get3A_9] : memref<1x256xf32, #tpu.memory_space<vmem>>, vector<1x256xf32>
    %broadcast_in_dim3A_11 = vector.shape_cast %get3A_10 : vector<1x256xf32> to vector<1x1x1x256xf32>
    %add3A = vector.broadcast %broadcast_in_dim3A_11 : vector<1x1x1x256xf32> to vector<1x32x64x256xf32>
    %add3A_12 = arith.addf %mul3A_7, %add3A : vector<1x32x64x256xf32>
    %max3A = arith.constant 0.000000e+00 : f32
    %max3A_13 = vector.broadcast %max3A : f32 to vector<1x32x64x256xf32>
    %max3A_14 = arith.maximumf %add3A_12, %max3A_13 : vector<1x32x64x256xf32>
    %reduce_max3A = arith.constant dense<0xFF800000> : vector<1x64x256xf32>
    %reduce_max3A_15 = vector.multi_reduction <maximumf>, %max3A_14, %reduce_max3A [1] : vector<1x32x64x256xf32> to vector<1x64x256xf32>
    %reshape3A_16 = vector.shape_cast %reduce_max3A_15 : vector<1x64x256xf32> to vector<64x256xf32>
    %swap3A = arith.constant 0 : index
    %swap3A_17 = arith.constant 0 : index
    %swap3A_18 = arith.constant 0 : index
    %swap3A_19 = vector.load %arg4[%swap3A, %swap3A_17, %swap3A_18] : memref<1x64x256xf32, #tpu.memory_space<vmem>>, vector<1x64x256xf32>
    %swap3A_20 = vector.shape_cast %swap3A_19 : vector<1x64x256xf32> to vector<64x256xf32>
    %swap3A_21 = vector.shape_cast %reshape3A_16 : vector<64x256xf32> to vector<1x64x256xf32>
    tpu.vector_store %arg4[%swap3A, %swap3A_17, %swap3A_18], %swap3A_21 {strides = array<i32>} : memref<1x64x256xf32, #tpu.memory_space<vmem>>, vector<1x64x256xf32>,
    return
  }
  func.func @transform_0(%arg0: i32) -> (i32, i32, i32) {
    %c0_i32 = arith.constant 0 : i32
    %c0_i32_0 = arith.constant 0 : i32
    %c0_i32_1 = arith.constant 0 : i32
    return %arg0, %c0_i32, %c0_i32_0 : i32, i32, i32
  }
  func.func @transform_1(%arg0: i32) -> (i32, i32) {
    %c0_i32 = arith.constant 0 : i32
    %c0_i32_0 = arith.constant 0 : i32
    %c0_i32_1 = arith.constant 0 : i32
    return %c0_i32, %c0_i32_0 : i32, i32
  }
  func.func @transform_2(%arg0: i32) -> (i32, i32) {
    %c0_i32 = arith.constant 0 : i32
    %c0_i32_0 = arith.constant 0 : i32
    %c0_i32_1 = arith.constant 0 : i32
    return %c0_i32, %c0_i32_0 : i32, i32
  }
  func.func @transform_3(%arg0: i32) -> (i32, i32, i32) {
    %c0_i32 = arith.constant 0 : i32
    %c0_i32_0 = arith.constant 0 : i32
    %c0_i32_1 = arith.constant 0 : i32
    return %arg0, %c0_i32, %c0_i32_0 : i32, i32, i32
  }
}

module attributes {stable_mosaic.version = 14 : i64} {
  func.func @body(%arg0: i32, %arg1: i32, %arg2: memref<1x16x3xf32, #tpu.memory_space<vmem>>, %arg3: memref<1x16x32xi32, #tpu.memory_space<vmem>>, %arg4: memref<1x64x259xf32, #tpu.memory_space<vmem>>, %arg5: memref<259x256xf32, #tpu.memory_space<vmem>>, %arg6: memref<1x256xf32, #tpu.memory_space<vmem>>, %arg7: memref<1x512x256xf32, #tpu.memory_space<vmem>>, %arg8: memref<8x256xf32, #tpu.memory_space<vmem>>) attributes {dimension_semantics = [#tpu.dimension_semantics<arbitrary>, #tpu.dimension_semantics<arbitrary>], iteration_bounds = array<i64: 8, 1>, scalar_prefetch = 0 : i64, scratch_operands = 0 : i64, tpu.core_type = #tpu.core_type<tc>, window_params = [{transform_indices = @transform_0, window_bounds = array<i64: 1, 16, 3>}, {transform_indices = @transform_1, window_bounds = array<i64: 1, 16, 32>}, {transform_indices = @transform_2, window_bounds = array<i64: 1, 64, 259>}, {pipeline_mode = #tpu.pipeline_mode<synchronous>, transform_indices = @transform_3, window_bounds = array<i64: 259, 256>}, {pipeline_mode = #tpu.pipeline_mode<synchronous>, transform_indices = @transform_4, window_bounds = array<i64: 1, 256>}, {transform_indices = @transform_5, window_bounds = array<i64: 1, 512, 256>}, {pipeline_mode = #tpu.pipeline_mode<synchronous>, transform_indices = @transform_6, window_bounds = array<i64: 8, 256>}]} {
    %get3A = arith.constant 0 : index
    %get3A_0 = arith.constant 0 : index
    %get3A_1 = arith.constant 0 : index
    %get3A_2 = vector.load %arg2[%get3A, %get3A_0, %get3A_1] : memref<1x16x3xf32, #tpu.memory_space<vmem>>, vector<1x16x3xf32>
    %get3A_3 = vector.shape_cast %get3A_2 : vector<1x16x3xf32> to vector<16x3xf32>
    %get3A_4 = arith.constant 0 : index
    %get3A_5 = arith.constant 0 : index
    %get3A_6 = arith.constant 0 : index
    %get3A_7 = vector.load %arg3[%get3A_4, %get3A_5, %get3A_6] : memref<1x16x32xi32, #tpu.memory_space<vmem>>, vector<1x16x32xi32>
    %get3A_8 = vector.shape_cast %get3A_7 : vector<1x16x32xi32> to vector<16x32xi32>
    %iota3A = tpu.iota {dimensions = array<i32: 1>} : vector<16x64xi32>
    %slice3A = vector.extract_strided_slice %get3A_8 {offsets = [0, 0], sizes = [16, 1], strides = [1, 1]} : vector<16x32xi32> to vector<16x1xi32>
    %eq3A = vector.broadcast %slice3A : vector<16x1xi32> to vector<16x64xi32>
    %eq3A_9 = arith.cmpi eq, %iota3A, %eq3A : vector<16x64xi32>
    %convert_element_type3A = arith.extui %eq3A_9 : vector<16x64xi1> to vector<16x64xi32>
    %convert_element_type3A_10 = arith.sitofp %convert_element_type3A : vector<16x64xi32> to vector<16x64xf32>
    %slice3A_11 = vector.extract_strided_slice %get3A_8 {offsets = [0, 1], sizes = [16, 1], strides = [1, 1]} : vector<16x32xi32> to vector<16x1xi32>
    %eq3A_12 = vector.broadcast %slice3A_11 : vector<16x1xi32> to vector<16x64xi32>
    %eq3A_13 = arith.cmpi eq, %iota3A, %eq3A_12 : vector<16x64xi32>
    %convert_element_type3A_14 = arith.extui %eq3A_13 : vector<16x64xi1> to vector<16x64xi32>
    %convert_element_type3A_15 = arith.sitofp %convert_element_type3A_14 : vector<16x64xi32> to vector<16x64xf32>
    %slice3A_16 = vector.extract_strided_slice %get3A_8 {offsets = [0, 2], sizes = [16, 1], strides = [1, 1]} : vector<16x32xi32> to vector<16x1xi32>
    %eq3A_17 = vector.broadcast %slice3A_16 : vector<16x1xi32> to vector<16x64xi32>
    %eq3A_18 = arith.cmpi eq, %iota3A, %eq3A_17 : vector<16x64xi32>
    %convert_element_type3A_19 = arith.extui %eq3A_18 : vector<16x64xi1> to vector<16x64xi32>
    %convert_element_type3A_20 = arith.sitofp %convert_element_type3A_19 : vector<16x64xi32> to vector<16x64xf32>
    %slice3A_21 = vector.extract_strided_slice %get3A_8 {offsets = [0, 3], sizes = [16, 1], strides = [1, 1]} : vector<16x32xi32> to vector<16x1xi32>
    %eq3A_22 = vector.broadcast %slice3A_21 : vector<16x1xi32> to vector<16x64xi32>
    %eq3A_23 = arith.cmpi eq, %iota3A, %eq3A_22 : vector<16x64xi32>
    %convert_element_type3A_24 = arith.extui %eq3A_23 : vector<16x64xi1> to vector<16x64xi32>
    %convert_element_type3A_25 = arith.sitofp %convert_element_type3A_24 : vector<16x64xi32> to vector<16x64xf32>
    %slice3A_26 = vector.extract_strided_slice %get3A_8 {offsets = [0, 4], sizes = [16, 1], strides = [1, 1]} : vector<16x32xi32> to vector<16x1xi32>
    %eq3A_27 = vector.broadcast %slice3A_26 : vector<16x1xi32> to vector<16x64xi32>
    %eq3A_28 = arith.cmpi eq, %iota3A, %eq3A_27 : vector<16x64xi32>
    %convert_element_type3A_29 = arith.extui %eq3A_28 : vector<16x64xi1> to vector<16x64xi32>
    %convert_element_type3A_30 = arith.sitofp %convert_element_type3A_29 : vector<16x64xi32> to vector<16x64xf32>
    %slice3A_31 = vector.extract_strided_slice %get3A_8 {offsets = [0, 5], sizes = [16, 1], strides = [1, 1]} : vector<16x32xi32> to vector<16x1xi32>
    %eq3A_32 = vector.broadcast %slice3A_31 : vector<16x1xi32> to vector<16x64xi32>
    %eq3A_33 = arith.cmpi eq, %iota3A, %eq3A_32 : vector<16x64xi32>
    %convert_element_type3A_34 = arith.extui %eq3A_33 : vector<16x64xi1> to vector<16x64xi32>
    %convert_element_type3A_35 = arith.sitofp %convert_element_type3A_34 : vector<16x64xi32> to vector<16x64xf32>
    %slice3A_36 = vector.extract_strided_slice %get3A_8 {offsets = [0, 6], sizes = [16, 1], strides = [1, 1]} : vector<16x32xi32> to vector<16x1xi32>
    %eq3A_37 = vector.broadcast %slice3A_36 : vector<16x1xi32> to vector<16x64xi32>
    %eq3A_38 = arith.cmpi eq, %iota3A, %eq3A_37 : vector<16x64xi32>
    %convert_element_type3A_39 = arith.extui %eq3A_38 : vector<16x64xi1> to vector<16x64xi32>
    %convert_element_type3A_40 = arith.sitofp %convert_element_type3A_39 : vector<16x64xi32> to vector<16x64xf32>
    %slice3A_41 = vector.extract_strided_slice %get3A_8 {offsets = [0, 7], sizes = [16, 1], strides = [1, 1]} : vector<16x32xi32> to vector<16x1xi32>
    %eq3A_42 = vector.broadcast %slice3A_41 : vector<16x1xi32> to vector<16x64xi32>
    %eq3A_43 = arith.cmpi eq, %iota3A, %eq3A_42 : vector<16x64xi32>
    %convert_element_type3A_44 = arith.extui %eq3A_43 : vector<16x64xi1> to vector<16x64xi32>
    %convert_element_type3A_45 = arith.sitofp %convert_element_type3A_44 : vector<16x64xi32> to vector<16x64xf32>
    %slice3A_46 = vector.extract_strided_slice %get3A_8 {offsets = [0, 8], sizes = [16, 1], strides = [1, 1]} : vector<16x32xi32> to vector<16x1xi32>
    %eq3A_47 = vector.broadcast %slice3A_46 : vector<16x1xi32> to vector<16x64xi32>
    %eq3A_48 = arith.cmpi eq, %iota3A, %eq3A_47 : vector<16x64xi32>
    %convert_element_type3A_49 = arith.extui %eq3A_48 : vector<16x64xi1> to vector<16x64xi32>
    %convert_element_type3A_50 = arith.sitofp %convert_element_type3A_49 : vector<16x64xi32> to vector<16x64xf32>
    %slice3A_51 = vector.extract_strided_slice %get3A_8 {offsets = [0, 9], sizes = [16, 1], strides = [1, 1]} : vector<16x32xi32> to vector<16x1xi32>
    %eq3A_52 = vector.broadcast %slice3A_51 : vector<16x1xi32> to vector<16x64xi32>
    %eq3A_53 = arith.cmpi eq, %iota3A, %eq3A_52 : vector<16x64xi32>
    %convert_element_type3A_54 = arith.extui %eq3A_53 : vector<16x64xi1> to vector<16x64xi32>
    %convert_element_type3A_55 = arith.sitofp %convert_element_type3A_54 : vector<16x64xi32> to vector<16x64xf32>
    %slice3A_56 = vector.extract_strided_slice %get3A_8 {offsets = [0, 10], sizes = [16, 1], strides = [1, 1]} : vector<16x32xi32> to vector<16x1xi32>
    %eq3A_57 = vector.broadcast %slice3A_56 : vector<16x1xi32> to vector<16x64xi32>
    %eq3A_58 = arith.cmpi eq, %iota3A, %eq3A_57 : vector<16x64xi32>
    %convert_element_type3A_59 = arith.extui %eq3A_58 : vector<16x64xi1> to vector<16x64xi32>
    %convert_element_type3A_60 = arith.sitofp %convert_element_type3A_59 : vector<16x64xi32> to vector<16x64xf32>
    %slice3A_61 = vector.extract_strided_slice %get3A_8 {offsets = [0, 11], sizes = [16, 1], strides = [1, 1]} : vector<16x32xi32> to vector<16x1xi32>
    %eq3A_62 = vector.broadcast %slice3A_61 : vector<16x1xi32> to vector<16x64xi32>
    %eq3A_63 = arith.cmpi eq, %iota3A, %eq3A_62 : vector<16x64xi32>
    %convert_element_type3A_64 = arith.extui %eq3A_63 : vector<16x64xi1> to vector<16x64xi32>
    %convert_element_type3A_65 = arith.sitofp %convert_element_type3A_64 : vector<16x64xi32> to vector<16x64xf32>
    %slice3A_66 = vector.extract_strided_slice %get3A_8 {offsets = [0, 12], sizes = [16, 1], strides = [1, 1]} : vector<16x32xi32> to vector<16x1xi32>
    %eq3A_67 = vector.broadcast %slice3A_66 : vector<16x1xi32> to vector<16x64xi32>
    %eq3A_68 = arith.cmpi eq, %iota3A, %eq3A_67 : vector<16x64xi32>
    %convert_element_type3A_69 = arith.extui %eq3A_68 : vector<16x64xi1> to vector<16x64xi32>
    %convert_element_type3A_70 = arith.sitofp %convert_element_type3A_69 : vector<16x64xi32> to vector<16x64xf32>
    %slice3A_71 = vector.extract_strided_slice %get3A_8 {offsets = [0, 13], sizes = [16, 1], strides = [1, 1]} : vector<16x32xi32> to vector<16x1xi32>
    %eq3A_72 = vector.broadcast %slice3A_71 : vector<16x1xi32> to vector<16x64xi32>
    %eq3A_73 = arith.cmpi eq, %iota3A, %eq3A_72 : vector<16x64xi32>
    %convert_element_type3A_74 = arith.extui %eq3A_73 : vector<16x64xi1> to vector<16x64xi32>
    %convert_element_type3A_75 = arith.sitofp %convert_element_type3A_74 : vector<16x64xi32> to vector<16x64xf32>
    %slice3A_76 = vector.extract_strided_slice %get3A_8 {offsets = [0, 14], sizes = [16, 1], strides = [1, 1]} : vector<16x32xi32> to vector<16x1xi32>
    %eq3A_77 = vector.broadcast %slice3A_76 : vector<16x1xi32> to vector<16x64xi32>
    %eq3A_78 = arith.cmpi eq, %iota3A, %eq3A_77 : vector<16x64xi32>
    %convert_element_type3A_79 = arith.extui %eq3A_78 : vector<16x64xi1> to vector<16x64xi32>
    %convert_element_type3A_80 = arith.sitofp %convert_element_type3A_79 : vector<16x64xi32> to vector<16x64xf32>
    %slice3A_81 = vector.extract_strided_slice %get3A_8 {offsets = [0, 15], sizes = [16, 1], strides = [1, 1]} : vector<16x32xi32> to vector<16x1xi32>
    %eq3A_82 = vector.broadcast %slice3A_81 : vector<16x1xi32> to vector<16x64xi32>
    %eq3A_83 = arith.cmpi eq, %iota3A, %eq3A_82 : vector<16x64xi32>
    %convert_element_type3A_84 = arith.extui %eq3A_83 : vector<16x64xi1> to vector<16x64xi32>
    %convert_element_type3A_85 = arith.sitofp %convert_element_type3A_84 : vector<16x64xi32> to vector<16x64xf32>
    %slice3A_86 = vector.extract_strided_slice %get3A_8 {offsets = [0, 16], sizes = [16, 1], strides = [1, 1]} : vector<16x32xi32> to vector<16x1xi32>
    %eq3A_87 = vector.broadcast %slice3A_86 : vector<16x1xi32> to vector<16x64xi32>
    %eq3A_88 = arith.cmpi eq, %iota3A, %eq3A_87 : vector<16x64xi32>
    %convert_element_type3A_89 = arith.extui %eq3A_88 : vector<16x64xi1> to vector<16x64xi32>
    %convert_element_type3A_90 = arith.sitofp %convert_element_type3A_89 : vector<16x64xi32> to vector<16x64xf32>
    %slice3A_91 = vector.extract_strided_slice %get3A_8 {offsets = [0, 17], sizes = [16, 1], strides = [1, 1]} : vector<16x32xi32> to vector<16x1xi32>
    %eq3A_92 = vector.broadcast %slice3A_91 : vector<16x1xi32> to vector<16x64xi32>
    %eq3A_93 = arith.cmpi eq, %iota3A, %eq3A_92 : vector<16x64xi32>
    %convert_element_type3A_94 = arith.extui %eq3A_93 : vector<16x64xi1> to vector<16x64xi32>
    %convert_element_type3A_95 = arith.sitofp %convert_element_type3A_94 : vector<16x64xi32> to vector<16x64xf32>
    %slice3A_96 = vector.extract_strided_slice %get3A_8 {offsets = [0, 18], sizes = [16, 1], strides = [1, 1]} : vector<16x32xi32> to vector<16x1xi32>
    %eq3A_97 = vector.broadcast %slice3A_96 : vector<16x1xi32> to vector<16x64xi32>
    %eq3A_98 = arith.cmpi eq, %iota3A, %eq3A_97 : vector<16x64xi32>
    %convert_element_type3A_99 = arith.extui %eq3A_98 : vector<16x64xi1> to vector<16x64xi32>
    %convert_element_type3A_100 = arith.sitofp %convert_element_type3A_99 : vector<16x64xi32> to vector<16x64xf32>
    %slice3A_101 = vector.extract_strided_slice %get3A_8 {offsets = [0, 19], sizes = [16, 1], strides = [1, 1]} : vector<16x32xi32> to vector<16x1xi32>
    %eq3A_102 = vector.broadcast %slice3A_101 : vector<16x1xi32> to vector<16x64xi32>
    %eq3A_103 = arith.cmpi eq, %iota3A, %eq3A_102 : vector<16x64xi32>
    %convert_element_type3A_104 = arith.extui %eq3A_103 : vector<16x64xi1> to vector<16x64xi32>
    %convert_element_type3A_105 = arith.sitofp %convert_element_type3A_104 : vector<16x64xi32> to vector<16x64xf32>
    %slice3A_106 = vector.extract_strided_slice %get3A_8 {offsets = [0, 20], sizes = [16, 1], strides = [1, 1]} : vector<16x32xi32> to vector<16x1xi32>
    %eq3A_107 = vector.broadcast %slice3A_106 : vector<16x1xi32> to vector<16x64xi32>
    %eq3A_108 = arith.cmpi eq, %iota3A, %eq3A_107 : vector<16x64xi32>
    %convert_element_type3A_109 = arith.extui %eq3A_108 : vector<16x64xi1> to vector<16x64xi32>
    %convert_element_type3A_110 = arith.sitofp %convert_element_type3A_109 : vector<16x64xi32> to vector<16x64xf32>
    %slice3A_111 = vector.extract_strided_slice %get3A_8 {offsets = [0, 21], sizes = [16, 1], strides = [1, 1]} : vector<16x32xi32> to vector<16x1xi32>
    %eq3A_112 = vector.broadcast %slice3A_111 : vector<16x1xi32> to vector<16x64xi32>
    %eq3A_113 = arith.cmpi eq, %iota3A, %eq3A_112 : vector<16x64xi32>
    %convert_element_type3A_114 = arith.extui %eq3A_113 : vector<16x64xi1> to vector<16x64xi32>
    %convert_element_type3A_115 = arith.sitofp %convert_element_type3A_114 : vector<16x64xi32> to vector<16x64xf32>
    %slice3A_116 = vector.extract_strided_slice %get3A_8 {offsets = [0, 22], sizes = [16, 1], strides = [1, 1]} : vector<16x32xi32> to vector<16x1xi32>
    %eq3A_117 = vector.broadcast %slice3A_116 : vector<16x1xi32> to vector<16x64xi32>
    %eq3A_118 = arith.cmpi eq, %iota3A, %eq3A_117 : vector<16x64xi32>
    %convert_element_type3A_119 = arith.extui %eq3A_118 : vector<16x64xi1> to vector<16x64xi32>
    %convert_element_type3A_120 = arith.sitofp %convert_element_type3A_119 : vector<16x64xi32> to vector<16x64xf32>
    %slice3A_121 = vector.extract_strided_slice %get3A_8 {offsets = [0, 23], sizes = [16, 1], strides = [1, 1]} : vector<16x32xi32> to vector<16x1xi32>
    %eq3A_122 = vector.broadcast %slice3A_121 : vector<16x1xi32> to vector<16x64xi32>
    %eq3A_123 = arith.cmpi eq, %iota3A, %eq3A_122 : vector<16x64xi32>
    %convert_element_type3A_124 = arith.extui %eq3A_123 : vector<16x64xi1> to vector<16x64xi32>
    %convert_element_type3A_125 = arith.sitofp %convert_element_type3A_124 : vector<16x64xi32> to vector<16x64xf32>
    %slice3A_126 = vector.extract_strided_slice %get3A_8 {offsets = [0, 24], sizes = [16, 1], strides = [1, 1]} : vector<16x32xi32> to vector<16x1xi32>
    %eq3A_127 = vector.broadcast %slice3A_126 : vector<16x1xi32> to vector<16x64xi32>
    %eq3A_128 = arith.cmpi eq, %iota3A, %eq3A_127 : vector<16x64xi32>
    %convert_element_type3A_129 = arith.extui %eq3A_128 : vector<16x64xi1> to vector<16x64xi32>
    %convert_element_type3A_130 = arith.sitofp %convert_element_type3A_129 : vector<16x64xi32> to vector<16x64xf32>
    %slice3A_131 = vector.extract_strided_slice %get3A_8 {offsets = [0, 25], sizes = [16, 1], strides = [1, 1]} : vector<16x32xi32> to vector<16x1xi32>
    %eq3A_132 = vector.broadcast %slice3A_131 : vector<16x1xi32> to vector<16x64xi32>
    %eq3A_133 = arith.cmpi eq, %iota3A, %eq3A_132 : vector<16x64xi32>
    %convert_element_type3A_134 = arith.extui %eq3A_133 : vector<16x64xi1> to vector<16x64xi32>
    %convert_element_type3A_135 = arith.sitofp %convert_element_type3A_134 : vector<16x64xi32> to vector<16x64xf32>
    %slice3A_136 = vector.extract_strided_slice %get3A_8 {offsets = [0, 26], sizes = [16, 1], strides = [1, 1]} : vector<16x32xi32> to vector<16x1xi32>
    %eq3A_137 = vector.broadcast %slice3A_136 : vector<16x1xi32> to vector<16x64xi32>
    %eq3A_138 = arith.cmpi eq, %iota3A, %eq3A_137 : vector<16x64xi32>
    %convert_element_type3A_139 = arith.extui %eq3A_138 : vector<16x64xi1> to vector<16x64xi32>
    %convert_element_type3A_140 = arith.sitofp %convert_element_type3A_139 : vector<16x64xi32> to vector<16x64xf32>
    %slice3A_141 = vector.extract_strided_slice %get3A_8 {offsets = [0, 27], sizes = [16, 1], strides = [1, 1]} : vector<16x32xi32> to vector<16x1xi32>
    %eq3A_142 = vector.broadcast %slice3A_141 : vector<16x1xi32> to vector<16x64xi32>
    %eq3A_143 = arith.cmpi eq, %iota3A, %eq3A_142 : vector<16x64xi32>
    %convert_element_type3A_144 = arith.extui %eq3A_143 : vector<16x64xi1> to vector<16x64xi32>
    %convert_element_type3A_145 = arith.sitofp %convert_element_type3A_144 : vector<16x64xi32> to vector<16x64xf32>
    %slice3A_146 = vector.extract_strided_slice %get3A_8 {offsets = [0, 28], sizes = [16, 1], strides = [1, 1]} : vector<16x32xi32> to vector<16x1xi32>
    %eq3A_147 = vector.broadcast %slice3A_146 : vector<16x1xi32> to vector<16x64xi32>
    %eq3A_148 = arith.cmpi eq, %iota3A, %eq3A_147 : vector<16x64xi32>
    %convert_element_type3A_149 = arith.extui %eq3A_148 : vector<16x64xi1> to vector<16x64xi32>
    %convert_element_type3A_150 = arith.sitofp %convert_element_type3A_149 : vector<16x64xi32> to vector<16x64xf32>
    %slice3A_151 = vector.extract_strided_slice %get3A_8 {offsets = [0, 29], sizes = [16, 1], strides = [1, 1]} : vector<16x32xi32> to vector<16x1xi32>
    %eq3A_152 = vector.broadcast %slice3A_151 : vector<16x1xi32> to vector<16x64xi32>
    %eq3A_153 = arith.cmpi eq, %iota3A, %eq3A_152 : vector<16x64xi32>
    %convert_element_type3A_154 = arith.extui %eq3A_153 : vector<16x64xi1> to vector<16x64xi32>
    %convert_element_type3A_155 = arith.sitofp %convert_element_type3A_154 : vector<16x64xi32> to vector<16x64xf32>
    %slice3A_156 = vector.extract_strided_slice %get3A_8 {offsets = [0, 30], sizes = [16, 1], strides = [1, 1]} : vector<16x32xi32> to vector<16x1xi32>
    %eq3A_157 = vector.broadcast %slice3A_156 : vector<16x1xi32> to vector<16x64xi32>
    %eq3A_158 = arith.cmpi eq, %iota3A, %eq3A_157 : vector<16x64xi32>
    %convert_element_type3A_159 = arith.extui %eq3A_158 : vector<16x64xi1> to vector<16x64xi32>
    %convert_element_type3A_160 = arith.sitofp %convert_element_type3A_159 : vector<16x64xi32> to vector<16x64xf32>
    %slice3A_161 = vector.extract_strided_slice %get3A_8 {offsets = [0, 31], sizes = [16, 1], strides = [1, 1]} : vector<16x32xi32> to vector<16x1xi32>
    %eq3A_162 = vector.broadcast %slice3A_161 : vector<16x1xi32> to vector<16x64xi32>
    %eq3A_163 = arith.cmpi eq, %iota3A, %eq3A_162 : vector<16x64xi32>
    %convert_element_type3A_164 = arith.extui %eq3A_163 : vector<16x64xi1> to vector<16x64xi32>
    %convert_element_type3A_165 = arith.sitofp %convert_element_type3A_164 : vector<16x64xi32> to vector<16x64xf32>
    %concatenate3A = tpu.concatenate %convert_element_type3A_10, %convert_element_type3A_15, %convert_element_type3A_20, %convert_element_type3A_25, %convert_element_type3A_30, %convert_element_type3A_35, %convert_element_type3A_40, %convert_element_type3A_45, %convert_element_type3A_50, %convert_element_type3A_55, %convert_element_type3A_60, %convert_element_type3A_65, %convert_element_type3A_70, %convert_element_type3A_75, %convert_element_type3A_80, %convert_element_type3A_85, %convert_element_type3A_90, %convert_element_type3A_95, %convert_element_type3A_100, %convert_element_type3A_105, %convert_element_type3A_110, %convert_element_type3A_115, %convert_element_type3A_120, %convert_element_type3A_125, %convert_element_type3A_130, %convert_element_type3A_135, %convert_element_type3A_140, %convert_element_type3A_145, %convert_element_type3A_150, %convert_element_type3A_155, %convert_element_type3A_160, %convert_element_type3A_165 in 0 : vector<16x64xf32>, vector<16x64xf32>, vector<16x64xf32>, vector<16x64xf32>, vector<16x64xf32>, vector<16x64xf32>, vector<16x64xf32>, vector<16x64xf32>, vector<16x64xf32>, vector<16x64xf32>, vector<16x64xf32>, vector<16x64xf32>, vector<16x64xf32>, vector<16x64xf32>, vector<16x64xf32>, vector<16x64xf32>, vector<16x64xf32>, vector<16x64xf32>, vector<16x64xf32>, vector<16x64xf32>, vector<16x64xf32>, vector<16x64xf32>, vector<16x64xf32>, vector<16x64xf32>, vector<16x64xf32>, vector<16x64xf32>, vector<16x64xf32>, vector<16x64xf32>, vector<16x64xf32>, vector<16x64xf32>, vector<16x64xf32>, vector<16x64xf32> -> vector<512x64xf32>
    %get3A_166 = arith.constant 0 : index
    %get3A_167 = arith.constant 0 : index
    %get3A_168 = arith.constant 0 : index
    %get3A_169 = vector.load %arg4[%get3A_166, %get3A_167, %get3A_168] : memref<1x64x259xf32, #tpu.memory_space<vmem>>, vector<1x64x259xf32>
    %get3A_170 = vector.shape_cast %get3A_169 : vector<1x64x259xf32> to vector<64x259xf32>
    %dot_general3A = arith.constant dense<0.000000e+00> : vector<512x259xf32>
    %dot_general3A_171 = tpu.matmul %concatenate3A, %get3A_170, %dot_general3A {dimension_numbers = #tpu.dot_dimension_numbers<[1], [0], [0], [1], [0, 0, 1, 1], [], []>, transpose_lhs_hint = false} : vector<512x64xf32>, vector<64x259xf32>, vector<512x259xf32> -> vector<512x259xf32>
    %get3A_172 = arith.constant 0 : index
    %get3A_173 = arith.constant 0 : index
    %get3A_174 = vector.load %arg5[%get3A_172, %get3A_173] : memref<259x256xf32, #tpu.memory_space<vmem>>, vector<259x256xf32>
    %dot_general3A_175 = arith.constant dense<0.000000e+00> : vector<512x256xf32>
    %dot_general3A_176 = tpu.matmul %dot_general3A_171, %get3A_174, %dot_general3A_175 {dimension_numbers = #tpu.dot_dimension_numbers<[1], [0], [0], [1], [0, 0, 1, 1], [], []>, transpose_lhs_hint = false} : vector<512x259xf32>, vector<259x256xf32>, vector<512x256xf32> -> vector<512x256xf32>
    %get3A_177 = arith.constant 0 : index
    %get3A_178 = arith.constant 0 : index
    %get3A_179 = vector.load %arg5[%get3A_177, %get3A_178] : memref<259x256xf32, #tpu.memory_space<vmem>>, vector<3x256xf32>
    %dot_general3A_180 = arith.constant dense<0.000000e+00> : vector<16x256xf32>
    %dot_general3A_181 = tpu.matmul %get3A_3, %get3A_179, %dot_general3A_180 {dimension_numbers = #tpu.dot_dimension_numbers<[1], [0], [0], [1], [0, 0, 1, 1], [], []>, transpose_lhs_hint = false} : vector<16x3xf32>, vector<3x256xf32>, vector<16x256xf32> -> vector<16x256xf32>
    %reshape3A = vector.shape_cast %dot_general3A_176 : vector<512x256xf32> to vector<32x16x256xf32>
    %broadcast_in_dim3A = vector.shape_cast %dot_general3A_181 : vector<16x256xf32> to vector<1x16x256xf32>
    %sub3A = vector.broadcast %broadcast_in_dim3A : vector<1x16x256xf32> to vector<32x16x256xf32>
    %sub3A_182 = arith.subf %reshape3A, %sub3A : vector<32x16x256xf32>
    %get3A_183 = arith.constant 0 : index
    %get3A_184 = arith.constant 0 : index
    %get3A_185 = vector.load %arg6[%get3A_183, %get3A_184] : memref<1x256xf32, #tpu.memory_space<vmem>>, vector<1x256xf32>
    %broadcast_in_dim3A_186 = vector.shape_cast %get3A_185 : vector<1x256xf32> to vector<1x1x256xf32>
    %add3A = vector.broadcast %broadcast_in_dim3A_186 : vector<1x1x256xf32> to vector<32x16x256xf32>
    %add3A_187 = arith.addf %sub3A_182, %add3A : vector<32x16x256xf32>
    %reshape3A_188 = vector.shape_cast %add3A_187 : vector<32x16x256xf32> to vector<512x256xf32>
    %swap3A = arith.constant 0 : index
    %swap3A_189 = arith.constant 0 : index
    %swap3A_190 = arith.constant 0 : index
    %swap3A_191 = vector.load %arg7[%swap3A, %swap3A_189, %swap3A_190] : memref<1x512x256xf32, #tpu.memory_space<vmem>>, vector<1x512x256xf32>
    %swap3A_192 = vector.shape_cast %swap3A_191 : vector<1x512x256xf32> to vector<512x256xf32>
    %swap3A_193 = vector.shape_cast %reshape3A_188 : vector<512x256xf32> to vector<1x512x256xf32>
    tpu.vector_store %arg7[%swap3A, %swap3A_189, %swap3A_190], %swap3A_193 {strides = array<i32>} : memref<1x512x256xf32, #tpu.memory_space<vmem>>, vector<1x512x256xf32>,
    %eq3A_194 = arith.constant 0 : i32
    %eq3A_195 = arith.cmpi eq, %arg0, %eq3A_194 : i32
    %eq3A_196 = arith.constant 0 : i32
    %eq3A_197 = arith.cmpi eq, %arg1, %eq3A_196 : i32
    %and3A = arith.andi %eq3A_195, %eq3A_197 : i1
    %convert_element_type3A_198 = arith.extui %and3A : i1 to i32
    %cond3A = arith.constant 0 : i32
    %cond3A_199 = arith.cmpi ne, %convert_element_type3A_198, %cond3A : i32
    scf.if %cond3A_199 {
      %broadcast_in_dim3A_219 = arith.constant 0.000000e+00 : f32
      %broadcast_in_dim3A_220 = vector.broadcast %broadcast_in_dim3A_219 : f32 to vector<8x256xf32>
      %swap3A_221 = arith.constant 0 : index
      %swap3A_222 = arith.constant 0 : index
      %swap3A_223 = vector.load %arg8[%swap3A_221, %swap3A_222] : memref<8x256xf32, #tpu.memory_space<vmem>>, vector<8x256xf32>
      tpu.vector_store %arg8[%swap3A_221, %swap3A_222], %broadcast_in_dim3A_220 {strides = array<i32>} : memref<8x256xf32, #tpu.memory_space<vmem>>, vector<8x256xf32>,
    } else {
    }
    %get3A_200 = arith.constant 0 : index
    %get3A_201 = arith.constant 0 : index
    %get3A_202 = vector.load %arg8[%get3A_200, %get3A_201] : memref<8x256xf32, #tpu.memory_space<vmem>>, vector<1x256xf32>
    %reduce_sum3A = arith.constant dense<0.000000e+00> : vector<256xf32>
    %reduce_sum3A_203 = vector.multi_reduction <add>, %reshape3A_188, %reduce_sum3A [0] : vector<512x256xf32> to vector<256xf32>
    %broadcast_in_dim3A_204 = vector.shape_cast %reduce_sum3A_203 : vector<256xf32> to vector<1x256xf32>
    %add3A_205 = arith.addf %get3A_202, %broadcast_in_dim3A_204 : vector<1x256xf32>
    %swap3A_206 = arith.constant 0 : index
    %swap3A_207 = arith.constant 0 : index
    %swap3A_208 = vector.load %arg8[%swap3A_206, %swap3A_207] : memref<8x256xf32, #tpu.memory_space<vmem>>, vector<1x256xf32>
    tpu.vector_store %arg8[%swap3A_206, %swap3A_207], %add3A_205 {strides = array<i32>} : memref<8x256xf32, #tpu.memory_space<vmem>>, vector<1x256xf32>,
    %get3A_209 = arith.constant 1 : index
    %get3A_210 = arith.constant 0 : index
    %get3A_211 = vector.load %arg8[%get3A_209, %get3A_210] : memref<8x256xf32, #tpu.memory_space<vmem>>, vector<1x256xf32>
    %mul3A = arith.mulf %reshape3A_188, %reshape3A_188 : vector<512x256xf32>
    %reduce_sum3A_212 = arith.constant dense<0.000000e+00> : vector<256xf32>
    %reduce_sum3A_213 = vector.multi_reduction <add>, %mul3A, %reduce_sum3A_212 [0] : vector<512x256xf32> to vector<256xf32>
    %broadcast_in_dim3A_214 = vector.shape_cast %reduce_sum3A_213 : vector<256xf32> to vector<1x256xf32>
    %add3A_215 = arith.addf %get3A_211, %broadcast_in_dim3A_214 : vector<1x256xf32>
    %swap3A_216 = arith.constant 1 : index
    %swap3A_217 = arith.constant 0 : index
    %swap3A_218 = vector.load %arg8[%swap3A_216, %swap3A_217] : memref<8x256xf32, #tpu.memory_space<vmem>>, vector<1x256xf32>
    tpu.vector_store %arg8[%swap3A_216, %swap3A_217], %add3A_215 {strides = array<i32>} : memref<8x256xf32, #tpu.memory_space<vmem>>, vector<1x256xf32>,
    return
  }
  func.func @transform_0(%arg0: i32, %arg1: i32) -> (i32, i32, i32) {
    %c0_i32 = arith.constant 0 : i32
    %c0_i32_0 = arith.constant 0 : i32
    return %arg0, %arg1, %c0_i32 : i32, i32, i32
  }
  func.func @transform_1(%arg0: i32, %arg1: i32) -> (i32, i32, i32) {
    %c0_i32 = arith.constant 0 : i32
    %c0_i32_0 = arith.constant 0 : i32
    return %arg0, %arg1, %c0_i32 : i32, i32, i32
  }
  func.func @transform_2(%arg0: i32, %arg1: i32) -> (i32, i32, i32) {
    %c0_i32 = arith.constant 0 : i32
    %c0_i32_0 = arith.constant 0 : i32
    %c0_i32_1 = arith.constant 0 : i32
    return %arg0, %c0_i32, %c0_i32_0 : i32, i32, i32
  }
  func.func @transform_3(%arg0: i32, %arg1: i32) -> (i32, i32) {
    %c0_i32 = arith.constant 0 : i32
    %c0_i32_0 = arith.constant 0 : i32
    %c0_i32_1 = arith.constant 0 : i32
    return %c0_i32, %c0_i32_0 : i32, i32
  }
  func.func @transform_4(%arg0: i32, %arg1: i32) -> (i32, i32) {
    %c0_i32 = arith.constant 0 : i32
    %c0_i32_0 = arith.constant 0 : i32
    %c0_i32_1 = arith.constant 0 : i32
    return %c0_i32, %c0_i32_0 : i32, i32
  }
  func.func @transform_5(%arg0: i32, %arg1: i32) -> (i32, i32, i32) {
    %c0_i32 = arith.constant 0 : i32
    %c0_i32_0 = arith.constant 0 : i32
    return %arg0, %arg1, %c0_i32 : i32, i32, i32
  }
  func.func @transform_6(%arg0: i32, %arg1: i32) -> (i32, i32) {
    %c0_i32 = arith.constant 0 : i32
    %c0_i32_0 = arith.constant 0 : i32
    %c0_i32_1 = arith.constant 0 : i32
    return %c0_i32, %c0_i32_0 : i32, i32
  }
}

module attributes {stable_mosaic.version = 14 : i64} {
  func.func @_mm_body(%arg0: i32, %arg1: memref<4096x256xf32, #tpu.memory_space<vmem>>, %arg2: memref<1x256xf32, #tpu.memory_space<vmem>>, %arg3: memref<1x256xf32, #tpu.memory_space<vmem>>, %arg4: memref<256x256xf32, #tpu.memory_space<vmem>>, %arg5: memref<1x256xf32, #tpu.memory_space<vmem>>, %arg6: memref<4096x256xf32, #tpu.memory_space<vmem>>, %arg7: memref<8x256xf32, #tpu.memory_space<vmem>>) attributes {dimension_semantics = [#tpu.dimension_semantics<arbitrary>], iteration_bounds = array<i64: 1>, scalar_prefetch = 0 : i64, scratch_operands = 0 : i64, tpu.core_type = #tpu.core_type<tc>, window_params = [{transform_indices = @transform_0, window_bounds = array<i64: 4096, 256>}, {pipeline_mode = #tpu.pipeline_mode<synchronous>, transform_indices = @transform_1, window_bounds = array<i64: 1, 256>}, {pipeline_mode = #tpu.pipeline_mode<synchronous>, transform_indices = @transform_2, window_bounds = array<i64: 1, 256>}, {pipeline_mode = #tpu.pipeline_mode<synchronous>, transform_indices = @transform_3, window_bounds = array<i64: 256, 256>}, {pipeline_mode = #tpu.pipeline_mode<synchronous>, transform_indices = @transform_4, window_bounds = array<i64: 1, 256>}, {transform_indices = @transform_5, window_bounds = array<i64: 4096, 256>}, {pipeline_mode = #tpu.pipeline_mode<synchronous>, transform_indices = @transform_6, window_bounds = array<i64: 8, 256>}]} {
    %get3A = arith.constant 0 : index
    %get3A_0 = arith.constant 0 : index
    %get3A_1 = vector.load %arg1[%get3A, %get3A_0] : memref<4096x256xf32, #tpu.memory_space<vmem>>, vector<4096x256xf32>
    %get3A_2 = arith.constant 0 : index
    %get3A_3 = arith.constant 0 : index
    %get3A_4 = vector.load %arg2[%get3A_2, %get3A_3] : memref<1x256xf32, #tpu.memory_space<vmem>>, vector<1x256xf32>
    %mul3A = vector.broadcast %get3A_4 : vector<1x256xf32> to vector<4096x256xf32>
    %mul3A_5 = arith.mulf %get3A_1, %mul3A : vector<4096x256xf32>
    %get3A_6 = arith.constant 0 : index
    %get3A_7 = arith.constant 0 : index
    %get3A_8 = vector.load %arg3[%get3A_6, %get3A_7] : memref<1x256xf32, #tpu.memory_space<vmem>>, vector<1x256xf32>
    %add3A = vector.broadcast %get3A_8 : vector<1x256xf32> to vector<4096x256xf32>
    %add3A_9 = arith.addf %mul3A_5, %add3A : vector<4096x256xf32>
    %max3A = arith.constant 0.000000e+00 : f32
    %max3A_10 = vector.broadcast %max3A : f32 to vector<4096x256xf32>
    %max3A_11 = arith.maximumf %add3A_9, %max3A_10 : vector<4096x256xf32>
    %get3A_12 = arith.constant 0 : index
    %get3A_13 = arith.constant 0 : index
    %get3A_14 = vector.load %arg4[%get3A_12, %get3A_13] : memref<256x256xf32, #tpu.memory_space<vmem>>, vector<256x256xf32>
    %dot_general3A = arith.constant dense<0.000000e+00> : vector<4096x256xf32>
    %dot_general3A_15 = tpu.matmul %max3A_11, %get3A_14, %dot_general3A {dimension_numbers = #tpu.dot_dimension_numbers<[1], [0], [0], [1], [0, 0, 1, 1], [], []>, transpose_lhs_hint = false} : vector<4096x256xf32>, vector<256x256xf32>, vector<4096x256xf32> -> vector<4096x256xf32>
    %get3A_16 = arith.constant 0 : index
    %get3A_17 = arith.constant 0 : index
    %get3A_18 = vector.load %arg5[%get3A_16, %get3A_17] : memref<1x256xf32, #tpu.memory_space<vmem>>, vector<1x256xf32>
    %add3A_19 = vector.broadcast %get3A_18 : vector<1x256xf32> to vector<4096x256xf32>
    %add3A_20 = arith.addf %dot_general3A_15, %add3A_19 : vector<4096x256xf32>
    %swap3A = arith.constant 0 : index
    %swap3A_21 = arith.constant 0 : index
    %swap3A_22 = vector.load %arg6[%swap3A, %swap3A_21] : memref<4096x256xf32, #tpu.memory_space<vmem>>, vector<4096x256xf32>
    tpu.vector_store %arg6[%swap3A, %swap3A_21], %add3A_20 {strides = array<i32>} : memref<4096x256xf32, #tpu.memory_space<vmem>>, vector<4096x256xf32>,
    %eq3A = arith.constant 0 : i32
    %eq3A_23 = arith.cmpi eq, %arg0, %eq3A : i32
    %convert_element_type3A = arith.extui %eq3A_23 : i1 to i32
    %cond3A = arith.constant 0 : i32
    %cond3A_24 = arith.cmpi ne, %convert_element_type3A, %cond3A : i32
    scf.if %cond3A_24 {
      %broadcast_in_dim3A_44 = arith.constant 0.000000e+00 : f32
      %broadcast_in_dim3A_45 = vector.broadcast %broadcast_in_dim3A_44 : f32 to vector<8x256xf32>
      %swap3A_46 = arith.constant 0 : index
      %swap3A_47 = arith.constant 0 : index
      %swap3A_48 = vector.load %arg7[%swap3A_46, %swap3A_47] : memref<8x256xf32, #tpu.memory_space<vmem>>, vector<8x256xf32>
      tpu.vector_store %arg7[%swap3A_46, %swap3A_47], %broadcast_in_dim3A_45 {strides = array<i32>} : memref<8x256xf32, #tpu.memory_space<vmem>>, vector<8x256xf32>,
    } else {
    }
    %get3A_25 = arith.constant 0 : index
    %get3A_26 = arith.constant 0 : index
    %get3A_27 = vector.load %arg7[%get3A_25, %get3A_26] : memref<8x256xf32, #tpu.memory_space<vmem>>, vector<1x256xf32>
    %reduce_sum3A = arith.constant dense<0.000000e+00> : vector<256xf32>
    %reduce_sum3A_28 = vector.multi_reduction <add>, %add3A_20, %reduce_sum3A [0] : vector<4096x256xf32> to vector<256xf32>
    %broadcast_in_dim3A = vector.shape_cast %reduce_sum3A_28 : vector<256xf32> to vector<1x256xf32>
    %add3A_29 = arith.addf %get3A_27, %broadcast_in_dim3A : vector<1x256xf32>
    %swap3A_30 = arith.constant 0 : index
    %swap3A_31 = arith.constant 0 : index
    %swap3A_32 = vector.load %arg7[%swap3A_30, %swap3A_31] : memref<8x256xf32, #tpu.memory_space<vmem>>, vector<1x256xf32>
    tpu.vector_store %arg7[%swap3A_30, %swap3A_31], %add3A_29 {strides = array<i32>} : memref<8x256xf32, #tpu.memory_space<vmem>>, vector<1x256xf32>,
    %get3A_33 = arith.constant 1 : index
    %get3A_34 = arith.constant 0 : index
    %get3A_35 = vector.load %arg7[%get3A_33, %get3A_34] : memref<8x256xf32, #tpu.memory_space<vmem>>, vector<1x256xf32>
    %mul3A_36 = arith.mulf %add3A_20, %add3A_20 : vector<4096x256xf32>
    %reduce_sum3A_37 = arith.constant dense<0.000000e+00> : vector<256xf32>
    %reduce_sum3A_38 = vector.multi_reduction <add>, %mul3A_36, %reduce_sum3A_37 [0] : vector<4096x256xf32> to vector<256xf32>
    %broadcast_in_dim3A_39 = vector.shape_cast %reduce_sum3A_38 : vector<256xf32> to vector<1x256xf32>
    %add3A_40 = arith.addf %get3A_35, %broadcast_in_dim3A_39 : vector<1x256xf32>
    %swap3A_41 = arith.constant 1 : index
    %swap3A_42 = arith.constant 0 : index
    %swap3A_43 = vector.load %arg7[%swap3A_41, %swap3A_42] : memref<8x256xf32, #tpu.memory_space<vmem>>, vector<1x256xf32>
    tpu.vector_store %arg7[%swap3A_41, %swap3A_42], %add3A_40 {strides = array<i32>} : memref<8x256xf32, #tpu.memory_space<vmem>>, vector<1x256xf32>,
    return
  }
  func.func @transform_0(%arg0: i32) -> (i32, i32) {
    %c0_i32 = arith.constant 0 : i32
    %c0_i32_0 = arith.constant 0 : i32
    return %arg0, %c0_i32 : i32, i32
  }
  func.func @transform_1(%arg0: i32) -> (i32, i32) {
    %c0_i32 = arith.constant 0 : i32
    %c0_i32_0 = arith.constant 0 : i32
    %c0_i32_1 = arith.constant 0 : i32
    return %c0_i32, %c0_i32_0 : i32, i32
  }
  func.func @transform_2(%arg0: i32) -> (i32, i32) {
    %c0_i32 = arith.constant 0 : i32
    %c0_i32_0 = arith.constant 0 : i32
    %c0_i32_1 = arith.constant 0 : i32
    return %c0_i32, %c0_i32_0 : i32, i32
  }
  func.func @transform_3(%arg0: i32) -> (i32, i32) {
    %c0_i32 = arith.constant 0 : i32
    %c0_i32_0 = arith.constant 0 : i32
    %c0_i32_1 = arith.constant 0 : i32
    return %c0_i32, %c0_i32_0 : i32, i32
  }
  func.func @transform_4(%arg0: i32) -> (i32, i32) {
    %c0_i32 = arith.constant 0 : i32
    %c0_i32_0 = arith.constant 0 : i32
    %c0_i32_1 = arith.constant 0 : i32
    return %c0_i32, %c0_i32_0 : i32, i32
  }
  func.func @transform_5(%arg0: i32) -> (i32, i32) {
    %c0_i32 = arith.constant 0 : i32
    %c0_i32_0 = arith.constant 0 : i32
    return %arg0, %c0_i32 : i32, i32
  }
  func.func @transform_6(%arg0: i32) -> (i32, i32) {
    %c0_i32 = arith.constant 0 : i32
    %c0_i32_0 = arith.constant 0 : i32
    %c0_i32_1 = arith.constant 0 : i32
    return %c0_i32, %c0_i32_0 : i32, i32
  }
}

module attributes {stable_mosaic.version = 14 : i64} {
  func.func @_mm_body(%arg0: i32, %arg1: memref<4096x256xf32, #tpu.memory_space<vmem>>, %arg2: memref<1x256xf32, #tpu.memory_space<vmem>>, %arg3: memref<1x256xf32, #tpu.memory_space<vmem>>, %arg4: memref<256x512xf32, #tpu.memory_space<vmem>>, %arg5: memref<1x512xf32, #tpu.memory_space<vmem>>, %arg6: memref<4096x512xf32, #tpu.memory_space<vmem>>, %arg7: memref<8x512xf32, #tpu.memory_space<vmem>>) attributes {dimension_semantics = [#tpu.dimension_semantics<arbitrary>], iteration_bounds = array<i64: 1>, scalar_prefetch = 0 : i64, scratch_operands = 0 : i64, tpu.core_type = #tpu.core_type<tc>, window_params = [{transform_indices = @transform_0, window_bounds = array<i64: 4096, 256>}, {pipeline_mode = #tpu.pipeline_mode<synchronous>, transform_indices = @transform_1, window_bounds = array<i64: 1, 256>}, {pipeline_mode = #tpu.pipeline_mode<synchronous>, transform_indices = @transform_2, window_bounds = array<i64: 1, 256>}, {pipeline_mode = #tpu.pipeline_mode<synchronous>, transform_indices = @transform_3, window_bounds = array<i64: 256, 512>}, {pipeline_mode = #tpu.pipeline_mode<synchronous>, transform_indices = @transform_4, window_bounds = array<i64: 1, 512>}, {transform_indices = @transform_5, window_bounds = array<i64: 4096, 512>}, {pipeline_mode = #tpu.pipeline_mode<synchronous>, transform_indices = @transform_6, window_bounds = array<i64: 8, 512>}]} {
    %get3A = arith.constant 0 : index
    %get3A_0 = arith.constant 0 : index
    %get3A_1 = vector.load %arg1[%get3A, %get3A_0] : memref<4096x256xf32, #tpu.memory_space<vmem>>, vector<4096x256xf32>
    %get3A_2 = arith.constant 0 : index
    %get3A_3 = arith.constant 0 : index
    %get3A_4 = vector.load %arg2[%get3A_2, %get3A_3] : memref<1x256xf32, #tpu.memory_space<vmem>>, vector<1x256xf32>
    %mul3A = vector.broadcast %get3A_4 : vector<1x256xf32> to vector<4096x256xf32>
    %mul3A_5 = arith.mulf %get3A_1, %mul3A : vector<4096x256xf32>
    %get3A_6 = arith.constant 0 : index
    %get3A_7 = arith.constant 0 : index
    %get3A_8 = vector.load %arg3[%get3A_6, %get3A_7] : memref<1x256xf32, #tpu.memory_space<vmem>>, vector<1x256xf32>
    %add3A = vector.broadcast %get3A_8 : vector<1x256xf32> to vector<4096x256xf32>
    %add3A_9 = arith.addf %mul3A_5, %add3A : vector<4096x256xf32>
    %max3A = arith.constant 0.000000e+00 : f32
    %max3A_10 = vector.broadcast %max3A : f32 to vector<4096x256xf32>
    %max3A_11 = arith.maximumf %add3A_9, %max3A_10 : vector<4096x256xf32>
    %get3A_12 = arith.constant 0 : index
    %get3A_13 = arith.constant 0 : index
    %get3A_14 = vector.load %arg4[%get3A_12, %get3A_13] : memref<256x512xf32, #tpu.memory_space<vmem>>, vector<256x512xf32>
    %dot_general3A = arith.constant dense<0.000000e+00> : vector<4096x512xf32>
    %dot_general3A_15 = tpu.matmul %max3A_11, %get3A_14, %dot_general3A {dimension_numbers = #tpu.dot_dimension_numbers<[1], [0], [0], [1], [0, 0, 1, 1], [], []>, transpose_lhs_hint = false} : vector<4096x256xf32>, vector<256x512xf32>, vector<4096x512xf32> -> vector<4096x512xf32>
    %get3A_16 = arith.constant 0 : index
    %get3A_17 = arith.constant 0 : index
    %get3A_18 = vector.load %arg5[%get3A_16, %get3A_17] : memref<1x512xf32, #tpu.memory_space<vmem>>, vector<1x512xf32>
    %add3A_19 = vector.broadcast %get3A_18 : vector<1x512xf32> to vector<4096x512xf32>
    %add3A_20 = arith.addf %dot_general3A_15, %add3A_19 : vector<4096x512xf32>
    %swap3A = arith.constant 0 : index
    %swap3A_21 = arith.constant 0 : index
    %swap3A_22 = vector.load %arg6[%swap3A, %swap3A_21] : memref<4096x512xf32, #tpu.memory_space<vmem>>, vector<4096x512xf32>
    tpu.vector_store %arg6[%swap3A, %swap3A_21], %add3A_20 {strides = array<i32>} : memref<4096x512xf32, #tpu.memory_space<vmem>>, vector<4096x512xf32>,
    %eq3A = arith.constant 0 : i32
    %eq3A_23 = arith.cmpi eq, %arg0, %eq3A : i32
    %convert_element_type3A = arith.extui %eq3A_23 : i1 to i32
    %cond3A = arith.constant 0 : i32
    %cond3A_24 = arith.cmpi ne, %convert_element_type3A, %cond3A : i32
    scf.if %cond3A_24 {
      %broadcast_in_dim3A_44 = arith.constant 0.000000e+00 : f32
      %broadcast_in_dim3A_45 = vector.broadcast %broadcast_in_dim3A_44 : f32 to vector<8x512xf32>
      %swap3A_46 = arith.constant 0 : index
      %swap3A_47 = arith.constant 0 : index
      %swap3A_48 = vector.load %arg7[%swap3A_46, %swap3A_47] : memref<8x512xf32, #tpu.memory_space<vmem>>, vector<8x512xf32>
      tpu.vector_store %arg7[%swap3A_46, %swap3A_47], %broadcast_in_dim3A_45 {strides = array<i32>} : memref<8x512xf32, #tpu.memory_space<vmem>>, vector<8x512xf32>,
    } else {
    }
    %get3A_25 = arith.constant 0 : index
    %get3A_26 = arith.constant 0 : index
    %get3A_27 = vector.load %arg7[%get3A_25, %get3A_26] : memref<8x512xf32, #tpu.memory_space<vmem>>, vector<1x512xf32>
    %reduce_sum3A = arith.constant dense<0.000000e+00> : vector<512xf32>
    %reduce_sum3A_28 = vector.multi_reduction <add>, %add3A_20, %reduce_sum3A [0] : vector<4096x512xf32> to vector<512xf32>
    %broadcast_in_dim3A = vector.shape_cast %reduce_sum3A_28 : vector<512xf32> to vector<1x512xf32>
    %add3A_29 = arith.addf %get3A_27, %broadcast_in_dim3A : vector<1x512xf32>
    %swap3A_30 = arith.constant 0 : index
    %swap3A_31 = arith.constant 0 : index
    %swap3A_32 = vector.load %arg7[%swap3A_30, %swap3A_31] : memref<8x512xf32, #tpu.memory_space<vmem>>, vector<1x512xf32>
    tpu.vector_store %arg7[%swap3A_30, %swap3A_31], %add3A_29 {strides = array<i32>} : memref<8x512xf32, #tpu.memory_space<vmem>>, vector<1x512xf32>,
    %get3A_33 = arith.constant 1 : index
    %get3A_34 = arith.constant 0 : index
    %get3A_35 = vector.load %arg7[%get3A_33, %get3A_34] : memref<8x512xf32, #tpu.memory_space<vmem>>, vector<1x512xf32>
    %mul3A_36 = arith.mulf %add3A_20, %add3A_20 : vector<4096x512xf32>
    %reduce_sum3A_37 = arith.constant dense<0.000000e+00> : vector<512xf32>
    %reduce_sum3A_38 = vector.multi_reduction <add>, %mul3A_36, %reduce_sum3A_37 [0] : vector<4096x512xf32> to vector<512xf32>
    %broadcast_in_dim3A_39 = vector.shape_cast %reduce_sum3A_38 : vector<512xf32> to vector<1x512xf32>
    %add3A_40 = arith.addf %get3A_35, %broadcast_in_dim3A_39 : vector<1x512xf32>
    %swap3A_41 = arith.constant 1 : index
    %swap3A_42 = arith.constant 0 : index
    %swap3A_43 = vector.load %arg7[%swap3A_41, %swap3A_42] : memref<8x512xf32, #tpu.memory_space<vmem>>, vector<1x512xf32>
    tpu.vector_store %arg7[%swap3A_41, %swap3A_42], %add3A_40 {strides = array<i32>} : memref<8x512xf32, #tpu.memory_space<vmem>>, vector<1x512xf32>,
    return
  }
  func.func @transform_0(%arg0: i32) -> (i32, i32) {
    %c0_i32 = arith.constant 0 : i32
    %c0_i32_0 = arith.constant 0 : i32
    return %arg0, %c0_i32 : i32, i32
  }
  func.func @transform_1(%arg0: i32) -> (i32, i32) {
    %c0_i32 = arith.constant 0 : i32
    %c0_i32_0 = arith.constant 0 : i32
    %c0_i32_1 = arith.constant 0 : i32
    return %c0_i32, %c0_i32_0 : i32, i32
  }
  func.func @transform_2(%arg0: i32) -> (i32, i32) {
    %c0_i32 = arith.constant 0 : i32
    %c0_i32_0 = arith.constant 0 : i32
    %c0_i32_1 = arith.constant 0 : i32
    return %c0_i32, %c0_i32_0 : i32, i32
  }
  func.func @transform_3(%arg0: i32) -> (i32, i32) {
    %c0_i32 = arith.constant 0 : i32
    %c0_i32_0 = arith.constant 0 : i32
    %c0_i32_1 = arith.constant 0 : i32
    return %c0_i32, %c0_i32_0 : i32, i32
  }
  func.func @transform_4(%arg0: i32) -> (i32, i32) {
    %c0_i32 = arith.constant 0 : i32
    %c0_i32_0 = arith.constant 0 : i32
    %c0_i32_1 = arith.constant 0 : i32
    return %c0_i32, %c0_i32_0 : i32, i32
  }
  func.func @transform_5(%arg0: i32) -> (i32, i32) {
    %c0_i32 = arith.constant 0 : i32
    %c0_i32_0 = arith.constant 0 : i32
    return %arg0, %c0_i32 : i32, i32
  }
  func.func @transform_6(%arg0: i32) -> (i32, i32) {
    %c0_i32 = arith.constant 0 : i32
    %c0_i32_0 = arith.constant 0 : i32
    %c0_i32_1 = arith.constant 0 : i32
    return %c0_i32, %c0_i32_0 : i32, i32
  }
}

module attributes {stable_mosaic.version = 14 : i64} {
  func.func @body(%arg0: i32, %arg1: memref<1x512x512xf32, #tpu.memory_space<vmem>>, %arg2: memref<1x512xf32, #tpu.memory_space<vmem>>, %arg3: memref<1x512xf32, #tpu.memory_space<vmem>>, %arg4: memref<1x16x512xf32, #tpu.memory_space<vmem>>) attributes {dimension_semantics = [#tpu.dimension_semantics<arbitrary>], iteration_bounds = array<i64: 8>, scalar_prefetch = 0 : i64, scratch_operands = 0 : i64, tpu.core_type = #tpu.core_type<tc>, window_params = [{transform_indices = @transform_0, window_bounds = array<i64: 1, 512, 512>}, {pipeline_mode = #tpu.pipeline_mode<synchronous>, transform_indices = @transform_1, window_bounds = array<i64: 1, 512>}, {pipeline_mode = #tpu.pipeline_mode<synchronous>, transform_indices = @transform_2, window_bounds = array<i64: 1, 512>}, {transform_indices = @transform_3, window_bounds = array<i64: 1, 16, 512>}]} {
    %get3A = arith.constant 0 : index
    %get3A_0 = arith.constant 0 : index
    %get3A_1 = arith.constant 0 : index
    %get3A_2 = vector.load %arg1[%get3A, %get3A_0, %get3A_1] : memref<1x512x512xf32, #tpu.memory_space<vmem>>, vector<1x512x512xf32>
    %get3A_3 = vector.shape_cast %get3A_2 : vector<1x512x512xf32> to vector<512x512xf32>
    %reshape3A = vector.shape_cast %get3A_3 : vector<512x512xf32> to vector<1x32x16x512xf32>
    %get3A_4 = arith.constant 0 : index
    %get3A_5 = arith.constant 0 : index
    %get3A_6 = vector.load %arg2[%get3A_4, %get3A_5] : memref<1x512xf32, #tpu.memory_space<vmem>>, vector<1x512xf32>
    %broadcast_in_dim3A = vector.shape_cast %get3A_6 : vector<1x512xf32> to vector<1x1x1x512xf32>
    %mul3A = vector.broadcast %broadcast_in_dim3A : vector<1x1x1x512xf32> to vector<1x32x16x512xf32>
    %mul3A_7 = arith.mulf %reshape3A, %mul3A : vector<1x32x16x512xf32>
    %get3A_8 = arith.constant 0 : index
    %get3A_9 = arith.constant 0 : index
    %get3A_10 = vector.load %arg3[%get3A_8, %get3A_9] : memref<1x512xf32, #tpu.memory_space<vmem>>, vector<1x512xf32>
    %broadcast_in_dim3A_11 = vector.shape_cast %get3A_10 : vector<1x512xf32> to vector<1x1x1x512xf32>
    %add3A = vector.broadcast %broadcast_in_dim3A_11 : vector<1x1x1x512xf32> to vector<1x32x16x512xf32>
    %add3A_12 = arith.addf %mul3A_7, %add3A : vector<1x32x16x512xf32>
    %max3A = arith.constant 0.000000e+00 : f32
    %max3A_13 = vector.broadcast %max3A : f32 to vector<1x32x16x512xf32>
    %max3A_14 = arith.maximumf %add3A_12, %max3A_13 : vector<1x32x16x512xf32>
    %reduce_max3A = arith.constant dense<0xFF800000> : vector<1x16x512xf32>
    %reduce_max3A_15 = vector.multi_reduction <maximumf>, %max3A_14, %reduce_max3A [1] : vector<1x32x16x512xf32> to vector<1x16x512xf32>
    %reshape3A_16 = vector.shape_cast %reduce_max3A_15 : vector<1x16x512xf32> to vector<16x512xf32>
    %swap3A = arith.constant 0 : index
    %swap3A_17 = arith.constant 0 : index
    %swap3A_18 = arith.constant 0 : index
    %swap3A_19 = vector.load %arg4[%swap3A, %swap3A_17, %swap3A_18] : memref<1x16x512xf32, #tpu.memory_space<vmem>>, vector<1x16x512xf32>
    %swap3A_20 = vector.shape_cast %swap3A_19 : vector<1x16x512xf32> to vector<16x512xf32>
    %swap3A_21 = vector.shape_cast %reshape3A_16 : vector<16x512xf32> to vector<1x16x512xf32>
    tpu.vector_store %arg4[%swap3A, %swap3A_17, %swap3A_18], %swap3A_21 {strides = array<i32>} : memref<1x16x512xf32, #tpu.memory_space<vmem>>, vector<1x16x512xf32>,
    return
  }
  func.func @transform_0(%arg0: i32) -> (i32, i32, i32) {
    %c0_i32 = arith.constant 0 : i32
    %c0_i32_0 = arith.constant 0 : i32
    %c0_i32_1 = arith.constant 0 : i32
    return %arg0, %c0_i32, %c0_i32_0 : i32, i32, i32
  }
  func.func @transform_1(%arg0: i32) -> (i32, i32) {
    %c0_i32 = arith.constant 0 : i32
    %c0_i32_0 = arith.constant 0 : i32
    %c0_i32_1 = arith.constant 0 : i32
    return %c0_i32, %c0_i32_0 : i32, i32
  }
  func.func @transform_2(%arg0: i32) -> (i32, i32) {
    %c0_i32 = arith.constant 0 : i32
    %c0_i32_0 = arith.constant 0 : i32
    %c0_i32_1 = arith.constant 0 : i32
    return %c0_i32, %c0_i32_0 : i32, i32
  }
  func.func @transform_3(%arg0: i32) -> (i32, i32, i32) {
    %c0_i32 = arith.constant 0 : i32
    %c0_i32_0 = arith.constant 0 : i32
    %c0_i32_1 = arith.constant 0 : i32
    return %arg0, %c0_i32, %c0_i32_0 : i32, i32, i32
  }
}

module attributes {stable_mosaic.version = 14 : i64} {
  func.func @body(%arg0: i32, %arg1: i32, %arg2: memref<1x64x16xf32, #tpu.memory_space<vmem>>, %arg3: memref<1x64x3xi32, #tpu.memory_space<vmem>>, %arg4: memref<1x16x512xf32, #tpu.memory_space<vmem>>, %arg5: memref<1x64x256xf32, #tpu.memory_space<vmem>>, %arg6: memref<256x256xf32, #tpu.memory_space<vmem>>, %arg7: memref<512x256xf32, #tpu.memory_space<vmem>>, %arg8: memref<1x256xf32, #tpu.memory_space<vmem>>, %arg9: memref<1x64x256xf32, #tpu.memory_space<vmem>>, %arg10: memref<8x256xf32, #tpu.memory_space<vmem>>) attributes {dimension_semantics = [#tpu.dimension_semantics<arbitrary>, #tpu.dimension_semantics<arbitrary>], iteration_bounds = array<i64: 8, 1>, scalar_prefetch = 0 : i64, scratch_operands = 0 : i64, tpu.core_type = #tpu.core_type<tc>, window_params = [{transform_indices = @transform_0, window_bounds = array<i64: 1, 64, 16>}, {transform_indices = @transform_1, window_bounds = array<i64: 1, 64, 3>}, {transform_indices = @transform_2, window_bounds = array<i64: 1, 16, 512>}, {transform_indices = @transform_3, window_bounds = array<i64: 1, 64, 256>}, {pipeline_mode = #tpu.pipeline_mode<synchronous>, transform_indices = @transform_4, window_bounds = array<i64: 256, 256>}, {pipeline_mode = #tpu.pipeline_mode<synchronous>, transform_indices = @transform_5, window_bounds = array<i64: 512, 256>}, {pipeline_mode = #tpu.pipeline_mode<synchronous>, transform_indices = @transform_6, window_bounds = array<i64: 1, 256>}, {transform_indices = @transform_7, window_bounds = array<i64: 1, 64, 256>}, {pipeline_mode = #tpu.pipeline_mode<synchronous>, transform_indices = @transform_8, window_bounds = array<i64: 8, 256>}]} {
    %get3A = arith.constant 0 : index
    %get3A_0 = arith.constant 0 : index
    %get3A_1 = arith.constant 0 : index
    %get3A_2 = vector.load %arg2[%get3A, %get3A_0, %get3A_1] : memref<1x64x16xf32, #tpu.memory_space<vmem>>, vector<1x64x16xf32>
    %get3A_3 = vector.shape_cast %get3A_2 : vector<1x64x16xf32> to vector<64x16xf32>
    %get3A_4 = arith.constant 0 : index
    %get3A_5 = arith.constant 0 : index
    %get3A_6 = arith.constant 0 : index
    %get3A_7 = vector.load %arg3[%get3A_4, %get3A_5, %get3A_6] : memref<1x64x3xi32, #tpu.memory_space<vmem>>, vector<1x64x3xi32>
    %get3A_8 = vector.shape_cast %get3A_7 : vector<1x64x3xi32> to vector<64x3xi32>
    %iota3A = tpu.iota {dimensions = array<i32: 1>} : vector<64x16xi32>
    %slice3A = vector.extract_strided_slice %get3A_8 {offsets = [0, 0], sizes = [64, 1], strides = [1, 1]} : vector<64x3xi32> to vector<64x1xi32>
    %eq3A = vector.broadcast %slice3A : vector<64x1xi32> to vector<64x16xi32>
    %eq3A_9 = arith.cmpi eq, %iota3A, %eq3A : vector<64x16xi32>
    %convert_element_type3A = arith.extui %eq3A_9 : vector<64x16xi1> to vector<64x16xi32>
    %convert_element_type3A_10 = arith.sitofp %convert_element_type3A : vector<64x16xi32> to vector<64x16xf32>
    %mul3A = arith.mulf %get3A_3, %convert_element_type3A_10 : vector<64x16xf32>
    %reduce_sum3A = arith.constant dense<0.000000e+00> : vector<64xf32>
    %reduce_sum3A_11 = vector.multi_reduction <add>, %mul3A, %reduce_sum3A [1] : vector<64x16xf32> to vector<64xf32>
    %broadcast_in_dim3A = vector.shape_cast %reduce_sum3A_11 : vector<64xf32> to vector<64x1xf32>
    %add3A = arith.constant 9.99999993E-9 : f32
    %add3A_12 = vector.broadcast %add3A : f32 to vector<64x1xf32>
    %add3A_13 = arith.addf %broadcast_in_dim3A, %add3A_12 : vector<64x1xf32>
    %div3A = arith.constant 1.000000e+00 : f32
    %div3A_14 = vector.broadcast %div3A : f32 to vector<64x1xf32>
    %div3A_15 = arith.divf %div3A_14, %add3A_13 : vector<64x1xf32>
    %slice3A_16 = vector.extract_strided_slice %get3A_8 {offsets = [0, 1], sizes = [64, 1], strides = [1, 1]} : vector<64x3xi32> to vector<64x1xi32>
    %eq3A_17 = vector.broadcast %slice3A_16 : vector<64x1xi32> to vector<64x16xi32>
    %eq3A_18 = arith.cmpi eq, %iota3A, %eq3A_17 : vector<64x16xi32>
    %convert_element_type3A_19 = arith.extui %eq3A_18 : vector<64x16xi1> to vector<64x16xi32>
    %convert_element_type3A_20 = arith.sitofp %convert_element_type3A_19 : vector<64x16xi32> to vector<64x16xf32>
    %mul3A_21 = arith.mulf %get3A_3, %convert_element_type3A_20 : vector<64x16xf32>
    %reduce_sum3A_22 = arith.constant dense<0.000000e+00> : vector<64xf32>
    %reduce_sum3A_23 = vector.multi_reduction <add>, %mul3A_21, %reduce_sum3A_22 [1] : vector<64x16xf32> to vector<64xf32>
    %broadcast_in_dim3A_24 = vector.shape_cast %reduce_sum3A_23 : vector<64xf32> to vector<64x1xf32>
    %add3A_25 = arith.constant 9.99999993E-9 : f32
    %add3A_26 = vector.broadcast %add3A_25 : f32 to vector<64x1xf32>
    %add3A_27 = arith.addf %broadcast_in_dim3A_24, %add3A_26 : vector<64x1xf32>
    %div3A_28 = arith.constant 1.000000e+00 : f32
    %div3A_29 = vector.broadcast %div3A_28 : f32 to vector<64x1xf32>
    %div3A_30 = arith.divf %div3A_29, %add3A_27 : vector<64x1xf32>
    %slice3A_31 = vector.extract_strided_slice %get3A_8 {offsets = [0, 2], sizes = [64, 1], strides = [1, 1]} : vector<64x3xi32> to vector<64x1xi32>
    %eq3A_32 = vector.broadcast %slice3A_31 : vector<64x1xi32> to vector<64x16xi32>
    %eq3A_33 = arith.cmpi eq, %iota3A, %eq3A_32 : vector<64x16xi32>
    %convert_element_type3A_34 = arith.extui %eq3A_33 : vector<64x16xi1> to vector<64x16xi32>
    %convert_element_type3A_35 = arith.sitofp %convert_element_type3A_34 : vector<64x16xi32> to vector<64x16xf32>
    %mul3A_36 = arith.mulf %get3A_3, %convert_element_type3A_35 : vector<64x16xf32>
    %reduce_sum3A_37 = arith.constant dense<0.000000e+00> : vector<64xf32>
    %reduce_sum3A_38 = vector.multi_reduction <add>, %mul3A_36, %reduce_sum3A_37 [1] : vector<64x16xf32> to vector<64xf32>
    %broadcast_in_dim3A_39 = vector.shape_cast %reduce_sum3A_38 : vector<64xf32> to vector<64x1xf32>
    %add3A_40 = arith.constant 9.99999993E-9 : f32
    %add3A_41 = vector.broadcast %add3A_40 : f32 to vector<64x1xf32>
    %add3A_42 = arith.addf %broadcast_in_dim3A_39, %add3A_41 : vector<64x1xf32>
    %div3A_43 = arith.constant 1.000000e+00 : f32
    %div3A_44 = vector.broadcast %div3A_43 : f32 to vector<64x1xf32>
    %div3A_45 = arith.divf %div3A_44, %add3A_42 : vector<64x1xf32>
    %add3A_46 = arith.addf %div3A_15, %div3A_30 : vector<64x1xf32>
    %add3A_47 = arith.addf %add3A_46, %div3A_45 : vector<64x1xf32>
    %div3A_48 = arith.divf %div3A_15, %add3A_47 : vector<64x1xf32>
    %mul3A_49 = vector.broadcast %div3A_48 : vector<64x1xf32> to vector<64x16xf32>
    %mul3A_50 = arith.mulf %mul3A_49, %convert_element_type3A_10 : vector<64x16xf32>
    %div3A_51 = arith.divf %div3A_30, %add3A_47 : vector<64x1xf32>
    %mul3A_52 = vector.broadcast %div3A_51 : vector<64x1xf32> to vector<64x16xf32>
    %mul3A_53 = arith.mulf %mul3A_52, %convert_element_type3A_20 : vector<64x16xf32>
    %add3A_54 = arith.addf %mul3A_50, %mul3A_53 : vector<64x16xf32>
    %div3A_55 = arith.divf %div3A_45, %add3A_47 : vector<64x1xf32>
    %mul3A_56 = vector.broadcast %div3A_55 : vector<64x1xf32> to vector<64x16xf32>
    %mul3A_57 = arith.mulf %mul3A_56, %convert_element_type3A_35 : vector<64x16xf32>
    %add3A_58 = arith.addf %add3A_54, %mul3A_57 : vector<64x16xf32>
    %get3A_59 = arith.constant 0 : index
    %get3A_60 = arith.constant 0 : index
    %get3A_61 = arith.constant 0 : index
    %get3A_62 = vector.load %arg4[%get3A_59, %get3A_60, %get3A_61] : memref<1x16x512xf32, #tpu.memory_space<vmem>>, vector<1x16x512xf32>
    %get3A_63 = vector.shape_cast %get3A_62 : vector<1x16x512xf32> to vector<16x512xf32>
    %dot_general3A = arith.constant dense<0.000000e+00> : vector<64x512xf32>
    %dot_general3A_64 = tpu.matmul %add3A_58, %get3A_63, %dot_general3A {dimension_numbers = #tpu.dot_dimension_numbers<[1], [0], [0], [1], [0, 0, 1, 1], [], []>, transpose_lhs_hint = false} : vector<64x16xf32>, vector<16x512xf32>, vector<64x512xf32> -> vector<64x512xf32>
    %get3A_65 = arith.constant 0 : index
    %get3A_66 = arith.constant 0 : index
    %get3A_67 = vector.load %arg7[%get3A_65, %get3A_66] : memref<512x256xf32, #tpu.memory_space<vmem>>, vector<512x256xf32>
    %dot_general3A_68 = arith.constant dense<0.000000e+00> : vector<64x256xf32>
    %dot_general3A_69 = tpu.matmul %dot_general3A_64, %get3A_67, %dot_general3A_68 {dimension_numbers = #tpu.dot_dimension_numbers<[1], [0], [0], [1], [0, 0, 1, 1], [], []>, transpose_lhs_hint = false} : vector<64x512xf32>, vector<512x256xf32>, vector<64x256xf32> -> vector<64x256xf32>
    %get3A_70 = arith.constant 0 : index
    %get3A_71 = arith.constant 0 : index
    %get3A_72 = arith.constant 0 : index
    %get3A_73 = vector.load %arg5[%get3A_70, %get3A_71, %get3A_72] : memref<1x64x256xf32, #tpu.memory_space<vmem>>, vector<1x64x256xf32>
    %get3A_74 = vector.shape_cast %get3A_73 : vector<1x64x256xf32> to vector<64x256xf32>
    %get3A_75 = arith.constant 0 : index
    %get3A_76 = arith.constant 0 : index
    %get3A_77 = vector.load %arg6[%get3A_75, %get3A_76] : memref<256x256xf32, #tpu.memory_space<vmem>>, vector<256x256xf32>
    %dot_general3A_78 = arith.constant dense<0.000000e+00> : vector<64x256xf32>
    %dot_general3A_79 = tpu.matmul %get3A_74, %get3A_77, %dot_general3A_78 {dimension_numbers = #tpu.dot_dimension_numbers<[1], [0], [0], [1], [0, 0, 1, 1], [], []>, transpose_lhs_hint = false} : vector<64x256xf32>, vector<256x256xf32>, vector<64x256xf32> -> vector<64x256xf32>
    %add3A_80 = arith.addf %dot_general3A_69, %dot_general3A_79 : vector<64x256xf32>
    %get3A_81 = arith.constant 0 : index
    %get3A_82 = arith.constant 0 : index
    %get3A_83 = vector.load %arg8[%get3A_81, %get3A_82] : memref<1x256xf32, #tpu.memory_space<vmem>>, vector<1x256xf32>
    %add3A_84 = vector.broadcast %get3A_83 : vector<1x256xf32> to vector<64x256xf32>
    %add3A_85 = arith.addf %add3A_80, %add3A_84 : vector<64x256xf32>
    %swap3A = arith.constant 0 : index
    %swap3A_86 = arith.constant 0 : index
    %swap3A_87 = arith.constant 0 : index
    %swap3A_88 = vector.load %arg9[%swap3A, %swap3A_86, %swap3A_87] : memref<1x64x256xf32, #tpu.memory_space<vmem>>, vector<1x64x256xf32>
    %swap3A_89 = vector.shape_cast %swap3A_88 : vector<1x64x256xf32> to vector<64x256xf32>
    %swap3A_90 = vector.shape_cast %add3A_85 : vector<64x256xf32> to vector<1x64x256xf32>
    tpu.vector_store %arg9[%swap3A, %swap3A_86, %swap3A_87], %swap3A_90 {strides = array<i32>} : memref<1x64x256xf32, #tpu.memory_space<vmem>>, vector<1x64x256xf32>,
    %eq3A_91 = arith.constant 0 : i32
    %eq3A_92 = arith.cmpi eq, %arg0, %eq3A_91 : i32
    %eq3A_93 = arith.constant 0 : i32
    %eq3A_94 = arith.cmpi eq, %arg1, %eq3A_93 : i32
    %and3A = arith.andi %eq3A_92, %eq3A_94 : i1
    %convert_element_type3A_95 = arith.extui %and3A : i1 to i32
    %cond3A = arith.constant 0 : i32
    %cond3A_96 = arith.cmpi ne, %convert_element_type3A_95, %cond3A : i32
    scf.if %cond3A_96 {
      %broadcast_in_dim3A_118 = arith.constant 0.000000e+00 : f32
      %broadcast_in_dim3A_119 = vector.broadcast %broadcast_in_dim3A_118 : f32 to vector<8x256xf32>
      %swap3A_120 = arith.constant 0 : index
      %swap3A_121 = arith.constant 0 : index
      %swap3A_122 = vector.load %arg10[%swap3A_120, %swap3A_121] : memref<8x256xf32, #tpu.memory_space<vmem>>, vector<8x256xf32>
      tpu.vector_store %arg10[%swap3A_120, %swap3A_121], %broadcast_in_dim3A_119 {strides = array<i32>} : memref<8x256xf32, #tpu.memory_space<vmem>>, vector<8x256xf32>,
    } else {
    }
    %get3A_97 = arith.constant 0 : index
    %get3A_98 = arith.constant 0 : index
    %get3A_99 = vector.load %arg10[%get3A_97, %get3A_98] : memref<8x256xf32, #tpu.memory_space<vmem>>, vector<1x256xf32>
    %reduce_sum3A_100 = arith.constant dense<0.000000e+00> : vector<256xf32>
    %reduce_sum3A_101 = vector.multi_reduction <add>, %add3A_85, %reduce_sum3A_100 [0] : vector<64x256xf32> to vector<256xf32>
    %broadcast_in_dim3A_102 = vector.shape_cast %reduce_sum3A_101 : vector<256xf32> to vector<1x256xf32>
    %add3A_103 = arith.addf %get3A_99, %broadcast_in_dim3A_102 : vector<1x256xf32>
    %swap3A_104 = arith.constant 0 : index
    %swap3A_105 = arith.constant 0 : index
    %swap3A_106 = vector.load %arg10[%swap3A_104, %swap3A_105] : memref<8x256xf32, #tpu.memory_space<vmem>>, vector<1x256xf32>
    tpu.vector_store %arg10[%swap3A_104, %swap3A_105], %add3A_103 {strides = array<i32>} : memref<8x256xf32, #tpu.memory_space<vmem>>, vector<1x256xf32>,
    %get3A_107 = arith.constant 1 : index
    %get3A_108 = arith.constant 0 : index
    %get3A_109 = vector.load %arg10[%get3A_107, %get3A_108] : memref<8x256xf32, #tpu.memory_space<vmem>>, vector<1x256xf32>
    %mul3A_110 = arith.mulf %add3A_85, %add3A_85 : vector<64x256xf32>
    %reduce_sum3A_111 = arith.constant dense<0.000000e+00> : vector<256xf32>
    %reduce_sum3A_112 = vector.multi_reduction <add>, %mul3A_110, %reduce_sum3A_111 [0] : vector<64x256xf32> to vector<256xf32>
    %broadcast_in_dim3A_113 = vector.shape_cast %reduce_sum3A_112 : vector<256xf32> to vector<1x256xf32>
    %add3A_114 = arith.addf %get3A_109, %broadcast_in_dim3A_113 : vector<1x256xf32>
    %swap3A_115 = arith.constant 1 : index
    %swap3A_116 = arith.constant 0 : index
    %swap3A_117 = vector.load %arg10[%swap3A_115, %swap3A_116] : memref<8x256xf32, #tpu.memory_space<vmem>>, vector<1x256xf32>
    tpu.vector_store %arg10[%swap3A_115, %swap3A_116], %add3A_114 {strides = array<i32>} : memref<8x256xf32, #tpu.memory_space<vmem>>, vector<1x256xf32>,
    return
  }
  func.func @transform_0(%arg0: i32, %arg1: i32) -> (i32, i32, i32) {
    %c0_i32 = arith.constant 0 : i32
    %c0_i32_0 = arith.constant 0 : i32
    return %arg0, %arg1, %c0_i32 : i32, i32, i32
  }
  func.func @transform_1(%arg0: i32, %arg1: i32) -> (i32, i32, i32) {
    %c0_i32 = arith.constant 0 : i32
    %c0_i32_0 = arith.constant 0 : i32
    return %arg0, %arg1, %c0_i32 : i32, i32, i32
  }
  func.func @transform_2(%arg0: i32, %arg1: i32) -> (i32, i32, i32) {
    %c0_i32 = arith.constant 0 : i32
    %c0_i32_0 = arith.constant 0 : i32
    %c0_i32_1 = arith.constant 0 : i32
    return %arg0, %c0_i32, %c0_i32_0 : i32, i32, i32
  }
  func.func @transform_3(%arg0: i32, %arg1: i32) -> (i32, i32, i32) {
    %c0_i32 = arith.constant 0 : i32
    %c0_i32_0 = arith.constant 0 : i32
    return %arg0, %arg1, %c0_i32 : i32, i32, i32
  }
  func.func @transform_4(%arg0: i32, %arg1: i32) -> (i32, i32) {
    %c0_i32 = arith.constant 0 : i32
    %c0_i32_0 = arith.constant 0 : i32
    %c0_i32_1 = arith.constant 0 : i32
    return %c0_i32, %c0_i32_0 : i32, i32
  }
  func.func @transform_5(%arg0: i32, %arg1: i32) -> (i32, i32) {
    %c0_i32 = arith.constant 0 : i32
    %c0_i32_0 = arith.constant 0 : i32
    %c0_i32_1 = arith.constant 0 : i32
    return %c0_i32, %c0_i32_0 : i32, i32
  }
  func.func @transform_6(%arg0: i32, %arg1: i32) -> (i32, i32) {
    %c0_i32 = arith.constant 0 : i32
    %c0_i32_0 = arith.constant 0 : i32
    %c0_i32_1 = arith.constant 0 : i32
    return %c0_i32, %c0_i32_0 : i32, i32
  }
  func.func @transform_7(%arg0: i32, %arg1: i32) -> (i32, i32, i32) {
    %c0_i32 = arith.constant 0 : i32
    %c0_i32_0 = arith.constant 0 : i32
    return %arg0, %arg1, %c0_i32 : i32, i32, i32
  }
  func.func @transform_8(%arg0: i32, %arg1: i32) -> (i32, i32) {
    %c0_i32 = arith.constant 0 : i32
    %c0_i32_0 = arith.constant 0 : i32
    %c0_i32_1 = arith.constant 0 : i32
    return %c0_i32, %c0_i32_0 : i32, i32
  }
}

module attributes {stable_mosaic.version = 14 : i64} {
  func.func @_mm_body(%arg0: i32, %arg1: memref<512x256xf32, #tpu.memory_space<vmem>>, %arg2: memref<1x256xf32, #tpu.memory_space<vmem>>, %arg3: memref<1x256xf32, #tpu.memory_space<vmem>>, %arg4: memref<256x256xf32, #tpu.memory_space<vmem>>, %arg5: memref<1x256xf32, #tpu.memory_space<vmem>>, %arg6: memref<512x256xf32, #tpu.memory_space<vmem>>, %arg7: memref<8x256xf32, #tpu.memory_space<vmem>>) attributes {dimension_semantics = [#tpu.dimension_semantics<arbitrary>], iteration_bounds = array<i64: 1>, scalar_prefetch = 0 : i64, scratch_operands = 0 : i64, tpu.core_type = #tpu.core_type<tc>, window_params = [{transform_indices = @transform_0, window_bounds = array<i64: 512, 256>}, {pipeline_mode = #tpu.pipeline_mode<synchronous>, transform_indices = @transform_1, window_bounds = array<i64: 1, 256>}, {pipeline_mode = #tpu.pipeline_mode<synchronous>, transform_indices = @transform_2, window_bounds = array<i64: 1, 256>}, {pipeline_mode = #tpu.pipeline_mode<synchronous>, transform_indices = @transform_3, window_bounds = array<i64: 256, 256>}, {pipeline_mode = #tpu.pipeline_mode<synchronous>, transform_indices = @transform_4, window_bounds = array<i64: 1, 256>}, {transform_indices = @transform_5, window_bounds = array<i64: 512, 256>}, {pipeline_mode = #tpu.pipeline_mode<synchronous>, transform_indices = @transform_6, window_bounds = array<i64: 8, 256>}]} {
    %get3A = arith.constant 0 : index
    %get3A_0 = arith.constant 0 : index
    %get3A_1 = vector.load %arg1[%get3A, %get3A_0] : memref<512x256xf32, #tpu.memory_space<vmem>>, vector<512x256xf32>
    %get3A_2 = arith.constant 0 : index
    %get3A_3 = arith.constant 0 : index
    %get3A_4 = vector.load %arg2[%get3A_2, %get3A_3] : memref<1x256xf32, #tpu.memory_space<vmem>>, vector<1x256xf32>
    %mul3A = vector.broadcast %get3A_4 : vector<1x256xf32> to vector<512x256xf32>
    %mul3A_5 = arith.mulf %get3A_1, %mul3A : vector<512x256xf32>
    %get3A_6 = arith.constant 0 : index
    %get3A_7 = arith.constant 0 : index
    %get3A_8 = vector.load %arg3[%get3A_6, %get3A_7] : memref<1x256xf32, #tpu.memory_space<vmem>>, vector<1x256xf32>
    %add3A = vector.broadcast %get3A_8 : vector<1x256xf32> to vector<512x256xf32>
    %add3A_9 = arith.addf %mul3A_5, %add3A : vector<512x256xf32>
    %max3A = arith.constant 0.000000e+00 : f32
    %max3A_10 = vector.broadcast %max3A : f32 to vector<512x256xf32>
    %max3A_11 = arith.maximumf %add3A_9, %max3A_10 : vector<512x256xf32>
    %get3A_12 = arith.constant 0 : index
    %get3A_13 = arith.constant 0 : index
    %get3A_14 = vector.load %arg4[%get3A_12, %get3A_13] : memref<256x256xf32, #tpu.memory_space<vmem>>, vector<256x256xf32>
    %dot_general3A = arith.constant dense<0.000000e+00> : vector<512x256xf32>
    %dot_general3A_15 = tpu.matmul %max3A_11, %get3A_14, %dot_general3A {dimension_numbers = #tpu.dot_dimension_numbers<[1], [0], [0], [1], [0, 0, 1, 1], [], []>, transpose_lhs_hint = false} : vector<512x256xf32>, vector<256x256xf32>, vector<512x256xf32> -> vector<512x256xf32>
    %get3A_16 = arith.constant 0 : index
    %get3A_17 = arith.constant 0 : index
    %get3A_18 = vector.load %arg5[%get3A_16, %get3A_17] : memref<1x256xf32, #tpu.memory_space<vmem>>, vector<1x256xf32>
    %add3A_19 = vector.broadcast %get3A_18 : vector<1x256xf32> to vector<512x256xf32>
    %add3A_20 = arith.addf %dot_general3A_15, %add3A_19 : vector<512x256xf32>
    %swap3A = arith.constant 0 : index
    %swap3A_21 = arith.constant 0 : index
    %swap3A_22 = vector.load %arg6[%swap3A, %swap3A_21] : memref<512x256xf32, #tpu.memory_space<vmem>>, vector<512x256xf32>
    tpu.vector_store %arg6[%swap3A, %swap3A_21], %add3A_20 {strides = array<i32>} : memref<512x256xf32, #tpu.memory_space<vmem>>, vector<512x256xf32>,
    %eq3A = arith.constant 0 : i32
    %eq3A_23 = arith.cmpi eq, %arg0, %eq3A : i32
    %convert_element_type3A = arith.extui %eq3A_23 : i1 to i32
    %cond3A = arith.constant 0 : i32
    %cond3A_24 = arith.cmpi ne, %convert_element_type3A, %cond3A : i32
    scf.if %cond3A_24 {
      %broadcast_in_dim3A_44 = arith.constant 0.000000e+00 : f32
      %broadcast_in_dim3A_45 = vector.broadcast %broadcast_in_dim3A_44 : f32 to vector<8x256xf32>
      %swap3A_46 = arith.constant 0 : index
      %swap3A_47 = arith.constant 0 : index
      %swap3A_48 = vector.load %arg7[%swap3A_46, %swap3A_47] : memref<8x256xf32, #tpu.memory_space<vmem>>, vector<8x256xf32>
      tpu.vector_store %arg7[%swap3A_46, %swap3A_47], %broadcast_in_dim3A_45 {strides = array<i32>} : memref<8x256xf32, #tpu.memory_space<vmem>>, vector<8x256xf32>,
    } else {
    }
    %get3A_25 = arith.constant 0 : index
    %get3A_26 = arith.constant 0 : index
    %get3A_27 = vector.load %arg7[%get3A_25, %get3A_26] : memref<8x256xf32, #tpu.memory_space<vmem>>, vector<1x256xf32>
    %reduce_sum3A = arith.constant dense<0.000000e+00> : vector<256xf32>
    %reduce_sum3A_28 = vector.multi_reduction <add>, %add3A_20, %reduce_sum3A [0] : vector<512x256xf32> to vector<256xf32>
    %broadcast_in_dim3A = vector.shape_cast %reduce_sum3A_28 : vector<256xf32> to vector<1x256xf32>
    %add3A_29 = arith.addf %get3A_27, %broadcast_in_dim3A : vector<1x256xf32>
    %swap3A_30 = arith.constant 0 : index
    %swap3A_31 = arith.constant 0 : index
    %swap3A_32 = vector.load %arg7[%swap3A_30, %swap3A_31] : memref<8x256xf32, #tpu.memory_space<vmem>>, vector<1x256xf32>
    tpu.vector_store %arg7[%swap3A_30, %swap3A_31], %add3A_29 {strides = array<i32>} : memref<8x256xf32, #tpu.memory_space<vmem>>, vector<1x256xf32>,
    %get3A_33 = arith.constant 1 : index
    %get3A_34 = arith.constant 0 : index
    %get3A_35 = vector.load %arg7[%get3A_33, %get3A_34] : memref<8x256xf32, #tpu.memory_space<vmem>>, vector<1x256xf32>
    %mul3A_36 = arith.mulf %add3A_20, %add3A_20 : vector<512x256xf32>
    %reduce_sum3A_37 = arith.constant dense<0.000000e+00> : vector<256xf32>
    %reduce_sum3A_38 = vector.multi_reduction <add>, %mul3A_36, %reduce_sum3A_37 [0] : vector<512x256xf32> to vector<256xf32>
    %broadcast_in_dim3A_39 = vector.shape_cast %reduce_sum3A_38 : vector<256xf32> to vector<1x256xf32>
    %add3A_40 = arith.addf %get3A_35, %broadcast_in_dim3A_39 : vector<1x256xf32>
    %swap3A_41 = arith.constant 1 : index
    %swap3A_42 = arith.constant 0 : index
    %swap3A_43 = vector.load %arg7[%swap3A_41, %swap3A_42] : memref<8x256xf32, #tpu.memory_space<vmem>>, vector<1x256xf32>
    tpu.vector_store %arg7[%swap3A_41, %swap3A_42], %add3A_40 {strides = array<i32>} : memref<8x256xf32, #tpu.memory_space<vmem>>, vector<1x256xf32>,
    return
  }
  func.func @transform_0(%arg0: i32) -> (i32, i32) {
    %c0_i32 = arith.constant 0 : i32
    %c0_i32_0 = arith.constant 0 : i32
    return %arg0, %c0_i32 : i32, i32
  }
  func.func @transform_1(%arg0: i32) -> (i32, i32) {
    %c0_i32 = arith.constant 0 : i32
    %c0_i32_0 = arith.constant 0 : i32
    %c0_i32_1 = arith.constant 0 : i32
    return %c0_i32, %c0_i32_0 : i32, i32
  }
  func.func @transform_2(%arg0: i32) -> (i32, i32) {
    %c0_i32 = arith.constant 0 : i32
    %c0_i32_0 = arith.constant 0 : i32
    %c0_i32_1 = arith.constant 0 : i32
    return %c0_i32, %c0_i32_0 : i32, i32
  }
  func.func @transform_3(%arg0: i32) -> (i32, i32) {
    %c0_i32 = arith.constant 0 : i32
    %c0_i32_0 = arith.constant 0 : i32
    %c0_i32_1 = arith.constant 0 : i32
    return %c0_i32, %c0_i32_0 : i32, i32
  }
  func.func @transform_4(%arg0: i32) -> (i32, i32) {
    %c0_i32 = arith.constant 0 : i32
    %c0_i32_0 = arith.constant 0 : i32
    %c0_i32_1 = arith.constant 0 : i32
    return %c0_i32, %c0_i32_0 : i32, i32
  }
  func.func @transform_5(%arg0: i32) -> (i32, i32) {
    %c0_i32 = arith.constant 0 : i32
    %c0_i32_0 = arith.constant 0 : i32
    return %arg0, %c0_i32 : i32, i32
  }
  func.func @transform_6(%arg0: i32) -> (i32, i32) {
    %c0_i32 = arith.constant 0 : i32
    %c0_i32_0 = arith.constant 0 : i32
    %c0_i32_1 = arith.constant 0 : i32
    return %c0_i32, %c0_i32_0 : i32, i32
  }
}

module attributes {stable_mosaic.version = 14 : i64} {
  func.func @_act_body(%arg0: i32, %arg1: memref<512x256xf32, #tpu.memory_space<vmem>>, %arg2: memref<1x256xf32, #tpu.memory_space<vmem>>, %arg3: memref<1x256xf32, #tpu.memory_space<vmem>>, %arg4: memref<512x256xf32, #tpu.memory_space<vmem>>) attributes {dimension_semantics = [#tpu.dimension_semantics<arbitrary>], iteration_bounds = array<i64: 1>, scalar_prefetch = 0 : i64, scratch_operands = 0 : i64, tpu.core_type = #tpu.core_type<tc>, window_params = [{transform_indices = @transform_0, window_bounds = array<i64: 512, 256>}, {pipeline_mode = #tpu.pipeline_mode<synchronous>, transform_indices = @transform_1, window_bounds = array<i64: 1, 256>}, {pipeline_mode = #tpu.pipeline_mode<synchronous>, transform_indices = @transform_2, window_bounds = array<i64: 1, 256>}, {transform_indices = @transform_3, window_bounds = array<i64: 512, 256>}]} {
    %get3A = arith.constant 0 : index
    %get3A_0 = arith.constant 0 : index
    %get3A_1 = vector.load %arg1[%get3A, %get3A_0] : memref<512x256xf32, #tpu.memory_space<vmem>>, vector<512x256xf32>
    %get3A_2 = arith.constant 0 : index
    %get3A_3 = arith.constant 0 : index
    %get3A_4 = vector.load %arg2[%get3A_2, %get3A_3] : memref<1x256xf32, #tpu.memory_space<vmem>>, vector<1x256xf32>
    %mul3A = vector.broadcast %get3A_4 : vector<1x256xf32> to vector<512x256xf32>
    %mul3A_5 = arith.mulf %get3A_1, %mul3A : vector<512x256xf32>
    %get3A_6 = arith.constant 0 : index
    %get3A_7 = arith.constant 0 : index
    %get3A_8 = vector.load %arg3[%get3A_6, %get3A_7] : memref<1x256xf32, #tpu.memory_space<vmem>>, vector<1x256xf32>
    %add3A = vector.broadcast %get3A_8 : vector<1x256xf32> to vector<512x256xf32>
    %add3A_9 = arith.addf %mul3A_5, %add3A : vector<512x256xf32>
    %max3A = arith.constant 0.000000e+00 : f32
    %max3A_10 = vector.broadcast %max3A : f32 to vector<512x256xf32>
    %max3A_11 = arith.maximumf %add3A_9, %max3A_10 : vector<512x256xf32>
    %swap3A = arith.constant 0 : index
    %swap3A_12 = arith.constant 0 : index
    %swap3A_13 = vector.load %arg4[%swap3A, %swap3A_12] : memref<512x256xf32, #tpu.memory_space<vmem>>, vector<512x256xf32>
    tpu.vector_store %arg4[%swap3A, %swap3A_12], %max3A_11 {strides = array<i32>} : memref<512x256xf32, #tpu.memory_space<vmem>>, vector<512x256xf32>,
    return
  }
  func.func @transform_0(%arg0: i32) -> (i32, i32) {
    %c0_i32 = arith.constant 0 : i32
    %c0_i32_0 = arith.constant 0 : i32
    return %arg0, %c0_i32 : i32, i32
  }
  func.func @transform_1(%arg0: i32) -> (i32, i32) {
    %c0_i32 = arith.constant 0 : i32
    %c0_i32_0 = arith.constant 0 : i32
    %c0_i32_1 = arith.constant 0 : i32
    return %c0_i32, %c0_i32_0 : i32, i32
  }
  func.func @transform_2(%arg0: i32) -> (i32, i32) {
    %c0_i32 = arith.constant 0 : i32
    %c0_i32_0 = arith.constant 0 : i32
    %c0_i32_1 = arith.constant 0 : i32
    return %c0_i32, %c0_i32_0 : i32, i32
  }
  func.func @transform_3(%arg0: i32) -> (i32, i32) {
    %c0_i32 = arith.constant 0 : i32
    %c0_i32_0 = arith.constant 0 : i32
    return %arg0, %c0_i32 : i32, i32
  }
}

module attributes {stable_mosaic.version = 14 : i64} {
  func.func @body(%arg0: i32, %arg1: i32, %arg2: memref<1x256x64xf32, #tpu.memory_space<vmem>>, %arg3: memref<1x256x3xi32, #tpu.memory_space<vmem>>, %arg4: memref<1x64x256xf32, #tpu.memory_space<vmem>>, %arg5: memref<1x256x128xf32, #tpu.memory_space<vmem>>, %arg6: memref<128x256xf32, #tpu.memory_space<vmem>>, %arg7: memref<256x256xf32, #tpu.memory_space<vmem>>, %arg8: memref<1x256xf32, #tpu.memory_space<vmem>>, %arg9: memref<1x256x256xf32, #tpu.memory_space<vmem>>, %arg10: memref<8x256xf32, #tpu.memory_space<vmem>>) attributes {dimension_semantics = [#tpu.dimension_semantics<arbitrary>, #tpu.dimension_semantics<arbitrary>], iteration_bounds = array<i64: 8, 1>, scalar_prefetch = 0 : i64, scratch_operands = 0 : i64, tpu.core_type = #tpu.core_type<tc>, window_params = [{transform_indices = @transform_0, window_bounds = array<i64: 1, 256, 64>}, {transform_indices = @transform_1, window_bounds = array<i64: 1, 256, 3>}, {transform_indices = @transform_2, window_bounds = array<i64: 1, 64, 256>}, {transform_indices = @transform_3, window_bounds = array<i64: 1, 256, 128>}, {pipeline_mode = #tpu.pipeline_mode<synchronous>, transform_indices = @transform_4, window_bounds = array<i64: 128, 256>}, {pipeline_mode = #tpu.pipeline_mode<synchronous>, transform_indices = @transform_5, window_bounds = array<i64: 256, 256>}, {pipeline_mode = #tpu.pipeline_mode<synchronous>, transform_indices = @transform_6, window_bounds = array<i64: 1, 256>}, {transform_indices = @transform_7, window_bounds = array<i64: 1, 256, 256>}, {pipeline_mode = #tpu.pipeline_mode<synchronous>, transform_indices = @transform_8, window_bounds = array<i64: 8, 256>}]} {
    %get3A = arith.constant 0 : index
    %get3A_0 = arith.constant 0 : index
    %get3A_1 = arith.constant 0 : index
    %get3A_2 = vector.load %arg2[%get3A, %get3A_0, %get3A_1] : memref<1x256x64xf32, #tpu.memory_space<vmem>>, vector<1x256x64xf32>
    %get3A_3 = vector.shape_cast %get3A_2 : vector<1x256x64xf32> to vector<256x64xf32>
    %get3A_4 = arith.constant 0 : index
    %get3A_5 = arith.constant 0 : index
    %get3A_6 = arith.constant 0 : index
    %get3A_7 = vector.load %arg3[%get3A_4, %get3A_5, %get3A_6] : memref<1x256x3xi32, #tpu.memory_space<vmem>>, vector<1x256x3xi32>
    %get3A_8 = vector.shape_cast %get3A_7 : vector<1x256x3xi32> to vector<256x3xi32>
    %iota3A = tpu.iota {dimensions = array<i32: 1>} : vector<256x64xi32>
    %slice3A = vector.extract_strided_slice %get3A_8 {offsets = [0, 0], sizes = [256, 1], strides = [1, 1]} : vector<256x3xi32> to vector<256x1xi32>
    %eq3A = vector.broadcast %slice3A : vector<256x1xi32> to vector<256x64xi32>
    %eq3A_9 = arith.cmpi eq, %iota3A, %eq3A : vector<256x64xi32>
    %convert_element_type3A = arith.extui %eq3A_9 : vector<256x64xi1> to vector<256x64xi32>
    %convert_element_type3A_10 = arith.sitofp %convert_element_type3A : vector<256x64xi32> to vector<256x64xf32>
    %mul3A = arith.mulf %get3A_3, %convert_element_type3A_10 : vector<256x64xf32>
    %reduce_sum3A = arith.constant dense<0.000000e+00> : vector<256xf32>
    %reduce_sum3A_11 = vector.multi_reduction <add>, %mul3A, %reduce_sum3A [1] : vector<256x64xf32> to vector<256xf32>
    %broadcast_in_dim3A = vector.shape_cast %reduce_sum3A_11 : vector<256xf32> to vector<256x1xf32>
    %add3A = arith.constant 9.99999993E-9 : f32
    %add3A_12 = vector.broadcast %add3A : f32 to vector<256x1xf32>
    %add3A_13 = arith.addf %broadcast_in_dim3A, %add3A_12 : vector<256x1xf32>
    %div3A = arith.constant 1.000000e+00 : f32
    %div3A_14 = vector.broadcast %div3A : f32 to vector<256x1xf32>
    %div3A_15 = arith.divf %div3A_14, %add3A_13 : vector<256x1xf32>
    %slice3A_16 = vector.extract_strided_slice %get3A_8 {offsets = [0, 1], sizes = [256, 1], strides = [1, 1]} : vector<256x3xi32> to vector<256x1xi32>
    %eq3A_17 = vector.broadcast %slice3A_16 : vector<256x1xi32> to vector<256x64xi32>
    %eq3A_18 = arith.cmpi eq, %iota3A, %eq3A_17 : vector<256x64xi32>
    %convert_element_type3A_19 = arith.extui %eq3A_18 : vector<256x64xi1> to vector<256x64xi32>
    %convert_element_type3A_20 = arith.sitofp %convert_element_type3A_19 : vector<256x64xi32> to vector<256x64xf32>
    %mul3A_21 = arith.mulf %get3A_3, %convert_element_type3A_20 : vector<256x64xf32>
    %reduce_sum3A_22 = arith.constant dense<0.000000e+00> : vector<256xf32>
    %reduce_sum3A_23 = vector.multi_reduction <add>, %mul3A_21, %reduce_sum3A_22 [1] : vector<256x64xf32> to vector<256xf32>
    %broadcast_in_dim3A_24 = vector.shape_cast %reduce_sum3A_23 : vector<256xf32> to vector<256x1xf32>
    %add3A_25 = arith.constant 9.99999993E-9 : f32
    %add3A_26 = vector.broadcast %add3A_25 : f32 to vector<256x1xf32>
    %add3A_27 = arith.addf %broadcast_in_dim3A_24, %add3A_26 : vector<256x1xf32>
    %div3A_28 = arith.constant 1.000000e+00 : f32
    %div3A_29 = vector.broadcast %div3A_28 : f32 to vector<256x1xf32>
    %div3A_30 = arith.divf %div3A_29, %add3A_27 : vector<256x1xf32>
    %slice3A_31 = vector.extract_strided_slice %get3A_8 {offsets = [0, 2], sizes = [256, 1], strides = [1, 1]} : vector<256x3xi32> to vector<256x1xi32>
    %eq3A_32 = vector.broadcast %slice3A_31 : vector<256x1xi32> to vector<256x64xi32>
    %eq3A_33 = arith.cmpi eq, %iota3A, %eq3A_32 : vector<256x64xi32>
    %convert_element_type3A_34 = arith.extui %eq3A_33 : vector<256x64xi1> to vector<256x64xi32>
    %convert_element_type3A_35 = arith.sitofp %convert_element_type3A_34 : vector<256x64xi32> to vector<256x64xf32>
    %mul3A_36 = arith.mulf %get3A_3, %convert_element_type3A_35 : vector<256x64xf32>
    %reduce_sum3A_37 = arith.constant dense<0.000000e+00> : vector<256xf32>
    %reduce_sum3A_38 = vector.multi_reduction <add>, %mul3A_36, %reduce_sum3A_37 [1] : vector<256x64xf32> to vector<256xf32>
    %broadcast_in_dim3A_39 = vector.shape_cast %reduce_sum3A_38 : vector<256xf32> to vector<256x1xf32>
    %add3A_40 = arith.constant 9.99999993E-9 : f32
    %add3A_41 = vector.broadcast %add3A_40 : f32 to vector<256x1xf32>
    %add3A_42 = arith.addf %broadcast_in_dim3A_39, %add3A_41 : vector<256x1xf32>
    %div3A_43 = arith.constant 1.000000e+00 : f32
    %div3A_44 = vector.broadcast %div3A_43 : f32 to vector<256x1xf32>
    %div3A_45 = arith.divf %div3A_44, %add3A_42 : vector<256x1xf32>
    %add3A_46 = arith.addf %div3A_15, %div3A_30 : vector<256x1xf32>
    %add3A_47 = arith.addf %add3A_46, %div3A_45 : vector<256x1xf32>
    %div3A_48 = arith.divf %div3A_15, %add3A_47 : vector<256x1xf32>
    %mul3A_49 = vector.broadcast %div3A_48 : vector<256x1xf32> to vector<256x64xf32>
    %mul3A_50 = arith.mulf %mul3A_49, %convert_element_type3A_10 : vector<256x64xf32>
    %div3A_51 = arith.divf %div3A_30, %add3A_47 : vector<256x1xf32>
    %mul3A_52 = vector.broadcast %div3A_51 : vector<256x1xf32> to vector<256x64xf32>
    %mul3A_53 = arith.mulf %mul3A_52, %convert_element_type3A_20 : vector<256x64xf32>
    %add3A_54 = arith.addf %mul3A_50, %mul3A_53 : vector<256x64xf32>
    %div3A_55 = arith.divf %div3A_45, %add3A_47 : vector<256x1xf32>
    %mul3A_56 = vector.broadcast %div3A_55 : vector<256x1xf32> to vector<256x64xf32>
    %mul3A_57 = arith.mulf %mul3A_56, %convert_element_type3A_35 : vector<256x64xf32>
    %add3A_58 = arith.addf %add3A_54, %mul3A_57 : vector<256x64xf32>
    %get3A_59 = arith.constant 0 : index
    %get3A_60 = arith.constant 0 : index
    %get3A_61 = arith.constant 0 : index
    %get3A_62 = vector.load %arg4[%get3A_59, %get3A_60, %get3A_61] : memref<1x64x256xf32, #tpu.memory_space<vmem>>, vector<1x64x256xf32>
    %get3A_63 = vector.shape_cast %get3A_62 : vector<1x64x256xf32> to vector<64x256xf32>
    %dot_general3A = arith.constant dense<0.000000e+00> : vector<256x256xf32>
    %dot_general3A_64 = tpu.matmul %add3A_58, %get3A_63, %dot_general3A {dimension_numbers = #tpu.dot_dimension_numbers<[1], [0], [0], [1], [0, 0, 1, 1], [], []>, transpose_lhs_hint = false} : vector<256x64xf32>, vector<64x256xf32>, vector<256x256xf32> -> vector<256x256xf32>
    %get3A_65 = arith.constant 0 : index
    %get3A_66 = arith.constant 0 : index
    %get3A_67 = vector.load %arg7[%get3A_65, %get3A_66] : memref<256x256xf32, #tpu.memory_space<vmem>>, vector<256x256xf32>
    %dot_general3A_68 = arith.constant dense<0.000000e+00> : vector<256x256xf32>
    %dot_general3A_69 = tpu.matmul %dot_general3A_64, %get3A_67, %dot_general3A_68 {dimension_numbers = #tpu.dot_dimension_numbers<[1], [0], [0], [1], [0, 0, 1, 1], [], []>, transpose_lhs_hint = false} : vector<256x256xf32>, vector<256x256xf32>, vector<256x256xf32> -> vector<256x256xf32>
    %get3A_70 = arith.constant 0 : index
    %get3A_71 = arith.constant 0 : index
    %get3A_72 = arith.constant 0 : index
    %get3A_73 = vector.load %arg5[%get3A_70, %get3A_71, %get3A_72] : memref<1x256x128xf32, #tpu.memory_space<vmem>>, vector<1x256x128xf32>
    %get3A_74 = vector.shape_cast %get3A_73 : vector<1x256x128xf32> to vector<256x128xf32>
    %get3A_75 = arith.constant 0 : index
    %get3A_76 = arith.constant 0 : index
    %get3A_77 = vector.load %arg6[%get3A_75, %get3A_76] : memref<128x256xf32, #tpu.memory_space<vmem>>, vector<128x256xf32>
    %dot_general3A_78 = arith.constant dense<0.000000e+00> : vector<256x256xf32>
    %dot_general3A_79 = tpu.matmul %get3A_74, %get3A_77, %dot_general3A_78 {dimension_numbers = #tpu.dot_dimension_numbers<[1], [0], [0], [1], [0, 0, 1, 1], [], []>, transpose_lhs_hint = false} : vector<256x128xf32>, vector<128x256xf32>, vector<256x256xf32> -> vector<256x256xf32>
    %add3A_80 = arith.addf %dot_general3A_69, %dot_general3A_79 : vector<256x256xf32>
    %get3A_81 = arith.constant 0 : index
    %get3A_82 = arith.constant 0 : index
    %get3A_83 = vector.load %arg8[%get3A_81, %get3A_82] : memref<1x256xf32, #tpu.memory_space<vmem>>, vector<1x256xf32>
    %add3A_84 = vector.broadcast %get3A_83 : vector<1x256xf32> to vector<256x256xf32>
    %add3A_85 = arith.addf %add3A_80, %add3A_84 : vector<256x256xf32>
    %swap3A = arith.constant 0 : index
    %swap3A_86 = arith.constant 0 : index
    %swap3A_87 = arith.constant 0 : index
    %swap3A_88 = vector.load %arg9[%swap3A, %swap3A_86, %swap3A_87] : memref<1x256x256xf32, #tpu.memory_space<vmem>>, vector<1x256x256xf32>
    %swap3A_89 = vector.shape_cast %swap3A_88 : vector<1x256x256xf32> to vector<256x256xf32>
    %swap3A_90 = vector.shape_cast %add3A_85 : vector<256x256xf32> to vector<1x256x256xf32>
    tpu.vector_store %arg9[%swap3A, %swap3A_86, %swap3A_87], %swap3A_90 {strides = array<i32>} : memref<1x256x256xf32, #tpu.memory_space<vmem>>, vector<1x256x256xf32>,
    %eq3A_91 = arith.constant 0 : i32
    %eq3A_92 = arith.cmpi eq, %arg0, %eq3A_91 : i32
    %eq3A_93 = arith.constant 0 : i32
    %eq3A_94 = arith.cmpi eq, %arg1, %eq3A_93 : i32
    %and3A = arith.andi %eq3A_92, %eq3A_94 : i1
    %convert_element_type3A_95 = arith.extui %and3A : i1 to i32
    %cond3A = arith.constant 0 : i32
    %cond3A_96 = arith.cmpi ne, %convert_element_type3A_95, %cond3A : i32
    scf.if %cond3A_96 {
      %broadcast_in_dim3A_118 = arith.constant 0.000000e+00 : f32
      %broadcast_in_dim3A_119 = vector.broadcast %broadcast_in_dim3A_118 : f32 to vector<8x256xf32>
      %swap3A_120 = arith.constant 0 : index
      %swap3A_121 = arith.constant 0 : index
      %swap3A_122 = vector.load %arg10[%swap3A_120, %swap3A_121] : memref<8x256xf32, #tpu.memory_space<vmem>>, vector<8x256xf32>
      tpu.vector_store %arg10[%swap3A_120, %swap3A_121], %broadcast_in_dim3A_119 {strides = array<i32>} : memref<8x256xf32, #tpu.memory_space<vmem>>, vector<8x256xf32>,
    } else {
    }
    %get3A_97 = arith.constant 0 : index
    %get3A_98 = arith.constant 0 : index
    %get3A_99 = vector.load %arg10[%get3A_97, %get3A_98] : memref<8x256xf32, #tpu.memory_space<vmem>>, vector<1x256xf32>
    %reduce_sum3A_100 = arith.constant dense<0.000000e+00> : vector<256xf32>
    %reduce_sum3A_101 = vector.multi_reduction <add>, %add3A_85, %reduce_sum3A_100 [0] : vector<256x256xf32> to vector<256xf32>
    %broadcast_in_dim3A_102 = vector.shape_cast %reduce_sum3A_101 : vector<256xf32> to vector<1x256xf32>
    %add3A_103 = arith.addf %get3A_99, %broadcast_in_dim3A_102 : vector<1x256xf32>
    %swap3A_104 = arith.constant 0 : index
    %swap3A_105 = arith.constant 0 : index
    %swap3A_106 = vector.load %arg10[%swap3A_104, %swap3A_105] : memref<8x256xf32, #tpu.memory_space<vmem>>, vector<1x256xf32>
    tpu.vector_store %arg10[%swap3A_104, %swap3A_105], %add3A_103 {strides = array<i32>} : memref<8x256xf32, #tpu.memory_space<vmem>>, vector<1x256xf32>,
    %get3A_107 = arith.constant 1 : index
    %get3A_108 = arith.constant 0 : index
    %get3A_109 = vector.load %arg10[%get3A_107, %get3A_108] : memref<8x256xf32, #tpu.memory_space<vmem>>, vector<1x256xf32>
    %mul3A_110 = arith.mulf %add3A_85, %add3A_85 : vector<256x256xf32>
    %reduce_sum3A_111 = arith.constant dense<0.000000e+00> : vector<256xf32>
    %reduce_sum3A_112 = vector.multi_reduction <add>, %mul3A_110, %reduce_sum3A_111 [0] : vector<256x256xf32> to vector<256xf32>
    %broadcast_in_dim3A_113 = vector.shape_cast %reduce_sum3A_112 : vector<256xf32> to vector<1x256xf32>
    %add3A_114 = arith.addf %get3A_109, %broadcast_in_dim3A_113 : vector<1x256xf32>
    %swap3A_115 = arith.constant 1 : index
    %swap3A_116 = arith.constant 0 : index
    %swap3A_117 = vector.load %arg10[%swap3A_115, %swap3A_116] : memref<8x256xf32, #tpu.memory_space<vmem>>, vector<1x256xf32>
    tpu.vector_store %arg10[%swap3A_115, %swap3A_116], %add3A_114 {strides = array<i32>} : memref<8x256xf32, #tpu.memory_space<vmem>>, vector<1x256xf32>,
    return
  }
  func.func @transform_0(%arg0: i32, %arg1: i32) -> (i32, i32, i32) {
    %c0_i32 = arith.constant 0 : i32
    %c0_i32_0 = arith.constant 0 : i32
    return %arg0, %arg1, %c0_i32 : i32, i32, i32
  }
  func.func @transform_1(%arg0: i32, %arg1: i32) -> (i32, i32, i32) {
    %c0_i32 = arith.constant 0 : i32
    %c0_i32_0 = arith.constant 0 : i32
    return %arg0, %arg1, %c0_i32 : i32, i32, i32
  }
  func.func @transform_2(%arg0: i32, %arg1: i32) -> (i32, i32, i32) {
    %c0_i32 = arith.constant 0 : i32
    %c0_i32_0 = arith.constant 0 : i32
    %c0_i32_1 = arith.constant 0 : i32
    return %arg0, %c0_i32, %c0_i32_0 : i32, i32, i32
  }
  func.func @transform_3(%arg0: i32, %arg1: i32) -> (i32, i32, i32) {
    %c0_i32 = arith.constant 0 : i32
    %c0_i32_0 = arith.constant 0 : i32
    return %arg0, %arg1, %c0_i32 : i32, i32, i32
  }
  func.func @transform_4(%arg0: i32, %arg1: i32) -> (i32, i32) {
    %c0_i32 = arith.constant 0 : i32
    %c0_i32_0 = arith.constant 0 : i32
    %c0_i32_1 = arith.constant 0 : i32
    return %c0_i32, %c0_i32_0 : i32, i32
  }
  func.func @transform_5(%arg0: i32, %arg1: i32) -> (i32, i32) {
    %c0_i32 = arith.constant 0 : i32
    %c0_i32_0 = arith.constant 0 : i32
    %c0_i32_1 = arith.constant 0 : i32
    return %c0_i32, %c0_i32_0 : i32, i32
  }
  func.func @transform_6(%arg0: i32, %arg1: i32) -> (i32, i32) {
    %c0_i32 = arith.constant 0 : i32
    %c0_i32_0 = arith.constant 0 : i32
    %c0_i32_1 = arith.constant 0 : i32
    return %c0_i32, %c0_i32_0 : i32, i32
  }
  func.func @transform_7(%arg0: i32, %arg1: i32) -> (i32, i32, i32) {
    %c0_i32 = arith.constant 0 : i32
    %c0_i32_0 = arith.constant 0 : i32
    return %arg0, %arg1, %c0_i32 : i32, i32, i32
  }
  func.func @transform_8(%arg0: i32, %arg1: i32) -> (i32, i32) {
    %c0_i32 = arith.constant 0 : i32
    %c0_i32_0 = arith.constant 0 : i32
    %c0_i32_1 = arith.constant 0 : i32
    return %c0_i32, %c0_i32_0 : i32, i32
  }
}

module attributes {stable_mosaic.version = 14 : i64} {
  func.func @_mm_body(%arg0: i32, %arg1: memref<2048x256xf32, #tpu.memory_space<vmem>>, %arg2: memref<1x256xf32, #tpu.memory_space<vmem>>, %arg3: memref<1x256xf32, #tpu.memory_space<vmem>>, %arg4: memref<256x256xf32, #tpu.memory_space<vmem>>, %arg5: memref<1x256xf32, #tpu.memory_space<vmem>>, %arg6: memref<2048x256xf32, #tpu.memory_space<vmem>>, %arg7: memref<8x256xf32, #tpu.memory_space<vmem>>) attributes {dimension_semantics = [#tpu.dimension_semantics<arbitrary>], iteration_bounds = array<i64: 1>, scalar_prefetch = 0 : i64, scratch_operands = 0 : i64, tpu.core_type = #tpu.core_type<tc>, window_params = [{transform_indices = @transform_0, window_bounds = array<i64: 2048, 256>}, {pipeline_mode = #tpu.pipeline_mode<synchronous>, transform_indices = @transform_1, window_bounds = array<i64: 1, 256>}, {pipeline_mode = #tpu.pipeline_mode<synchronous>, transform_indices = @transform_2, window_bounds = array<i64: 1, 256>}, {pipeline_mode = #tpu.pipeline_mode<synchronous>, transform_indices = @transform_3, window_bounds = array<i64: 256, 256>}, {pipeline_mode = #tpu.pipeline_mode<synchronous>, transform_indices = @transform_4, window_bounds = array<i64: 1, 256>}, {transform_indices = @transform_5, window_bounds = array<i64: 2048, 256>}, {pipeline_mode = #tpu.pipeline_mode<synchronous>, transform_indices = @transform_6, window_bounds = array<i64: 8, 256>}]} {
    %get3A = arith.constant 0 : index
    %get3A_0 = arith.constant 0 : index
    %get3A_1 = vector.load %arg1[%get3A, %get3A_0] : memref<2048x256xf32, #tpu.memory_space<vmem>>, vector<2048x256xf32>
    %get3A_2 = arith.constant 0 : index
    %get3A_3 = arith.constant 0 : index
    %get3A_4 = vector.load %arg2[%get3A_2, %get3A_3] : memref<1x256xf32, #tpu.memory_space<vmem>>, vector<1x256xf32>
    %mul3A = vector.broadcast %get3A_4 : vector<1x256xf32> to vector<2048x256xf32>
    %mul3A_5 = arith.mulf %get3A_1, %mul3A : vector<2048x256xf32>
    %get3A_6 = arith.constant 0 : index
    %get3A_7 = arith.constant 0 : index
    %get3A_8 = vector.load %arg3[%get3A_6, %get3A_7] : memref<1x256xf32, #tpu.memory_space<vmem>>, vector<1x256xf32>
    %add3A = vector.broadcast %get3A_8 : vector<1x256xf32> to vector<2048x256xf32>
    %add3A_9 = arith.addf %mul3A_5, %add3A : vector<2048x256xf32>
    %max3A = arith.constant 0.000000e+00 : f32
    %max3A_10 = vector.broadcast %max3A : f32 to vector<2048x256xf32>
    %max3A_11 = arith.maximumf %add3A_9, %max3A_10 : vector<2048x256xf32>
    %get3A_12 = arith.constant 0 : index
    %get3A_13 = arith.constant 0 : index
    %get3A_14 = vector.load %arg4[%get3A_12, %get3A_13] : memref<256x256xf32, #tpu.memory_space<vmem>>, vector<256x256xf32>
    %dot_general3A = arith.constant dense<0.000000e+00> : vector<2048x256xf32>
    %dot_general3A_15 = tpu.matmul %max3A_11, %get3A_14, %dot_general3A {dimension_numbers = #tpu.dot_dimension_numbers<[1], [0], [0], [1], [0, 0, 1, 1], [], []>, transpose_lhs_hint = false} : vector<2048x256xf32>, vector<256x256xf32>, vector<2048x256xf32> -> vector<2048x256xf32>
    %get3A_16 = arith.constant 0 : index
    %get3A_17 = arith.constant 0 : index
    %get3A_18 = vector.load %arg5[%get3A_16, %get3A_17] : memref<1x256xf32, #tpu.memory_space<vmem>>, vector<1x256xf32>
    %add3A_19 = vector.broadcast %get3A_18 : vector<1x256xf32> to vector<2048x256xf32>
    %add3A_20 = arith.addf %dot_general3A_15, %add3A_19 : vector<2048x256xf32>
    %swap3A = arith.constant 0 : index
    %swap3A_21 = arith.constant 0 : index
    %swap3A_22 = vector.load %arg6[%swap3A, %swap3A_21] : memref<2048x256xf32, #tpu.memory_space<vmem>>, vector<2048x256xf32>
    tpu.vector_store %arg6[%swap3A, %swap3A_21], %add3A_20 {strides = array<i32>} : memref<2048x256xf32, #tpu.memory_space<vmem>>, vector<2048x256xf32>,
    %eq3A = arith.constant 0 : i32
    %eq3A_23 = arith.cmpi eq, %arg0, %eq3A : i32
    %convert_element_type3A = arith.extui %eq3A_23 : i1 to i32
    %cond3A = arith.constant 0 : i32
    %cond3A_24 = arith.cmpi ne, %convert_element_type3A, %cond3A : i32
    scf.if %cond3A_24 {
      %broadcast_in_dim3A_44 = arith.constant 0.000000e+00 : f32
      %broadcast_in_dim3A_45 = vector.broadcast %broadcast_in_dim3A_44 : f32 to vector<8x256xf32>
      %swap3A_46 = arith.constant 0 : index
      %swap3A_47 = arith.constant 0 : index
      %swap3A_48 = vector.load %arg7[%swap3A_46, %swap3A_47] : memref<8x256xf32, #tpu.memory_space<vmem>>, vector<8x256xf32>
      tpu.vector_store %arg7[%swap3A_46, %swap3A_47], %broadcast_in_dim3A_45 {strides = array<i32>} : memref<8x256xf32, #tpu.memory_space<vmem>>, vector<8x256xf32>,
    } else {
    }
    %get3A_25 = arith.constant 0 : index
    %get3A_26 = arith.constant 0 : index
    %get3A_27 = vector.load %arg7[%get3A_25, %get3A_26] : memref<8x256xf32, #tpu.memory_space<vmem>>, vector<1x256xf32>
    %reduce_sum3A = arith.constant dense<0.000000e+00> : vector<256xf32>
    %reduce_sum3A_28 = vector.multi_reduction <add>, %add3A_20, %reduce_sum3A [0] : vector<2048x256xf32> to vector<256xf32>
    %broadcast_in_dim3A = vector.shape_cast %reduce_sum3A_28 : vector<256xf32> to vector<1x256xf32>
    %add3A_29 = arith.addf %get3A_27, %broadcast_in_dim3A : vector<1x256xf32>
    %swap3A_30 = arith.constant 0 : index
    %swap3A_31 = arith.constant 0 : index
    %swap3A_32 = vector.load %arg7[%swap3A_30, %swap3A_31] : memref<8x256xf32, #tpu.memory_space<vmem>>, vector<1x256xf32>
    tpu.vector_store %arg7[%swap3A_30, %swap3A_31], %add3A_29 {strides = array<i32>} : memref<8x256xf32, #tpu.memory_space<vmem>>, vector<1x256xf32>,
    %get3A_33 = arith.constant 1 : index
    %get3A_34 = arith.constant 0 : index
    %get3A_35 = vector.load %arg7[%get3A_33, %get3A_34] : memref<8x256xf32, #tpu.memory_space<vmem>>, vector<1x256xf32>
    %mul3A_36 = arith.mulf %add3A_20, %add3A_20 : vector<2048x256xf32>
    %reduce_sum3A_37 = arith.constant dense<0.000000e+00> : vector<256xf32>
    %reduce_sum3A_38 = vector.multi_reduction <add>, %mul3A_36, %reduce_sum3A_37 [0] : vector<2048x256xf32> to vector<256xf32>
    %broadcast_in_dim3A_39 = vector.shape_cast %reduce_sum3A_38 : vector<256xf32> to vector<1x256xf32>
    %add3A_40 = arith.addf %get3A_35, %broadcast_in_dim3A_39 : vector<1x256xf32>
    %swap3A_41 = arith.constant 1 : index
    %swap3A_42 = arith.constant 0 : index
    %swap3A_43 = vector.load %arg7[%swap3A_41, %swap3A_42] : memref<8x256xf32, #tpu.memory_space<vmem>>, vector<1x256xf32>
    tpu.vector_store %arg7[%swap3A_41, %swap3A_42], %add3A_40 {strides = array<i32>} : memref<8x256xf32, #tpu.memory_space<vmem>>, vector<1x256xf32>,
    return
  }
  func.func @transform_0(%arg0: i32) -> (i32, i32) {
    %c0_i32 = arith.constant 0 : i32
    %c0_i32_0 = arith.constant 0 : i32
    return %arg0, %c0_i32 : i32, i32
  }
  func.func @transform_1(%arg0: i32) -> (i32, i32) {
    %c0_i32 = arith.constant 0 : i32
    %c0_i32_0 = arith.constant 0 : i32
    %c0_i32_1 = arith.constant 0 : i32
    return %c0_i32, %c0_i32_0 : i32, i32
  }
  func.func @transform_2(%arg0: i32) -> (i32, i32) {
    %c0_i32 = arith.constant 0 : i32
    %c0_i32_0 = arith.constant 0 : i32
    %c0_i32_1 = arith.constant 0 : i32
    return %c0_i32, %c0_i32_0 : i32, i32
  }
  func.func @transform_3(%arg0: i32) -> (i32, i32) {
    %c0_i32 = arith.constant 0 : i32
    %c0_i32_0 = arith.constant 0 : i32
    %c0_i32_1 = arith.constant 0 : i32
    return %c0_i32, %c0_i32_0 : i32, i32
  }
  func.func @transform_4(%arg0: i32) -> (i32, i32) {
    %c0_i32 = arith.constant 0 : i32
    %c0_i32_0 = arith.constant 0 : i32
    %c0_i32_1 = arith.constant 0 : i32
    return %c0_i32, %c0_i32_0 : i32, i32
  }
  func.func @transform_5(%arg0: i32) -> (i32, i32) {
    %c0_i32 = arith.constant 0 : i32
    %c0_i32_0 = arith.constant 0 : i32
    return %arg0, %c0_i32 : i32, i32
  }
  func.func @transform_6(%arg0: i32) -> (i32, i32) {
    %c0_i32 = arith.constant 0 : i32
    %c0_i32_0 = arith.constant 0 : i32
    %c0_i32_1 = arith.constant 0 : i32
    return %c0_i32, %c0_i32_0 : i32, i32
  }
}

module attributes {stable_mosaic.version = 14 : i64} {
  func.func @_act_body(%arg0: i32, %arg1: memref<2048x256xf32, #tpu.memory_space<vmem>>, %arg2: memref<1x256xf32, #tpu.memory_space<vmem>>, %arg3: memref<1x256xf32, #tpu.memory_space<vmem>>, %arg4: memref<2048x256xf32, #tpu.memory_space<vmem>>) attributes {dimension_semantics = [#tpu.dimension_semantics<arbitrary>], iteration_bounds = array<i64: 1>, scalar_prefetch = 0 : i64, scratch_operands = 0 : i64, tpu.core_type = #tpu.core_type<tc>, window_params = [{transform_indices = @transform_0, window_bounds = array<i64: 2048, 256>}, {pipeline_mode = #tpu.pipeline_mode<synchronous>, transform_indices = @transform_1, window_bounds = array<i64: 1, 256>}, {pipeline_mode = #tpu.pipeline_mode<synchronous>, transform_indices = @transform_2, window_bounds = array<i64: 1, 256>}, {transform_indices = @transform_3, window_bounds = array<i64: 2048, 256>}]} {
    %get3A = arith.constant 0 : index
    %get3A_0 = arith.constant 0 : index
    %get3A_1 = vector.load %arg1[%get3A, %get3A_0] : memref<2048x256xf32, #tpu.memory_space<vmem>>, vector<2048x256xf32>
    %get3A_2 = arith.constant 0 : index
    %get3A_3 = arith.constant 0 : index
    %get3A_4 = vector.load %arg2[%get3A_2, %get3A_3] : memref<1x256xf32, #tpu.memory_space<vmem>>, vector<1x256xf32>
    %mul3A = vector.broadcast %get3A_4 : vector<1x256xf32> to vector<2048x256xf32>
    %mul3A_5 = arith.mulf %get3A_1, %mul3A : vector<2048x256xf32>
    %get3A_6 = arith.constant 0 : index
    %get3A_7 = arith.constant 0 : index
    %get3A_8 = vector.load %arg3[%get3A_6, %get3A_7] : memref<1x256xf32, #tpu.memory_space<vmem>>, vector<1x256xf32>
    %add3A = vector.broadcast %get3A_8 : vector<1x256xf32> to vector<2048x256xf32>
    %add3A_9 = arith.addf %mul3A_5, %add3A : vector<2048x256xf32>
    %max3A = arith.constant 0.000000e+00 : f32
    %max3A_10 = vector.broadcast %max3A : f32 to vector<2048x256xf32>
    %max3A_11 = arith.maximumf %add3A_9, %max3A_10 : vector<2048x256xf32>
    %swap3A = arith.constant 0 : index
    %swap3A_12 = arith.constant 0 : index
    %swap3A_13 = vector.load %arg4[%swap3A, %swap3A_12] : memref<2048x256xf32, #tpu.memory_space<vmem>>, vector<2048x256xf32>
    tpu.vector_store %arg4[%swap3A, %swap3A_12], %max3A_11 {strides = array<i32>} : memref<2048x256xf32, #tpu.memory_space<vmem>>, vector<2048x256xf32>,
    return
  }
  func.func @transform_0(%arg0: i32) -> (i32, i32) {
    %c0_i32 = arith.constant 0 : i32
    %c0_i32_0 = arith.constant 0 : i32
    return %arg0, %c0_i32 : i32, i32
  }
  func.func @transform_1(%arg0: i32) -> (i32, i32) {
    %c0_i32 = arith.constant 0 : i32
    %c0_i32_0 = arith.constant 0 : i32
    %c0_i32_1 = arith.constant 0 : i32
    return %c0_i32, %c0_i32_0 : i32, i32
  }
  func.func @transform_2(%arg0: i32) -> (i32, i32) {
    %c0_i32 = arith.constant 0 : i32
    %c0_i32_0 = arith.constant 0 : i32
    %c0_i32_1 = arith.constant 0 : i32
    return %c0_i32, %c0_i32_0 : i32, i32
  }
  func.func @transform_3(%arg0: i32) -> (i32, i32) {
    %c0_i32 = arith.constant 0 : i32
    %c0_i32_0 = arith.constant 0 : i32
    return %arg0, %c0_i32 : i32, i32
  }
}

module attributes {stable_mosaic.version = 14 : i64} {
  func.func @body(%arg0: i32, %arg1: i32, %arg2: memref<1x1024x256xf32, #tpu.memory_space<vmem>>, %arg3: memref<1x1024x3xi32, #tpu.memory_space<vmem>>, %arg4: memref<1x256x256xf32, #tpu.memory_space<vmem>>, %arg5: memref<1x1024x64xf32, #tpu.memory_space<vmem>>, %arg6: memref<64x256xf32, #tpu.memory_space<vmem>>, %arg7: memref<256x256xf32, #tpu.memory_space<vmem>>, %arg8: memref<1x256xf32, #tpu.memory_space<vmem>>, %arg9: memref<1x1024x256xf32, #tpu.memory_space<vmem>>, %arg10: memref<8x256xf32, #tpu.memory_space<vmem>>) attributes {dimension_semantics = [#tpu.dimension_semantics<arbitrary>, #tpu.dimension_semantics<arbitrary>], iteration_bounds = array<i64: 8, 1>, scalar_prefetch = 0 : i64, scratch_operands = 0 : i64, tpu.core_type = #tpu.core_type<tc>, window_params = [{transform_indices = @transform_0, window_bounds = array<i64: 1, 1024, 256>}, {transform_indices = @transform_1, window_bounds = array<i64: 1, 1024, 3>}, {transform_indices = @transform_2, window_bounds = array<i64: 1, 256, 256>}, {transform_indices = @transform_3, window_bounds = array<i64: 1, 1024, 64>}, {pipeline_mode = #tpu.pipeline_mode<synchronous>, transform_indices = @transform_4, window_bounds = array<i64: 64, 256>}, {pipeline_mode = #tpu.pipeline_mode<synchronous>, transform_indices = @transform_5, window_bounds = array<i64: 256, 256>}, {pipeline_mode = #tpu.pipeline_mode<synchronous>, transform_indices = @transform_6, window_bounds = array<i64: 1, 256>}, {transform_indices = @transform_7, window_bounds = array<i64: 1, 1024, 256>}, {pipeline_mode = #tpu.pipeline_mode<synchronous>, transform_indices = @transform_8, window_bounds = array<i64: 8, 256>}]} {
    %get3A = arith.constant 0 : index
    %get3A_0 = arith.constant 0 : index
    %get3A_1 = arith.constant 0 : index
    %get3A_2 = vector.load %arg2[%get3A, %get3A_0, %get3A_1] : memref<1x1024x256xf32, #tpu.memory_space<vmem>>, vector<1x1024x256xf32>
    %get3A_3 = vector.shape_cast %get3A_2 : vector<1x1024x256xf32> to vector<1024x256xf32>
    %get3A_4 = arith.constant 0 : index
    %get3A_5 = arith.constant 0 : index
    %get3A_6 = arith.constant 0 : index
    %get3A_7 = vector.load %arg3[%get3A_4, %get3A_5, %get3A_6] : memref<1x1024x3xi32, #tpu.memory_space<vmem>>, vector<1x1024x3xi32>
    %get3A_8 = vector.shape_cast %get3A_7 : vector<1x1024x3xi32> to vector<1024x3xi32>
    %iota3A = tpu.iota {dimensions = array<i32: 1>} : vector<1024x256xi32>
    %slice3A = vector.extract_strided_slice %get3A_8 {offsets = [0, 0], sizes = [1024, 1], strides = [1, 1]} : vector<1024x3xi32> to vector<1024x1xi32>
    %eq3A = vector.broadcast %slice3A : vector<1024x1xi32> to vector<1024x256xi32>
    %eq3A_9 = arith.cmpi eq, %iota3A, %eq3A : vector<1024x256xi32>
    %convert_element_type3A = arith.extui %eq3A_9 : vector<1024x256xi1> to vector<1024x256xi32>
    %convert_element_type3A_10 = arith.sitofp %convert_element_type3A : vector<1024x256xi32> to vector<1024x256xf32>
    %mul3A = arith.mulf %get3A_3, %convert_element_type3A_10 : vector<1024x256xf32>
    %reduce_sum3A = arith.constant dense<0.000000e+00> : vector<1024xf32>
    %reduce_sum3A_11 = vector.multi_reduction <add>, %mul3A, %reduce_sum3A [1] : vector<1024x256xf32> to vector<1024xf32>
    %broadcast_in_dim3A = vector.shape_cast %reduce_sum3A_11 : vector<1024xf32> to vector<1024x1xf32>
    %add3A = arith.constant 9.99999993E-9 : f32
    %add3A_12 = vector.broadcast %add3A : f32 to vector<1024x1xf32>
    %add3A_13 = arith.addf %broadcast_in_dim3A, %add3A_12 : vector<1024x1xf32>
    %div3A = arith.constant 1.000000e+00 : f32
    %div3A_14 = vector.broadcast %div3A : f32 to vector<1024x1xf32>
    %div3A_15 = arith.divf %div3A_14, %add3A_13 : vector<1024x1xf32>
    %slice3A_16 = vector.extract_strided_slice %get3A_8 {offsets = [0, 1], sizes = [1024, 1], strides = [1, 1]} : vector<1024x3xi32> to vector<1024x1xi32>
    %eq3A_17 = vector.broadcast %slice3A_16 : vector<1024x1xi32> to vector<1024x256xi32>
    %eq3A_18 = arith.cmpi eq, %iota3A, %eq3A_17 : vector<1024x256xi32>
    %convert_element_type3A_19 = arith.extui %eq3A_18 : vector<1024x256xi1> to vector<1024x256xi32>
    %convert_element_type3A_20 = arith.sitofp %convert_element_type3A_19 : vector<1024x256xi32> to vector<1024x256xf32>
    %mul3A_21 = arith.mulf %get3A_3, %convert_element_type3A_20 : vector<1024x256xf32>
    %reduce_sum3A_22 = arith.constant dense<0.000000e+00> : vector<1024xf32>
    %reduce_sum3A_23 = vector.multi_reduction <add>, %mul3A_21, %reduce_sum3A_22 [1] : vector<1024x256xf32> to vector<1024xf32>
    %broadcast_in_dim3A_24 = vector.shape_cast %reduce_sum3A_23 : vector<1024xf32> to vector<1024x1xf32>
    %add3A_25 = arith.constant 9.99999993E-9 : f32
    %add3A_26 = vector.broadcast %add3A_25 : f32 to vector<1024x1xf32>
    %add3A_27 = arith.addf %broadcast_in_dim3A_24, %add3A_26 : vector<1024x1xf32>
    %div3A_28 = arith.constant 1.000000e+00 : f32
    %div3A_29 = vector.broadcast %div3A_28 : f32 to vector<1024x1xf32>
    %div3A_30 = arith.divf %div3A_29, %add3A_27 : vector<1024x1xf32>
    %slice3A_31 = vector.extract_strided_slice %get3A_8 {offsets = [0, 2], sizes = [1024, 1], strides = [1, 1]} : vector<1024x3xi32> to vector<1024x1xi32>
    %eq3A_32 = vector.broadcast %slice3A_31 : vector<1024x1xi32> to vector<1024x256xi32>
    %eq3A_33 = arith.cmpi eq, %iota3A, %eq3A_32 : vector<1024x256xi32>
    %convert_element_type3A_34 = arith.extui %eq3A_33 : vector<1024x256xi1> to vector<1024x256xi32>
    %convert_element_type3A_35 = arith.sitofp %convert_element_type3A_34 : vector<1024x256xi32> to vector<1024x256xf32>
    %mul3A_36 = arith.mulf %get3A_3, %convert_element_type3A_35 : vector<1024x256xf32>
    %reduce_sum3A_37 = arith.constant dense<0.000000e+00> : vector<1024xf32>
    %reduce_sum3A_38 = vector.multi_reduction <add>, %mul3A_36, %reduce_sum3A_37 [1] : vector<1024x256xf32> to vector<1024xf32>
    %broadcast_in_dim3A_39 = vector.shape_cast %reduce_sum3A_38 : vector<1024xf32> to vector<1024x1xf32>
    %add3A_40 = arith.constant 9.99999993E-9 : f32
    %add3A_41 = vector.broadcast %add3A_40 : f32 to vector<1024x1xf32>
    %add3A_42 = arith.addf %broadcast_in_dim3A_39, %add3A_41 : vector<1024x1xf32>
    %div3A_43 = arith.constant 1.000000e+00 : f32
    %div3A_44 = vector.broadcast %div3A_43 : f32 to vector<1024x1xf32>
    %div3A_45 = arith.divf %div3A_44, %add3A_42 : vector<1024x1xf32>
    %add3A_46 = arith.addf %div3A_15, %div3A_30 : vector<1024x1xf32>
    %add3A_47 = arith.addf %add3A_46, %div3A_45 : vector<1024x1xf32>
    %div3A_48 = arith.divf %div3A_15, %add3A_47 : vector<1024x1xf32>
    %mul3A_49 = vector.broadcast %div3A_48 : vector<1024x1xf32> to vector<1024x256xf32>
    %mul3A_50 = arith.mulf %mul3A_49, %convert_element_type3A_10 : vector<1024x256xf32>
    %div3A_51 = arith.divf %div3A_30, %add3A_47 : vector<1024x1xf32>
    %mul3A_52 = vector.broadcast %div3A_51 : vector<1024x1xf32> to vector<1024x256xf32>
    %mul3A_53 = arith.mulf %mul3A_52, %convert_element_type3A_20 : vector<1024x256xf32>
    %add3A_54 = arith.addf %mul3A_50, %mul3A_53 : vector<1024x256xf32>
    %div3A_55 = arith.divf %div3A_45, %add3A_47 : vector<1024x1xf32>
    %mul3A_56 = vector.broadcast %div3A_55 : vector<1024x1xf32> to vector<1024x256xf32>
    %mul3A_57 = arith.mulf %mul3A_56, %convert_element_type3A_35 : vector<1024x256xf32>
    %add3A_58 = arith.addf %add3A_54, %mul3A_57 : vector<1024x256xf32>
    %get3A_59 = arith.constant 0 : index
    %get3A_60 = arith.constant 0 : index
    %get3A_61 = arith.constant 0 : index
    %get3A_62 = vector.load %arg4[%get3A_59, %get3A_60, %get3A_61] : memref<1x256x256xf32, #tpu.memory_space<vmem>>, vector<1x256x256xf32>
    %get3A_63 = vector.shape_cast %get3A_62 : vector<1x256x256xf32> to vector<256x256xf32>
    %dot_general3A = arith.constant dense<0.000000e+00> : vector<1024x256xf32>
    %dot_general3A_64 = tpu.matmul %add3A_58, %get3A_63, %dot_general3A {dimension_numbers = #tpu.dot_dimension_numbers<[1], [0], [0], [1], [0, 0, 1, 1], [], []>, transpose_lhs_hint = false} : vector<1024x256xf32>, vector<256x256xf32>, vector<1024x256xf32> -> vector<1024x256xf32>
    %get3A_65 = arith.constant 0 : index
    %get3A_66 = arith.constant 0 : index
    %get3A_67 = vector.load %arg7[%get3A_65, %get3A_66] : memref<256x256xf32, #tpu.memory_space<vmem>>, vector<256x256xf32>
    %dot_general3A_68 = arith.constant dense<0.000000e+00> : vector<1024x256xf32>
    %dot_general3A_69 = tpu.matmul %dot_general3A_64, %get3A_67, %dot_general3A_68 {dimension_numbers = #tpu.dot_dimension_numbers<[1], [0], [0], [1], [0, 0, 1, 1], [], []>, transpose_lhs_hint = false} : vector<1024x256xf32>, vector<256x256xf32>, vector<1024x256xf32> -> vector<1024x256xf32>
    %get3A_70 = arith.constant 0 : index
    %get3A_71 = arith.constant 0 : index
    %get3A_72 = arith.constant 0 : index
    %get3A_73 = vector.load %arg5[%get3A_70, %get3A_71, %get3A_72] : memref<1x1024x64xf32, #tpu.memory_space<vmem>>, vector<1x1024x64xf32>
    %get3A_74 = vector.shape_cast %get3A_73 : vector<1x1024x64xf32> to vector<1024x64xf32>
    %get3A_75 = arith.constant 0 : index
    %get3A_76 = arith.constant 0 : index
    %get3A_77 = vector.load %arg6[%get3A_75, %get3A_76] : memref<64x256xf32, #tpu.memory_space<vmem>>, vector<64x256xf32>
    %dot_general3A_78 = arith.constant dense<0.000000e+00> : vector<1024x256xf32>
    %dot_general3A_79 = tpu.matmul %get3A_74, %get3A_77, %dot_general3A_78 {dimension_numbers = #tpu.dot_dimension_numbers<[1], [0], [0], [1], [0, 0, 1, 1], [], []>, transpose_lhs_hint = false} : vector<1024x64xf32>, vector<64x256xf32>, vector<1024x256xf32> -> vector<1024x256xf32>
    %add3A_80 = arith.addf %dot_general3A_69, %dot_general3A_79 : vector<1024x256xf32>
    %get3A_81 = arith.constant 0 : index
    %get3A_82 = arith.constant 0 : index
    %get3A_83 = vector.load %arg8[%get3A_81, %get3A_82] : memref<1x256xf32, #tpu.memory_space<vmem>>, vector<1x256xf32>
    %add3A_84 = vector.broadcast %get3A_83 : vector<1x256xf32> to vector<1024x256xf32>
    %add3A_85 = arith.addf %add3A_80, %add3A_84 : vector<1024x256xf32>
    %swap3A = arith.constant 0 : index
    %swap3A_86 = arith.constant 0 : index
    %swap3A_87 = arith.constant 0 : index
    %swap3A_88 = vector.load %arg9[%swap3A, %swap3A_86, %swap3A_87] : memref<1x1024x256xf32, #tpu.memory_space<vmem>>, vector<1x1024x256xf32>
    %swap3A_89 = vector.shape_cast %swap3A_88 : vector<1x1024x256xf32> to vector<1024x256xf32>
    %swap3A_90 = vector.shape_cast %add3A_85 : vector<1024x256xf32> to vector<1x1024x256xf32>
    tpu.vector_store %arg9[%swap3A, %swap3A_86, %swap3A_87], %swap3A_90 {strides = array<i32>} : memref<1x1024x256xf32, #tpu.memory_space<vmem>>, vector<1x1024x256xf32>,
    %eq3A_91 = arith.constant 0 : i32
    %eq3A_92 = arith.cmpi eq, %arg0, %eq3A_91 : i32
    %eq3A_93 = arith.constant 0 : i32
    %eq3A_94 = arith.cmpi eq, %arg1, %eq3A_93 : i32
    %and3A = arith.andi %eq3A_92, %eq3A_94 : i1
    %convert_element_type3A_95 = arith.extui %and3A : i1 to i32
    %cond3A = arith.constant 0 : i32
    %cond3A_96 = arith.cmpi ne, %convert_element_type3A_95, %cond3A : i32
    scf.if %cond3A_96 {
      %broadcast_in_dim3A_118 = arith.constant 0.000000e+00 : f32
      %broadcast_in_dim3A_119 = vector.broadcast %broadcast_in_dim3A_118 : f32 to vector<8x256xf32>
      %swap3A_120 = arith.constant 0 : index
      %swap3A_121 = arith.constant 0 : index
      %swap3A_122 = vector.load %arg10[%swap3A_120, %swap3A_121] : memref<8x256xf32, #tpu.memory_space<vmem>>, vector<8x256xf32>
      tpu.vector_store %arg10[%swap3A_120, %swap3A_121], %broadcast_in_dim3A_119 {strides = array<i32>} : memref<8x256xf32, #tpu.memory_space<vmem>>, vector<8x256xf32>,
    } else {
    }
    %get3A_97 = arith.constant 0 : index
    %get3A_98 = arith.constant 0 : index
    %get3A_99 = vector.load %arg10[%get3A_97, %get3A_98] : memref<8x256xf32, #tpu.memory_space<vmem>>, vector<1x256xf32>
    %reduce_sum3A_100 = arith.constant dense<0.000000e+00> : vector<256xf32>
    %reduce_sum3A_101 = vector.multi_reduction <add>, %add3A_85, %reduce_sum3A_100 [0] : vector<1024x256xf32> to vector<256xf32>
    %broadcast_in_dim3A_102 = vector.shape_cast %reduce_sum3A_101 : vector<256xf32> to vector<1x256xf32>
    %add3A_103 = arith.addf %get3A_99, %broadcast_in_dim3A_102 : vector<1x256xf32>
    %swap3A_104 = arith.constant 0 : index
    %swap3A_105 = arith.constant 0 : index
    %swap3A_106 = vector.load %arg10[%swap3A_104, %swap3A_105] : memref<8x256xf32, #tpu.memory_space<vmem>>, vector<1x256xf32>
    tpu.vector_store %arg10[%swap3A_104, %swap3A_105], %add3A_103 {strides = array<i32>} : memref<8x256xf32, #tpu.memory_space<vmem>>, vector<1x256xf32>,
    %get3A_107 = arith.constant 1 : index
    %get3A_108 = arith.constant 0 : index
    %get3A_109 = vector.load %arg10[%get3A_107, %get3A_108] : memref<8x256xf32, #tpu.memory_space<vmem>>, vector<1x256xf32>
    %mul3A_110 = arith.mulf %add3A_85, %add3A_85 : vector<1024x256xf32>
    %reduce_sum3A_111 = arith.constant dense<0.000000e+00> : vector<256xf32>
    %reduce_sum3A_112 = vector.multi_reduction <add>, %mul3A_110, %reduce_sum3A_111 [0] : vector<1024x256xf32> to vector<256xf32>
    %broadcast_in_dim3A_113 = vector.shape_cast %reduce_sum3A_112 : vector<256xf32> to vector<1x256xf32>
    %add3A_114 = arith.addf %get3A_109, %broadcast_in_dim3A_113 : vector<1x256xf32>
    %swap3A_115 = arith.constant 1 : index
    %swap3A_116 = arith.constant 0 : index
    %swap3A_117 = vector.load %arg10[%swap3A_115, %swap3A_116] : memref<8x256xf32, #tpu.memory_space<vmem>>, vector<1x256xf32>
    tpu.vector_store %arg10[%swap3A_115, %swap3A_116], %add3A_114 {strides = array<i32>} : memref<8x256xf32, #tpu.memory_space<vmem>>, vector<1x256xf32>,
    return
  }
  func.func @transform_0(%arg0: i32, %arg1: i32) -> (i32, i32, i32) {
    %c0_i32 = arith.constant 0 : i32
    %c0_i32_0 = arith.constant 0 : i32
    return %arg0, %arg1, %c0_i32 : i32, i32, i32
  }
  func.func @transform_1(%arg0: i32, %arg1: i32) -> (i32, i32, i32) {
    %c0_i32 = arith.constant 0 : i32
    %c0_i32_0 = arith.constant 0 : i32
    return %arg0, %arg1, %c0_i32 : i32, i32, i32
  }
  func.func @transform_2(%arg0: i32, %arg1: i32) -> (i32, i32, i32) {
    %c0_i32 = arith.constant 0 : i32
    %c0_i32_0 = arith.constant 0 : i32
    %c0_i32_1 = arith.constant 0 : i32
    return %arg0, %c0_i32, %c0_i32_0 : i32, i32, i32
  }
  func.func @transform_3(%arg0: i32, %arg1: i32) -> (i32, i32, i32) {
    %c0_i32 = arith.constant 0 : i32
    %c0_i32_0 = arith.constant 0 : i32
    return %arg0, %arg1, %c0_i32 : i32, i32, i32
  }
  func.func @transform_4(%arg0: i32, %arg1: i32) -> (i32, i32) {
    %c0_i32 = arith.constant 0 : i32
    %c0_i32_0 = arith.constant 0 : i32
    %c0_i32_1 = arith.constant 0 : i32
    return %c0_i32, %c0_i32_0 : i32, i32
  }
  func.func @transform_5(%arg0: i32, %arg1: i32) -> (i32, i32) {
    %c0_i32 = arith.constant 0 : i32
    %c0_i32_0 = arith.constant 0 : i32
    %c0_i32_1 = arith.constant 0 : i32
    return %c0_i32, %c0_i32_0 : i32, i32
  }
  func.func @transform_6(%arg0: i32, %arg1: i32) -> (i32, i32) {
    %c0_i32 = arith.constant 0 : i32
    %c0_i32_0 = arith.constant 0 : i32
    %c0_i32_1 = arith.constant 0 : i32
    return %c0_i32, %c0_i32_0 : i32, i32
  }
  func.func @transform_7(%arg0: i32, %arg1: i32) -> (i32, i32, i32) {
    %c0_i32 = arith.constant 0 : i32
    %c0_i32_0 = arith.constant 0 : i32
    return %arg0, %arg1, %c0_i32 : i32, i32, i32
  }
  func.func @transform_8(%arg0: i32, %arg1: i32) -> (i32, i32) {
    %c0_i32 = arith.constant 0 : i32
    %c0_i32_0 = arith.constant 0 : i32
    %c0_i32_1 = arith.constant 0 : i32
    return %c0_i32, %c0_i32_0 : i32, i32
  }
}

module attributes {stable_mosaic.version = 14 : i64} {
  func.func @_mm_body(%arg0: i32, %arg1: memref<8192x256xf32, #tpu.memory_space<vmem>>, %arg2: memref<1x256xf32, #tpu.memory_space<vmem>>, %arg3: memref<1x256xf32, #tpu.memory_space<vmem>>, %arg4: memref<256x128xf32, #tpu.memory_space<vmem>>, %arg5: memref<1x128xf32, #tpu.memory_space<vmem>>, %arg6: memref<8192x128xf32, #tpu.memory_space<vmem>>, %arg7: memref<8x128xf32, #tpu.memory_space<vmem>>) attributes {dimension_semantics = [#tpu.dimension_semantics<arbitrary>], iteration_bounds = array<i64: 1>, scalar_prefetch = 0 : i64, scratch_operands = 0 : i64, tpu.core_type = #tpu.core_type<tc>, window_params = [{transform_indices = @transform_0, window_bounds = array<i64: 8192, 256>}, {pipeline_mode = #tpu.pipeline_mode<synchronous>, transform_indices = @transform_1, window_bounds = array<i64: 1, 256>}, {pipeline_mode = #tpu.pipeline_mode<synchronous>, transform_indices = @transform_2, window_bounds = array<i64: 1, 256>}, {pipeline_mode = #tpu.pipeline_mode<synchronous>, transform_indices = @transform_3, window_bounds = array<i64: 256, 128>}, {pipeline_mode = #tpu.pipeline_mode<synchronous>, transform_indices = @transform_4, window_bounds = array<i64: 1, 128>}, {transform_indices = @transform_5, window_bounds = array<i64: 8192, 128>}, {pipeline_mode = #tpu.pipeline_mode<synchronous>, transform_indices = @transform_6, window_bounds = array<i64: 8, 128>}]} {
    %get3A = arith.constant 0 : index
    %get3A_0 = arith.constant 0 : index
    %get3A_1 = vector.load %arg1[%get3A, %get3A_0] : memref<8192x256xf32, #tpu.memory_space<vmem>>, vector<8192x256xf32>
    %get3A_2 = arith.constant 0 : index
    %get3A_3 = arith.constant 0 : index
    %get3A_4 = vector.load %arg2[%get3A_2, %get3A_3] : memref<1x256xf32, #tpu.memory_space<vmem>>, vector<1x256xf32>
    %mul3A = vector.broadcast %get3A_4 : vector<1x256xf32> to vector<8192x256xf32>
    %mul3A_5 = arith.mulf %get3A_1, %mul3A : vector<8192x256xf32>
    %get3A_6 = arith.constant 0 : index
    %get3A_7 = arith.constant 0 : index
    %get3A_8 = vector.load %arg3[%get3A_6, %get3A_7] : memref<1x256xf32, #tpu.memory_space<vmem>>, vector<1x256xf32>
    %add3A = vector.broadcast %get3A_8 : vector<1x256xf32> to vector<8192x256xf32>
    %add3A_9 = arith.addf %mul3A_5, %add3A : vector<8192x256xf32>
    %max3A = arith.constant 0.000000e+00 : f32
    %max3A_10 = vector.broadcast %max3A : f32 to vector<8192x256xf32>
    %max3A_11 = arith.maximumf %add3A_9, %max3A_10 : vector<8192x256xf32>
    %get3A_12 = arith.constant 0 : index
    %get3A_13 = arith.constant 0 : index
    %get3A_14 = vector.load %arg4[%get3A_12, %get3A_13] : memref<256x128xf32, #tpu.memory_space<vmem>>, vector<256x128xf32>
    %dot_general3A = arith.constant dense<0.000000e+00> : vector<8192x128xf32>
    %dot_general3A_15 = tpu.matmul %max3A_11, %get3A_14, %dot_general3A {dimension_numbers = #tpu.dot_dimension_numbers<[1], [0], [0], [1], [0, 0, 1, 1], [], []>, transpose_lhs_hint = false} : vector<8192x256xf32>, vector<256x128xf32>, vector<8192x128xf32> -> vector<8192x128xf32>
    %get3A_16 = arith.constant 0 : index
    %get3A_17 = arith.constant 0 : index
    %get3A_18 = vector.load %arg5[%get3A_16, %get3A_17] : memref<1x128xf32, #tpu.memory_space<vmem>>, vector<1x128xf32>
    %add3A_19 = vector.broadcast %get3A_18 : vector<1x128xf32> to vector<8192x128xf32>
    %add3A_20 = arith.addf %dot_general3A_15, %add3A_19 : vector<8192x128xf32>
    %swap3A = arith.constant 0 : index
    %swap3A_21 = arith.constant 0 : index
    %swap3A_22 = vector.load %arg6[%swap3A, %swap3A_21] : memref<8192x128xf32, #tpu.memory_space<vmem>>, vector<8192x128xf32>
    tpu.vector_store %arg6[%swap3A, %swap3A_21], %add3A_20 {strides = array<i32>} : memref<8192x128xf32, #tpu.memory_space<vmem>>, vector<8192x128xf32>,
    %eq3A = arith.constant 0 : i32
    %eq3A_23 = arith.cmpi eq, %arg0, %eq3A : i32
    %convert_element_type3A = arith.extui %eq3A_23 : i1 to i32
    %cond3A = arith.constant 0 : i32
    %cond3A_24 = arith.cmpi ne, %convert_element_type3A, %cond3A : i32
    scf.if %cond3A_24 {
      %broadcast_in_dim3A_44 = arith.constant 0.000000e+00 : f32
      %broadcast_in_dim3A_45 = vector.broadcast %broadcast_in_dim3A_44 : f32 to vector<8x128xf32>
      %swap3A_46 = arith.constant 0 : index
      %swap3A_47 = arith.constant 0 : index
      %swap3A_48 = vector.load %arg7[%swap3A_46, %swap3A_47] : memref<8x128xf32, #tpu.memory_space<vmem>>, vector<8x128xf32>
      tpu.vector_store %arg7[%swap3A_46, %swap3A_47], %broadcast_in_dim3A_45 {strides = array<i32>} : memref<8x128xf32, #tpu.memory_space<vmem>>, vector<8x128xf32>,
    } else {
    }
    %get3A_25 = arith.constant 0 : index
    %get3A_26 = arith.constant 0 : index
    %get3A_27 = vector.load %arg7[%get3A_25, %get3A_26] : memref<8x128xf32, #tpu.memory_space<vmem>>, vector<1x128xf32>
    %reduce_sum3A = arith.constant dense<0.000000e+00> : vector<128xf32>
    %reduce_sum3A_28 = vector.multi_reduction <add>, %add3A_20, %reduce_sum3A [0] : vector<8192x128xf32> to vector<128xf32>
    %broadcast_in_dim3A = vector.shape_cast %reduce_sum3A_28 : vector<128xf32> to vector<1x128xf32>
    %add3A_29 = arith.addf %get3A_27, %broadcast_in_dim3A : vector<1x128xf32>
    %swap3A_30 = arith.constant 0 : index
    %swap3A_31 = arith.constant 0 : index
    %swap3A_32 = vector.load %arg7[%swap3A_30, %swap3A_31] : memref<8x128xf32, #tpu.memory_space<vmem>>, vector<1x128xf32>
    tpu.vector_store %arg7[%swap3A_30, %swap3A_31], %add3A_29 {strides = array<i32>} : memref<8x128xf32, #tpu.memory_space<vmem>>, vector<1x128xf32>,
    %get3A_33 = arith.constant 1 : index
    %get3A_34 = arith.constant 0 : index
    %get3A_35 = vector.load %arg7[%get3A_33, %get3A_34] : memref<8x128xf32, #tpu.memory_space<vmem>>, vector<1x128xf32>
    %mul3A_36 = arith.mulf %add3A_20, %add3A_20 : vector<8192x128xf32>
    %reduce_sum3A_37 = arith.constant dense<0.000000e+00> : vector<128xf32>
    %reduce_sum3A_38 = vector.multi_reduction <add>, %mul3A_36, %reduce_sum3A_37 [0] : vector<8192x128xf32> to vector<128xf32>
    %broadcast_in_dim3A_39 = vector.shape_cast %reduce_sum3A_38 : vector<128xf32> to vector<1x128xf32>
    %add3A_40 = arith.addf %get3A_35, %broadcast_in_dim3A_39 : vector<1x128xf32>
    %swap3A_41 = arith.constant 1 : index
    %swap3A_42 = arith.constant 0 : index
    %swap3A_43 = vector.load %arg7[%swap3A_41, %swap3A_42] : memref<8x128xf32, #tpu.memory_space<vmem>>, vector<1x128xf32>
    tpu.vector_store %arg7[%swap3A_41, %swap3A_42], %add3A_40 {strides = array<i32>} : memref<8x128xf32, #tpu.memory_space<vmem>>, vector<1x128xf32>,
    return
  }
  func.func @transform_0(%arg0: i32) -> (i32, i32) {
    %c0_i32 = arith.constant 0 : i32
    %c0_i32_0 = arith.constant 0 : i32
    return %arg0, %c0_i32 : i32, i32
  }
  func.func @transform_1(%arg0: i32) -> (i32, i32) {
    %c0_i32 = arith.constant 0 : i32
    %c0_i32_0 = arith.constant 0 : i32
    %c0_i32_1 = arith.constant 0 : i32
    return %c0_i32, %c0_i32_0 : i32, i32
  }
  func.func @transform_2(%arg0: i32) -> (i32, i32) {
    %c0_i32 = arith.constant 0 : i32
    %c0_i32_0 = arith.constant 0 : i32
    %c0_i32_1 = arith.constant 0 : i32
    return %c0_i32, %c0_i32_0 : i32, i32
  }
  func.func @transform_3(%arg0: i32) -> (i32, i32) {
    %c0_i32 = arith.constant 0 : i32
    %c0_i32_0 = arith.constant 0 : i32
    %c0_i32_1 = arith.constant 0 : i32
    return %c0_i32, %c0_i32_0 : i32, i32
  }
  func.func @transform_4(%arg0: i32) -> (i32, i32) {
    %c0_i32 = arith.constant 0 : i32
    %c0_i32_0 = arith.constant 0 : i32
    %c0_i32_1 = arith.constant 0 : i32
    return %c0_i32, %c0_i32_0 : i32, i32
  }
  func.func @transform_5(%arg0: i32) -> (i32, i32) {
    %c0_i32 = arith.constant 0 : i32
    %c0_i32_0 = arith.constant 0 : i32
    return %arg0, %c0_i32 : i32, i32
  }
  func.func @transform_6(%arg0: i32) -> (i32, i32) {
    %c0_i32 = arith.constant 0 : i32
    %c0_i32_0 = arith.constant 0 : i32
    %c0_i32_1 = arith.constant 0 : i32
    return %c0_i32, %c0_i32_0 : i32, i32
  }
}

module attributes {stable_mosaic.version = 14 : i64} {
  func.func @_act_body(%arg0: i32, %arg1: memref<8192x128xf32, #tpu.memory_space<vmem>>, %arg2: memref<1x128xf32, #tpu.memory_space<vmem>>, %arg3: memref<1x128xf32, #tpu.memory_space<vmem>>, %arg4: memref<8192x128xf32, #tpu.memory_space<vmem>>) attributes {dimension_semantics = [#tpu.dimension_semantics<arbitrary>], iteration_bounds = array<i64: 1>, scalar_prefetch = 0 : i64, scratch_operands = 0 : i64, tpu.core_type = #tpu.core_type<tc>, window_params = [{transform_indices = @transform_0, window_bounds = array<i64: 8192, 128>}, {pipeline_mode = #tpu.pipeline_mode<synchronous>, transform_indices = @transform_1, window_bounds = array<i64: 1, 128>}, {pipeline_mode = #tpu.pipeline_mode<synchronous>, transform_indices = @transform_2, window_bounds = array<i64: 1, 128>}, {transform_indices = @transform_3, window_bounds = array<i64: 8192, 128>}]} {
    %get3A = arith.constant 0 : index
    %get3A_0 = arith.constant 0 : index
    %get3A_1 = vector.load %arg1[%get3A, %get3A_0] : memref<8192x128xf32, #tpu.memory_space<vmem>>, vector<8192x128xf32>
    %get3A_2 = arith.constant 0 : index
    %get3A_3 = arith.constant 0 : index
    %get3A_4 = vector.load %arg2[%get3A_2, %get3A_3] : memref<1x128xf32, #tpu.memory_space<vmem>>, vector<1x128xf32>
    %mul3A = vector.broadcast %get3A_4 : vector<1x128xf32> to vector<8192x128xf32>
    %mul3A_5 = arith.mulf %get3A_1, %mul3A : vector<8192x128xf32>
    %get3A_6 = arith.constant 0 : index
    %get3A_7 = arith.constant 0 : index
    %get3A_8 = vector.load %arg3[%get3A_6, %get3A_7] : memref<1x128xf32, #tpu.memory_space<vmem>>, vector<1x128xf32>
    %add3A = vector.broadcast %get3A_8 : vector<1x128xf32> to vector<8192x128xf32>
    %add3A_9 = arith.addf %mul3A_5, %add3A : vector<8192x128xf32>
    %max3A = arith.constant 0.000000e+00 : f32
    %max3A_10 = vector.broadcast %max3A : f32 to vector<8192x128xf32>
    %max3A_11 = arith.maximumf %add3A_9, %max3A_10 : vector<8192x128xf32>
    %swap3A = arith.constant 0 : index
    %swap3A_12 = arith.constant 0 : index
    %swap3A_13 = vector.load %arg4[%swap3A, %swap3A_12] : memref<8192x128xf32, #tpu.memory_space<vmem>>, vector<8192x128xf32>
    tpu.vector_store %arg4[%swap3A, %swap3A_12], %max3A_11 {strides = array<i32>} : memref<8192x128xf32, #tpu.memory_space<vmem>>, vector<8192x128xf32>,
    return
  }
  func.func @transform_0(%arg0: i32) -> (i32, i32) {
    %c0_i32 = arith.constant 0 : i32
    %c0_i32_0 = arith.constant 0 : i32
    return %arg0, %c0_i32 : i32, i32
  }
  func.func @transform_1(%arg0: i32) -> (i32, i32) {
    %c0_i32 = arith.constant 0 : i32
    %c0_i32_0 = arith.constant 0 : i32
    %c0_i32_1 = arith.constant 0 : i32
    return %c0_i32, %c0_i32_0 : i32, i32
  }
  func.func @transform_2(%arg0: i32) -> (i32, i32) {
    %c0_i32 = arith.constant 0 : i32
    %c0_i32_0 = arith.constant 0 : i32
    %c0_i32_1 = arith.constant 0 : i32
    return %c0_i32, %c0_i32_0 : i32, i32
  }
  func.func @transform_3(%arg0: i32) -> (i32, i32) {
    %c0_i32 = arith.constant 0 : i32
    %c0_i32_0 = arith.constant 0 : i32
    return %arg0, %c0_i32 : i32, i32
  }
}

module attributes {stable_mosaic.version = 14 : i64} {
  func.func @body(%arg0: i32, %arg1: i32, %arg2: memref<1x512x1024xf32, #tpu.memory_space<vmem>>, %arg3: memref<1x512x3xi32, #tpu.memory_space<vmem>>, %arg4: memref<1x1024x128xf32, #tpu.memory_space<vmem>>, %arg5: memref<128x128xf32, #tpu.memory_space<vmem>>, %arg6: memref<1x128xf32, #tpu.memory_space<vmem>>, %arg7: memref<1x512x128xf32, #tpu.memory_space<vmem>>, %arg8: memref<8x128xf32, #tpu.memory_space<vmem>>) attributes {dimension_semantics = [#tpu.dimension_semantics<arbitrary>, #tpu.dimension_semantics<arbitrary>], iteration_bounds = array<i64: 8, 8>, scalar_prefetch = 0 : i64, scratch_operands = 0 : i64, tpu.core_type = #tpu.core_type<tc>, window_params = [{transform_indices = @transform_0, window_bounds = array<i64: 1, 512, 1024>}, {transform_indices = @transform_1, window_bounds = array<i64: 1, 512, 3>}, {transform_indices = @transform_2, window_bounds = array<i64: 1, 1024, 128>}, {pipeline_mode = #tpu.pipeline_mode<synchronous>, transform_indices = @transform_3, window_bounds = array<i64: 128, 128>}, {pipeline_mode = #tpu.pipeline_mode<synchronous>, transform_indices = @transform_4, window_bounds = array<i64: 1, 128>}, {transform_indices = @transform_5, window_bounds = array<i64: 1, 512, 128>}, {pipeline_mode = #tpu.pipeline_mode<synchronous>, transform_indices = @transform_6, window_bounds = array<i64: 8, 128>}]} {
    %get3A = arith.constant 0 : index
    %get3A_0 = arith.constant 0 : index
    %get3A_1 = arith.constant 0 : index
    %get3A_2 = vector.load %arg2[%get3A, %get3A_0, %get3A_1] : memref<1x512x1024xf32, #tpu.memory_space<vmem>>, vector<1x512x1024xf32>
    %get3A_3 = vector.shape_cast %get3A_2 : vector<1x512x1024xf32> to vector<512x1024xf32>
    %get3A_4 = arith.constant 0 : index
    %get3A_5 = arith.constant 0 : index
    %get3A_6 = arith.constant 0 : index
    %get3A_7 = vector.load %arg3[%get3A_4, %get3A_5, %get3A_6] : memref<1x512x3xi32, #tpu.memory_space<vmem>>, vector<1x512x3xi32>
    %get3A_8 = vector.shape_cast %get3A_7 : vector<1x512x3xi32> to vector<512x3xi32>
    %iota3A = tpu.iota {dimensions = array<i32: 1>} : vector<512x1024xi32>
    %slice3A = vector.extract_strided_slice %get3A_8 {offsets = [0, 0], sizes = [512, 1], strides = [1, 1]} : vector<512x3xi32> to vector<512x1xi32>
    %eq3A = vector.broadcast %slice3A : vector<512x1xi32> to vector<512x1024xi32>
    %eq3A_9 = arith.cmpi eq, %iota3A, %eq3A : vector<512x1024xi32>
    %convert_element_type3A = arith.extui %eq3A_9 : vector<512x1024xi1> to vector<512x1024xi32>
    %convert_element_type3A_10 = arith.sitofp %convert_element_type3A : vector<512x1024xi32> to vector<512x1024xf32>
    %mul3A = arith.mulf %get3A_3, %convert_element_type3A_10 : vector<512x1024xf32>
    %reduce_sum3A = arith.constant dense<0.000000e+00> : vector<512xf32>
    %reduce_sum3A_11 = vector.multi_reduction <add>, %mul3A, %reduce_sum3A [1] : vector<512x1024xf32> to vector<512xf32>
    %broadcast_in_dim3A = vector.shape_cast %reduce_sum3A_11 : vector<512xf32> to vector<512x1xf32>
    %add3A = arith.constant 9.99999993E-9 : f32
    %add3A_12 = vector.broadcast %add3A : f32 to vector<512x1xf32>
    %add3A_13 = arith.addf %broadcast_in_dim3A, %add3A_12 : vector<512x1xf32>
    %div3A = arith.constant 1.000000e+00 : f32
    %div3A_14 = vector.broadcast %div3A : f32 to vector<512x1xf32>
    %div3A_15 = arith.divf %div3A_14, %add3A_13 : vector<512x1xf32>
    %slice3A_16 = vector.extract_strided_slice %get3A_8 {offsets = [0, 1], sizes = [512, 1], strides = [1, 1]} : vector<512x3xi32> to vector<512x1xi32>
    %eq3A_17 = vector.broadcast %slice3A_16 : vector<512x1xi32> to vector<512x1024xi32>
    %eq3A_18 = arith.cmpi eq, %iota3A, %eq3A_17 : vector<512x1024xi32>
    %convert_element_type3A_19 = arith.extui %eq3A_18 : vector<512x1024xi1> to vector<512x1024xi32>
    %convert_element_type3A_20 = arith.sitofp %convert_element_type3A_19 : vector<512x1024xi32> to vector<512x1024xf32>
    %mul3A_21 = arith.mulf %get3A_3, %convert_element_type3A_20 : vector<512x1024xf32>
    %reduce_sum3A_22 = arith.constant dense<0.000000e+00> : vector<512xf32>
    %reduce_sum3A_23 = vector.multi_reduction <add>, %mul3A_21, %reduce_sum3A_22 [1] : vector<512x1024xf32> to vector<512xf32>
    %broadcast_in_dim3A_24 = vector.shape_cast %reduce_sum3A_23 : vector<512xf32> to vector<512x1xf32>
    %add3A_25 = arith.constant 9.99999993E-9 : f32
    %add3A_26 = vector.broadcast %add3A_25 : f32 to vector<512x1xf32>
    %add3A_27 = arith.addf %broadcast_in_dim3A_24, %add3A_26 : vector<512x1xf32>
    %div3A_28 = arith.constant 1.000000e+00 : f32
    %div3A_29 = vector.broadcast %div3A_28 : f32 to vector<512x1xf32>
    %div3A_30 = arith.divf %div3A_29, %add3A_27 : vector<512x1xf32>
    %slice3A_31 = vector.extract_strided_slice %get3A_8 {offsets = [0, 2], sizes = [512, 1], strides = [1, 1]} : vector<512x3xi32> to vector<512x1xi32>
    %eq3A_32 = vector.broadcast %slice3A_31 : vector<512x1xi32> to vector<512x1024xi32>
    %eq3A_33 = arith.cmpi eq, %iota3A, %eq3A_32 : vector<512x1024xi32>
    %convert_element_type3A_34 = arith.extui %eq3A_33 : vector<512x1024xi1> to vector<512x1024xi32>
    %convert_element_type3A_35 = arith.sitofp %convert_element_type3A_34 : vector<512x1024xi32> to vector<512x1024xf32>
    %mul3A_36 = arith.mulf %get3A_3, %convert_element_type3A_35 : vector<512x1024xf32>
    %reduce_sum3A_37 = arith.constant dense<0.000000e+00> : vector<512xf32>
    %reduce_sum3A_38 = vector.multi_reduction <add>, %mul3A_36, %reduce_sum3A_37 [1] : vector<512x1024xf32> to vector<512xf32>
    %broadcast_in_dim3A_39 = vector.shape_cast %reduce_sum3A_38 : vector<512xf32> to vector<512x1xf32>
    %add3A_40 = arith.constant 9.99999993E-9 : f32
    %add3A_41 = vector.broadcast %add3A_40 : f32 to vector<512x1xf32>
    %add3A_42 = arith.addf %broadcast_in_dim3A_39, %add3A_41 : vector<512x1xf32>
    %div3A_43 = arith.constant 1.000000e+00 : f32
    %div3A_44 = vector.broadcast %div3A_43 : f32 to vector<512x1xf32>
    %div3A_45 = arith.divf %div3A_44, %add3A_42 : vector<512x1xf32>
    %add3A_46 = arith.addf %div3A_15, %div3A_30 : vector<512x1xf32>
    %add3A_47 = arith.addf %add3A_46, %div3A_45 : vector<512x1xf32>
    %div3A_48 = arith.divf %div3A_15, %add3A_47 : vector<512x1xf32>
    %mul3A_49 = vector.broadcast %div3A_48 : vector<512x1xf32> to vector<512x1024xf32>
    %mul3A_50 = arith.mulf %mul3A_49, %convert_element_type3A_10 : vector<512x1024xf32>
    %div3A_51 = arith.divf %div3A_30, %add3A_47 : vector<512x1xf32>
    %mul3A_52 = vector.broadcast %div3A_51 : vector<512x1xf32> to vector<512x1024xf32>
    %mul3A_53 = arith.mulf %mul3A_52, %convert_element_type3A_20 : vector<512x1024xf32>
    %add3A_54 = arith.addf %mul3A_50, %mul3A_53 : vector<512x1024xf32>
    %div3A_55 = arith.divf %div3A_45, %add3A_47 : vector<512x1xf32>
    %mul3A_56 = vector.broadcast %div3A_55 : vector<512x1xf32> to vector<512x1024xf32>
    %mul3A_57 = arith.mulf %mul3A_56, %convert_element_type3A_35 : vector<512x1024xf32>
    %add3A_58 = arith.addf %add3A_54, %mul3A_57 : vector<512x1024xf32>
    %get3A_59 = arith.constant 0 : index
    %get3A_60 = arith.constant 0 : index
    %get3A_61 = arith.constant 0 : index
    %get3A_62 = vector.load %arg4[%get3A_59, %get3A_60, %get3A_61] : memref<1x1024x128xf32, #tpu.memory_space<vmem>>, vector<1x1024x128xf32>
    %get3A_63 = vector.shape_cast %get3A_62 : vector<1x1024x128xf32> to vector<1024x128xf32>
    %dot_general3A = arith.constant dense<0.000000e+00> : vector<512x128xf32>
    %dot_general3A_64 = tpu.matmul %add3A_58, %get3A_63, %dot_general3A {dimension_numbers = #tpu.dot_dimension_numbers<[1], [0], [0], [1], [0, 0, 1, 1], [], []>, transpose_lhs_hint = false} : vector<512x1024xf32>, vector<1024x128xf32>, vector<512x128xf32> -> vector<512x128xf32>
    %get3A_65 = arith.constant 0 : index
    %get3A_66 = arith.constant 0 : index
    %get3A_67 = vector.load %arg5[%get3A_65, %get3A_66] : memref<128x128xf32, #tpu.memory_space<vmem>>, vector<128x128xf32>
    %dot_general3A_68 = arith.constant dense<0.000000e+00> : vector<512x128xf32>
    %dot_general3A_69 = tpu.matmul %dot_general3A_64, %get3A_67, %dot_general3A_68 {dimension_numbers = #tpu.dot_dimension_numbers<[1], [0], [0], [1], [0, 0, 1, 1], [], []>, transpose_lhs_hint = false} : vector<512x128xf32>, vector<128x128xf32>, vector<512x128xf32> -> vector<512x128xf32>
    %get3A_70 = arith.constant 0 : index
    %get3A_71 = arith.constant 0 : index
    %get3A_72 = vector.load %arg6[%get3A_70, %get3A_71] : memref<1x128xf32, #tpu.memory_space<vmem>>, vector<1x128xf32>
    %add3A_73 = vector.broadcast %get3A_72 : vector<1x128xf32> to vector<512x128xf32>
    %add3A_74 = arith.addf %dot_general3A_69, %add3A_73 : vector<512x128xf32>
    %swap3A = arith.constant 0 : index
    %swap3A_75 = arith.constant 0 : index
    %swap3A_76 = arith.constant 0 : index
    %swap3A_77 = vector.load %arg7[%swap3A, %swap3A_75, %swap3A_76] : memref<1x512x128xf32, #tpu.memory_space<vmem>>, vector<1x512x128xf32>
    %swap3A_78 = vector.shape_cast %swap3A_77 : vector<1x512x128xf32> to vector<512x128xf32>
    %swap3A_79 = vector.shape_cast %add3A_74 : vector<512x128xf32> to vector<1x512x128xf32>
    tpu.vector_store %arg7[%swap3A, %swap3A_75, %swap3A_76], %swap3A_79 {strides = array<i32>} : memref<1x512x128xf32, #tpu.memory_space<vmem>>, vector<1x512x128xf32>,
    %eq3A_80 = arith.constant 0 : i32
    %eq3A_81 = arith.cmpi eq, %arg0, %eq3A_80 : i32
    %eq3A_82 = arith.constant 0 : i32
    %eq3A_83 = arith.cmpi eq, %arg1, %eq3A_82 : i32
    %and3A = arith.andi %eq3A_81, %eq3A_83 : i1
    %convert_element_type3A_84 = arith.extui %and3A : i1 to i32
    %cond3A = arith.constant 0 : i32
    %cond3A_85 = arith.cmpi ne, %convert_element_type3A_84, %cond3A : i32
    scf.if %cond3A_85 {
      %broadcast_in_dim3A_107 = arith.constant 0.000000e+00 : f32
      %broadcast_in_dim3A_108 = vector.broadcast %broadcast_in_dim3A_107 : f32 to vector<8x128xf32>
      %swap3A_109 = arith.constant 0 : index
      %swap3A_110 = arith.constant 0 : index
      %swap3A_111 = vector.load %arg8[%swap3A_109, %swap3A_110] : memref<8x128xf32, #tpu.memory_space<vmem>>, vector<8x128xf32>
      tpu.vector_store %arg8[%swap3A_109, %swap3A_110], %broadcast_in_dim3A_108 {strides = array<i32>} : memref<8x128xf32, #tpu.memory_space<vmem>>, vector<8x128xf32>,
    } else {
    }
    %get3A_86 = arith.constant 0 : index
    %get3A_87 = arith.constant 0 : index
    %get3A_88 = vector.load %arg8[%get3A_86, %get3A_87] : memref<8x128xf32, #tpu.memory_space<vmem>>, vector<1x128xf32>
    %reduce_sum3A_89 = arith.constant dense<0.000000e+00> : vector<128xf32>
    %reduce_sum3A_90 = vector.multi_reduction <add>, %add3A_74, %reduce_sum3A_89 [0] : vector<512x128xf32> to vector<128xf32>
    %broadcast_in_dim3A_91 = vector.shape_cast %reduce_sum3A_90 : vector<128xf32> to vector<1x128xf32>
    %add3A_92 = arith.addf %get3A_88, %broadcast_in_dim3A_91 : vector<1x128xf32>
    %swap3A_93 = arith.constant 0 : index
    %swap3A_94 = arith.constant 0 : index
    %swap3A_95 = vector.load %arg8[%swap3A_93, %swap3A_94] : memref<8x128xf32, #tpu.memory_space<vmem>>, vector<1x128xf32>
    tpu.vector_store %arg8[%swap3A_93, %swap3A_94], %add3A_92 {strides = array<i32>} : memref<8x128xf32, #tpu.memory_space<vmem>>, vector<1x128xf32>,
    %get3A_96 = arith.constant 1 : index
    %get3A_97 = arith.constant 0 : index
    %get3A_98 = vector.load %arg8[%get3A_96, %get3A_97] : memref<8x128xf32, #tpu.memory_space<vmem>>, vector<1x128xf32>
    %mul3A_99 = arith.mulf %add3A_74, %add3A_74 : vector<512x128xf32>
    %reduce_sum3A_100 = arith.constant dense<0.000000e+00> : vector<128xf32>
    %reduce_sum3A_101 = vector.multi_reduction <add>, %mul3A_99, %reduce_sum3A_100 [0] : vector<512x128xf32> to vector<128xf32>
    %broadcast_in_dim3A_102 = vector.shape_cast %reduce_sum3A_101 : vector<128xf32> to vector<1x128xf32>
    %add3A_103 = arith.addf %get3A_98, %broadcast_in_dim3A_102 : vector<1x128xf32>
    %swap3A_104 = arith.constant 1 : index
    %swap3A_105 = arith.constant 0 : index
    %swap3A_106 = vector.load %arg8[%swap3A_104, %swap3A_105] : memref<8x128xf32, #tpu.memory_space<vmem>>, vector<1x128xf32>
    tpu.vector_store %arg8[%swap3A_104, %swap3A_105], %add3A_103 {strides = array<i32>} : memref<8x128xf32, #tpu.memory_space<vmem>>, vector<1x128xf32>,
    return
  }
  func.func @transform_0(%arg0: i32, %arg1: i32) -> (i32, i32, i32) {
    %c0_i32 = arith.constant 0 : i32
    %c0_i32_0 = arith.constant 0 : i32
    return %arg0, %arg1, %c0_i32 : i32, i32, i32
  }
  func.func @transform_1(%arg0: i32, %arg1: i32) -> (i32, i32, i32) {
    %c0_i32 = arith.constant 0 : i32
    %c0_i32_0 = arith.constant 0 : i32
    return %arg0, %arg1, %c0_i32 : i32, i32, i32
  }
  func.func @transform_2(%arg0: i32, %arg1: i32) -> (i32, i32, i32) {
    %c0_i32 = arith.constant 0 : i32
    %c0_i32_0 = arith.constant 0 : i32
    %c0_i32_1 = arith.constant 0 : i32
    return %arg0, %c0_i32, %c0_i32_0 : i32, i32, i32
  }
  func.func @transform_3(%arg0: i32, %arg1: i32) -> (i32, i32) {
    %c0_i32 = arith.constant 0 : i32
    %c0_i32_0 = arith.constant 0 : i32
    %c0_i32_1 = arith.constant 0 : i32
    return %c0_i32, %c0_i32_0 : i32, i32
  }
  func.func @transform_4(%arg0: i32, %arg1: i32) -> (i32, i32) {
    %c0_i32 = arith.constant 0 : i32
    %c0_i32_0 = arith.constant 0 : i32
    %c0_i32_1 = arith.constant 0 : i32
    return %c0_i32, %c0_i32_0 : i32, i32
  }
  func.func @transform_5(%arg0: i32, %arg1: i32) -> (i32, i32, i32) {
    %c0_i32 = arith.constant 0 : i32
    %c0_i32_0 = arith.constant 0 : i32
    return %arg0, %arg1, %c0_i32 : i32, i32, i32
  }
  func.func @transform_6(%arg0: i32, %arg1: i32) -> (i32, i32) {
    %c0_i32 = arith.constant 0 : i32
    %c0_i32_0 = arith.constant 0 : i32
    %c0_i32_1 = arith.constant 0 : i32
    return %c0_i32, %c0_i32_0 : i32, i32
  }
}

module attributes {stable_mosaic.version = 14 : i64} {
  func.func @_mm_body(%arg0: i32, %arg1: memref<8192x128xf32, #tpu.memory_space<vmem>>, %arg2: memref<1x128xf32, #tpu.memory_space<vmem>>, %arg3: memref<1x128xf32, #tpu.memory_space<vmem>>, %arg4: memref<128x128xf32, #tpu.memory_space<vmem>>, %arg5: memref<1x128xf32, #tpu.memory_space<vmem>>, %arg6: memref<8192x128xf32, #tpu.memory_space<vmem>>, %arg7: memref<8x128xf32, #tpu.memory_space<vmem>>) attributes {dimension_semantics = [#tpu.dimension_semantics<arbitrary>], iteration_bounds = array<i64: 4>, scalar_prefetch = 0 : i64, scratch_operands = 0 : i64, tpu.core_type = #tpu.core_type<tc>, window_params = [{transform_indices = @transform_0, window_bounds = array<i64: 8192, 128>}, {pipeline_mode = #tpu.pipeline_mode<synchronous>, transform_indices = @transform_1, window_bounds = array<i64: 1, 128>}, {pipeline_mode = #tpu.pipeline_mode<synchronous>, transform_indices = @transform_2, window_bounds = array<i64: 1, 128>}, {pipeline_mode = #tpu.pipeline_mode<synchronous>, transform_indices = @transform_3, window_bounds = array<i64: 128, 128>}, {pipeline_mode = #tpu.pipeline_mode<synchronous>, transform_indices = @transform_4, window_bounds = array<i64: 1, 128>}, {transform_indices = @transform_5, window_bounds = array<i64: 8192, 128>}, {pipeline_mode = #tpu.pipeline_mode<synchronous>, transform_indices = @transform_6, window_bounds = array<i64: 8, 128>}]} {
    %get3A = arith.constant 0 : index
    %get3A_0 = arith.constant 0 : index
    %get3A_1 = vector.load %arg1[%get3A, %get3A_0] : memref<8192x128xf32, #tpu.memory_space<vmem>>, vector<8192x128xf32>
    %get3A_2 = arith.constant 0 : index
    %get3A_3 = arith.constant 0 : index
    %get3A_4 = vector.load %arg2[%get3A_2, %get3A_3] : memref<1x128xf32, #tpu.memory_space<vmem>>, vector<1x128xf32>
    %mul3A = vector.broadcast %get3A_4 : vector<1x128xf32> to vector<8192x128xf32>
    %mul3A_5 = arith.mulf %get3A_1, %mul3A : vector<8192x128xf32>
    %get3A_6 = arith.constant 0 : index
    %get3A_7 = arith.constant 0 : index
    %get3A_8 = vector.load %arg3[%get3A_6, %get3A_7] : memref<1x128xf32, #tpu.memory_space<vmem>>, vector<1x128xf32>
    %add3A = vector.broadcast %get3A_8 : vector<1x128xf32> to vector<8192x128xf32>
    %add3A_9 = arith.addf %mul3A_5, %add3A : vector<8192x128xf32>
    %max3A = arith.constant 0.000000e+00 : f32
    %max3A_10 = vector.broadcast %max3A : f32 to vector<8192x128xf32>
    %max3A_11 = arith.maximumf %add3A_9, %max3A_10 : vector<8192x128xf32>
    %get3A_12 = arith.constant 0 : index
    %get3A_13 = arith.constant 0 : index
    %get3A_14 = vector.load %arg4[%get3A_12, %get3A_13] : memref<128x128xf32, #tpu.memory_space<vmem>>, vector<128x128xf32>
    %dot_general3A = arith.constant dense<0.000000e+00> : vector<8192x128xf32>
    %dot_general3A_15 = tpu.matmul %max3A_11, %get3A_14, %dot_general3A {dimension_numbers = #tpu.dot_dimension_numbers<[1], [0], [0], [1], [0, 0, 1, 1], [], []>, transpose_lhs_hint = false} : vector<8192x128xf32>, vector<128x128xf32>, vector<8192x128xf32> -> vector<8192x128xf32>
    %get3A_16 = arith.constant 0 : index
    %get3A_17 = arith.constant 0 : index
    %get3A_18 = vector.load %arg5[%get3A_16, %get3A_17] : memref<1x128xf32, #tpu.memory_space<vmem>>, vector<1x128xf32>
    %add3A_19 = vector.broadcast %get3A_18 : vector<1x128xf32> to vector<8192x128xf32>
    %add3A_20 = arith.addf %dot_general3A_15, %add3A_19 : vector<8192x128xf32>
    %swap3A = arith.constant 0 : index
    %swap3A_21 = arith.constant 0 : index
    %swap3A_22 = vector.load %arg6[%swap3A, %swap3A_21] : memref<8192x128xf32, #tpu.memory_space<vmem>>, vector<8192x128xf32>
    tpu.vector_store %arg6[%swap3A, %swap3A_21], %add3A_20 {strides = array<i32>} : memref<8192x128xf32, #tpu.memory_space<vmem>>, vector<8192x128xf32>,
    %eq3A = arith.constant 0 : i32
    %eq3A_23 = arith.cmpi eq, %arg0, %eq3A : i32
    %convert_element_type3A = arith.extui %eq3A_23 : i1 to i32
    %cond3A = arith.constant 0 : i32
    %cond3A_24 = arith.cmpi ne, %convert_element_type3A, %cond3A : i32
    scf.if %cond3A_24 {
      %broadcast_in_dim3A_44 = arith.constant 0.000000e+00 : f32
      %broadcast_in_dim3A_45 = vector.broadcast %broadcast_in_dim3A_44 : f32 to vector<8x128xf32>
      %swap3A_46 = arith.constant 0 : index
      %swap3A_47 = arith.constant 0 : index
      %swap3A_48 = vector.load %arg7[%swap3A_46, %swap3A_47] : memref<8x128xf32, #tpu.memory_space<vmem>>, vector<8x128xf32>
      tpu.vector_store %arg7[%swap3A_46, %swap3A_47], %broadcast_in_dim3A_45 {strides = array<i32>} : memref<8x128xf32, #tpu.memory_space<vmem>>, vector<8x128xf32>,
    } else {
    }
    %get3A_25 = arith.constant 0 : index
    %get3A_26 = arith.constant 0 : index
    %get3A_27 = vector.load %arg7[%get3A_25, %get3A_26] : memref<8x128xf32, #tpu.memory_space<vmem>>, vector<1x128xf32>
    %reduce_sum3A = arith.constant dense<0.000000e+00> : vector<128xf32>
    %reduce_sum3A_28 = vector.multi_reduction <add>, %add3A_20, %reduce_sum3A [0] : vector<8192x128xf32> to vector<128xf32>
    %broadcast_in_dim3A = vector.shape_cast %reduce_sum3A_28 : vector<128xf32> to vector<1x128xf32>
    %add3A_29 = arith.addf %get3A_27, %broadcast_in_dim3A : vector<1x128xf32>
    %swap3A_30 = arith.constant 0 : index
    %swap3A_31 = arith.constant 0 : index
    %swap3A_32 = vector.load %arg7[%swap3A_30, %swap3A_31] : memref<8x128xf32, #tpu.memory_space<vmem>>, vector<1x128xf32>
    tpu.vector_store %arg7[%swap3A_30, %swap3A_31], %add3A_29 {strides = array<i32>} : memref<8x128xf32, #tpu.memory_space<vmem>>, vector<1x128xf32>,
    %get3A_33 = arith.constant 1 : index
    %get3A_34 = arith.constant 0 : index
    %get3A_35 = vector.load %arg7[%get3A_33, %get3A_34] : memref<8x128xf32, #tpu.memory_space<vmem>>, vector<1x128xf32>
    %mul3A_36 = arith.mulf %add3A_20, %add3A_20 : vector<8192x128xf32>
    %reduce_sum3A_37 = arith.constant dense<0.000000e+00> : vector<128xf32>
    %reduce_sum3A_38 = vector.multi_reduction <add>, %mul3A_36, %reduce_sum3A_37 [0] : vector<8192x128xf32> to vector<128xf32>
    %broadcast_in_dim3A_39 = vector.shape_cast %reduce_sum3A_38 : vector<128xf32> to vector<1x128xf32>
    %add3A_40 = arith.addf %get3A_35, %broadcast_in_dim3A_39 : vector<1x128xf32>
    %swap3A_41 = arith.constant 1 : index
    %swap3A_42 = arith.constant 0 : index
    %swap3A_43 = vector.load %arg7[%swap3A_41, %swap3A_42] : memref<8x128xf32, #tpu.memory_space<vmem>>, vector<1x128xf32>
    tpu.vector_store %arg7[%swap3A_41, %swap3A_42], %add3A_40 {strides = array<i32>} : memref<8x128xf32, #tpu.memory_space<vmem>>, vector<1x128xf32>,
    return
  }
  func.func @transform_0(%arg0: i32) -> (i32, i32) {
    %c0_i32 = arith.constant 0 : i32
    %c0_i32_0 = arith.constant 0 : i32
    return %arg0, %c0_i32 : i32, i32
  }
  func.func @transform_1(%arg0: i32) -> (i32, i32) {
    %c0_i32 = arith.constant 0 : i32
    %c0_i32_0 = arith.constant 0 : i32
    %c0_i32_1 = arith.constant 0 : i32
    return %c0_i32, %c0_i32_0 : i32, i32
  }
  func.func @transform_2(%arg0: i32) -> (i32, i32) {
    %c0_i32 = arith.constant 0 : i32
    %c0_i32_0 = arith.constant 0 : i32
    %c0_i32_1 = arith.constant 0 : i32
    return %c0_i32, %c0_i32_0 : i32, i32
  }
  func.func @transform_3(%arg0: i32) -> (i32, i32) {
    %c0_i32 = arith.constant 0 : i32
    %c0_i32_0 = arith.constant 0 : i32
    %c0_i32_1 = arith.constant 0 : i32
    return %c0_i32, %c0_i32_0 : i32, i32
  }
  func.func @transform_4(%arg0: i32) -> (i32, i32) {
    %c0_i32 = arith.constant 0 : i32
    %c0_i32_0 = arith.constant 0 : i32
    %c0_i32_1 = arith.constant 0 : i32
    return %c0_i32, %c0_i32_0 : i32, i32
  }
  func.func @transform_5(%arg0: i32) -> (i32, i32) {
    %c0_i32 = arith.constant 0 : i32
    %c0_i32_0 = arith.constant 0 : i32
    return %arg0, %c0_i32 : i32, i32
  }
  func.func @transform_6(%arg0: i32) -> (i32, i32) {
    %c0_i32 = arith.constant 0 : i32
    %c0_i32_0 = arith.constant 0 : i32
    %c0_i32_1 = arith.constant 0 : i32
    return %c0_i32, %c0_i32_0 : i32, i32
  }
}

module attributes {stable_mosaic.version = 14 : i64} {
  func.func @_head_body(%arg0: i32, %arg1: memref<8192x128xf32, #tpu.memory_space<vmem>>, %arg2: memref<1x128xf32, #tpu.memory_space<vmem>>, %arg3: memref<1x128xf32, #tpu.memory_space<vmem>>, %arg4: memref<128x21xf32, #tpu.memory_space<vmem>>, %arg5: memref<1x21xf32, #tpu.memory_space<vmem>>, %arg6: memref<8192x21xf32, #tpu.memory_space<vmem>>) attributes {dimension_semantics = [#tpu.dimension_semantics<arbitrary>], iteration_bounds = array<i64: 4>, scalar_prefetch = 0 : i64, scratch_operands = 0 : i64, tpu.core_type = #tpu.core_type<tc>, window_params = [{transform_indices = @transform_0, window_bounds = array<i64: 8192, 128>}, {pipeline_mode = #tpu.pipeline_mode<synchronous>, transform_indices = @transform_1, window_bounds = array<i64: 1, 128>}, {pipeline_mode = #tpu.pipeline_mode<synchronous>, transform_indices = @transform_2, window_bounds = array<i64: 1, 128>}, {pipeline_mode = #tpu.pipeline_mode<synchronous>, transform_indices = @transform_3, window_bounds = array<i64: 128, 21>}, {pipeline_mode = #tpu.pipeline_mode<synchronous>, transform_indices = @transform_4, window_bounds = array<i64: 1, 21>}, {transform_indices = @transform_5, window_bounds = array<i64: 8192, 21>}]} {
    %get3A = arith.constant 0 : index
    %get3A_0 = arith.constant 0 : index
    %get3A_1 = vector.load %arg1[%get3A, %get3A_0] : memref<8192x128xf32, #tpu.memory_space<vmem>>, vector<8192x128xf32>
    %get3A_2 = arith.constant 0 : index
    %get3A_3 = arith.constant 0 : index
    %get3A_4 = vector.load %arg2[%get3A_2, %get3A_3] : memref<1x128xf32, #tpu.memory_space<vmem>>, vector<1x128xf32>
    %mul3A = vector.broadcast %get3A_4 : vector<1x128xf32> to vector<8192x128xf32>
    %mul3A_5 = arith.mulf %get3A_1, %mul3A : vector<8192x128xf32>
    %get3A_6 = arith.constant 0 : index
    %get3A_7 = arith.constant 0 : index
    %get3A_8 = vector.load %arg3[%get3A_6, %get3A_7] : memref<1x128xf32, #tpu.memory_space<vmem>>, vector<1x128xf32>
    %add3A = vector.broadcast %get3A_8 : vector<1x128xf32> to vector<8192x128xf32>
    %add3A_9 = arith.addf %mul3A_5, %add3A : vector<8192x128xf32>
    %max3A = arith.constant 0.000000e+00 : f32
    %max3A_10 = vector.broadcast %max3A : f32 to vector<8192x128xf32>
    %max3A_11 = arith.maximumf %add3A_9, %max3A_10 : vector<8192x128xf32>
    %get3A_12 = arith.constant 0 : index
    %get3A_13 = arith.constant 0 : index
    %get3A_14 = vector.load %arg4[%get3A_12, %get3A_13] : memref<128x21xf32, #tpu.memory_space<vmem>>, vector<128x21xf32>
    %dot_general3A = arith.constant dense<0.000000e+00> : vector<8192x21xf32>
    %dot_general3A_15 = tpu.matmul %max3A_11, %get3A_14, %dot_general3A {dimension_numbers = #tpu.dot_dimension_numbers<[1], [0], [0], [1], [0, 0, 1, 1], [], []>, transpose_lhs_hint = false} : vector<8192x128xf32>, vector<128x21xf32>, vector<8192x21xf32> -> vector<8192x21xf32>
    %get3A_16 = arith.constant 0 : index
    %get3A_17 = arith.constant 0 : index
    %get3A_18 = vector.load %arg5[%get3A_16, %get3A_17] : memref<1x21xf32, #tpu.memory_space<vmem>>, vector<1x21xf32>
    %add3A_19 = vector.broadcast %get3A_18 : vector<1x21xf32> to vector<8192x21xf32>
    %add3A_20 = arith.addf %dot_general3A_15, %add3A_19 : vector<8192x21xf32>
    %reduce_max3A = arith.constant dense<0xFF800000> : vector<8192xf32>
    %reduce_max3A_21 = vector.multi_reduction <maximumf>, %add3A_20, %reduce_max3A [1] : vector<8192x21xf32> to vector<8192xf32>
    %broadcast_in_dim3A = vector.shape_cast %reduce_max3A_21 : vector<8192xf32> to vector<8192x1xf32>
    %sub3A = vector.broadcast %broadcast_in_dim3A : vector<8192x1xf32> to vector<8192x21xf32>
    %sub3A_22 = arith.subf %add3A_20, %sub3A : vector<8192x21xf32>
    %exp3A = math.exp %sub3A_22 : vector<8192x21xf32>
    %reduce_sum3A = arith.constant dense<0.000000e+00> : vector<8192xf32>
    %reduce_sum3A_23 = vector.multi_reduction <add>, %exp3A, %reduce_sum3A [1] : vector<8192x21xf32> to vector<8192xf32>
    %broadcast_in_dim3A_24 = vector.shape_cast %reduce_sum3A_23 : vector<8192xf32> to vector<8192x1xf32>
    %log3A = math.log %broadcast_in_dim3A_24 : vector<8192x1xf32>
    %sub3A_25 = vector.broadcast %broadcast_in_dim3A : vector<8192x1xf32> to vector<8192x21xf32>
    %sub3A_26 = arith.subf %add3A_20, %sub3A_25 : vector<8192x21xf32>
    %sub3A_27 = vector.broadcast %log3A : vector<8192x1xf32> to vector<8192x21xf32>
    %sub3A_28 = arith.subf %sub3A_26, %sub3A_27 : vector<8192x21xf32>
    %swap3A = arith.constant 0 : index
    %swap3A_29 = arith.constant 0 : index
    %swap3A_30 = vector.load %arg6[%swap3A, %swap3A_29] : memref<8192x21xf32, #tpu.memory_space<vmem>>, vector<8192x21xf32>
    tpu.vector_store %arg6[%swap3A, %swap3A_29], %sub3A_28 {strides = array<i32>} : memref<8192x21xf32, #tpu.memory_space<vmem>>, vector<8192x21xf32>,
    return
  }
  func.func @transform_0(%arg0: i32) -> (i32, i32) {
    %c0_i32 = arith.constant 0 : i32
    %c0_i32_0 = arith.constant 0 : i32
    return %arg0, %c0_i32 : i32, i32
  }
  func.func @transform_1(%arg0: i32) -> (i32, i32) {
    %c0_i32 = arith.constant 0 : i32
    %c0_i32_0 = arith.constant 0 : i32
    %c0_i32_1 = arith.constant 0 : i32
    return %c0_i32, %c0_i32_0 : i32, i32
  }
  func.func @transform_2(%arg0: i32) -> (i32, i32) {
    %c0_i32 = arith.constant 0 : i32
    %c0_i32_0 = arith.constant 0 : i32
    %c0_i32_1 = arith.constant 0 : i32
    return %c0_i32, %c0_i32_0 : i32, i32
  }
  func.func @transform_3(%arg0: i32) -> (i32, i32) {
    %c0_i32 = arith.constant 0 : i32
    %c0_i32_0 = arith.constant 0 : i32
    %c0_i32_1 = arith.constant 0 : i32
    return %c0_i32, %c0_i32_0 : i32, i32
  }
  func.func @transform_4(%arg0: i32) -> (i32, i32) {
    %c0_i32 = arith.constant 0 : i32
    %c0_i32_0 = arith.constant 0 : i32
    %c0_i32_1 = arith.constant 0 : i32
    return %c0_i32, %c0_i32_0 : i32, i32
  }
  func.func @transform_5(%arg0: i32) -> (i32, i32) {
    %c0_i32 = arith.constant 0 : i32
    %c0_i32_0 = arith.constant 0 : i32
    return %arg0, %c0_i32 : i32, i32
  }
}

</mosaic_0001>

<sc_bundles>
// kernel: sparse-core-data-format-call.1.cloned.1.call-start
scs
called_computation.1_lowered:
.L_overlay_start_0:
0x0: {  	s2 =	sld [smem:$0x3FD9]  }
0x1: {  	s3 =	sld [smem:$0x3FFE];
	_ =	sdelay $0x1  }
0x2: {  	s1 =	srdreg.scid  }
0x3: {  	s0 =	sand.u32 $0x1, s1  }
0x4: {  	s18 =	sshll.u32 s0, $0xA;
	s2 =	sadd.s32 s3, s2  }
0x5: {  	s2 =	sadd.s32 s2, s18  }
0x6: {  	[smem:$0x3F6D] =	sst s2  }
0x7: {  	_ = 	snop  }
0x8: {  	(tm) =	ssettm $0x1  }
0x9: {  	s19 =	sld [smem:$0x3FFB];
	_ =	sdelay $0x3  }
0xa: {  	_ =	strace s19  }
0xb: {  	s2 =	sld [smem:$0x3FFC];
	_ =	sdelay $0x3  }
0xc: {  	_ =	strace s2  }
0xd: {  	s2 =	sld [smem:$0x3FFD];
	_ =	sdelay $0x3  }
0xe: {  	_ =	strace s2  }
0xf: {  	_ =	strace $0x8FFFFFFF  }
0x10: {  	s20 =	sld [smem:$0x3FDB];
	_ =	sdelay $0x1  }
0x11: {  	s21 =	simm.s32 $_scs_section_size  }
0x12: {  	s4 =	simm.s32 $_size__tile_overlayer_lowered;
	s5 =	simm.s32 $_tile_overlayer_lowered  }
0x13: {  	s6 =	simm.s32 $0x1BFF;
	s22 =	sshll.u32 s5, $0x1;
	s3 =	sadd.s32 s21, s20  }
0x14: {  	s23 =	simm.s32 $0x0;
	s4 =	sshll.u32 s4, $0x1;
	s5 =	sadd.s32 s22, s3  }
0x15: {  	[timem:s23], [sflag:s6] =	dma.local [hbm:s5], s4  }
0x16: {  	_ =	swait.ge [sflag:s6], s4  }
0x17: {  	s4 =	ssub.s32 $0x0, s4;
	[sflag:s6] =	ssyncset.done $0x0  }
0x18: {  	[sflag:s6] =	ssyncadd.s32 s4;
	_ =	sdelay $0x1  }
0x19: {  	s24 =	simm.s32 $0x1B8B  }
0x1a: {  	_ =	swait.ge [sflag:s24], $0x1  }
0x1b: {  	[sflag:s24] =	ssyncset.done $0x0  }
0x1c: {  	[sflag:s24] =	ssyncadd.s32 $0xFFFFFFFF  }
0x1d: {  	s4 =	sld [smem:$0x0]  }
0x1e: {  	s5 =	sand.u32 $0xFFFFFFFE, s1  }
0x1f: {  	p0 =	sne.s32 s1, s5  }
0x20: {  	s5 =	sshll.u32 @p0 s5, $0xE  }
0x21: {  	s5 =	sadd.s32 @p0 $0x11B8D, s5;
	s6 =	sshll.u32 @p0 s4, $0x11  }
0x22: {  	s5 =	sor.u32 @p0 s6, s5  }
0x23: {  	[sflag:s5] =	ssyncadd.remote.s32 @p0 $0x1;
	_ =	sdelay $0x1  }
0x24: {  	s5 =	simm.s32 @p0 $0x1B8D  }
0x25: {  	_ =	swait.eq @p0 [sflag:s5], $0x1  }
0x26: {  	[sflag:s5] =	ssyncadd.s32 @p0 $0xFFFFFFFF  }
0x27: {  	s6 =	sshll.u32 @!p0 s1, $0xE  }
0x28: {  	s6 =	sor.u32 @!p0 $0x4000, s6;
	s5 =	simm.s32 @!p0 $0x1B8D  }
0x29: {  	s4 =	sshll.u32 @!p0 s4, $0x11;
	s6 =	sadd.s32 @!p0 $0x11B8D, s6;
	_ =	swait.eq @!p0 [sflag:s5], $0x1  }
0x2a: {  	s4 =	sor.u32 @!p0 s4, s6;
	[sflag:s5] =	ssyncadd.s32 @!p0 $0xFFFFFFFF  }
0x2b: {  	s26 =	simm.s32 $0x1B8E;
	s25 =	sld [smem:$0x3FFE];
	[sflag:s4] =	ssyncadd.remote.s32 @!p0 $0x1  }
0x2c: {  	s27 =	simm.s32 $execute0_lowered;
	[smem:$0x3FD2] =	sst s26  }
0x2d: {  	s5 =	sshll.u32 s27, $0x1;
	_ =	strace $0x80000049;
	[dreg:$0x1] =	wrdreg $0xFFFFFFFF  }
0x2e: {  	s28 =	simm.s32 $_size_execute0_lowered;
	s3 =	sadd.s32 s3, s5;
	[dreg:$0x0] =	wrdreg $0x0  }
0x2f: {  	s5 =	sshll.u32 s28, $0x1;
	[dreg:$0x2] =	wrdreg s3  }
0x30: {  	[dreg:$0x3] =	wrdreg s5  }
0x31: {  	[dreg:$0x4] =	wrdreg $0xC0  }
0x32: {  	_ =	task [dreg:s23], $0x5FFFF  }
0x33: {  	[dreg:$0x1] =	wrdreg $0xFFFFFFFF  }
0x34: {  	[dreg:$0x0] =	wrdreg $0x60  }
0x35: {  	[dreg:$0x2] =	wrdreg s25  }
0x36: {  	[dreg:$0x3] =	wrdreg $0xA  }
0x37: {  	_ =	task.clear_ibuf [dreg:s23], $0x4FFFF;
	_ =	strace $0x90000049  }
0x38: {  	s29 =	simm.s32 $0xA;
	_ =	strace $0x8000004B  }
0x39: {  	_ =	swait.ge [sflag:s29], $0x1  }
0x3a: {  	[sflag:s29] =	ssyncadd.s32 $0xFFFFFFFF  }
0x3b: {  	_ =	strace $0x9000004B  }
0x3c: {  	_ =	sfence  }
0x3d: {  	s30 =	sld [smem:$0x0];
	_ =	sdelay $0x2  }
0x3e: {  	s31 =	sshll.u32 s1, $0xD;
	s1 =	sshrl.u32 s1, $0x2  }
0x3f: {  	s4 =	sand.u32 $0x4000, s31;
	s1 =	sadd.s32 s1, s30  }
0x40: {  	s0 =	sor.u32 s4, s0;
	s1 =	sshll.u32 s1, $0x11  }
0x41: {  	s0 =	sor.u32 s1, s0  }
0x42: {  	s0 =	sadd.s32 $0x8F2B, s0  }
0x43: {  	[sflag:s0] =	ssyncadd.remote.s32 $0x1  }
0x44: {  	_ =	sfence.sel $0xFFFF  }
0x45: {  	[dreg:$0x0] =	wrdreg $0xFFFFFFFF;
	(pc) =	sbr.abs _section_cstart, $3  }
0x46: {  	[dreg:$0x1] =	wrdreg $0xFFFFFFFF  }
0x47: {  	_ =	task.clear_ibuf [dreg:s23], $0x2FFFF;
	_ =	strace $0x9FFFFFFF  }
0x48: {  	(tm) =	ssettm $0x7FFFFFFF  }
0x49: {  	_ =	shalt  }
tec
execute0_lowered:
.L_overlay_start_1:
0x0: {  	(tag) =	ssettag $0x1  }
0x1: {  	s0 =	stileid.u32;
	s1 =	srdreg.scid  }
0x2: {  	s4 =	rddreg [dreg:$0x0];
	s7 =	simm.s32 $0x1;
	s31 =	simm.s32 $0x2  }
0x3: {  	s16 =	simm.s32 $0x0;
	s2 =	sshll.u32 s0, $0x4;
	s1 =	sshll.u32 s1, $0x8  }
0x4: {  	s9 =	simm.s32 $0x8000;
	s14 =	simm.s32 $0x0;
	s1 =	sor.u32 s2, s1  }
0x5: {  	s15 =	simm.s32 $0x0;
	s10 =	simm.s32 $0x0;
	s2 =	sand.u32 $0x180, s1  }
0x6: {  	s13 =	simm.s32 $0x0;
	s3 =	sadd.s32 $0x987000, s4;
	s5 =	ssub.s32 $0x1000, s2  }
0x7: {  	s4 =	sadd.s32 $0xD87000, s4;
	s1 =	rddreg [dreg:$0x1];
	s6 =	sand.u32 $0x180, s5  }
.Ltmp0:
0x8: {  	_ =	strace $0x8000004A;
	p0 =	sne.s32 s6, $0x0;
	(pc) =	sbr.rel .LBB1_1-.Ltmp0, $4  }
0x9: {  	s11 =	smov.u32 s2;
	s8 =	sshrl.u32 s5, $0x9;
	s7 =	simm.s32 @!p0 $0x0  }
0xa: {  	s5 =	sand.u32 $0x7, s0;
	s6 =	simm.s32 $0x1;
	s7 =	sadd.s32 s7, s8  }
0xb: {  	s12 =	smov.u32 s5;
	[sflag:s6] =	ssyncpa.u1 $0x0;
	s7 =	sshll.u32 s7, $0x3  }
0xc: {  	p0 =	por $0x0, $0x0;
	[sflag:s31] =	ssyncpa.u1 $0x0;
	s8 =	sor.u32 $0x1, s7  }
.LBB1_4:
0xd: {  	v5 =	vld [tilespmem:s19+$0xFFFFFFD0]  }
0xe: {  	[tilespmem:s20+$0x2040 ss:$0x81] =	vst.msk $0xffff, v1;
	v58 =	vld [tilespmem:s19+$0xFFFFFFE0]  }
0xf: {  	[tilespmem:s20+$0x2850 ss:$0x81] =	vst.msk $0xffff, v2;
	v59 =	vld [tilespmem:s19+$0xFFFFFFF0]  }
0x10: {  	s21 =	sshra.s32 s21, $0x2;
	[tilespmem:s20+$0x3060 ss:$0x81] =	vst.msk $0xffff, v3;
	v60 =	vld [tilespmem:s19+$0x0]  }
0x11: {  	[tilespmem:s20+$0x0 ss:$0x81] =	vst.msk $0xffff, v0;
	v61 =	vld [tilespmem:s19+$0x10];
	s18 =	sadd.s32 s21, s18  }
0x12: {  	s26 =	sshll.u32 s16, $0xC;
	v62 =	vld [tilespmem:s19+$0x20];
	[tilespmem:s18+$0x3870 ss:$0x81] =	vst.msk $0xffff, v4  }
0x13: {  	s27 =	sand.u32 $0x78, s14;
	s22 =	sshll.u32 s14, $0x3;
	v63 =	vld [tilespmem:s19+$0xFFFFFFC0];
	s29 =	sshll.u32 s16, $0x7;
	[tilespmem:s18+$0x810 ss:$0x81] =	vst.msk $0xffff, v5  }
0x14: {  	s15 =	sshll.u32 s15, $0x13;
	s20 =	sand.u32 $0x3F8000, s26;
	s28 =	sand.u32 $0x3FFC00, s22;
	[tilespmem:s18+$0x1020 ss:$0x81] =	vst.msk $0xffff, v58  }
0x15: {  	s31 =	sand.u32 $0x7, s14;
	s22 =	sand.u32 $0xC00, s22;
	s19 =	sadd.s32 s28, s20;
	[tilespmem:s18+$0x1830 ss:$0x81] =	vst.msk $0xffff, v59  }
0x16: {  	s16 =	sand.u32 $0x380, s29;
	s30 =	sor.u32 s27, s22;
	s19 =	sshrl.u32 s19, $0x3;
	[tilespmem:s18+$0x2040 ss:$0x81] =	vst.msk $0xffff, v60  }
0x17: {  	s15 =	sadd.s32 s4, s15;
	s16 =	sor.u32 s16, s30;
	s19 =	sand.u32 $0x7FE00, s19;
	[tilespmem:s18+$0x2850 ss:$0x81] =	vst.msk $0xffff, v61  }
0x18: {  	s14 =	sshll.u32 s31, $0x12;
	s16 =	sshrl.u32 s16, $0x3;
	[tilespmem:s18+$0x3060 ss:$0x81] =	vst.msk $0xffff, v62;
	s15 =	sadd.s32 s19, s15  }
0x19: {  	s14 =	sor.u32 $0x400, s14;
	[tilespmem:s18+$0x0 ss:$0x81] =	vst.msk $0xffff, v63;
	s15 =	sadd.s32 s16, s15  }
0x1a: {  	[hbm4b:s15+s14] =	stream.strided.scatter [tilespmem:s17], [sflag:$0x2], $0x4000, s9, s14, $0x20;
	[tilespmem:$0x10100] =	vst v63  }
.LBB1_5:
0x1b: {  	s17 =	sadd.s32 $0x80, s10  }
0x1c: {  	s14 =	sadd.s32 $0x200, s11;
	s18 =	smov.u32 s11;
	p2 =	sgt.s32 s17, $0x3FF  }
0x1d: {  	s18 =	smov.u32 @p2 s14  }
0x1e: {  	s20 =	smov.u32 s12;
	s14 =	sadd.s32 $0x8, s12;
	p3 =	sgt.s32 s18, $0xFFF  }
0x1f: {  	s20 =	smov.u32 @p3 s14  }
0x20: {  	s17 =	simm.s32 @p2 $0x0;
	p2 =	sgt.s32 s20, $0x7  }
0x21: {  	p1 =	slt.u32 s13, $0x2;
	s20 =	smov.u32 @p2 s5;
	p2 =	sne.s32 s13, s8  }
.Ltmp1:
0x22: {  	s19 =	simm.s32 @!p1 $0x2;
	(pc) =	sbr.rel @!p2 .LBB1_6-.Ltmp1, $4  }
0x23: {  	s16 =	smov.u32 s10;
	s15 =	smov.u32 s12;
	_ =	swait.ge @!p1 [sflag:s19], $0x4000  }
0x24: {  	p0 =	por !p0, !p0;
	[sflag:s19] =	ssyncset.done @!p1 $0x0;
	s10 =	smov.u32 s17  }
0x25: {  	s18 =	smov.u32 @p3 s2;
	s14 =	smov.u32 s11;
	[sflag:s19] =	ssyncadd.s32 @!p1 $0xFFFFC000  }
0x26: {  	s11 =	smov.u32 s18;
	s13 =	sadd.s32 $0x1, s13;
	s12 =	smov.u32 s20  }
.LBB1_1:
0x27: {  	p1 =	sge.u32 s13, s7  }
0x28: {  	s31 =	sadd.s32 $0xFFFFFFFF, s13;
	s17 =	sshll.u32 @!p1 s11, $0x7  }
0x29: {  	s18 =	sxor.u32 @!p1 $0xFFFFFFFF, s13;
	s19 =	sand.u32 @!p1 $0x78, s10;
	s20 =	sand.u32 @!p1 $0x380, s17  }
0x2a: {  	s18 =	sshll.u32 @!p1 s18, $0xE;
	s19 =	sor.u32 @!p1 s19, s20;
	s20 =	sshll.u32 @!p1 s12, $0x13  }
0x2b: {  	s17 =	sand.u32 @!p1 $0x7FC00, s17;
	s19 =	sshrl.u32 @!p1 s19, $0x3;
	s20 =	sadd.s32 @!p1 s3, s20  }
0x2c: {  	s17 =	sadd.s32 @!p1 s10, s17;
	s19 =	sadd.s32 @!p1 s19, s20;
	s20 =	sand.u32 @!p1 $0x7, s10  }
0x2d: {  	s18 =	sand.u32 @!p1 $0x4000, s18;
	s17 =	sand.u32 @!p1 $0x7FF80, s17;
	s20 =	sshll.u32 @!p1 s20, $0x12  }
0x2e: {  	s17 =	sadd.s32 @!p1 s17, s19;
	s19 =	sor.u32 @!p1 $0x400, s20;
	s20 =	simm.s32 @!p1 $0x2000  }
0x2f: {  	[tilespmem:s18], [sflag:$0x1] =	stream.strided.gather @!p1 [hbm4b:s17+s19], $0x4000, s20, s19, $0x38;
	[tilespmem:$0x10100] =	vst v63  }
0x30: {  	p1 =	sge.u32 s31, s7  }
.Ltmp2:
0x31: {  	_ = 	snop;
	(pc) =	sbr.rel @p1 .LBB1_5-.Ltmp2, $1  }
0x32: {  	_ =	sdelay $0x3  }
0x33: {  	s17 =	simm.s32 $0x1  }
0x34: {  	_ =	swait.ge [sflag:s6], $0x4000;
	s17 =	simm.s32 @!p0 $0x0  }
0x35: {  	[sflag:s6] =	ssyncset.done $0x0;
	s18 =	sshll.u32 s17, $0xE  }
0x36: {  	[sflag:s6] =	ssyncadd.s32 $0xFFFFC000;
	s19 =	sor.u32 $0x40, s18  }
0x37: {  	s17 =	smul.u32 $0x10200, s17;
	v0 =	vld [tilespmem:s19+$0x30]  }
0x38: {  	v3 =	vld [tilespmem:s19+$0xFFFFFFD0]  }
0x39: {  	s17 =	sshrl.u32 s17, $0x2;
	v4 =	vld [tilespmem:s19+$0xFFFFFFE0]  }
0x3a: {  	v5 =	vld [tilespmem:s19+$0xFFFFFFF0];
	s18 =	sor.u32 $0x8000, s17  }
0x3b: {  	s31 =	sand.u32 $0x1, s13;
	v1 =	vld [tilespmem:s19+$0x0];
	s20 =	sadd.s32 $0x0, s18  }
0x3c: {  	v2 =	vld [tilespmem:s19+$0x10];
	s17 =	smul.u32 $0x10200, s31;
	[tilespmem:s20+$0x3870 ss:$0x81] =	vst.msk $0xffff, v0  }
0x3d: {  	[tilespmem:s20+$0x810 ss:$0x81] =	vst.msk $0xffff, v3;
	v3 =	vld [tilespmem:s19+$0x20]  }
0x3e: {  	s17 =	sshrl.u32 s17, $0x2;
	v0 =	vld [tilespmem:s19+$0xFFFFFFC0];
	[tilespmem:s20+$0x1020 ss:$0x81] =	vst.msk $0xffff, v4;
	s19 =	sadd.s32 $0x80, s19  }
0x3f: {  	s21 =	simm.s32 $0x4;
	s22 =	simm.s32 $0x8;
	s17 =	sor.u32 $0x8000, s17;
	[tilespmem:s20+$0x1830 ss:$0x81] =	vst.msk $0xffff, v5;
	v4 =	vld [tilespmem:s19+$0x30]  }
.LBB1_3:
0x40: {  	p1 =	sne.s32 s22, $0x1FC;
	v5 =	vld [tilespmem:s19+$0xFFFFFFD0];
	[tilespmem:s20+$0x2040 ss:$0x81] =	vst.msk $0xffff, v1  }
0x41: {  	v6 =	vld [tilespmem:s19+$0xFFFFFFE0];
	[tilespmem:s20+$0x2850 ss:$0x81] =	vst.msk $0xffff, v2  }
0x42: {  	s23 =	sshra.s32 s21, $0x2;
	s21 =	smov.u32 s22;
	v7 =	vld [tilespmem:s19+$0xFFFFFFF0];
	[tilespmem:s20+$0x3060 ss:$0x81] =	vst.msk $0xffff, v3  }
.Ltmp3:
0x43: {  	v1 =	vld [tilespmem:s19+$0x0];
	[tilespmem:s20+$0x0 ss:$0x81] =	vst.msk $0xffff, v0;
	s20 =	sadd.s32 s23, s18;
	(pc) =	sbr.rel @p1 .LBB1_3-.Ltmp3, $4  }
0x44: {  	v2 =	vld [tilespmem:s19+$0x10];
	[tilespmem:s20+$0x3870 ss:$0x81] =	vst.msk $0xffff, v4  }
0x45: {  	[tilespmem:s20+$0x810 ss:$0x81] =	vst.msk $0xffff, v5;
	v3 =	vld [tilespmem:s19+$0x20]  }
0x46: {  	v0 =	vld [tilespmem:s19+$0xFFFFFFC0];
	[tilespmem:s20+$0x1020 ss:$0x81] =	vst.msk $0xffff, v6;
	s19 =	sadd.s32 $0x80, s19  }
0x47: {  	s22 =	sadd.s32 $0x4, s22;
	v4 =	vld [tilespmem:s19+$0x30];
	[tilespmem:s20+$0x1830 ss:$0x81] =	vst.msk $0xffff, v7  }
.Ltmp4:
0x48: {  	_ = 	snop;
	(pc) =	sbr.rel .LBB1_4-.Ltmp4, $1  }
0x49: {  	_ =	sdelay $0x3  }
.LBB1_6:
0x4a: {  	_ =	sfence.sel $0x180000  }
0x4b: {  	s2 =	simm.s32 $0x1;
	[bflag:$0x0] =	sbarrier.arrive $0xFFFF  }
0x4c: {  	s31 =	simm.s32 $0x2;
	[sflag:s2] =	ssyncpa.u1 $0x1  }
0x4d: {  	[sflag:s31] =	ssyncpa.u1 $0x1  }
0x4e: {  	p0 =	sne.s32 s0, $0x0;
	_ =	strace $0x9000004A  }
0x4f: {  	s0 =	sadd.s32 @!p0 $0x100000, s1;
	[bflag:$0x2] =	sbarrier.arrive $0xFFFF  }
0x50: {  	[sflag:s0] =	ssyncadd.tile.s32 @!p0 $0x1;
	_ =	shalt  }
.Lfunc_end1:
_tile_overlayer_lowered:
.L_overlay_start_2:
0x51: {  	(tag) =	ssettag $0x2  }
0x52: {  	s0 =	rddreg [dreg:$0x0];
	s2 =	stileid.u32  }
0x53: {  	s1 =	rddreg [dreg:$0x1];
	p0 =	sne.s32 s2, $0x0  }
0x54: {  	s3 =	rddreg [dreg:$0x2];
	[bflag:$0x3] =	sbarrier.arrive $0xFFFF;
	s2 =	simm.s32 @!p0 $0x1C01  }
0x55: {  	[timem:s3], [sflag:s2] =	dma.local @!p0 [hbm:s0], s1  }
0x56: {  	s0 =	simm.s32 @!p0 $0x1  }
0x57: {  	_ =	swait.ge @!p0 [sflag:s0], s1  }
0x58: {  	s1 =	ssub.s32 @!p0 $0x0, s1;
	[sflag:s0] =	ssyncset.done @!p0 $0x0  }
0x59: {  	[sflag:s0] =	ssyncadd.s32 @!p0 s1  }
0x5a: {  	[bflag:$0x3] =	sbarrier.arrive $0xFFFF  }
0x5b: {  	_ =	shalt  }

// kernel: sparse-core-data-format-call.cloned.1.call-start
scs
called_computation_lowered:
.L_overlay_start_0:
0x0: {  	s1 =	sld [smem:$0x3FD9]  }
0x1: {  	s2 =	sld [smem:$0x3FFE];
	_ =	sdelay $0x1  }
0x2: {  	s3 =	srdreg.scid  }
0x3: {  	s0 =	sand.u32 $0x1, s3  }
0x4: {  	s17 =	sshll.u32 s0, $0xA;
	s1 =	sadd.s32 s2, s1  }
0x5: {  	s1 =	sadd.s32 s1, s17  }
0x6: {  	[smem:$0x3F6D] =	sst s1  }
0x7: {  	_ = 	snop  }
0x8: {  	(tm) =	ssettm $0x1  }
0x9: {  	s18 =	sld [smem:$0x3FFB];
	_ =	sdelay $0x3  }
0xa: {  	_ =	strace s18  }
0xb: {  	s1 =	sld [smem:$0x3FFC];
	_ =	sdelay $0x3  }
0xc: {  	_ =	strace s1  }
0xd: {  	s1 =	sld [smem:$0x3FFD];
	_ =	sdelay $0x3  }
0xe: {  	_ =	strace s1  }
0xf: {  	_ =	strace $0x8FFFFFFF  }
0x10: {  	s19 =	sld [smem:$0x3FDB];
	_ =	sdelay $0x1  }
0x11: {  	s20 =	simm.s32 $_scs_section_size  }
0x12: {  	s4 =	simm.s32 $_size__tile_overlayer_lowered;
	s5 =	simm.s32 $_tile_overlayer_lowered  }
0x13: {  	s23 =	simm.s32 $0x1BFF;
	s22 =	sshll.u32 s5, $0x1;
	s1 =	sadd.s32 s20, s19  }
0x14: {  	s6 =	simm.s32 $0x0;
	s21 =	sshll.u32 s4, $0x1;
	s4 =	sadd.s32 s22, s1  }
0x15: {  	[timem:s6], [sflag:s23] =	dma.local [hbm:s4], s21  }
0x16: {  	_ =	swait.ge [sflag:s23], s21  }
0x17: {  	s2 =	ssub.s32 $0x0, s21;
	[sflag:s23] =	ssyncset.done $0x0  }
0x18: {  	[sflag:s23] =	ssyncadd.s32 s2;
	_ =	sdelay $0x1  }
0x19: {  	s24 =	simm.s32 $0x1B8B  }
0x1a: {  	_ =	swait.ge [sflag:s24], $0x1  }
0x1b: {  	[sflag:s24] =	ssyncset.done $0x0  }
0x1c: {  	s26 =	simm.s32 $0x1B8E;
	s25 =	sld [smem:$0x3FFE];
	[sflag:s24] =	ssyncadd.s32 $0xFFFFFFFF  }
0x1d: {  	s27 =	simm.s32 $execute0_lowered;
	[smem:$0x3FD2] =	sst s26  }
0x1e: {  	s4 =	sshll.u32 s27, $0x1;
	_ =	strace $0x80000046;
	[dreg:$0x1] =	wrdreg $0xFFFFFFFF  }
0x1f: {  	s28 =	simm.s32 $_size_execute0_lowered;
	s1 =	sadd.s32 s1, s4;
	[dreg:$0x0] =	wrdreg $0x0  }
0x20: {  	s4 =	sshll.u32 s28, $0x1;
	[dreg:$0x2] =	wrdreg s1  }
0x21: {  	[dreg:$0x3] =	wrdreg s4  }
0x22: {  	[dreg:$0x4] =	wrdreg $0xC0  }
0x23: {  	_ =	task [dreg:s6], $0x5FFFF  }
0x24: {  	[dreg:$0x1] =	wrdreg $0xFFFFFFFF  }
0x25: {  	[dreg:$0x0] =	wrdreg $0x60  }
0x26: {  	[dreg:$0x2] =	wrdreg s25  }
0x27: {  	[dreg:$0x3] =	wrdreg $0x9  }
0x28: {  	_ =	task.clear_ibuf [dreg:s6], $0x4FFFF;
	_ =	strace $0x90000046  }
0x29: {  	s29 =	simm.s32 $0x9;
	_ =	strace $0x80000048  }
0x2a: {  	_ =	swait.ge [sflag:s29], $0x1  }
0x2b: {  	[sflag:s29] =	ssyncadd.s32 $0xFFFFFFFF  }
0x2c: {  	_ =	strace $0x90000048  }
0x2d: {  	_ =	sfence  }
0x2e: {  	s30 =	sld [smem:$0x0];
	_ =	sdelay $0x2  }
0x2f: {  	s31 =	sshll.u32 s3, $0xD;
	s3 =	sshrl.u32 s3, $0x2  }
0x30: {  	s2 =	sand.u32 $0x4000, s31;
	s1 =	sadd.s32 s3, s30  }
0x31: {  	s0 =	sor.u32 s2, s0;
	s1 =	sshll.u32 s1, $0x11  }
0x32: {  	s0 =	sor.u32 s1, s0  }
0x33: {  	s0 =	sadd.s32 $0x8F2B, s0  }
0x34: {  	[sflag:s0] =	ssyncadd.remote.s32 $0x1  }
0x35: {  	_ =	sfence.sel $0xFFFF  }
0x36: {  	[dreg:$0x0] =	wrdreg $0xFFFFFFFF;
	(pc) =	sbr.abs _section_cstart, $3  }
0x37: {  	[dreg:$0x1] =	wrdreg $0xFFFFFFFF  }
0x38: {  	_ =	task.clear_ibuf [dreg:s6], $0x2FFFF;
	_ =	strace $0x9FFFFFFF  }
0x39: {  	(tm) =	ssettm $0x7FFFFFFF  }
tec
execute0_lowered:
.L_overlay_start_1:
0x0: {  	(tag) =	ssettag $0x1  }
0x1: {  	s0 =	stileid.u32;
	s1 =	srdreg.scid  }
0x2: {  	s4 =	rddreg [dreg:$0x0];
	s7 =	simm.s32 $0x1;
	s31 =	simm.s32 $0x2  }
0x3: {  	s16 =	simm.s32 $0x0;
	s2 =	sshll.u32 s0, $0x4;
	s1 =	sshll.u32 s1, $0x8  }
0x4: {  	s9 =	simm.s32 $0x2000;
	s14 =	simm.s32 $0x0;
	s1 =	sor.u32 s2, s1  }
0x5: {  	s15 =	simm.s32 $0x0;
	s10 =	simm.s32 $0x0;
	s2 =	sand.u32 $0x180, s1  }
0x6: {  	s13 =	simm.s32 $0x0;
	s3 =	sadd.s32 $0x187000, s4;
	s5 =	ssub.s32 $0x400, s2  }
0x7: {  	s4 =	sadd.s32 $0x587000, s4;
	s1 =	rddreg [dreg:$0x1];
	s6 =	sand.u32 $0x180, s5  }
.Ltmp0:
0x8: {  	_ =	strace $0x80000047;
	p0 =	sne.s32 s6, $0x0;
	(pc) =	sbr.rel .LBB1_1-.Ltmp0, $4  }
0x9: {  	s11 =	smov.u32 s2;
	s8 =	sshrl.u32 s5, $0x9;
	s7 =	simm.s32 @!p0 $0x0  }
0xa: {  	s5 =	sand.u32 $0x7, s0;
	s6 =	simm.s32 $0x1;
	s7 =	sadd.s32 s7, s8  }
0xb: {  	s12 =	smov.u32 s5;
	[sflag:s6] =	ssyncpa.u1 $0x0;
	s7 =	sshll.u32 s7, $0x5  }
0xc: {  	p0 =	por $0x0, $0x0;
	[sflag:s31] =	ssyncpa.u1 $0x0;
	s8 =	sor.u32 $0x1, s7  }
.LBB1_4:
0xd: {  	v5 =	vld [tilespmem:s20+$0xFFFFFFD0];
	[tilespmem:s19+$0x2040 ss:$0x81] =	vst.msk $0xffff, v1  }
0xe: {  	v58 =	vld [tilespmem:s20+$0xFFFFFFE0];
	[tilespmem:s19+$0x2850 ss:$0x81] =	vst.msk $0xffff, v2  }
0xf: {  	s21 =	sshra.s32 s21, $0x2;
	v59 =	vld [tilespmem:s20+$0xFFFFFFF0];
	[tilespmem:s19+$0x3060 ss:$0x81] =	vst.msk $0xffff, v3  }
0x10: {  	v60 =	vld [tilespmem:s20+$0x0];
	[tilespmem:s19+$0x0 ss:$0x81] =	vst.msk $0xffff, v0;
	s18 =	sadd.s32 s21, s18  }
0x11: {  	v61 =	vld [tilespmem:s20+$0x10];
	[tilespmem:s18+$0x3870 ss:$0x81] =	vst.msk $0xffff, v4  }
0x12: {  	v62 =	vld [tilespmem:s20+$0x20];
	s26 =	sshll.u32 s16, $0xA;
	s27 =	sshll.u32 s14, $0x3;
	[tilespmem:s18+$0x810 ss:$0x81] =	vst.msk $0xffff, v5  }
0x13: {  	v63 =	vld [tilespmem:s20+$0xFFFFFFC0];
	s29 =	sshll.u32 s16, $0x7;
	s30 =	sand.u32 $0x78, s14;
	s15 =	sshll.u32 s15, $0x13;
	[tilespmem:s18+$0x1020 ss:$0x81] =	vst.msk $0xffff, v58  }
0x14: {  	s19 =	sand.u32 $0x3FE000, s26;
	s28 =	sand.u32 $0x3FFC00, s27;
	s16 =	sand.u32 $0x380, s29;
	[tilespmem:s18+$0x1830 ss:$0x81] =	vst.msk $0xffff, v59  }
0x15: {  	s31 =	sand.u32 $0x7, s14;
	s19 =	sadd.s32 s28, s19;
	s16 =	sor.u32 s30, s16;
	[tilespmem:s18+$0x2040 ss:$0x81] =	vst.msk $0xffff, v60  }
0x16: {  	s15 =	sadd.s32 s4, s15;
	s19 =	sshrl.u32 s19, $0x3;
	s16 =	sshrl.u32 s16, $0x3;
	[tilespmem:s18+$0x2850 ss:$0x81] =	vst.msk $0xffff, v61  }
0x17: {  	s14 =	sshll.u32 s31, $0x12;
	s19 =	sand.u32 $0x7FF80, s19;
	s15 =	sadd.s32 s16, s15;
	[tilespmem:s18+$0x3060 ss:$0x81] =	vst.msk $0xffff, v62  }
0x18: {  	s14 =	sor.u32 $0x400, s14;
	[tilespmem:s18+$0x0 ss:$0x81] =	vst.msk $0xffff, v63;
	s15 =	sadd.s32 s19, s15  }
0x19: {  	[hbm4b:s15+s14] =	stream.strided.scatter [tilespmem:s17], [sflag:$0x2], $0x4000, s9, s14, $0x20;
	[tilespmem:$0x10100] =	vst v63  }
.LBB1_5:
0x1a: {  	s17 =	sadd.s32 $0x80, s10  }
0x1b: {  	s14 =	sadd.s32 $0x200, s11;
	s18 =	smov.u32 s11;
	p2 =	sgt.s32 s17, $0xFFF  }
0x1c: {  	s18 =	smov.u32 @p2 s14  }
0x1d: {  	s20 =	smov.u32 s12;
	s14 =	sadd.s32 $0x8, s12;
	p3 =	sgt.s32 s18, $0x3FF  }
0x1e: {  	s20 =	smov.u32 @p3 s14  }
0x1f: {  	s17 =	simm.s32 @p2 $0x0;
	p2 =	sgt.s32 s20, $0x7  }
0x20: {  	p1 =	slt.u32 s13, $0x2;
	s20 =	smov.u32 @p2 s5;
	p2 =	sne.s32 s13, s8  }
.Ltmp1:
0x21: {  	s19 =	simm.s32 @!p1 $0x2;
	(pc) =	sbr.rel @!p2 .LBB1_6-.Ltmp1, $4  }
0x22: {  	s16 =	smov.u32 s10;
	s15 =	smov.u32 s12;
	_ =	swait.ge @!p1 [sflag:s19], $0x4000  }
0x23: {  	p0 =	por !p0, !p0;
	[sflag:s19] =	ssyncset.done @!p1 $0x0;
	s10 =	smov.u32 s17  }
0x24: {  	s18 =	smov.u32 @p3 s2;
	s14 =	smov.u32 s11;
	[sflag:s19] =	ssyncadd.s32 @!p1 $0xFFFFC000  }
0x25: {  	s11 =	smov.u32 s18;
	s13 =	sadd.s32 $0x1, s13;
	s12 =	smov.u32 s20  }
.LBB1_1:
0x26: {  	p1 =	sge.u32 s13, s7;
	s31 =	sadd.s32 $0xFFFFFFFF, s13  }
0x27: {  	s17 =	sxor.u32 @!p1 $0xFFFFFFFF, s13;
	s18 =	sand.u32 @!p1 $0x78, s10;
	s19 =	sshll.u32 @!p1 s11, $0xC  }
0x28: {  	s20 =	sshll.u32 @!p1 s11, $0x7;
	s21 =	sshll.u32 @!p1 s10, $0x3;
	s17 =	sshll.u32 @!p1 s17, $0xE  }
0x29: {  	s19 =	sand.u32 @!p1 $0x3F8000, s19;
	s20 =	sand.u32 @!p1 $0x380, s20;
	s17 =	sand.u32 @!p1 $0x4000, s17  }
0x2a: {  	s19 =	sadd.s32 @!p1 s19, s21;
	s21 =	sand.u32 @!p1 $0xC00, s21;
	s18 =	sor.u32 @!p1 s20, s18  }
0x2b: {  	s20 =	sshll.u32 @!p1 s12, $0x13;
	s18 =	sor.u32 @!p1 s21, s18;
	s19 =	sshrl.u32 @!p1 s19, $0x3  }
0x2c: {  	s20 =	sadd.s32 @!p1 s3, s20;
	s21 =	sand.u32 @!p1 $0x7, s10;
	s19 =	sand.u32 @!p1 $0x7FE00, s19  }
0x2d: {  	s18 =	sshrl.u32 @!p1 s18, $0x3;
	s19 =	sadd.s32 @!p1 s19, s20;
	s20 =	sshll.u32 @!p1 s21, $0x12  }
0x2e: {  	s18 =	sadd.s32 @!p1 s18, s19;
	s19 =	sor.u32 @!p1 $0x400, s20;
	s20 =	simm.s32 @!p1 $0x8000  }
0x2f: {  	[tilespmem:s17], [sflag:$0x1] =	stream.strided.gather @!p1 [hbm4b:s18+s19], $0x4000, s20, s19, $0x38;
	[tilespmem:$0x10100] =	vst v63  }
0x30: {  	p1 =	sge.u32 s31, s7  }
.Ltmp2:
0x31: {  	_ = 	snop;
	(pc) =	sbr.rel @p1 .LBB1_5-.Ltmp2, $1  }
0x32: {  	_ =	sdelay $0x3  }
0x33: {  	s17 =	simm.s32 $0x1  }
0x34: {  	_ =	swait.ge [sflag:s6], $0x4000;
	s17 =	simm.s32 @!p0 $0x0  }
0x35: {  	[sflag:s6] =	ssyncset.done $0x0;
	s18 =	sshll.u32 s17, $0xE  }
0x36: {  	[sflag:s6] =	ssyncadd.s32 $0xFFFFC000;
	s20 =	sor.u32 $0x40, s18  }
0x37: {  	s17 =	smul.u32 $0x10200, s17;
	v0 =	vld [tilespmem:s20+$0x30]  }
0x38: {  	v3 =	vld [tilespmem:s20+$0xFFFFFFD0]  }
0x39: {  	s17 =	sshrl.u32 s17, $0x2;
	v4 =	vld [tilespmem:s20+$0xFFFFFFE0]  }
0x3a: {  	v5 =	vld [tilespmem:s20+$0xFFFFFFF0];
	s18 =	sor.u32 $0x8000, s17  }
0x3b: {  	s31 =	sand.u32 $0x1, s13;
	v1 =	vld [tilespmem:s20+$0x0];
	s19 =	sadd.s32 $0x0, s18  }
0x3c: {  	v2 =	vld [tilespmem:s20+$0x10];
	s17 =	smul.u32 $0x10200, s31;
	[tilespmem:s19+$0x3870 ss:$0x81] =	vst.msk $0xffff, v0  }
0x3d: {  	[tilespmem:s19+$0x810 ss:$0x81] =	vst.msk $0xffff, v3;
	v3 =	vld [tilespmem:s20+$0x20]  }
0x3e: {  	s17 =	sshrl.u32 s17, $0x2;
	v0 =	vld [tilespmem:s20+$0xFFFFFFC0];
	[tilespmem:s19+$0x1020 ss:$0x81] =	vst.msk $0xffff, v4;
	s20 =	sadd.s32 $0x80, s20  }
0x3f: {  	s21 =	simm.s32 $0x4;
	s22 =	simm.s32 $0x8;
	s17 =	sor.u32 $0x8000, s17;
	[tilespmem:s19+$0x1830 ss:$0x81] =	vst.msk $0xffff, v5;
	v4 =	vld [tilespmem:s20+$0x30]  }
.LBB1_3:
0x40: {  	p1 =	sne.s32 s22, $0x1FC;
	v5 =	vld [tilespmem:s20+$0xFFFFFFD0];
	[tilespmem:s19+$0x2040 ss:$0x81] =	vst.msk $0xffff, v1  }
0x41: {  	v6 =	vld [tilespmem:s20+$0xFFFFFFE0];
	[tilespmem:s19+$0x2850 ss:$0x81] =	vst.msk $0xffff, v2  }
0x42: {  	s23 =	sshra.s32 s21, $0x2;
	s21 =	smov.u32 s22;
	v7 =	vld [tilespmem:s20+$0xFFFFFFF0];
	[tilespmem:s19+$0x3060 ss:$0x81] =	vst.msk $0xffff, v3  }
.Ltmp3:
0x43: {  	v1 =	vld [tilespmem:s20+$0x0];
	[tilespmem:s19+$0x0 ss:$0x81] =	vst.msk $0xffff, v0;
	s19 =	sadd.s32 s23, s18;
	(pc) =	sbr.rel @p1 .LBB1_3-.Ltmp3, $4  }
0x44: {  	v2 =	vld [tilespmem:s20+$0x10];
	[tilespmem:s19+$0x3870 ss:$0x81] =	vst.msk $0xffff, v4  }
0x45: {  	[tilespmem:s19+$0x810 ss:$0x81] =	vst.msk $0xffff, v5;
	v3 =	vld [tilespmem:s20+$0x20]  }
0x46: {  	v0 =	vld [tilespmem:s20+$0xFFFFFFC0];
	[tilespmem:s19+$0x1020 ss:$0x81] =	vst.msk $0xffff, v6;
	s20 =	sadd.s32 $0x80, s20  }
0x47: {  	s22 =	sadd.s32 $0x4, s22;
	v4 =	vld [tilespmem:s20+$0x30];
	[tilespmem:s19+$0x1830 ss:$0x81] =	vst.msk $0xffff, v7  }
.Ltmp4:
0x48: {  	_ = 	snop;
	(pc) =	sbr.rel .LBB1_4-.Ltmp4, $1  }
0x49: {  	_ =	sdelay $0x3  }
.LBB1_6:
0x4a: {  	_ =	sfence.sel $0x180000  }
0x4b: {  	s2 =	simm.s32 $0x1;
	[bflag:$0x0] =	sbarrier.arrive $0xFFFF  }
0x4c: {  	s31 =	simm.s32 $0x2;
	[sflag:s2] =	ssyncpa.u1 $0x1  }
0x4d: {  	[sflag:s31] =	ssyncpa.u1 $0x1  }
0x4e: {  	p0 =	sne.s32 s0, $0x0;
	_ =	strace $0x90000047  }
0x4f: {  	s0 =	sadd.s32 @!p0 $0x100000, s1;
	[bflag:$0x2] =	sbarrier.arrive $0xFFFF  }
0x50: {  	[sflag:s0] =	ssyncadd.tile.s32 @!p0 $0x1;
	_ =	shalt  }
.Lfunc_end1:
_tile_overlayer_lowered:
.L_overlay_start_2:
0x51: {  	(tag) =	ssettag $0x2  }
0x52: {  	s0 =	rddreg [dreg:$0x0];
	s2 =	stileid.u32  }
0x53: {  	s1 =	rddreg [dreg:$0x1];
	p0 =	sne.s32 s2, $0x0  }
0x54: {  	s3 =	rddreg [dreg:$0x2];
	[bflag:$0x3] =	sbarrier.arrive $0xFFFF;
	s2 =	simm.s32 @!p0 $0x1C01  }
0x55: {  	[timem:s3], [sflag:s2] =	dma.local @!p0 [hbm:s0], s1  }
0x56: {  	s0 =	simm.s32 @!p0 $0x1  }
0x57: {  	_ =	swait.ge @!p0 [sflag:s0], s1  }
0x58: {  	s1 =	ssub.s32 @!p0 $0x0, s1;
	[sflag:s0] =	ssyncset.done @!p0 $0x0  }
0x59: {  	[sflag:s0] =	ssyncadd.s32 @!p0 s1  }
0x5a: {  	[bflag:$0x3] =	sbarrier.arrive $0xFFFF  }
0x5b: {  	_ =	shalt  }

</sc_bundles>
